<compile_context>
chip_gen: v7x
topology: tpu7x:2x2x1
jax: 0.10.2.dev20260603
libtpu: 0.0.44.dev20260713+nightly
codegen_flags: <defaults>
</compile_context>

<pallas_src>
import functools
import jax
import jax.numpy as jnp
from jax import lax
from jax.experimental import pallas as pl
from jax.experimental.pallas import tpu as pltpu
from jax.experimental.pallas import tpu_sc as plsc

NN = 10000
NE = 320000
FF = 128
WW = 144
NC = 2
NS = 16
NWK = NC * NS
EPW = NE // NWK
CB = 80
NPH = 5120
NTR = 128
TBL = NPH + NTR
RPS = TBL // NS
ZCH = 8
BE = 6400


def _k1_body(nf_ref, waug_ref, attn2_ref, wedge_ref, ew_ref, attne_ref,
             zaug_ref, alr_ref, wbaug_ref):
    z = jnp.dot(nf_ref[...], waug_ref[...].T, preferred_element_type=jnp.float32)
    ones = jnp.ones((z.shape[0], 1), jnp.float32)
    zaug_ref[:, :FF] = z[:, :FF]
    zaug_ref[:, FF:FF + 1] = ones
    zaug_ref[:, FF + 1:] = jnp.zeros((z.shape[0], WW - FF - 1), jnp.float32)
    zc = z[:, :FF]
    al = jnp.sum(zc * attn2_ref[0:1, :], axis=1)
    ar = jnp.sum(zc * attn2_ref[1:2, :], axis=1)
    alr_ref[0:1, :] = al[None, :]
    alr_ref[1:2, :] = ar[None, :]
    alr_ref[2:, :] = jnp.zeros((6, z.shape[0]), jnp.float32)
    q = jnp.dot(attne_ref[0:1, :], ew_ref[...], preferred_element_type=jnp.float32)
    we = jnp.dot(q, wedge_ref[...], preferred_element_type=jnp.float32)
    wbaug_ref[:FF, :] = wedge_ref[...]
    wbaug_ref[FF:FF + 1, :] = we
    wbaug_ref[FF + 1:, :] = jnp.zeros((WW - FF - 1, 16), jnp.float32)


def _k2_body(ef_ref, wbaug_ref, cb_ref, zeb_ref):
    zeb_ref[...] = jnp.dot(ef_ref[...], wbaug_ref[...].T,
                           preferred_element_type=jnp.float32) + cb_ref[...]


def _k4_body(hraw_ref, out_ref):
    p_lo = hraw_ref[0, 0, :NPH, :] + hraw_ref[1, 0, :NPH, :]
    p_hi = hraw_ref[0, 1, :NN - NPH, :] + hraw_ref[1, 1, :NN - NPH, :]
    p = jnp.concatenate([p_lo, p_hi], axis=0)
    d = p[:, FF:FF + 1]
    safe = jnp.where(d > 0.0, d, 1.0)
    out_ref[...] = jnp.where(d > 0.0, p[:, :FF] / safe, 0.0)


def _k3_body(zaug_hbm, alr_hbm, src_hbm, dst_hbm, zeb_hbm,
             fused_hbm, hraw_hbm, exs_hbm,
             al_t, ar_t,
             srcA, dstA, rowsA, zebA, exA,
             srcB, dstB, rowsB, zebB, exB,
             fbuf, dstx_t, zbuf, hacc,
             semrA, semzA, semrB, semzB):
    c = lax.axis_index("c")
    s = lax.axis_index("s")
    wid = c * NS + s
    ebase = wid * EPW

    lane = jnp.arange(16, dtype=jnp.int32)
    col_ee = jnp.full((16,), FF, jnp.int32)

    A = (srcA, dstA, rowsA, zebA, exA, semrA, semzA)
    B = (srcB, dstB, rowsB, zebB, exB, semrB, semzB)

    def _zero_own_slice():
        @pl.loop(0, CB)
        def _zero_rows(i):
            for k in range(WW // 16):
                rowsA[i, pl.ds(k * 16, 16)] = jnp.zeros((16,), jnp.float32)

        @pl.loop(0, RPS - ZCH, step=CB)
        def _zero_hacc(r):
            pltpu.sync_copy(rowsA, hacc.at[pl.ds(s * RPS + r, CB)])

        pltpu.sync_copy(zbuf, hacc.at[pl.ds(s * RPS + RPS - ZCH, ZCH)])

    @pl.loop(0, ZCH)
    def _zero_zbuf(i):
        for k in range(WW // 16):
            zbuf[i, pl.ds(k * 16, 16)] = jnp.zeros((16,), jnp.float32)

    _zero_own_slice()

    pltpu.sync_copy(alr_hbm.at[0], al_t)
    pltpu.sync_copy(alr_hbm.at[1], ar_t)
    plsc.subcore_barrier()

    def issue_idx(off, S):
        src_t, dst_t, semr = S[0], S[1], S[5]
        base = ebase + off
        pltpu.async_copy(src_hbm.at[pl.ds(base, CB)], src_t, semr)
        pltpu.async_copy(dst_hbm.at[pl.ds(base, CB)], dst_t, semr)

    def wait_idx(off, S):
        src_t, dst_t, semr = S[0], S[1], S[5]
        base = ebase + off
        pltpu.make_async_copy(src_hbm.at[pl.ds(base, CB)], src_t, semr).wait()
        pltpu.make_async_copy(dst_hbm.at[pl.ds(base, CB)], dst_t, semr).wait()

    def issue_big(off, S, phase1):
        src_t, rows_t, zeb_t, ex_t = S[0], S[2], S[3], S[4]
        semr, semz = S[5], S[6]
        base = ebase + off
        pltpu.async_copy(zaug_hbm.at[src_t], rows_t, semr)
        if phase1:
            pltpu.async_copy(zeb_hbm.at[pl.ds(base, CB)], zeb_t, semz)
        else:
            pltpu.async_copy(exs_hbm.at[pl.ds(base, CB)], ex_t.at[pl.ds(0, CB)],
                             semz)

    def compute1(off, S, prefetch):
        src_t, dst_t, rows_t, zeb_t, ex_t = S[:5]
        semr, semz = S[5], S[6]
        base = ebase + off
        pltpu.make_async_copy(zeb_hbm.at[pl.ds(base, CB)], zeb_t, semz).wait()

        for g in range(CB // 16):
            sl = pl.ds(g * 16, 16)
            si = src_t[sl]
            di = dst_t[sl]
            av = plsc.load_gather(al_t, [si])
            bv = plsc.load_gather(ar_t, [di])
            ev = plsc.load_gather(zeb_t, [lane + g * 16, col_ee])
            x = av + bv + ev
            x = jnp.where(x >= 0.0, x, x * 0.01)
            ex_t[sl] = jnp.exp(x)
            trash = NPH + ((lane + g * 16) & (NTR - 1))
            dstx_t[sl] = jnp.where(di < NPH, di, trash)

        pltpu.make_async_copy(zaug_hbm.at[src_t], rows_t, semr).wait()
        prefetch()

        @pl.loop(0, CB)
        def _edge(i):
            exs = ex_t[pl.ds(i, 16)][0]
            for k in range(WW // 16):
                ksl = pl.ds(k * 16, 16)
                r = rows_t[i, ksl]
                if k < FF // 16:
                    fbuf[i, ksl] = r + zeb_t[i, ksl]
                rows_t[i, ksl] = r * exs

        pltpu.sync_copy(fbuf, fused_hbm.at[pl.ds(base, CB)])
        pltpu.sync_copy(ex_t.at[pl.ds(0, CB)], exs_hbm.at[pl.ds(base, CB)])
        pltpu.sync_copy(rows_t, hacc.at[dstx_t], add=True)

    issue_idx(0, A)
    wait_idx(0, A)
    issue_big(0, A, True)
    issue_idx(CB, B)

    @pl.loop(0, (EPW // CB - 1) // 2 * 2 * CB, step=2 * CB)
    def _pair(off):
        wait_idx(off + CB, B)
        issue_big(off + CB, B, True)

        def _pfA():
            issue_idx(off + 2 * CB, A)
        compute1(off, A, _pfA)

        wait_idx(off + 2 * CB, A)
        issue_big(off + 2 * CB, A, True)

        def _pfB():
            @pl.when(off + 3 * CB < EPW)
            def _():
                issue_idx(off + 3 * CB, B)
        compute1(off + CB, B, _pfB)

    compute1(EPW - CB, A, lambda: None)

    plsc.subcore_barrier()
    pltpu.sync_copy(hacc.at[pl.ds(s * RPS, RPS)],
                    hraw_hbm.at[c, 0, pl.ds(s * RPS, RPS)])
    _zero_own_slice()
    plsc.subcore_barrier()

    def compute2(off, S, prefetch):
        src_t, dst_t, rows_t, zeb_t, ex_t = S[:5]
        semr, semz = S[5], S[6]
        base = ebase + off
        pltpu.make_async_copy(exs_hbm.at[pl.ds(base, CB)],
                              ex_t.at[pl.ds(0, CB)], semz).wait()

        for g in range(CB // 16):
            sl = pl.ds(g * 16, 16)
            di = dst_t[sl]
            trash = NPH + ((lane + g * 16) & (NTR - 1))
            dstx_t[sl] = jnp.where(di >= NPH, di - NPH, trash)

        pltpu.make_async_copy(zaug_hbm.at[src_t], rows_t, semr).wait()
        prefetch()

        @pl.loop(0, CB)
        def _edge2(i):
            exs = ex_t[pl.ds(i, 16)][0]
            for k in range(WW // 16):
                ksl = pl.ds(k * 16, 16)
                rows_t[i, ksl] = rows_t[i, ksl] * exs

        pltpu.sync_copy(rows_t, hacc.at[dstx_t], add=True)

    issue_idx(0, A)
    wait_idx(0, A)
    issue_big(0, A, False)
    issue_idx(CB, B)

    @pl.loop(0, (EPW // CB - 1) // 2 * 2 * CB, step=2 * CB)
    def _pair2(off):
        wait_idx(off + CB, B)
        issue_big(off + CB, B, False)

        def _pfA():
            issue_idx(off + 2 * CB, A)
        compute2(off, A, _pfA)

        wait_idx(off + 2 * CB, A)
        issue_big(off + 2 * CB, A, False)

        def _pfB():
            @pl.when(off + 3 * CB < EPW)
            def _():
                issue_idx(off + 3 * CB, B)
        compute2(off + CB, B, _pfB)

    compute2(EPW - CB, A, lambda: None)

    plsc.subcore_barrier()
    pltpu.sync_copy(hacc.at[pl.ds(s * RPS, RPS)],
                    hraw_hbm.at[c, 1, pl.ds(s * RPS, RPS)])


@functools.cache
def _edge_sc():
  return pl.kernel(
    _k3_body,
    out_type=[jax.ShapeDtypeStruct((NE, FF), jnp.float32),
              jax.ShapeDtypeStruct((NC, 2, TBL, WW), jnp.float32),
              jax.ShapeDtypeStruct((NE,), jnp.float32)],
    mesh=plsc.VectorSubcoreMesh(core_axis_name="c", subcore_axis_name="s",
                                num_cores=NC, num_subcores=NS),
    compiler_params=pltpu.CompilerParams(needs_layout_passes=False,
                                         use_tc_tiling_on_sc=False),
    scratch_types=(
        [pltpu.VMEM((NN,), jnp.float32),
         pltpu.VMEM((NN,), jnp.float32)]
        + 2 * [pltpu.VMEM((CB,), jnp.int32),
               pltpu.VMEM((CB,), jnp.int32),
               pltpu.VMEM((CB, WW), jnp.float32),
               pltpu.VMEM((CB, WW), jnp.float32),
               pltpu.VMEM((CB + 16,), jnp.float32)]
        + [pltpu.VMEM((CB, FF), jnp.float32),
           pltpu.VMEM((CB,), jnp.int32),
           pltpu.VMEM((ZCH, WW), jnp.float32),
           pltpu.VMEM_SHARED((TBL, WW), jnp.float32)]
        + 4 * [pltpu.SemaphoreType.DMA]
    ),
  )


@jax.jit
def _run(nf, src, dst, ef, W_node, W_edge, attn_l, attn_r, attn_e, edge_weights, bias):
    waug = jnp.concatenate([W_node, jnp.zeros((WW - FF, W_node.shape[1]), jnp.float32)], axis=0)
    attn2 = jnp.concatenate([attn_l, attn_r, jnp.zeros((6, FF), jnp.float32)], axis=0)
    attne8 = jnp.concatenate([attn_e, jnp.zeros((7, FF), jnp.float32)], axis=0)
    cbv = jnp.concatenate([bias, jnp.zeros((WW - FF,), jnp.float32)])[None, :]

    zaug, alr, wbaug = pl.pallas_call(
        _k1_body,
        out_shape=[jax.ShapeDtypeStruct((NN, WW), jnp.float32),
                   jax.ShapeDtypeStruct((8, NN), jnp.float32),
                   jax.ShapeDtypeStruct((WW, 16), jnp.float32)],
    )(nf, waug, attn2, W_edge, edge_weights, attne8)

    zeb = pl.pallas_call(
        _k2_body,
        grid=(NE // BE,),
        in_specs=[pl.BlockSpec((BE, 16), lambda i: (i, 0)),
                  pl.BlockSpec((WW, 16), lambda i: (0, 0)),
                  pl.BlockSpec((1, WW), lambda i: (0, 0))],
        out_specs=pl.BlockSpec((BE, WW), lambda i: (i, 0)),
        out_shape=jax.ShapeDtypeStruct((NE, WW), jnp.float32),
    )(ef, wbaug, cbv)

    fused, hraw, _ = _edge_sc()(zaug, alr, src, dst, zeb)

    n_out = pl.pallas_call(
        _k4_body,
        out_shape=jax.ShapeDtypeStruct((NN, FF), jnp.float32),
    )(hraw)
    return n_out, fused


def kernel(nf, edge_index, ef, W_node, W_edge, attn_l, attn_r, attn_e, edge_weights, bias):
    src = edge_index[0]
    dst = edge_index[1]
    n_out, fused = _run(nf, src, dst, ef.reshape(-1, 16), W_node, W_edge,
                        attn_l, attn_r, attn_e, edge_weights, bias)
    return n_out, fused.reshape(NE, 1, FF)

# --- scband reference (transcript-rebuilt; emitter-appended) ---
"""Pipeline reference for scband-gatlayer-45629732553105 (READ-ONLY COPY).

The authoritative reference and input builder live on the scoring server;
editing this copy changes nothing except your own understanding.
"""

import jax, jax.numpy as jnp
import numpy as np

N = 10000
E = 320000
DN = 128
DE = 16
H = 1
F = 128


def setup_inputs(seed: int = 0) -> dict:
    key = jax.random.key(seed)
    ks = jax.random.split(key, 10)
    nf = jax.random.normal(ks[0], (N, DN), dtype=jnp.float32)
    edge_index = jax.random.randint(ks[1], (2, E), 0, N, dtype=jnp.int32)
    ef = jax.random.normal(ks[2], (E, DE), dtype=jnp.float32)
    # parameters (xavier-ish init)
    W_node = jax.random.normal(ks[3], (H * F, DN), dtype=jnp.float32) * np.sqrt(2.0 / (DN + H * F))
    W_edge = jax.random.normal(ks[4], (H * F, DE), dtype=jnp.float32) * np.sqrt(2.0 / (DE + H * F))
    attn_l = jax.random.normal(ks[5], (H, F), dtype=jnp.float32) * np.sqrt(2.0 / (H + F))
    attn_r = jax.random.normal(ks[6], (H, F), dtype=jnp.float32) * np.sqrt(2.0 / (H + F))
    attn_e = jax.random.normal(ks[7], (H, F), dtype=jnp.float32) * np.sqrt(2.0 / (H + F))
    edge_weights = jax.random.uniform(ks[8], (H * F, H * F), dtype=jnp.float32, minval=-1.0, maxval=1.0) * np.sqrt(6.0 / (2 * H * F))
    bias = jnp.zeros((H * F,), dtype=jnp.float32)
    return {"nf": nf, "edge_index": edge_index, "ef": ef, "W_node": W_node, "W_edge": W_edge,
            "attn_l": attn_l, "attn_r": attn_r, "attn_e": attn_e, "edge_weights": edge_weights, "bias": bias}


def reference(nf, edge_index, ef, W_node, W_edge, attn_l, attn_r, attn_e, edge_weights, bias):
    n_nodes = nf.shape[0]
    src = edge_index[0]
    dst = edge_index[1]
    ef2 = ef.reshape(-1, DE)
    # fc_node / fc_edge (Linear, no bias)
    z = (nf @ W_node.T).reshape(-1, H, F)       # [N, H, F]
    z_e = (ef2 @ W_edge.T).reshape(-1, H, F)    # [E, H, F]
    # edge attention
    z_src = jnp.take(z, src, axis=0)            # [E, H, F] gather
    z_dst = jnp.take(z, dst, axis=0)            # [E, H, F] gather
    el = (z_src * attn_l).sum(axis=-1)          # [E, H]
    er = (z_dst * attn_r).sum(axis=-1)          # [E, H]
    wz = (z_e.reshape(-1, H * F) @ edge_weights.T).reshape(-1, H, F)
    ee = (wz * attn_e).sum(axis=-1)             # [E, H]
    e = jax.nn.leaky_relu(el + er + ee, negative_slope=0.01)
    # per-destination-node softmax over incoming edges (DGL reduce_func)
    m = jax.ops.segment_max(e, dst, num_segments=n_nodes)
    m = jnp.where(jnp.isfinite(m), m, 0.0)
    ex = jnp.exp(e - jnp.take(m, dst, axis=0))
    denom = jax.ops.segment_sum(ex, dst, num_segments=n_nodes)
    alpha = ex / jnp.take(denom, dst, axis=0)   # [E, H]
    h = jax.ops.segment_sum(alpha[..., None] * z_src, dst, num_segments=n_nodes)  # [N, H, F]
    n_out = h.reshape(n_nodes, H * F)
    # fused edge output: z[src] + z_e + bias
    fused = z_src + z_e + bias.reshape(1, H, F)
    # activation=None, dropout=0.0
    return (n_out, fused)

if __name__ == "__main__":
    import jax
    _d = setup_inputs()
    print(jax.jit(kernel)(*tuple(_d.values())))

</pallas_src>

<mosaic_0001>
#map = affine_map<(d0, d1) -> (0, 0)>
#map1 = affine_map<(d0, d1) -> (0)>
#map2 = affine_map<(d0, d1) -> (0, 0, 0, 0)>
module attributes {stable_mosaic.version = 14 : i64} {
  func.func @_k3_body(%arg0: i32, %arg1: i32, %arg2: memref<10000x144xf32, #tpu.memory_space<hbm>>, %arg3: memref<8x10000xf32, #tpu.memory_space<hbm>>, %arg4: memref<320000xi32, #tpu.memory_space<hbm>>, %arg5: memref<320000xi32, #tpu.memory_space<hbm>>, %arg6: memref<320000x144xf32, #tpu.memory_space<hbm>>, %arg7: memref<320000x128xf32, #tpu.memory_space<hbm>>, %arg8: memref<2x2x5248x144xf32, #tpu.memory_space<hbm>>, %arg9: memref<320000xf32, #tpu.memory_space<hbm>>, %arg10: memref<10000xf32, #tpu.memory_space<vmem>>, %arg11: memref<10000xf32, #tpu.memory_space<vmem>>, %arg12: memref<80xi32, #tpu.memory_space<vmem>>, %arg13: memref<80xi32, #tpu.memory_space<vmem>>, %arg14: memref<80x144xf32, #tpu.memory_space<vmem>>, %arg15: memref<80x144xf32, #tpu.memory_space<vmem>>, %arg16: memref<96xf32, #tpu.memory_space<vmem>>, %arg17: memref<80xi32, #tpu.memory_space<vmem>>, %arg18: memref<80xi32, #tpu.memory_space<vmem>>, %arg19: memref<80x144xf32, #tpu.memory_space<vmem>>, %arg20: memref<80x144xf32, #tpu.memory_space<vmem>>, %arg21: memref<96xf32, #tpu.memory_space<vmem>>, %arg22: memref<80x128xf32, #tpu.memory_space<vmem>>, %arg23: memref<80xi32, #tpu.memory_space<vmem>>, %arg24: memref<8x144xf32, #tpu.memory_space<vmem>>, %arg25: memref<5248x144xf32, #tpu.memory_space<vmem_shared>>, %arg26: memref<!tpu.dma_semaphore, #tpu.memory_space<semaphore_mem>>, %arg27: memref<!tpu.dma_semaphore, #tpu.memory_space<semaphore_mem>>, %arg28: memref<!tpu.dma_semaphore, #tpu.memory_space<semaphore_mem>>, %arg29: memref<!tpu.dma_semaphore, #tpu.memory_space<semaphore_mem>>) attributes {dimension_semantics = [#tpu.dimension_semantics<core_parallel>, #tpu.dimension_semantics<subcore_parallel>], iteration_bounds = array<i64: 2, 16>, scalar_prefetch = 0 : i64, scratch_operands = 20 : i64, tpu.core_type = #tpu.core_type<sc_vector_subcore>, window_params = [{transform_indices = #map}, {transform_indices = #map}, {transform_indices = #map1}, {transform_indices = #map1}, {transform_indices = #map}, {transform_indices = #map}, {transform_indices = #map2}, {transform_indices = #map1}]} {
    %mul3A = arith.constant 16 : i32
    %mul3A_0 = arith.muli %arg0, %mul3A : i32
    %add3A = arith.addi %mul3A_0, %arg1 : i32
    %mul3A_1 = arith.constant 10000 : i32
    %mul3A_2 = arith.muli %add3A, %mul3A_1 : i32
    %iota3A = tpu.iota {dimensions = array<i32: 0>} : vector<16xi32>
    %broadcast_in_dim3A = arith.constant 128 : i32
    %broadcast_in_dim3A_3 = vector.broadcast %broadcast_in_dim3A : i32 to vector<16xi32>
    %scan3A = arith.constant 0 : i32
    %scan3A_4 = arith.constant 8 : i32
    %scan3A_5 = arith.addi %scan3A, %scan3A_4 : i32
    %scan3A_6 = arith.constant 1 : i32
    scf.for %scan3A_424 = %scan3A to %scan3A_5 step %scan3A_6  : i32 {
      %mul3A_425 = arith.constant 1 : i32
      %mul3A_426 = arith.muli %scan3A_424, %mul3A_425 : i32
      %add3A_427 = arith.constant 0 : i32
      %add3A_428 = arith.addi %add3A_427, %mul3A_426 : i32
      %broadcast_in_dim3A_429 = arith.constant 0.000000e+00 : f32
      %broadcast_in_dim3A_430 = vector.broadcast %broadcast_in_dim3A_429 : f32 to vector<16xf32>
      %swap3A_431 = arith.index_cast %add3A_428 : i32 to index
      %swap3A_432 = arith.constant 0 : index
      %swap3A_433 = tpu.vector_load %arg24[%swap3A_431, %swap3A_432] {strides = array<i32>} : memref<8x144xf32, #tpu.memory_space<vmem>>, vector<16xf32>,
      tpu.vector_store %arg24[%swap3A_431, %swap3A_432], %broadcast_in_dim3A_430 {strides = array<i32>} : memref<8x144xf32, #tpu.memory_space<vmem>>, vector<16xf32>,
      %broadcast_in_dim3A_434 = arith.constant 0.000000e+00 : f32
      %broadcast_in_dim3A_435 = vector.broadcast %broadcast_in_dim3A_434 : f32 to vector<16xf32>
      %swap3A_436 = arith.index_cast %add3A_428 : i32 to index
      %swap3A_437 = arith.constant 16 : index
      %swap3A_438 = tpu.vector_load %arg24[%swap3A_436, %swap3A_437] {strides = array<i32>} : memref<8x144xf32, #tpu.memory_space<vmem>>, vector<16xf32>,
      tpu.vector_store %arg24[%swap3A_436, %swap3A_437], %broadcast_in_dim3A_435 {strides = array<i32>} : memref<8x144xf32, #tpu.memory_space<vmem>>, vector<16xf32>,
      %broadcast_in_dim3A_439 = arith.constant 0.000000e+00 : f32
      %broadcast_in_dim3A_440 = vector.broadcast %broadcast_in_dim3A_439 : f32 to vector<16xf32>
      %swap3A_441 = arith.index_cast %add3A_428 : i32 to index
      %swap3A_442 = arith.constant 32 : index
      %swap3A_443 = tpu.vector_load %arg24[%swap3A_441, %swap3A_442] {strides = array<i32>} : memref<8x144xf32, #tpu.memory_space<vmem>>, vector<16xf32>,
      tpu.vector_store %arg24[%swap3A_441, %swap3A_442], %broadcast_in_dim3A_440 {strides = array<i32>} : memref<8x144xf32, #tpu.memory_space<vmem>>, vector<16xf32>,
      %broadcast_in_dim3A_444 = arith.constant 0.000000e+00 : f32
      %broadcast_in_dim3A_445 = vector.broadcast %broadcast_in_dim3A_444 : f32 to vector<16xf32>
      %swap3A_446 = arith.index_cast %add3A_428 : i32 to index
      %swap3A_447 = arith.constant 48 : index
      %swap3A_448 = tpu.vector_load %arg24[%swap3A_446, %swap3A_447] {strides = array<i32>} : memref<8x144xf32, #tpu.memory_space<vmem>>, vector<16xf32>,
      tpu.vector_store %arg24[%swap3A_446, %swap3A_447], %broadcast_in_dim3A_445 {strides = array<i32>} : memref<8x144xf32, #tpu.memory_space<vmem>>, vector<16xf32>,
      %broadcast_in_dim3A_449 = arith.constant 0.000000e+00 : f32
      %broadcast_in_dim3A_450 = vector.broadcast %broadcast_in_dim3A_449 : f32 to vector<16xf32>
      %swap3A_451 = arith.index_cast %add3A_428 : i32 to index
      %swap3A_452 = arith.constant 64 : index
      %swap3A_453 = tpu.vector_load %arg24[%swap3A_451, %swap3A_452] {strides = array<i32>} : memref<8x144xf32, #tpu.memory_space<vmem>>, vector<16xf32>,
      tpu.vector_store %arg24[%swap3A_451, %swap3A_452], %broadcast_in_dim3A_450 {strides = array<i32>} : memref<8x144xf32, #tpu.memory_space<vmem>>, vector<16xf32>,
      %broadcast_in_dim3A_454 = arith.constant 0.000000e+00 : f32
      %broadcast_in_dim3A_455 = vector.broadcast %broadcast_in_dim3A_454 : f32 to vector<16xf32>
      %swap3A_456 = arith.index_cast %add3A_428 : i32 to index
      %swap3A_457 = arith.constant 80 : index
      %swap3A_458 = tpu.vector_load %arg24[%swap3A_456, %swap3A_457] {strides = array<i32>} : memref<8x144xf32, #tpu.memory_space<vmem>>, vector<16xf32>,
      tpu.vector_store %arg24[%swap3A_456, %swap3A_457], %broadcast_in_dim3A_455 {strides = array<i32>} : memref<8x144xf32, #tpu.memory_space<vmem>>, vector<16xf32>,
      %broadcast_in_dim3A_459 = arith.constant 0.000000e+00 : f32
      %broadcast_in_dim3A_460 = vector.broadcast %broadcast_in_dim3A_459 : f32 to vector<16xf32>
      %swap3A_461 = arith.index_cast %add3A_428 : i32 to index
      %swap3A_462 = arith.constant 96 : index
      %swap3A_463 = tpu.vector_load %arg24[%swap3A_461, %swap3A_462] {strides = array<i32>} : memref<8x144xf32, #tpu.memory_space<vmem>>, vector<16xf32>,
      tpu.vector_store %arg24[%swap3A_461, %swap3A_462], %broadcast_in_dim3A_460 {strides = array<i32>} : memref<8x144xf32, #tpu.memory_space<vmem>>, vector<16xf32>,
      %broadcast_in_dim3A_464 = arith.constant 0.000000e+00 : f32
      %broadcast_in_dim3A_465 = vector.broadcast %broadcast_in_dim3A_464 : f32 to vector<16xf32>
      %swap3A_466 = arith.index_cast %add3A_428 : i32 to index
      %swap3A_467 = arith.constant 112 : index
      %swap3A_468 = tpu.vector_load %arg24[%swap3A_466, %swap3A_467] {strides = array<i32>} : memref<8x144xf32, #tpu.memory_space<vmem>>, vector<16xf32>,
      tpu.vector_store %arg24[%swap3A_466, %swap3A_467], %broadcast_in_dim3A_465 {strides = array<i32>} : memref<8x144xf32, #tpu.memory_space<vmem>>, vector<16xf32>,
      %broadcast_in_dim3A_469 = arith.constant 0.000000e+00 : f32
      %broadcast_in_dim3A_470 = vector.broadcast %broadcast_in_dim3A_469 : f32 to vector<16xf32>
      %swap3A_471 = arith.index_cast %add3A_428 : i32 to index
      %swap3A_472 = arith.constant 128 : index
      %swap3A_473 = tpu.vector_load %arg24[%swap3A_471, %swap3A_472] {strides = array<i32>} : memref<8x144xf32, #tpu.memory_space<vmem>>, vector<16xf32>,
      tpu.vector_store %arg24[%swap3A_471, %swap3A_472], %broadcast_in_dim3A_470 {strides = array<i32>} : memref<8x144xf32, #tpu.memory_space<vmem>>, vector<16xf32>,
    }
    %scan3A_7 = arith.constant 8 : i32
    %scan3A_8 = arith.constant 0 : i32
    %scan3A_9 = arith.constant 80 : i32
    %scan3A_10 = arith.addi %scan3A_8, %scan3A_9 : i32
    %scan3A_11 = arith.constant 1 : i32
    scf.for %scan3A_424 = %scan3A_8 to %scan3A_10 step %scan3A_11  : i32 {
      %mul3A_425 = arith.constant 1 : i32
      %mul3A_426 = arith.muli %scan3A_424, %mul3A_425 : i32
      %add3A_427 = arith.constant 0 : i32
      %add3A_428 = arith.addi %add3A_427, %mul3A_426 : i32
      %broadcast_in_dim3A_429 = arith.constant 0.000000e+00 : f32
      %broadcast_in_dim3A_430 = vector.broadcast %broadcast_in_dim3A_429 : f32 to vector<16xf32>
      %swap3A_431 = arith.index_cast %add3A_428 : i32 to index
      %swap3A_432 = arith.constant 0 : index
      %swap3A_433 = tpu.vector_load %arg14[%swap3A_431, %swap3A_432] {strides = array<i32>} : memref<80x144xf32, #tpu.memory_space<vmem>>, vector<16xf32>,
      tpu.vector_store %arg14[%swap3A_431, %swap3A_432], %broadcast_in_dim3A_430 {strides = array<i32>} : memref<80x144xf32, #tpu.memory_space<vmem>>, vector<16xf32>,
      %broadcast_in_dim3A_434 = arith.constant 0.000000e+00 : f32
      %broadcast_in_dim3A_435 = vector.broadcast %broadcast_in_dim3A_434 : f32 to vector<16xf32>
      %swap3A_436 = arith.index_cast %add3A_428 : i32 to index
      %swap3A_437 = arith.constant 16 : index
      %swap3A_438 = tpu.vector_load %arg14[%swap3A_436, %swap3A_437] {strides = array<i32>} : memref<80x144xf32, #tpu.memory_space<vmem>>, vector<16xf32>,
      tpu.vector_store %arg14[%swap3A_436, %swap3A_437], %broadcast_in_dim3A_435 {strides = array<i32>} : memref<80x144xf32, #tpu.memory_space<vmem>>, vector<16xf32>,
      %broadcast_in_dim3A_439 = arith.constant 0.000000e+00 : f32
      %broadcast_in_dim3A_440 = vector.broadcast %broadcast_in_dim3A_439 : f32 to vector<16xf32>
      %swap3A_441 = arith.index_cast %add3A_428 : i32 to index
      %swap3A_442 = arith.constant 32 : index
      %swap3A_443 = tpu.vector_load %arg14[%swap3A_441, %swap3A_442] {strides = array<i32>} : memref<80x144xf32, #tpu.memory_space<vmem>>, vector<16xf32>,
      tpu.vector_store %arg14[%swap3A_441, %swap3A_442], %broadcast_in_dim3A_440 {strides = array<i32>} : memref<80x144xf32, #tpu.memory_space<vmem>>, vector<16xf32>,
      %broadcast_in_dim3A_444 = arith.constant 0.000000e+00 : f32
      %broadcast_in_dim3A_445 = vector.broadcast %broadcast_in_dim3A_444 : f32 to vector<16xf32>
      %swap3A_446 = arith.index_cast %add3A_428 : i32 to index
      %swap3A_447 = arith.constant 48 : index
      %swap3A_448 = tpu.vector_load %arg14[%swap3A_446, %swap3A_447] {strides = array<i32>} : memref<80x144xf32, #tpu.memory_space<vmem>>, vector<16xf32>,
      tpu.vector_store %arg14[%swap3A_446, %swap3A_447], %broadcast_in_dim3A_445 {strides = array<i32>} : memref<80x144xf32, #tpu.memory_space<vmem>>, vector<16xf32>,
      %broadcast_in_dim3A_449 = arith.constant 0.000000e+00 : f32
      %broadcast_in_dim3A_450 = vector.broadcast %broadcast_in_dim3A_449 : f32 to vector<16xf32>
      %swap3A_451 = arith.index_cast %add3A_428 : i32 to index
      %swap3A_452 = arith.constant 64 : index
      %swap3A_453 = tpu.vector_load %arg14[%swap3A_451, %swap3A_452] {strides = array<i32>} : memref<80x144xf32, #tpu.memory_space<vmem>>, vector<16xf32>,
      tpu.vector_store %arg14[%swap3A_451, %swap3A_452], %broadcast_in_dim3A_450 {strides = array<i32>} : memref<80x144xf32, #tpu.memory_space<vmem>>, vector<16xf32>,
      %broadcast_in_dim3A_454 = arith.constant 0.000000e+00 : f32
      %broadcast_in_dim3A_455 = vector.broadcast %broadcast_in_dim3A_454 : f32 to vector<16xf32>
      %swap3A_456 = arith.index_cast %add3A_428 : i32 to index
      %swap3A_457 = arith.constant 80 : index
      %swap3A_458 = tpu.vector_load %arg14[%swap3A_456, %swap3A_457] {strides = array<i32>} : memref<80x144xf32, #tpu.memory_space<vmem>>, vector<16xf32>,
      tpu.vector_store %arg14[%swap3A_456, %swap3A_457], %broadcast_in_dim3A_455 {strides = array<i32>} : memref<80x144xf32, #tpu.memory_space<vmem>>, vector<16xf32>,
      %broadcast_in_dim3A_459 = arith.constant 0.000000e+00 : f32
      %broadcast_in_dim3A_460 = vector.broadcast %broadcast_in_dim3A_459 : f32 to vector<16xf32>
      %swap3A_461 = arith.index_cast %add3A_428 : i32 to index
      %swap3A_462 = arith.constant 96 : index
      %swap3A_463 = tpu.vector_load %arg14[%swap3A_461, %swap3A_462] {strides = array<i32>} : memref<80x144xf32, #tpu.memory_space<vmem>>, vector<16xf32>,
      tpu.vector_store %arg14[%swap3A_461, %swap3A_462], %broadcast_in_dim3A_460 {strides = array<i32>} : memref<80x144xf32, #tpu.memory_space<vmem>>, vector<16xf32>,
      %broadcast_in_dim3A_464 = arith.constant 0.000000e+00 : f32
      %broadcast_in_dim3A_465 = vector.broadcast %broadcast_in_dim3A_464 : f32 to vector<16xf32>
      %swap3A_466 = arith.index_cast %add3A_428 : i32 to index
      %swap3A_467 = arith.constant 112 : index
      %swap3A_468 = tpu.vector_load %arg14[%swap3A_466, %swap3A_467] {strides = array<i32>} : memref<80x144xf32, #tpu.memory_space<vmem>>, vector<16xf32>,
      tpu.vector_store %arg14[%swap3A_466, %swap3A_467], %broadcast_in_dim3A_465 {strides = array<i32>} : memref<80x144xf32, #tpu.memory_space<vmem>>, vector<16xf32>,
      %broadcast_in_dim3A_469 = arith.constant 0.000000e+00 : f32
      %broadcast_in_dim3A_470 = vector.broadcast %broadcast_in_dim3A_469 : f32 to vector<16xf32>
      %swap3A_471 = arith.index_cast %add3A_428 : i32 to index
      %swap3A_472 = arith.constant 128 : index
      %swap3A_473 = tpu.vector_load %arg14[%swap3A_471, %swap3A_472] {strides = array<i32>} : memref<80x144xf32, #tpu.memory_space<vmem>>, vector<16xf32>,
      tpu.vector_store %arg14[%swap3A_471, %swap3A_472], %broadcast_in_dim3A_470 {strides = array<i32>} : memref<80x144xf32, #tpu.memory_space<vmem>>, vector<16xf32>,
    }
    %scan3A_12 = arith.constant 80 : i32
    %scan3A_13 = arith.constant 0 : i32
    %scan3A_14 = arith.constant 4 : i32
    %scan3A_15 = arith.addi %scan3A_13, %scan3A_14 : i32
    %scan3A_16 = arith.constant 1 : i32
    scf.for %scan3A_424 = %scan3A_13 to %scan3A_15 step %scan3A_16  : i32 {
      %mul3A_425 = arith.constant 80 : i32
      %mul3A_426 = arith.muli %scan3A_424, %mul3A_425 : i32
      %add3A_427 = arith.constant 0 : i32
      %add3A_428 = arith.addi %add3A_427, %mul3A_426 : i32
      %mul3A_429 = arith.constant 328 : i32
      %mul3A_430 = arith.muli %arg1, %mul3A_429 : i32
      %add3A_431 = arith.addi %mul3A_430, %add3A_428 : i32
      "tpu.region"() ({
        %run_scoped3A_432 = tpu.sem_alloc : memref<!tpu.dma_semaphore, #tpu.memory_space<semaphore_mem>>
        %dma_start3A_433 = arith.constant 0 : i32
        %dma_start3A_434 = tpu.memref_slice %arg25[%add3A_431, %dma_start3A_433] : memref<5248x144xf32, #tpu.memory_space<vmem_shared>> -> memref<80x144xf32, #tpu.memory_space<vmem_shared>>
        %dma_start3A_435 = arith.constant 0 : i32
        %dma_start3A_436 = tpu.memref_slice %arg25[%add3A_431, %dma_start3A_435] : memref<5248x144xf32, #tpu.memory_space<vmem_shared>> -> memref<80x144xf32, #tpu.memory_space<vmem_shared>>
        tpu.enqueue_dma source(%arg14 : memref<80x144xf32, #tpu.memory_space<vmem>>) target(%dma_start3A_436 : memref<80x144xf32, #tpu.memory_space<vmem_shared>>) target_semaphore(%run_scoped3A_432 : memref<!tpu.dma_semaphore, #tpu.memory_space<semaphore_mem>>)
        %dma_wait3A_437 = arith.constant 0 : i32
        %dma_wait3A_438 = tpu.memref_slice %arg25[%add3A_431, %dma_wait3A_437] : memref<5248x144xf32, #tpu.memory_space<vmem_shared>> -> memref<80x144xf32, #tpu.memory_space<vmem_shared>>
        %dma_wait3A_439 = arith.constant 0 : i32
        %dma_wait3A_440 = tpu.memref_slice %arg25[%add3A_431, %dma_wait3A_439] : memref<5248x144xf32, #tpu.memory_space<vmem_shared>> -> memref<80x144xf32, #tpu.memory_space<vmem_shared>>
        tpu.wait_dma2 semaphore(%run_scoped3A_432 : memref<!tpu.dma_semaphore, #tpu.memory_space<semaphore_mem>>) src(%arg14 : memref<80x144xf32, #tpu.memory_space<vmem>>) dst(%dma_wait3A_440 : memref<80x144xf32, #tpu.memory_space<vmem_shared>>)
        tpu.yield
      }) : () -> ()
    }
    %scan3A_17 = arith.constant 4 : i32
    %mul3A_18 = arith.constant 328 : i32
    %mul3A_19 = arith.muli %arg1, %mul3A_18 : i32
    %add3A_20 = arith.constant 328 : i32
    %add3A_21 = arith.addi %mul3A_19, %add3A_20 : i32
    %sub3A = arith.constant 8 : i32
    %sub3A_22 = arith.subi %add3A_21, %sub3A : i32
    "tpu.region"() ({
      %run_scoped3A_424 = tpu.sem_alloc : memref<!tpu.dma_semaphore, #tpu.memory_space<semaphore_mem>>
      %dma_start3A_425 = arith.constant 0 : i32
      %dma_start3A_426 = tpu.memref_slice %arg25[%sub3A_22, %dma_start3A_425] : memref<5248x144xf32, #tpu.memory_space<vmem_shared>> -> memref<8x144xf32, #tpu.memory_space<vmem_shared>>
      %dma_start3A_427 = arith.constant 0 : i32
      %dma_start3A_428 = tpu.memref_slice %arg25[%sub3A_22, %dma_start3A_427] : memref<5248x144xf32, #tpu.memory_space<vmem_shared>> -> memref<8x144xf32, #tpu.memory_space<vmem_shared>>
      tpu.enqueue_dma source(%arg24 : memref<8x144xf32, #tpu.memory_space<vmem>>) target(%dma_start3A_428 : memref<8x144xf32, #tpu.memory_space<vmem_shared>>) target_semaphore(%run_scoped3A_424 : memref<!tpu.dma_semaphore, #tpu.memory_space<semaphore_mem>>)
      %dma_wait3A_429 = arith.constant 0 : i32
      %dma_wait3A_430 = tpu.memref_slice %arg25[%sub3A_22, %dma_wait3A_429] : memref<5248x144xf32, #tpu.memory_space<vmem_shared>> -> memref<8x144xf32, #tpu.memory_space<vmem_shared>>
      %dma_wait3A_431 = arith.constant 0 : i32
      %dma_wait3A_432 = tpu.memref_slice %arg25[%sub3A_22, %dma_wait3A_431] : memref<5248x144xf32, #tpu.memory_space<vmem_shared>> -> memref<8x144xf32, #tpu.memory_space<vmem_shared>>
      tpu.wait_dma2 semaphore(%run_scoped3A_424 : memref<!tpu.dma_semaphore, #tpu.memory_space<semaphore_mem>>) src(%arg24 : memref<8x144xf32, #tpu.memory_space<vmem>>) dst(%dma_wait3A_432 : memref<8x144xf32, #tpu.memory_space<vmem_shared>>)
      tpu.yield
    }) : () -> ()
    %run_scoped3A = arith.constant 0 : i32
    "tpu.region"() ({
      %run_scoped3A_424 = tpu.sem_alloc : memref<!tpu.dma_semaphore, #tpu.memory_space<semaphore_mem>>
      %dma_start3A_425 = arith.constant 0 : i32
      %dma_start3A_426 = tpu.memref_slice %arg3[%run_scoped3A, %dma_start3A_425] : memref<8x10000xf32, #tpu.memory_space<hbm>> -> memref<1x10000xf32, #tpu.memory_space<hbm>>
      %dma_start3A_427 = tpu.memref_squeeze %dma_start3A_426 : memref<1x10000xf32, #tpu.memory_space<hbm>> -> memref<10000xf32, #tpu.memory_space<hbm>>
      %dma_start3A_428 = arith.constant 0 : i32
      %dma_start3A_429 = tpu.memref_slice %arg3[%run_scoped3A, %dma_start3A_428] : memref<8x10000xf32, #tpu.memory_space<hbm>> -> memref<1x10000xf32, #tpu.memory_space<hbm>>
      %dma_start3A_430 = tpu.memref_squeeze %dma_start3A_429 : memref<1x10000xf32, #tpu.memory_space<hbm>> -> memref<10000xf32, #tpu.memory_space<hbm>>
      tpu.enqueue_dma source(%dma_start3A_430 : memref<10000xf32, #tpu.memory_space<hbm>>) target(%arg10 : memref<10000xf32, #tpu.memory_space<vmem>>) target_semaphore(%run_scoped3A_424 : memref<!tpu.dma_semaphore, #tpu.memory_space<semaphore_mem>>)
      %dma_wait3A_431 = arith.constant 0 : i32
      %dma_wait3A_432 = tpu.memref_slice %arg3[%run_scoped3A, %dma_wait3A_431] : memref<8x10000xf32, #tpu.memory_space<hbm>> -> memref<1x10000xf32, #tpu.memory_space<hbm>>
      %dma_wait3A_433 = tpu.memref_squeeze %dma_wait3A_432 : memref<1x10000xf32, #tpu.memory_space<hbm>> -> memref<10000xf32, #tpu.memory_space<hbm>>
      %dma_wait3A_434 = arith.constant 0 : i32
      %dma_wait3A_435 = tpu.memref_slice %arg3[%run_scoped3A, %dma_wait3A_434] : memref<8x10000xf32, #tpu.memory_space<hbm>> -> memref<1x10000xf32, #tpu.memory_space<hbm>>
      %dma_wait3A_436 = tpu.memref_squeeze %dma_wait3A_435 : memref<1x10000xf32, #tpu.memory_space<hbm>> -> memref<10000xf32, #tpu.memory_space<hbm>>
      tpu.wait_dma2 semaphore(%run_scoped3A_424 : memref<!tpu.dma_semaphore, #tpu.memory_space<semaphore_mem>>) src(%dma_wait3A_436 : memref<10000xf32, #tpu.memory_space<hbm>>) dst(%arg10 : memref<10000xf32, #tpu.memory_space<vmem>>)
      tpu.yield
    }) : () -> ()
    %run_scoped3A_23 = arith.constant 1 : i32
    "tpu.region"() ({
      %run_scoped3A_424 = tpu.sem_alloc : memref<!tpu.dma_semaphore, #tpu.memory_space<semaphore_mem>>
      %dma_start3A_425 = arith.constant 0 : i32
      %dma_start3A_426 = tpu.memref_slice %arg3[%run_scoped3A_23, %dma_start3A_425] : memref<8x10000xf32, #tpu.memory_space<hbm>> -> memref<1x10000xf32, #tpu.memory_space<hbm>>
      %dma_start3A_427 = tpu.memref_squeeze %dma_start3A_426 : memref<1x10000xf32, #tpu.memory_space<hbm>> -> memref<10000xf32, #tpu.memory_space<hbm>>
      %dma_start3A_428 = arith.constant 0 : i32
      %dma_start3A_429 = tpu.memref_slice %arg3[%run_scoped3A_23, %dma_start3A_428] : memref<8x10000xf32, #tpu.memory_space<hbm>> -> memref<1x10000xf32, #tpu.memory_space<hbm>>
      %dma_start3A_430 = tpu.memref_squeeze %dma_start3A_429 : memref<1x10000xf32, #tpu.memory_space<hbm>> -> memref<10000xf32, #tpu.memory_space<hbm>>
      tpu.enqueue_dma source(%dma_start3A_430 : memref<10000xf32, #tpu.memory_space<hbm>>) target(%arg11 : memref<10000xf32, #tpu.memory_space<vmem>>) target_semaphore(%run_scoped3A_424 : memref<!tpu.dma_semaphore, #tpu.memory_space<semaphore_mem>>)
      %dma_wait3A_431 = arith.constant 0 : i32
      %dma_wait3A_432 = tpu.memref_slice %arg3[%run_scoped3A_23, %dma_wait3A_431] : memref<8x10000xf32, #tpu.memory_space<hbm>> -> memref<1x10000xf32, #tpu.memory_space<hbm>>
      %dma_wait3A_433 = tpu.memref_squeeze %dma_wait3A_432 : memref<1x10000xf32, #tpu.memory_space<hbm>> -> memref<10000xf32, #tpu.memory_space<hbm>>
      %dma_wait3A_434 = arith.constant 0 : i32
      %dma_wait3A_435 = tpu.memref_slice %arg3[%run_scoped3A_23, %dma_wait3A_434] : memref<8x10000xf32, #tpu.memory_space<hbm>> -> memref<1x10000xf32, #tpu.memory_space<hbm>>
      %dma_wait3A_436 = tpu.memref_squeeze %dma_wait3A_435 : memref<1x10000xf32, #tpu.memory_space<hbm>> -> memref<10000xf32, #tpu.memory_space<hbm>>
      tpu.wait_dma2 semaphore(%run_scoped3A_424 : memref<!tpu.dma_semaphore, #tpu.memory_space<semaphore_mem>>) src(%dma_wait3A_436 : memref<10000xf32, #tpu.memory_space<hbm>>) dst(%arg11 : memref<10000xf32, #tpu.memory_space<vmem>>)
      tpu.yield
    }) : () -> ()
    %barrier3A = arith.constant 0 : index
    tpu.barrier barrier_id(%barrier3A)
    %add3A_24 = arith.constant 0 : i32
    %add3A_25 = arith.addi %mul3A_2, %add3A_24 : i32
    %dma_start3A = tpu.memref_slice %arg4[%add3A_25] : memref<320000xi32, #tpu.memory_space<hbm>> -> memref<80xi32, #tpu.memory_space<hbm>>
    %dma_start3A_26 = tpu.memref_slice %arg4[%add3A_25] : memref<320000xi32, #tpu.memory_space<hbm>> -> memref<80xi32, #tpu.memory_space<hbm>>
    tpu.enqueue_dma source(%dma_start3A_26 : memref<80xi32, #tpu.memory_space<hbm>>) target(%arg12 : memref<80xi32, #tpu.memory_space<vmem>>) target_semaphore(%arg26 : memref<!tpu.dma_semaphore, #tpu.memory_space<semaphore_mem>>)
    %dma_start3A_27 = tpu.memref_slice %arg5[%add3A_25] : memref<320000xi32, #tpu.memory_space<hbm>> -> memref<80xi32, #tpu.memory_space<hbm>>
    %dma_start3A_28 = tpu.memref_slice %arg5[%add3A_25] : memref<320000xi32, #tpu.memory_space<hbm>> -> memref<80xi32, #tpu.memory_space<hbm>>
    tpu.enqueue_dma source(%dma_start3A_28 : memref<80xi32, #tpu.memory_space<hbm>>) target(%arg13 : memref<80xi32, #tpu.memory_space<vmem>>) target_semaphore(%arg26 : memref<!tpu.dma_semaphore, #tpu.memory_space<semaphore_mem>>)
    %add3A_29 = arith.constant 0 : i32
    %add3A_30 = arith.addi %mul3A_2, %add3A_29 : i32
    %dma_wait3A = tpu.memref_slice %arg4[%add3A_30] : memref<320000xi32, #tpu.memory_space<hbm>> -> memref<80xi32, #tpu.memory_space<hbm>>
    %dma_wait3A_31 = tpu.memref_slice %arg4[%add3A_30] : memref<320000xi32, #tpu.memory_space<hbm>> -> memref<80xi32, #tpu.memory_space<hbm>>
    tpu.wait_dma2 semaphore(%arg26 : memref<!tpu.dma_semaphore, #tpu.memory_space<semaphore_mem>>) src(%dma_wait3A_31 : memref<80xi32, #tpu.memory_space<hbm>>) dst(%arg12 : memref<80xi32, #tpu.memory_space<vmem>>)
    %dma_wait3A_32 = tpu.memref_slice %arg5[%add3A_30] : memref<320000xi32, #tpu.memory_space<hbm>> -> memref<80xi32, #tpu.memory_space<hbm>>
    %dma_wait3A_33 = tpu.memref_slice %arg5[%add3A_30] : memref<320000xi32, #tpu.memory_space<hbm>> -> memref<80xi32, #tpu.memory_space<hbm>>
    tpu.wait_dma2 semaphore(%arg26 : memref<!tpu.dma_semaphore, #tpu.memory_space<semaphore_mem>>) src(%dma_wait3A_33 : memref<80xi32, #tpu.memory_space<hbm>>) dst(%arg13 : memref<80xi32, #tpu.memory_space<vmem>>)
    %add3A_34 = arith.constant 0 : i32
    %add3A_35 = arith.addi %mul3A_2, %add3A_34 : i32
    %dma_start3A_36 = arith.constant 0 : i32
    %dma_start3A_37 = arith.constant 0 : i32
    %dma_start3A_38 = tpu.memref_slice %arg2[%dma_start3A_36, %dma_start3A_37] : memref<10000x144xf32, #tpu.memory_space<hbm>> -> memref<10000x144xf32, #tpu.memory_space<hbm>>
    tpu.enqueue_indirect_dma source(%dma_start3A_38 : memref<10000x144xf32, #tpu.memory_space<hbm>>) target(%arg14 : memref<80x144xf32, #tpu.memory_space<vmem>>) offsets(%arg12 : memref<80xi32, #tpu.memory_space<vmem>>) semaphore(%arg26 : memref<!tpu.dma_semaphore, #tpu.memory_space<semaphore_mem>>)
    %dma_start3A_39 = arith.constant 0 : i32
    %dma_start3A_40 = tpu.memref_slice %arg6[%add3A_35, %dma_start3A_39] : memref<320000x144xf32, #tpu.memory_space<hbm>> -> memref<80x144xf32, #tpu.memory_space<hbm>>
    %dma_start3A_41 = arith.constant 0 : i32
    %dma_start3A_42 = tpu.memref_slice %arg6[%add3A_35, %dma_start3A_41] : memref<320000x144xf32, #tpu.memory_space<hbm>> -> memref<80x144xf32, #tpu.memory_space<hbm>>
    tpu.enqueue_dma source(%dma_start3A_42 : memref<80x144xf32, #tpu.memory_space<hbm>>) target(%arg15 : memref<80x144xf32, #tpu.memory_space<vmem>>) target_semaphore(%arg27 : memref<!tpu.dma_semaphore, #tpu.memory_space<semaphore_mem>>)
    %add3A_43 = arith.constant 80 : i32
    %add3A_44 = arith.addi %mul3A_2, %add3A_43 : i32
    %dma_start3A_45 = tpu.memref_slice %arg4[%add3A_44] : memref<320000xi32, #tpu.memory_space<hbm>> -> memref<80xi32, #tpu.memory_space<hbm>>
    %dma_start3A_46 = tpu.memref_slice %arg4[%add3A_44] : memref<320000xi32, #tpu.memory_space<hbm>> -> memref<80xi32, #tpu.memory_space<hbm>>
    tpu.enqueue_dma source(%dma_start3A_46 : memref<80xi32, #tpu.memory_space<hbm>>) target(%arg17 : memref<80xi32, #tpu.memory_space<vmem>>) target_semaphore(%arg28 : memref<!tpu.dma_semaphore, #tpu.memory_space<semaphore_mem>>)
    %dma_start3A_47 = tpu.memref_slice %arg5[%add3A_44] : memref<320000xi32, #tpu.memory_space<hbm>> -> memref<80xi32, #tpu.memory_space<hbm>>
    %dma_start3A_48 = tpu.memref_slice %arg5[%add3A_44] : memref<320000xi32, #tpu.memory_space<hbm>> -> memref<80xi32, #tpu.memory_space<hbm>>
    tpu.enqueue_dma source(%dma_start3A_48 : memref<80xi32, #tpu.memory_space<hbm>>) target(%arg18 : memref<80xi32, #tpu.memory_space<vmem>>) target_semaphore(%arg28 : memref<!tpu.dma_semaphore, #tpu.memory_space<semaphore_mem>>)
    %scan3A_49 = arith.constant 0 : i32
    %scan3A_50 = arith.constant 62 : i32
    %scan3A_51 = arith.addi %scan3A_49, %scan3A_50 : i32
    %scan3A_52 = arith.constant 1 : i32
    scf.for %scan3A_424 = %scan3A_49 to %scan3A_51 step %scan3A_52  : i32 {
      %mul3A_425 = arith.constant 160 : i32
      %mul3A_426 = arith.muli %scan3A_424, %mul3A_425 : i32
      %add3A_427 = arith.constant 0 : i32
      %add3A_428 = arith.addi %add3A_427, %mul3A_426 : i32
      %add3A_429 = arith.constant 80 : i32
      %add3A_430 = arith.addi %add3A_428, %add3A_429 : i32
      %add3A_431 = arith.addi %mul3A_2, %add3A_430 : i32
      %dma_wait3A_432 = tpu.memref_slice %arg4[%add3A_431] : memref<320000xi32, #tpu.memory_space<hbm>> -> memref<80xi32, #tpu.memory_space<hbm>>
      %dma_wait3A_433 = tpu.memref_slice %arg4[%add3A_431] : memref<320000xi32, #tpu.memory_space<hbm>> -> memref<80xi32, #tpu.memory_space<hbm>>
      tpu.wait_dma2 semaphore(%arg28 : memref<!tpu.dma_semaphore, #tpu.memory_space<semaphore_mem>>) src(%dma_wait3A_433 : memref<80xi32, #tpu.memory_space<hbm>>) dst(%arg17 : memref<80xi32, #tpu.memory_space<vmem>>)
      %dma_wait3A_434 = tpu.memref_slice %arg5[%add3A_431] : memref<320000xi32, #tpu.memory_space<hbm>> -> memref<80xi32, #tpu.memory_space<hbm>>
      %dma_wait3A_435 = tpu.memref_slice %arg5[%add3A_431] : memref<320000xi32, #tpu.memory_space<hbm>> -> memref<80xi32, #tpu.memory_space<hbm>>
      tpu.wait_dma2 semaphore(%arg28 : memref<!tpu.dma_semaphore, #tpu.memory_space<semaphore_mem>>) src(%dma_wait3A_435 : memref<80xi32, #tpu.memory_space<hbm>>) dst(%arg18 : memref<80xi32, #tpu.memory_space<vmem>>)
      %add3A_436 = arith.constant 80 : i32
      %add3A_437 = arith.addi %add3A_428, %add3A_436 : i32
      %add3A_438 = arith.addi %mul3A_2, %add3A_437 : i32
      %dma_start3A_439 = arith.constant 0 : i32
      %dma_start3A_440 = arith.constant 0 : i32
      %dma_start3A_441 = tpu.memref_slice %arg2[%dma_start3A_439, %dma_start3A_440] : memref<10000x144xf32, #tpu.memory_space<hbm>> -> memref<10000x144xf32, #tpu.memory_space<hbm>>
      tpu.enqueue_indirect_dma source(%dma_start3A_441 : memref<10000x144xf32, #tpu.memory_space<hbm>>) target(%arg19 : memref<80x144xf32, #tpu.memory_space<vmem>>) offsets(%arg17 : memref<80xi32, #tpu.memory_space<vmem>>) semaphore(%arg28 : memref<!tpu.dma_semaphore, #tpu.memory_space<semaphore_mem>>)
      %dma_start3A_442 = arith.constant 0 : i32
      %dma_start3A_443 = tpu.memref_slice %arg6[%add3A_438, %dma_start3A_442] : memref<320000x144xf32, #tpu.memory_space<hbm>> -> memref<80x144xf32, #tpu.memory_space<hbm>>
      %dma_start3A_444 = arith.constant 0 : i32
      %dma_start3A_445 = tpu.memref_slice %arg6[%add3A_438, %dma_start3A_444] : memref<320000x144xf32, #tpu.memory_space<hbm>> -> memref<80x144xf32, #tpu.memory_space<hbm>>
      tpu.enqueue_dma source(%dma_start3A_445 : memref<80x144xf32, #tpu.memory_space<hbm>>) target(%arg20 : memref<80x144xf32, #tpu.memory_space<vmem>>) target_semaphore(%arg29 : memref<!tpu.dma_semaphore, #tpu.memory_space<semaphore_mem>>)
      %add3A_446 = arith.addi %mul3A_2, %add3A_428 : i32
      %dma_wait3A_447 = arith.constant 0 : i32
      %dma_wait3A_448 = tpu.memref_slice %arg6[%add3A_446, %dma_wait3A_447] : memref<320000x144xf32, #tpu.memory_space<hbm>> -> memref<80x144xf32, #tpu.memory_space<hbm>>
      %dma_wait3A_449 = arith.constant 0 : i32
      %dma_wait3A_450 = tpu.memref_slice %arg6[%add3A_446, %dma_wait3A_449] : memref<320000x144xf32, #tpu.memory_space<hbm>> -> memref<80x144xf32, #tpu.memory_space<hbm>>
      tpu.wait_dma2 semaphore(%arg27 : memref<!tpu.dma_semaphore, #tpu.memory_space<semaphore_mem>>) src(%dma_wait3A_450 : memref<80x144xf32, #tpu.memory_space<hbm>>) dst(%arg15 : memref<80x144xf32, #tpu.memory_space<vmem>>)
      %get3A_451 = arith.constant 0 : index
      %get3A_452 = tpu.vector_load %arg12[%get3A_451] {strides = array<i32>} : memref<80xi32, #tpu.memory_space<vmem>>, vector<16xi32>,
      %get3A_453 = arith.constant 0 : index
      %get3A_454 = tpu.vector_load %arg13[%get3A_453] {strides = array<i32>} : memref<80xi32, #tpu.memory_space<vmem>>, vector<16xi32>,
      %gather3A_455 = tpu.vector_load_idx %arg10[%get3A_452] : memref<10000xf32, #tpu.memory_space<vmem>>[vector<16xi32>], vector<16xf32>,
      %gather3A_456 = tpu.vector_load_idx %arg11[%get3A_454] : memref<10000xf32, #tpu.memory_space<vmem>>[vector<16xi32>], vector<16xf32>,
      %add3A_457 = arith.constant 0 : i32
      %add3A_458 = vector.broadcast %add3A_457 : i32 to vector<16xi32>
      %add3A_459 = arith.addi %iota3A, %add3A_458 : vector<16xi32>
      %gather3A_460 = tpu.vector_load_idx %arg15[%add3A_459, %broadcast_in_dim3A_3] : memref<80x144xf32, #tpu.memory_space<vmem>>[vector<16xi32>, vector<16xi32>], vector<16xf32>,
      %add3A_461 = arith.addf %gather3A_455, %gather3A_456 : vector<16xf32>
      %add3A_462 = arith.addf %add3A_461, %gather3A_460 : vector<16xf32>
      %ge3A_463 = arith.constant 0.000000e+00 : f32
      %ge3A_464 = vector.broadcast %ge3A_463 : f32 to vector<16xf32>
      %ge3A_465 = arith.cmpf oge, %add3A_462, %ge3A_464 : vector<16xf32>
      %mul3A_466 = arith.constant 0.00999999977 : f32
      %mul3A_467 = vector.broadcast %mul3A_466 : f32 to vector<16xf32>
      %mul3A_468 = arith.mulf %add3A_462, %mul3A_467 : vector<16xf32>
      %select_n3A_469 = arith.select %ge3A_465, %add3A_462, %mul3A_468 : vector<16xi1>, vector<16xf32>
      %exp3A_470 = math.exp %select_n3A_469 : vector<16xf32>
      %swap3A_471 = arith.constant 0 : index
      %swap3A_472 = tpu.vector_load %arg16[%swap3A_471] {strides = array<i32>} : memref<96xf32, #tpu.memory_space<vmem>>, vector<16xf32>,
      tpu.vector_store %arg16[%swap3A_471], %exp3A_470 {strides = array<i32>} : memref<96xf32, #tpu.memory_space<vmem>>, vector<16xf32>,
      %add3A_473 = arith.constant 0 : i32
      %add3A_474 = vector.broadcast %add3A_473 : i32 to vector<16xi32>
      %add3A_475 = arith.addi %iota3A, %add3A_474 : vector<16xi32>
      %and3A_476 = arith.constant 127 : i32
      %and3A_477 = vector.broadcast %and3A_476 : i32 to vector<16xi32>
      %and3A_478 = arith.andi %add3A_475, %and3A_477 : vector<16xi32>
      %add3A_479 = arith.constant 5120 : i32
      %add3A_480 = vector.broadcast %add3A_479 : i32 to vector<16xi32>
      %add3A_481 = arith.addi %add3A_480, %and3A_478 : vector<16xi32>
      %lt3A_482 = arith.constant 5120 : i32
      %lt3A_483 = vector.broadcast %lt3A_482 : i32 to vector<16xi32>
      %lt3A_484 = arith.cmpi slt, %get3A_454, %lt3A_483 : vector<16xi32>
      %select_n3A_485 = arith.select %lt3A_484, %get3A_454, %add3A_481 : vector<16xi1>, vector<16xi32>
      %swap3A_486 = arith.constant 0 : index
      %swap3A_487 = tpu.vector_load %arg23[%swap3A_486] {strides = array<i32>} : memref<80xi32, #tpu.memory_space<vmem>>, vector<16xi32>,
      tpu.vector_store %arg23[%swap3A_486], %select_n3A_485 {strides = array<i32>} : memref<80xi32, #tpu.memory_space<vmem>>, vector<16xi32>,
      %get3A_488 = arith.constant 16 : index
      %get3A_489 = tpu.vector_load %arg12[%get3A_488] {strides = array<i32>} : memref<80xi32, #tpu.memory_space<vmem>>, vector<16xi32>,
      %get3A_490 = arith.constant 16 : index
      %get3A_491 = tpu.vector_load %arg13[%get3A_490] {strides = array<i32>} : memref<80xi32, #tpu.memory_space<vmem>>, vector<16xi32>,
      %gather3A_492 = tpu.vector_load_idx %arg10[%get3A_489] : memref<10000xf32, #tpu.memory_space<vmem>>[vector<16xi32>], vector<16xf32>,
      %gather3A_493 = tpu.vector_load_idx %arg11[%get3A_491] : memref<10000xf32, #tpu.memory_space<vmem>>[vector<16xi32>], vector<16xf32>,
      %add3A_494 = arith.constant 16 : i32
      %add3A_495 = vector.broadcast %add3A_494 : i32 to vector<16xi32>
      %add3A_496 = arith.addi %iota3A, %add3A_495 : vector<16xi32>
      %gather3A_497 = tpu.vector_load_idx %arg15[%add3A_496, %broadcast_in_dim3A_3] : memref<80x144xf32, #tpu.memory_space<vmem>>[vector<16xi32>, vector<16xi32>], vector<16xf32>,
      %add3A_498 = arith.addf %gather3A_492, %gather3A_493 : vector<16xf32>
      %add3A_499 = arith.addf %add3A_498, %gather3A_497 : vector<16xf32>
      %ge3A_500 = arith.constant 0.000000e+00 : f32
      %ge3A_501 = vector.broadcast %ge3A_500 : f32 to vector<16xf32>
      %ge3A_502 = arith.cmpf oge, %add3A_499, %ge3A_501 : vector<16xf32>
      %mul3A_503 = arith.constant 0.00999999977 : f32
      %mul3A_504 = vector.broadcast %mul3A_503 : f32 to vector<16xf32>
      %mul3A_505 = arith.mulf %add3A_499, %mul3A_504 : vector<16xf32>
      %select_n3A_506 = arith.select %ge3A_502, %add3A_499, %mul3A_505 : vector<16xi1>, vector<16xf32>
      %exp3A_507 = math.exp %select_n3A_506 : vector<16xf32>
      %swap3A_508 = arith.constant 16 : index
      %swap3A_509 = tpu.vector_load %arg16[%swap3A_508] {strides = array<i32>} : memref<96xf32, #tpu.memory_space<vmem>>, vector<16xf32>,
      tpu.vector_store %arg16[%swap3A_508], %exp3A_507 {strides = array<i32>} : memref<96xf32, #tpu.memory_space<vmem>>, vector<16xf32>,
      %add3A_510 = arith.constant 16 : i32
      %add3A_511 = vector.broadcast %add3A_510 : i32 to vector<16xi32>
      %add3A_512 = arith.addi %iota3A, %add3A_511 : vector<16xi32>
      %and3A_513 = arith.constant 127 : i32
      %and3A_514 = vector.broadcast %and3A_513 : i32 to vector<16xi32>
      %and3A_515 = arith.andi %add3A_512, %and3A_514 : vector<16xi32>
      %add3A_516 = arith.constant 5120 : i32
      %add3A_517 = vector.broadcast %add3A_516 : i32 to vector<16xi32>
      %add3A_518 = arith.addi %add3A_517, %and3A_515 : vector<16xi32>
      %lt3A_519 = arith.constant 5120 : i32
      %lt3A_520 = vector.broadcast %lt3A_519 : i32 to vector<16xi32>
      %lt3A_521 = arith.cmpi slt, %get3A_491, %lt3A_520 : vector<16xi32>
      %select_n3A_522 = arith.select %lt3A_521, %get3A_491, %add3A_518 : vector<16xi1>, vector<16xi32>
      %swap3A_523 = arith.constant 16 : index
      %swap3A_524 = tpu.vector_load %arg23[%swap3A_523] {strides = array<i32>} : memref<80xi32, #tpu.memory_space<vmem>>, vector<16xi32>,
      tpu.vector_store %arg23[%swap3A_523], %select_n3A_522 {strides = array<i32>} : memref<80xi32, #tpu.memory_space<vmem>>, vector<16xi32>,
      %get3A_525 = arith.constant 32 : index
      %get3A_526 = tpu.vector_load %arg12[%get3A_525] {strides = array<i32>} : memref<80xi32, #tpu.memory_space<vmem>>, vector<16xi32>,
      %get3A_527 = arith.constant 32 : index
      %get3A_528 = tpu.vector_load %arg13[%get3A_527] {strides = array<i32>} : memref<80xi32, #tpu.memory_space<vmem>>, vector<16xi32>,
      %gather3A_529 = tpu.vector_load_idx %arg10[%get3A_526] : memref<10000xf32, #tpu.memory_space<vmem>>[vector<16xi32>], vector<16xf32>,
      %gather3A_530 = tpu.vector_load_idx %arg11[%get3A_528] : memref<10000xf32, #tpu.memory_space<vmem>>[vector<16xi32>], vector<16xf32>,
      %add3A_531 = arith.constant 32 : i32
      %add3A_532 = vector.broadcast %add3A_531 : i32 to vector<16xi32>
      %add3A_533 = arith.addi %iota3A, %add3A_532 : vector<16xi32>
      %gather3A_534 = tpu.vector_load_idx %arg15[%add3A_533, %broadcast_in_dim3A_3] : memref<80x144xf32, #tpu.memory_space<vmem>>[vector<16xi32>, vector<16xi32>], vector<16xf32>,
      %add3A_535 = arith.addf %gather3A_529, %gather3A_530 : vector<16xf32>
      %add3A_536 = arith.addf %add3A_535, %gather3A_534 : vector<16xf32>
      %ge3A_537 = arith.constant 0.000000e+00 : f32
      %ge3A_538 = vector.broadcast %ge3A_537 : f32 to vector<16xf32>
      %ge3A_539 = arith.cmpf oge, %add3A_536, %ge3A_538 : vector<16xf32>
      %mul3A_540 = arith.constant 0.00999999977 : f32
      %mul3A_541 = vector.broadcast %mul3A_540 : f32 to vector<16xf32>
      %mul3A_542 = arith.mulf %add3A_536, %mul3A_541 : vector<16xf32>
      %select_n3A_543 = arith.select %ge3A_539, %add3A_536, %mul3A_542 : vector<16xi1>, vector<16xf32>
      %exp3A_544 = math.exp %select_n3A_543 : vector<16xf32>
      %swap3A_545 = arith.constant 32 : index
      %swap3A_546 = tpu.vector_load %arg16[%swap3A_545] {strides = array<i32>} : memref<96xf32, #tpu.memory_space<vmem>>, vector<16xf32>,
      tpu.vector_store %arg16[%swap3A_545], %exp3A_544 {strides = array<i32>} : memref<96xf32, #tpu.memory_space<vmem>>, vector<16xf32>,
      %add3A_547 = arith.constant 32 : i32
      %add3A_548 = vector.broadcast %add3A_547 : i32 to vector<16xi32>
      %add3A_549 = arith.addi %iota3A, %add3A_548 : vector<16xi32>
      %and3A_550 = arith.constant 127 : i32
      %and3A_551 = vector.broadcast %and3A_550 : i32 to vector<16xi32>
      %and3A_552 = arith.andi %add3A_549, %and3A_551 : vector<16xi32>
      %add3A_553 = arith.constant 5120 : i32
      %add3A_554 = vector.broadcast %add3A_553 : i32 to vector<16xi32>
      %add3A_555 = arith.addi %add3A_554, %and3A_552 : vector<16xi32>
      %lt3A_556 = arith.constant 5120 : i32
      %lt3A_557 = vector.broadcast %lt3A_556 : i32 to vector<16xi32>
      %lt3A_558 = arith.cmpi slt, %get3A_528, %lt3A_557 : vector<16xi32>
      %select_n3A_559 = arith.select %lt3A_558, %get3A_528, %add3A_555 : vector<16xi1>, vector<16xi32>
      %swap3A_560 = arith.constant 32 : index
      %swap3A_561 = tpu.vector_load %arg23[%swap3A_560] {strides = array<i32>} : memref<80xi32, #tpu.memory_space<vmem>>, vector<16xi32>,
      tpu.vector_store %arg23[%swap3A_560], %select_n3A_559 {strides = array<i32>} : memref<80xi32, #tpu.memory_space<vmem>>, vector<16xi32>,
      %get3A_562 = arith.constant 48 : index
      %get3A_563 = tpu.vector_load %arg12[%get3A_562] {strides = array<i32>} : memref<80xi32, #tpu.memory_space<vmem>>, vector<16xi32>,
      %get3A_564 = arith.constant 48 : index
      %get3A_565 = tpu.vector_load %arg13[%get3A_564] {strides = array<i32>} : memref<80xi32, #tpu.memory_space<vmem>>, vector<16xi32>,
      %gather3A_566 = tpu.vector_load_idx %arg10[%get3A_563] : memref<10000xf32, #tpu.memory_space<vmem>>[vector<16xi32>], vector<16xf32>,
      %gather3A_567 = tpu.vector_load_idx %arg11[%get3A_565] : memref<10000xf32, #tpu.memory_space<vmem>>[vector<16xi32>], vector<16xf32>,
      %add3A_568 = arith.constant 48 : i32
      %add3A_569 = vector.broadcast %add3A_568 : i32 to vector<16xi32>
      %add3A_570 = arith.addi %iota3A, %add3A_569 : vector<16xi32>
      %gather3A_571 = tpu.vector_load_idx %arg15[%add3A_570, %broadcast_in_dim3A_3] : memref<80x144xf32, #tpu.memory_space<vmem>>[vector<16xi32>, vector<16xi32>], vector<16xf32>,
      %add3A_572 = arith.addf %gather3A_566, %gather3A_567 : vector<16xf32>
      %add3A_573 = arith.addf %add3A_572, %gather3A_571 : vector<16xf32>
      %ge3A_574 = arith.constant 0.000000e+00 : f32
      %ge3A_575 = vector.broadcast %ge3A_574 : f32 to vector<16xf32>
      %ge3A_576 = arith.cmpf oge, %add3A_573, %ge3A_575 : vector<16xf32>
      %mul3A_577 = arith.constant 0.00999999977 : f32
      %mul3A_578 = vector.broadcast %mul3A_577 : f32 to vector<16xf32>
      %mul3A_579 = arith.mulf %add3A_573, %mul3A_578 : vector<16xf32>
      %select_n3A_580 = arith.select %ge3A_576, %add3A_573, %mul3A_579 : vector<16xi1>, vector<16xf32>
      %exp3A_581 = math.exp %select_n3A_580 : vector<16xf32>
      %swap3A_582 = arith.constant 48 : index
      %swap3A_583 = tpu.vector_load %arg16[%swap3A_582] {strides = array<i32>} : memref<96xf32, #tpu.memory_space<vmem>>, vector<16xf32>,
      tpu.vector_store %arg16[%swap3A_582], %exp3A_581 {strides = array<i32>} : memref<96xf32, #tpu.memory_space<vmem>>, vector<16xf32>,
      %add3A_584 = arith.constant 48 : i32
      %add3A_585 = vector.broadcast %add3A_584 : i32 to vector<16xi32>
      %add3A_586 = arith.addi %iota3A, %add3A_585 : vector<16xi32>
      %and3A_587 = arith.constant 127 : i32
      %and3A_588 = vector.broadcast %and3A_587 : i32 to vector<16xi32>
      %and3A_589 = arith.andi %add3A_586, %and3A_588 : vector<16xi32>
      %add3A_590 = arith.constant 5120 : i32
      %add3A_591 = vector.broadcast %add3A_590 : i32 to vector<16xi32>
      %add3A_592 = arith.addi %add3A_591, %and3A_589 : vector<16xi32>
      %lt3A_593 = arith.constant 5120 : i32
      %lt3A_594 = vector.broadcast %lt3A_593 : i32 to vector<16xi32>
      %lt3A_595 = arith.cmpi slt, %get3A_565, %lt3A_594 : vector<16xi32>
      %select_n3A_596 = arith.select %lt3A_595, %get3A_565, %add3A_592 : vector<16xi1>, vector<16xi32>
      %swap3A_597 = arith.constant 48 : index
      %swap3A_598 = tpu.vector_load %arg23[%swap3A_597] {strides = array<i32>} : memref<80xi32, #tpu.memory_space<vmem>>, vector<16xi32>,
      tpu.vector_store %arg23[%swap3A_597], %select_n3A_596 {strides = array<i32>} : memref<80xi32, #tpu.memory_space<vmem>>, vector<16xi32>,
      %get3A_599 = arith.constant 64 : index
      %get3A_600 = tpu.vector_load %arg12[%get3A_599] {strides = array<i32>} : memref<80xi32, #tpu.memory_space<vmem>>, vector<16xi32>,
      %get3A_601 = arith.constant 64 : index
      %get3A_602 = tpu.vector_load %arg13[%get3A_601] {strides = array<i32>} : memref<80xi32, #tpu.memory_space<vmem>>, vector<16xi32>,
      %gather3A_603 = tpu.vector_load_idx %arg10[%get3A_600] : memref<10000xf32, #tpu.memory_space<vmem>>[vector<16xi32>], vector<16xf32>,
      %gather3A_604 = tpu.vector_load_idx %arg11[%get3A_602] : memref<10000xf32, #tpu.memory_space<vmem>>[vector<16xi32>], vector<16xf32>,
      %add3A_605 = arith.constant 64 : i32
      %add3A_606 = vector.broadcast %add3A_605 : i32 to vector<16xi32>
      %add3A_607 = arith.addi %iota3A, %add3A_606 : vector<16xi32>
      %gather3A_608 = tpu.vector_load_idx %arg15[%add3A_607, %broadcast_in_dim3A_3] : memref<80x144xf32, #tpu.memory_space<vmem>>[vector<16xi32>, vector<16xi32>], vector<16xf32>,
      %add3A_609 = arith.addf %gather3A_603, %gather3A_604 : vector<16xf32>
      %add3A_610 = arith.addf %add3A_609, %gather3A_608 : vector<16xf32>
      %ge3A_611 = arith.constant 0.000000e+00 : f32
      %ge3A_612 = vector.broadcast %ge3A_611 : f32 to vector<16xf32>
      %ge3A_613 = arith.cmpf oge, %add3A_610, %ge3A_612 : vector<16xf32>
      %mul3A_614 = arith.constant 0.00999999977 : f32
      %mul3A_615 = vector.broadcast %mul3A_614 : f32 to vector<16xf32>
      %mul3A_616 = arith.mulf %add3A_610, %mul3A_615 : vector<16xf32>
      %select_n3A_617 = arith.select %ge3A_613, %add3A_610, %mul3A_616 : vector<16xi1>, vector<16xf32>
      %exp3A_618 = math.exp %select_n3A_617 : vector<16xf32>
      %swap3A_619 = arith.constant 64 : index
      %swap3A_620 = tpu.vector_load %arg16[%swap3A_619] {strides = array<i32>} : memref<96xf32, #tpu.memory_space<vmem>>, vector<16xf32>,
      tpu.vector_store %arg16[%swap3A_619], %exp3A_618 {strides = array<i32>} : memref<96xf32, #tpu.memory_space<vmem>>, vector<16xf32>,
      %add3A_621 = arith.constant 64 : i32
      %add3A_622 = vector.broadcast %add3A_621 : i32 to vector<16xi32>
      %add3A_623 = arith.addi %iota3A, %add3A_622 : vector<16xi32>
      %and3A_624 = arith.constant 127 : i32
      %and3A_625 = vector.broadcast %and3A_624 : i32 to vector<16xi32>
      %and3A_626 = arith.andi %add3A_623, %and3A_625 : vector<16xi32>
      %add3A_627 = arith.constant 5120 : i32
      %add3A_628 = vector.broadcast %add3A_627 : i32 to vector<16xi32>
      %add3A_629 = arith.addi %add3A_628, %and3A_626 : vector<16xi32>
      %lt3A_630 = arith.constant 5120 : i32
      %lt3A_631 = vector.broadcast %lt3A_630 : i32 to vector<16xi32>
      %lt3A_632 = arith.cmpi slt, %get3A_602, %lt3A_631 : vector<16xi32>
      %select_n3A_633 = arith.select %lt3A_632, %get3A_602, %add3A_629 : vector<16xi1>, vector<16xi32>
      %swap3A_634 = arith.constant 64 : index
      %swap3A_635 = tpu.vector_load %arg23[%swap3A_634] {strides = array<i32>} : memref<80xi32, #tpu.memory_space<vmem>>, vector<16xi32>,
      tpu.vector_store %arg23[%swap3A_634], %select_n3A_633 {strides = array<i32>} : memref<80xi32, #tpu.memory_space<vmem>>, vector<16xi32>,
      %dma_wait3A_636 = arith.constant 0 : i32
      %dma_wait3A_637 = arith.constant 0 : i32
      %dma_wait3A_638 = tpu.memref_slice %arg2[%dma_wait3A_636, %dma_wait3A_637] : memref<10000x144xf32, #tpu.memory_space<hbm>> -> memref<10000x144xf32, #tpu.memory_space<hbm>>
      tpu.wait_indirect_dma semaphore(%arg26 : memref<!tpu.dma_semaphore, #tpu.memory_space<semaphore_mem>>) src(%dma_wait3A_638 : memref<10000x144xf32, #tpu.memory_space<hbm>>) dst(%arg14 : memref<80x144xf32, #tpu.memory_space<vmem>>)
      %add3A_639 = arith.constant 160 : i32
      %add3A_640 = arith.addi %add3A_428, %add3A_639 : i32
      %add3A_641 = arith.addi %mul3A_2, %add3A_640 : i32
      %dma_start3A_642 = tpu.memref_slice %arg4[%add3A_641] : memref<320000xi32, #tpu.memory_space<hbm>> -> memref<80xi32, #tpu.memory_space<hbm>>
      %dma_start3A_643 = tpu.memref_slice %arg4[%add3A_641] : memref<320000xi32, #tpu.memory_space<hbm>> -> memref<80xi32, #tpu.memory_space<hbm>>
      tpu.enqueue_dma source(%dma_start3A_643 : memref<80xi32, #tpu.memory_space<hbm>>) target(%arg12 : memref<80xi32, #tpu.memory_space<vmem>>) target_semaphore(%arg26 : memref<!tpu.dma_semaphore, #tpu.memory_space<semaphore_mem>>)
      %dma_start3A_644 = tpu.memref_slice %arg5[%add3A_641] : memref<320000xi32, #tpu.memory_space<hbm>> -> memref<80xi32, #tpu.memory_space<hbm>>
      %dma_start3A_645 = tpu.memref_slice %arg5[%add3A_641] : memref<320000xi32, #tpu.memory_space<hbm>> -> memref<80xi32, #tpu.memory_space<hbm>>
      tpu.enqueue_dma source(%dma_start3A_645 : memref<80xi32, #tpu.memory_space<hbm>>) target(%arg13 : memref<80xi32, #tpu.memory_space<vmem>>) target_semaphore(%arg26 : memref<!tpu.dma_semaphore, #tpu.memory_space<semaphore_mem>>)
      %scan3A_646 = arith.constant 0 : i32
      %scan3A_647 = arith.constant 80 : i32
      %scan3A_648 = arith.addi %scan3A_646, %scan3A_647 : i32
      %scan3A_649 = arith.constant 1 : i32
      scf.for %scan3A_873 = %scan3A_646 to %scan3A_648 step %scan3A_649  : i32 {
        %mul3A_874 = arith.constant 1 : i32
        %mul3A_875 = arith.muli %scan3A_873, %mul3A_874 : i32
        %add3A_876 = arith.constant 0 : i32
        %add3A_877 = arith.addi %add3A_876, %mul3A_875 : i32
        %get3A_878 = arith.index_cast %add3A_877 : i32 to index
        %get3A_879 = tpu.vector_load %arg16[%get3A_878] {strides = array<i32>} : memref<96xf32, #tpu.memory_space<vmem>>, vector<16xf32>,
        %slice3A = vector.extract_strided_slice %get3A_879 {offsets = [0], sizes = [1], strides = [1]} : vector<16xf32> to vector<1xf32>
        %squeeze3A = vector.extract %slice3A[0] : f32 from vector<1xf32>
        %get3A_880 = arith.index_cast %add3A_877 : i32 to index
        %get3A_881 = arith.constant 0 : index
        %get3A_882 = tpu.vector_load %arg14[%get3A_880, %get3A_881] {strides = array<i32>} : memref<80x144xf32, #tpu.memory_space<vmem>>, vector<16xf32>,
        %get3A_883 = arith.index_cast %add3A_877 : i32 to index
        %get3A_884 = arith.constant 0 : index
        %get3A_885 = tpu.vector_load %arg15[%get3A_883, %get3A_884] {strides = array<i32>} : memref<80x144xf32, #tpu.memory_space<vmem>>, vector<16xf32>,
        %add3A_886 = arith.addf %get3A_882, %get3A_885 : vector<16xf32>
        %swap3A_887 = arith.index_cast %add3A_877 : i32 to index
        %swap3A_888 = arith.constant 0 : index
        %swap3A_889 = tpu.vector_load %arg22[%swap3A_887, %swap3A_888] {strides = array<i32>} : memref<80x128xf32, #tpu.memory_space<vmem>>, vector<16xf32>,
        tpu.vector_store %arg22[%swap3A_887, %swap3A_888], %add3A_886 {strides = array<i32>} : memref<80x128xf32, #tpu.memory_space<vmem>>, vector<16xf32>,
        %mul3A_890 = vector.broadcast %squeeze3A : f32 to vector<16xf32>
        %mul3A_891 = arith.mulf %get3A_882, %mul3A_890 : vector<16xf32>
        %swap3A_892 = arith.index_cast %add3A_877 : i32 to index
        %swap3A_893 = arith.constant 0 : index
        %swap3A_894 = tpu.vector_load %arg14[%swap3A_892, %swap3A_893] {strides = array<i32>} : memref<80x144xf32, #tpu.memory_space<vmem>>, vector<16xf32>,
        tpu.vector_store %arg14[%swap3A_892, %swap3A_893], %mul3A_891 {strides = array<i32>} : memref<80x144xf32, #tpu.memory_space<vmem>>, vector<16xf32>,
        %get3A_895 = arith.index_cast %add3A_877 : i32 to index
        %get3A_896 = arith.constant 16 : index
        %get3A_897 = tpu.vector_load %arg14[%get3A_895, %get3A_896] {strides = array<i32>} : memref<80x144xf32, #tpu.memory_space<vmem>>, vector<16xf32>,
        %get3A_898 = arith.index_cast %add3A_877 : i32 to index
        %get3A_899 = arith.constant 16 : index
        %get3A_900 = tpu.vector_load %arg15[%get3A_898, %get3A_899] {strides = array<i32>} : memref<80x144xf32, #tpu.memory_space<vmem>>, vector<16xf32>,
        %add3A_901 = arith.addf %get3A_897, %get3A_900 : vector<16xf32>
        %swap3A_902 = arith.index_cast %add3A_877 : i32 to index
        %swap3A_903 = arith.constant 16 : index
        %swap3A_904 = tpu.vector_load %arg22[%swap3A_902, %swap3A_903] {strides = array<i32>} : memref<80x128xf32, #tpu.memory_space<vmem>>, vector<16xf32>,
        tpu.vector_store %arg22[%swap3A_902, %swap3A_903], %add3A_901 {strides = array<i32>} : memref<80x128xf32, #tpu.memory_space<vmem>>, vector<16xf32>,
        %mul3A_905 = vector.broadcast %squeeze3A : f32 to vector<16xf32>
        %mul3A_906 = arith.mulf %get3A_897, %mul3A_905 : vector<16xf32>
        %swap3A_907 = arith.index_cast %add3A_877 : i32 to index
        %swap3A_908 = arith.constant 16 : index
        %swap3A_909 = tpu.vector_load %arg14[%swap3A_907, %swap3A_908] {strides = array<i32>} : memref<80x144xf32, #tpu.memory_space<vmem>>, vector<16xf32>,
        tpu.vector_store %arg14[%swap3A_907, %swap3A_908], %mul3A_906 {strides = array<i32>} : memref<80x144xf32, #tpu.memory_space<vmem>>, vector<16xf32>,
        %get3A_910 = arith.index_cast %add3A_877 : i32 to index
        %get3A_911 = arith.constant 32 : index
        %get3A_912 = tpu.vector_load %arg14[%get3A_910, %get3A_911] {strides = array<i32>} : memref<80x144xf32, #tpu.memory_space<vmem>>, vector<16xf32>,
        %get3A_913 = arith.index_cast %add3A_877 : i32 to index
        %get3A_914 = arith.constant 32 : index
        %get3A_915 = tpu.vector_load %arg15[%get3A_913, %get3A_914] {strides = array<i32>} : memref<80x144xf32, #tpu.memory_space<vmem>>, vector<16xf32>,
        %add3A_916 = arith.addf %get3A_912, %get3A_915 : vector<16xf32>
        %swap3A_917 = arith.index_cast %add3A_877 : i32 to index
        %swap3A_918 = arith.constant 32 : index
        %swap3A_919 = tpu.vector_load %arg22[%swap3A_917, %swap3A_918] {strides = array<i32>} : memref<80x128xf32, #tpu.memory_space<vmem>>, vector<16xf32>,
        tpu.vector_store %arg22[%swap3A_917, %swap3A_918], %add3A_916 {strides = array<i32>} : memref<80x128xf32, #tpu.memory_space<vmem>>, vector<16xf32>,
        %mul3A_920 = vector.broadcast %squeeze3A : f32 to vector<16xf32>
        %mul3A_921 = arith.mulf %get3A_912, %mul3A_920 : vector<16xf32>
        %swap3A_922 = arith.index_cast %add3A_877 : i32 to index
        %swap3A_923 = arith.constant 32 : index
        %swap3A_924 = tpu.vector_load %arg14[%swap3A_922, %swap3A_923] {strides = array<i32>} : memref<80x144xf32, #tpu.memory_space<vmem>>, vector<16xf32>,
        tpu.vector_store %arg14[%swap3A_922, %swap3A_923], %mul3A_921 {strides = array<i32>} : memref<80x144xf32, #tpu.memory_space<vmem>>, vector<16xf32>,
        %get3A_925 = arith.index_cast %add3A_877 : i32 to index
        %get3A_926 = arith.constant 48 : index
        %get3A_927 = tpu.vector_load %arg14[%get3A_925, %get3A_926] {strides = array<i32>} : memref<80x144xf32, #tpu.memory_space<vmem>>, vector<16xf32>,
        %get3A_928 = arith.index_cast %add3A_877 : i32 to index
        %get3A_929 = arith.constant 48 : index
        %get3A_930 = tpu.vector_load %arg15[%get3A_928, %get3A_929] {strides = array<i32>} : memref<80x144xf32, #tpu.memory_space<vmem>>, vector<16xf32>,
        %add3A_931 = arith.addf %get3A_927, %get3A_930 : vector<16xf32>
        %swap3A_932 = arith.index_cast %add3A_877 : i32 to index
        %swap3A_933 = arith.constant 48 : index
        %swap3A_934 = tpu.vector_load %arg22[%swap3A_932, %swap3A_933] {strides = array<i32>} : memref<80x128xf32, #tpu.memory_space<vmem>>, vector<16xf32>,
        tpu.vector_store %arg22[%swap3A_932, %swap3A_933], %add3A_931 {strides = array<i32>} : memref<80x128xf32, #tpu.memory_space<vmem>>, vector<16xf32>,
        %mul3A_935 = vector.broadcast %squeeze3A : f32 to vector<16xf32>
        %mul3A_936 = arith.mulf %get3A_927, %mul3A_935 : vector<16xf32>
        %swap3A_937 = arith.index_cast %add3A_877 : i32 to index
        %swap3A_938 = arith.constant 48 : index
        %swap3A_939 = tpu.vector_load %arg14[%swap3A_937, %swap3A_938] {strides = array<i32>} : memref<80x144xf32, #tpu.memory_space<vmem>>, vector<16xf32>,
        tpu.vector_store %arg14[%swap3A_937, %swap3A_938], %mul3A_936 {strides = array<i32>} : memref<80x144xf32, #tpu.memory_space<vmem>>, vector<16xf32>,
        %get3A_940 = arith.index_cast %add3A_877 : i32 to index
        %get3A_941 = arith.constant 64 : index
        %get3A_942 = tpu.vector_load %arg14[%get3A_940, %get3A_941] {strides = array<i32>} : memref<80x144xf32, #tpu.memory_space<vmem>>, vector<16xf32>,
        %get3A_943 = arith.index_cast %add3A_877 : i32 to index
        %get3A_944 = arith.constant 64 : index
        %get3A_945 = tpu.vector_load %arg15[%get3A_943, %get3A_944] {strides = array<i32>} : memref<80x144xf32, #tpu.memory_space<vmem>>, vector<16xf32>,
        %add3A_946 = arith.addf %get3A_942, %get3A_945 : vector<16xf32>
        %swap3A_947 = arith.index_cast %add3A_877 : i32 to index
        %swap3A_948 = arith.constant 64 : index
        %swap3A_949 = tpu.vector_load %arg22[%swap3A_947, %swap3A_948] {strides = array<i32>} : memref<80x128xf32, #tpu.memory_space<vmem>>, vector<16xf32>,
        tpu.vector_store %arg22[%swap3A_947, %swap3A_948], %add3A_946 {strides = array<i32>} : memref<80x128xf32, #tpu.memory_space<vmem>>, vector<16xf32>,
        %mul3A_950 = vector.broadcast %squeeze3A : f32 to vector<16xf32>
        %mul3A_951 = arith.mulf %get3A_942, %mul3A_950 : vector<16xf32>
        %swap3A_952 = arith.index_cast %add3A_877 : i32 to index
        %swap3A_953 = arith.constant 64 : index
        %swap3A_954 = tpu.vector_load %arg14[%swap3A_952, %swap3A_953] {strides = array<i32>} : memref<80x144xf32, #tpu.memory_space<vmem>>, vector<16xf32>,
        tpu.vector_store %arg14[%swap3A_952, %swap3A_953], %mul3A_951 {strides = array<i32>} : memref<80x144xf32, #tpu.memory_space<vmem>>, vector<16xf32>,
        %get3A_955 = arith.index_cast %add3A_877 : i32 to index
        %get3A_956 = arith.constant 80 : index
        %get3A_957 = tpu.vector_load %arg14[%get3A_955, %get3A_956] {strides = array<i32>} : memref<80x144xf32, #tpu.memory_space<vmem>>, vector<16xf32>,
        %get3A_958 = arith.index_cast %add3A_877 : i32 to index
        %get3A_959 = arith.constant 80 : index
        %get3A_960 = tpu.vector_load %arg15[%get3A_958, %get3A_959] {strides = array<i32>} : memref<80x144xf32, #tpu.memory_space<vmem>>, vector<16xf32>,
        %add3A_961 = arith.addf %get3A_957, %get3A_960 : vector<16xf32>
        %swap3A_962 = arith.index_cast %add3A_877 : i32 to index
        %swap3A_963 = arith.constant 80 : index
        %swap3A_964 = tpu.vector_load %arg22[%swap3A_962, %swap3A_963] {strides = array<i32>} : memref<80x128xf32, #tpu.memory_space<vmem>>, vector<16xf32>,
        tpu.vector_store %arg22[%swap3A_962, %swap3A_963], %add3A_961 {strides = array<i32>} : memref<80x128xf32, #tpu.memory_space<vmem>>, vector<16xf32>,
        %mul3A_965 = vector.broadcast %squeeze3A : f32 to vector<16xf32>
        %mul3A_966 = arith.mulf %get3A_957, %mul3A_965 : vector<16xf32>
        %swap3A_967 = arith.index_cast %add3A_877 : i32 to index
        %swap3A_968 = arith.constant 80 : index
        %swap3A_969 = tpu.vector_load %arg14[%swap3A_967, %swap3A_968] {strides = array<i32>} : memref<80x144xf32, #tpu.memory_space<vmem>>, vector<16xf32>,
        tpu.vector_store %arg14[%swap3A_967, %swap3A_968], %mul3A_966 {strides = array<i32>} : memref<80x144xf32, #tpu.memory_space<vmem>>, vector<16xf32>,
        %get3A_970 = arith.index_cast %add3A_877 : i32 to index
        %get3A_971 = arith.constant 96 : index
        %get3A_972 = tpu.vector_load %arg14[%get3A_970, %get3A_971] {strides = array<i32>} : memref<80x144xf32, #tpu.memory_space<vmem>>, vector<16xf32>,
        %get3A_973 = arith.index_cast %add3A_877 : i32 to index
        %get3A_974 = arith.constant 96 : index
        %get3A_975 = tpu.vector_load %arg15[%get3A_973, %get3A_974] {strides = array<i32>} : memref<80x144xf32, #tpu.memory_space<vmem>>, vector<16xf32>,
        %add3A_976 = arith.addf %get3A_972, %get3A_975 : vector<16xf32>
        %swap3A_977 = arith.index_cast %add3A_877 : i32 to index
        %swap3A_978 = arith.constant 96 : index
        %swap3A_979 = tpu.vector_load %arg22[%swap3A_977, %swap3A_978] {strides = array<i32>} : memref<80x128xf32, #tpu.memory_space<vmem>>, vector<16xf32>,
        tpu.vector_store %arg22[%swap3A_977, %swap3A_978], %add3A_976 {strides = array<i32>} : memref<80x128xf32, #tpu.memory_space<vmem>>, vector<16xf32>,
        %mul3A_980 = vector.broadcast %squeeze3A : f32 to vector<16xf32>
        %mul3A_981 = arith.mulf %get3A_972, %mul3A_980 : vector<16xf32>
        %swap3A_982 = arith.index_cast %add3A_877 : i32 to index
        %swap3A_983 = arith.constant 96 : index
        %swap3A_984 = tpu.vector_load %arg14[%swap3A_982, %swap3A_983] {strides = array<i32>} : memref<80x144xf32, #tpu.memory_space<vmem>>, vector<16xf32>,
        tpu.vector_store %arg14[%swap3A_982, %swap3A_983], %mul3A_981 {strides = array<i32>} : memref<80x144xf32, #tpu.memory_space<vmem>>, vector<16xf32>,
        %get3A_985 = arith.index_cast %add3A_877 : i32 to index
        %get3A_986 = arith.constant 112 : index
        %get3A_987 = tpu.vector_load %arg14[%get3A_985, %get3A_986] {strides = array<i32>} : memref<80x144xf32, #tpu.memory_space<vmem>>, vector<16xf32>,
        %get3A_988 = arith.index_cast %add3A_877 : i32 to index
        %get3A_989 = arith.constant 112 : index
        %get3A_990 = tpu.vector_load %arg15[%get3A_988, %get3A_989] {strides = array<i32>} : memref<80x144xf32, #tpu.memory_space<vmem>>, vector<16xf32>,
        %add3A_991 = arith.addf %get3A_987, %get3A_990 : vector<16xf32>
        %swap3A_992 = arith.index_cast %add3A_877 : i32 to index
        %swap3A_993 = arith.constant 112 : index
        %swap3A_994 = tpu.vector_load %arg22[%swap3A_992, %swap3A_993] {strides = array<i32>} : memref<80x128xf32, #tpu.memory_space<vmem>>, vector<16xf32>,
        tpu.vector_store %arg22[%swap3A_992, %swap3A_993], %add3A_991 {strides = array<i32>} : memref<80x128xf32, #tpu.memory_space<vmem>>, vector<16xf32>,
        %mul3A_995 = vector.broadcast %squeeze3A : f32 to vector<16xf32>
        %mul3A_996 = arith.mulf %get3A_987, %mul3A_995 : vector<16xf32>
        %swap3A_997 = arith.index_cast %add3A_877 : i32 to index
        %swap3A_998 = arith.constant 112 : index
        %swap3A_999 = tpu.vector_load %arg14[%swap3A_997, %swap3A_998] {strides = array<i32>} : memref<80x144xf32, #tpu.memory_space<vmem>>, vector<16xf32>,
        tpu.vector_store %arg14[%swap3A_997, %swap3A_998], %mul3A_996 {strides = array<i32>} : memref<80x144xf32, #tpu.memory_space<vmem>>, vector<16xf32>,
        %get3A_1000 = arith.index_cast %add3A_877 : i32 to index
        %get3A_1001 = arith.constant 128 : index
        %get3A_1002 = tpu.vector_load %arg14[%get3A_1000, %get3A_1001] {strides = array<i32>} : memref<80x144xf32, #tpu.memory_space<vmem>>, vector<16xf32>,
        %mul3A_1003 = vector.broadcast %squeeze3A : f32 to vector<16xf32>
        %mul3A_1004 = arith.mulf %get3A_1002, %mul3A_1003 : vector<16xf32>
        %swap3A_1005 = arith.index_cast %add3A_877 : i32 to index
        %swap3A_1006 = arith.constant 128 : index
        %swap3A_1007 = tpu.vector_load %arg14[%swap3A_1005, %swap3A_1006] {strides = array<i32>} : memref<80x144xf32, #tpu.memory_space<vmem>>, vector<16xf32>,
        tpu.vector_store %arg14[%swap3A_1005, %swap3A_1006], %mul3A_1004 {strides = array<i32>} : memref<80x144xf32, #tpu.memory_space<vmem>>, vector<16xf32>,
      }
      %scan3A_650 = arith.constant 80 : i32
      "tpu.region"() ({
        %run_scoped3A_873 = tpu.sem_alloc : memref<!tpu.dma_semaphore, #tpu.memory_space<semaphore_mem>>
        %dma_start3A_874 = arith.constant 0 : i32
        %dma_start3A_875 = tpu.memref_slice %arg7[%add3A_446, %dma_start3A_874] : memref<320000x128xf32, #tpu.memory_space<hbm>> -> memref<80x128xf32, #tpu.memory_space<hbm>>
        %dma_start3A_876 = arith.constant 0 : i32
        %dma_start3A_877 = tpu.memref_slice %arg7[%add3A_446, %dma_start3A_876] : memref<320000x128xf32, #tpu.memory_space<hbm>> -> memref<80x128xf32, #tpu.memory_space<hbm>>
        tpu.enqueue_dma source(%arg22 : memref<80x128xf32, #tpu.memory_space<vmem>>) target(%dma_start3A_877 : memref<80x128xf32, #tpu.memory_space<hbm>>) target_semaphore(%run_scoped3A_873 : memref<!tpu.dma_semaphore, #tpu.memory_space<semaphore_mem>>)
        %dma_wait3A_878 = arith.constant 0 : i32
        %dma_wait3A_879 = tpu.memref_slice %arg7[%add3A_446, %dma_wait3A_878] : memref<320000x128xf32, #tpu.memory_space<hbm>> -> memref<80x128xf32, #tpu.memory_space<hbm>>
        %dma_wait3A_880 = arith.constant 0 : i32
        %dma_wait3A_881 = tpu.memref_slice %arg7[%add3A_446, %dma_wait3A_880] : memref<320000x128xf32, #tpu.memory_space<hbm>> -> memref<80x128xf32, #tpu.memory_space<hbm>>
        tpu.wait_dma2 semaphore(%run_scoped3A_873 : memref<!tpu.dma_semaphore, #tpu.memory_space<semaphore_mem>>) src(%arg22 : memref<80x128xf32, #tpu.memory_space<vmem>>) dst(%dma_wait3A_881 : memref<80x128xf32, #tpu.memory_space<hbm>>)
        tpu.yield
      }) : () -> ()
      "tpu.region"() ({
        %run_scoped3A_873 = tpu.sem_alloc : memref<!tpu.dma_semaphore, #tpu.memory_space<semaphore_mem>>
        %dma_start3A_874 = arith.constant 0 : i32
        %dma_start3A_875 = tpu.memref_slice %arg16[%dma_start3A_874] : memref<96xf32, #tpu.memory_space<vmem>> -> memref<80xf32, #tpu.memory_space<vmem>>
        %dma_start3A_876 = tpu.memref_slice %arg9[%add3A_446] : memref<320000xf32, #tpu.memory_space<hbm>> -> memref<80xf32, #tpu.memory_space<hbm>>
        %dma_start3A_877 = tpu.memref_slice %arg9[%add3A_446] : memref<320000xf32, #tpu.memory_space<hbm>> -> memref<80xf32, #tpu.memory_space<hbm>>
        %dma_start3A_878 = arith.constant 0 : i32
        %dma_start3A_879 = tpu.memref_slice %arg16[%dma_start3A_878] : memref<96xf32, #tpu.memory_space<vmem>> -> memref<80xf32, #tpu.memory_space<vmem>>
        tpu.enqueue_dma source(%dma_start3A_879 : memref<80xf32, #tpu.memory_space<vmem>>) target(%dma_start3A_877 : memref<80xf32, #tpu.memory_space<hbm>>) target_semaphore(%run_scoped3A_873 : memref<!tpu.dma_semaphore, #tpu.memory_space<semaphore_mem>>)
        %dma_wait3A_880 = arith.constant 0 : i32
        %dma_wait3A_881 = tpu.memref_slice %arg16[%dma_wait3A_880] : memref<96xf32, #tpu.memory_space<vmem>> -> memref<80xf32, #tpu.memory_space<vmem>>
        %dma_wait3A_882 = tpu.memref_slice %arg9[%add3A_446] : memref<320000xf32, #tpu.memory_space<hbm>> -> memref<80xf32, #tpu.memory_space<hbm>>
        %dma_wait3A_883 = tpu.memref_slice %arg9[%add3A_446] : memref<320000xf32, #tpu.memory_space<hbm>> -> memref<80xf32, #tpu.memory_space<hbm>>
        %dma_wait3A_884 = arith.constant 0 : i32
        %dma_wait3A_885 = tpu.memref_slice %arg16[%dma_wait3A_884] : memref<96xf32, #tpu.memory_space<vmem>> -> memref<80xf32, #tpu.memory_space<vmem>>
        tpu.wait_dma2 semaphore(%run_scoped3A_873 : memref<!tpu.dma_semaphore, #tpu.memory_space<semaphore_mem>>) src(%dma_wait3A_885 : memref<80xf32, #tpu.memory_space<vmem>>) dst(%dma_wait3A_883 : memref<80xf32, #tpu.memory_space<hbm>>)
        tpu.yield
      }) : () -> ()
      "tpu.region"() ({
        %run_scoped3A_873 = tpu.sem_alloc : memref<!tpu.dma_semaphore, #tpu.memory_space<semaphore_mem>>
        %dma_start3A_874 = arith.constant 0 : i32
        %dma_start3A_875 = arith.constant 0 : i32
        %dma_start3A_876 = tpu.memref_slice %arg25[%dma_start3A_874, %dma_start3A_875] : memref<5248x144xf32, #tpu.memory_space<vmem_shared>> -> memref<5248x144xf32, #tpu.memory_space<vmem_shared>>
        tpu.enqueue_indirect_dma source(%arg14 : memref<80x144xf32, #tpu.memory_space<vmem>>) target(%dma_start3A_876 : memref<5248x144xf32, #tpu.memory_space<vmem_shared>>) offsets(%arg23 : memref<80xi32, #tpu.memory_space<vmem>>) semaphore(%run_scoped3A_873 : memref<!tpu.dma_semaphore, #tpu.memory_space<semaphore_mem>>) {add = true}
        %dma_wait3A_877 = arith.constant 0 : i32
        %dma_wait3A_878 = arith.constant 0 : i32
        %dma_wait3A_879 = tpu.memref_slice %arg25[%dma_wait3A_877, %dma_wait3A_878] : memref<5248x144xf32, #tpu.memory_space<vmem_shared>> -> memref<5248x144xf32, #tpu.memory_space<vmem_shared>>
        tpu.wait_indirect_dma semaphore(%run_scoped3A_873 : memref<!tpu.dma_semaphore, #tpu.memory_space<semaphore_mem>>) src(%arg14 : memref<80x144xf32, #tpu.memory_space<vmem>>) dst(%dma_wait3A_879 : memref<5248x144xf32, #tpu.memory_space<vmem_shared>>)
        tpu.yield
      }) : () -> ()
      %add3A_651 = arith.constant 160 : i32
      %add3A_652 = arith.addi %add3A_428, %add3A_651 : i32
      %add3A_653 = arith.addi %mul3A_2, %add3A_652 : i32
      %dma_wait3A_654 = tpu.memref_slice %arg4[%add3A_653] : memref<320000xi32, #tpu.memory_space<hbm>> -> memref<80xi32, #tpu.memory_space<hbm>>
      %dma_wait3A_655 = tpu.memref_slice %arg4[%add3A_653] : memref<320000xi32, #tpu.memory_space<hbm>> -> memref<80xi32, #tpu.memory_space<hbm>>
      tpu.wait_dma2 semaphore(%arg26 : memref<!tpu.dma_semaphore, #tpu.memory_space<semaphore_mem>>) src(%dma_wait3A_655 : memref<80xi32, #tpu.memory_space<hbm>>) dst(%arg12 : memref<80xi32, #tpu.memory_space<vmem>>)
      %dma_wait3A_656 = tpu.memref_slice %arg5[%add3A_653] : memref<320000xi32, #tpu.memory_space<hbm>> -> memref<80xi32, #tpu.memory_space<hbm>>
      %dma_wait3A_657 = tpu.memref_slice %arg5[%add3A_653] : memref<320000xi32, #tpu.memory_space<hbm>> -> memref<80xi32, #tpu.memory_space<hbm>>
      tpu.wait_dma2 semaphore(%arg26 : memref<!tpu.dma_semaphore, #tpu.memory_space<semaphore_mem>>) src(%dma_wait3A_657 : memref<80xi32, #tpu.memory_space<hbm>>) dst(%arg13 : memref<80xi32, #tpu.memory_space<vmem>>)
      %add3A_658 = arith.constant 160 : i32
      %add3A_659 = arith.addi %add3A_428, %add3A_658 : i32
      %add3A_660 = arith.addi %mul3A_2, %add3A_659 : i32
      %dma_start3A_661 = arith.constant 0 : i32
      %dma_start3A_662 = arith.constant 0 : i32
      %dma_start3A_663 = tpu.memref_slice %arg2[%dma_start3A_661, %dma_start3A_662] : memref<10000x144xf32, #tpu.memory_space<hbm>> -> memref<10000x144xf32, #tpu.memory_space<hbm>>
      tpu.enqueue_indirect_dma source(%dma_start3A_663 : memref<10000x144xf32, #tpu.memory_space<hbm>>) target(%arg14 : memref<80x144xf32, #tpu.memory_space<vmem>>) offsets(%arg12 : memref<80xi32, #tpu.memory_space<vmem>>) semaphore(%arg26 : memref<!tpu.dma_semaphore, #tpu.memory_space<semaphore_mem>>)
      %dma_start3A_664 = arith.constant 0 : i32
      %dma_start3A_665 = tpu.memref_slice %arg6[%add3A_660, %dma_start3A_664] : memref<320000x144xf32, #tpu.memory_space<hbm>> -> memref<80x144xf32, #tpu.memory_space<hbm>>
      %dma_start3A_666 = arith.constant 0 : i32
      %dma_start3A_667 = tpu.memref_slice %arg6[%add3A_660, %dma_start3A_666] : memref<320000x144xf32, #tpu.memory_space<hbm>> -> memref<80x144xf32, #tpu.memory_space<hbm>>
      tpu.enqueue_dma source(%dma_start3A_667 : memref<80x144xf32, #tpu.memory_space<hbm>>) target(%arg15 : memref<80x144xf32, #tpu.memory_space<vmem>>) target_semaphore(%arg27 : memref<!tpu.dma_semaphore, #tpu.memory_space<semaphore_mem>>)
      %add3A_668 = arith.constant 80 : i32
      %add3A_669 = arith.addi %add3A_428, %add3A_668 : i32
      %add3A_670 = arith.addi %mul3A_2, %add3A_669 : i32
      %dma_wait3A_671 = arith.constant 0 : i32
      %dma_wait3A_672 = tpu.memref_slice %arg6[%add3A_670, %dma_wait3A_671] : memref<320000x144xf32, #tpu.memory_space<hbm>> -> memref<80x144xf32, #tpu.memory_space<hbm>>
      %dma_wait3A_673 = arith.constant 0 : i32
      %dma_wait3A_674 = tpu.memref_slice %arg6[%add3A_670, %dma_wait3A_673] : memref<320000x144xf32, #tpu.memory_space<hbm>> -> memref<80x144xf32, #tpu.memory_space<hbm>>
      tpu.wait_dma2 semaphore(%arg29 : memref<!tpu.dma_semaphore, #tpu.memory_space<semaphore_mem>>) src(%dma_wait3A_674 : memref<80x144xf32, #tpu.memory_space<hbm>>) dst(%arg20 : memref<80x144xf32, #tpu.memory_space<vmem>>)
      %get3A_675 = arith.constant 0 : index
      %get3A_676 = tpu.vector_load %arg17[%get3A_675] {strides = array<i32>} : memref<80xi32, #tpu.memory_space<vmem>>, vector<16xi32>,
      %get3A_677 = arith.constant 0 : index
      %get3A_678 = tpu.vector_load %arg18[%get3A_677] {strides = array<i32>} : memref<80xi32, #tpu.memory_space<vmem>>, vector<16xi32>,
      %gather3A_679 = tpu.vector_load_idx %arg10[%get3A_676] : memref<10000xf32, #tpu.memory_space<vmem>>[vector<16xi32>], vector<16xf32>,
      %gather3A_680 = tpu.vector_load_idx %arg11[%get3A_678] : memref<10000xf32, #tpu.memory_space<vmem>>[vector<16xi32>], vector<16xf32>,
      %add3A_681 = arith.constant 0 : i32
      %add3A_682 = vector.broadcast %add3A_681 : i32 to vector<16xi32>
      %add3A_683 = arith.addi %iota3A, %add3A_682 : vector<16xi32>
      %gather3A_684 = tpu.vector_load_idx %arg20[%add3A_683, %broadcast_in_dim3A_3] : memref<80x144xf32, #tpu.memory_space<vmem>>[vector<16xi32>, vector<16xi32>], vector<16xf32>,
      %add3A_685 = arith.addf %gather3A_679, %gather3A_680 : vector<16xf32>
      %add3A_686 = arith.addf %add3A_685, %gather3A_684 : vector<16xf32>
      %ge3A_687 = arith.constant 0.000000e+00 : f32
      %ge3A_688 = vector.broadcast %ge3A_687 : f32 to vector<16xf32>
      %ge3A_689 = arith.cmpf oge, %add3A_686, %ge3A_688 : vector<16xf32>
      %mul3A_690 = arith.constant 0.00999999977 : f32
      %mul3A_691 = vector.broadcast %mul3A_690 : f32 to vector<16xf32>
      %mul3A_692 = arith.mulf %add3A_686, %mul3A_691 : vector<16xf32>
      %select_n3A_693 = arith.select %ge3A_689, %add3A_686, %mul3A_692 : vector<16xi1>, vector<16xf32>
      %exp3A_694 = math.exp %select_n3A_693 : vector<16xf32>
      %swap3A_695 = arith.constant 0 : index
      %swap3A_696 = tpu.vector_load %arg21[%swap3A_695] {strides = array<i32>} : memref<96xf32, #tpu.memory_space<vmem>>, vector<16xf32>,
      tpu.vector_store %arg21[%swap3A_695], %exp3A_694 {strides = array<i32>} : memref<96xf32, #tpu.memory_space<vmem>>, vector<16xf32>,
      %add3A_697 = arith.constant 0 : i32
      %add3A_698 = vector.broadcast %add3A_697 : i32 to vector<16xi32>
      %add3A_699 = arith.addi %iota3A, %add3A_698 : vector<16xi32>
      %and3A_700 = arith.constant 127 : i32
      %and3A_701 = vector.broadcast %and3A_700 : i32 to vector<16xi32>
      %and3A_702 = arith.andi %add3A_699, %and3A_701 : vector<16xi32>
      %add3A_703 = arith.constant 5120 : i32
      %add3A_704 = vector.broadcast %add3A_703 : i32 to vector<16xi32>
      %add3A_705 = arith.addi %add3A_704, %and3A_702 : vector<16xi32>
      %lt3A_706 = arith.constant 5120 : i32
      %lt3A_707 = vector.broadcast %lt3A_706 : i32 to vector<16xi32>
      %lt3A_708 = arith.cmpi slt, %get3A_678, %lt3A_707 : vector<16xi32>
      %select_n3A_709 = arith.select %lt3A_708, %get3A_678, %add3A_705 : vector<16xi1>, vector<16xi32>
      %swap3A_710 = arith.constant 0 : index
      %swap3A_711 = tpu.vector_load %arg23[%swap3A_710] {strides = array<i32>} : memref<80xi32, #tpu.memory_space<vmem>>, vector<16xi32>,
      tpu.vector_store %arg23[%swap3A_710], %select_n3A_709 {strides = array<i32>} : memref<80xi32, #tpu.memory_space<vmem>>, vector<16xi32>,
      %get3A_712 = arith.constant 16 : index
      %get3A_713 = tpu.vector_load %arg17[%get3A_712] {strides = array<i32>} : memref<80xi32, #tpu.memory_space<vmem>>, vector<16xi32>,
      %get3A_714 = arith.constant 16 : index
      %get3A_715 = tpu.vector_load %arg18[%get3A_714] {strides = array<i32>} : memref<80xi32, #tpu.memory_space<vmem>>, vector<16xi32>,
      %gather3A_716 = tpu.vector_load_idx %arg10[%get3A_713] : memref<10000xf32, #tpu.memory_space<vmem>>[vector<16xi32>], vector<16xf32>,
      %gather3A_717 = tpu.vector_load_idx %arg11[%get3A_715] : memref<10000xf32, #tpu.memory_space<vmem>>[vector<16xi32>], vector<16xf32>,
      %add3A_718 = arith.constant 16 : i32
      %add3A_719 = vector.broadcast %add3A_718 : i32 to vector<16xi32>
      %add3A_720 = arith.addi %iota3A, %add3A_719 : vector<16xi32>
      %gather3A_721 = tpu.vector_load_idx %arg20[%add3A_720, %broadcast_in_dim3A_3] : memref<80x144xf32, #tpu.memory_space<vmem>>[vector<16xi32>, vector<16xi32>], vector<16xf32>,
      %add3A_722 = arith.addf %gather3A_716, %gather3A_717 : vector<16xf32>
      %add3A_723 = arith.addf %add3A_722, %gather3A_721 : vector<16xf32>
      %ge3A_724 = arith.constant 0.000000e+00 : f32
      %ge3A_725 = vector.broadcast %ge3A_724 : f32 to vector<16xf32>
      %ge3A_726 = arith.cmpf oge, %add3A_723, %ge3A_725 : vector<16xf32>
      %mul3A_727 = arith.constant 0.00999999977 : f32
      %mul3A_728 = vector.broadcast %mul3A_727 : f32 to vector<16xf32>
      %mul3A_729 = arith.mulf %add3A_723, %mul3A_728 : vector<16xf32>
      %select_n3A_730 = arith.select %ge3A_726, %add3A_723, %mul3A_729 : vector<16xi1>, vector<16xf32>
      %exp3A_731 = math.exp %select_n3A_730 : vector<16xf32>
      %swap3A_732 = arith.constant 16 : index
      %swap3A_733 = tpu.vector_load %arg21[%swap3A_732] {strides = array<i32>} : memref<96xf32, #tpu.memory_space<vmem>>, vector<16xf32>,
      tpu.vector_store %arg21[%swap3A_732], %exp3A_731 {strides = array<i32>} : memref<96xf32, #tpu.memory_space<vmem>>, vector<16xf32>,
      %add3A_734 = arith.constant 16 : i32
      %add3A_735 = vector.broadcast %add3A_734 : i32 to vector<16xi32>
      %add3A_736 = arith.addi %iota3A, %add3A_735 : vector<16xi32>
      %and3A_737 = arith.constant 127 : i32
      %and3A_738 = vector.broadcast %and3A_737 : i32 to vector<16xi32>
      %and3A_739 = arith.andi %add3A_736, %and3A_738 : vector<16xi32>
      %add3A_740 = arith.constant 5120 : i32
      %add3A_741 = vector.broadcast %add3A_740 : i32 to vector<16xi32>
      %add3A_742 = arith.addi %add3A_741, %and3A_739 : vector<16xi32>
      %lt3A_743 = arith.constant 5120 : i32
      %lt3A_744 = vector.broadcast %lt3A_743 : i32 to vector<16xi32>
      %lt3A_745 = arith.cmpi slt, %get3A_715, %lt3A_744 : vector<16xi32>
      %select_n3A_746 = arith.select %lt3A_745, %get3A_715, %add3A_742 : vector<16xi1>, vector<16xi32>
      %swap3A_747 = arith.constant 16 : index
      %swap3A_748 = tpu.vector_load %arg23[%swap3A_747] {strides = array<i32>} : memref<80xi32, #tpu.memory_space<vmem>>, vector<16xi32>,
      tpu.vector_store %arg23[%swap3A_747], %select_n3A_746 {strides = array<i32>} : memref<80xi32, #tpu.memory_space<vmem>>, vector<16xi32>,
      %get3A_749 = arith.constant 32 : index
      %get3A_750 = tpu.vector_load %arg17[%get3A_749] {strides = array<i32>} : memref<80xi32, #tpu.memory_space<vmem>>, vector<16xi32>,
      %get3A_751 = arith.constant 32 : index
      %get3A_752 = tpu.vector_load %arg18[%get3A_751] {strides = array<i32>} : memref<80xi32, #tpu.memory_space<vmem>>, vector<16xi32>,
      %gather3A_753 = tpu.vector_load_idx %arg10[%get3A_750] : memref<10000xf32, #tpu.memory_space<vmem>>[vector<16xi32>], vector<16xf32>,
      %gather3A_754 = tpu.vector_load_idx %arg11[%get3A_752] : memref<10000xf32, #tpu.memory_space<vmem>>[vector<16xi32>], vector<16xf32>,
      %add3A_755 = arith.constant 32 : i32
      %add3A_756 = vector.broadcast %add3A_755 : i32 to vector<16xi32>
      %add3A_757 = arith.addi %iota3A, %add3A_756 : vector<16xi32>
      %gather3A_758 = tpu.vector_load_idx %arg20[%add3A_757, %broadcast_in_dim3A_3] : memref<80x144xf32, #tpu.memory_space<vmem>>[vector<16xi32>, vector<16xi32>], vector<16xf32>,
      %add3A_759 = arith.addf %gather3A_753, %gather3A_754 : vector<16xf32>
      %add3A_760 = arith.addf %add3A_759, %gather3A_758 : vector<16xf32>
      %ge3A_761 = arith.constant 0.000000e+00 : f32
      %ge3A_762 = vector.broadcast %ge3A_761 : f32 to vector<16xf32>
      %ge3A_763 = arith.cmpf oge, %add3A_760, %ge3A_762 : vector<16xf32>
      %mul3A_764 = arith.constant 0.00999999977 : f32
      %mul3A_765 = vector.broadcast %mul3A_764 : f32 to vector<16xf32>
      %mul3A_766 = arith.mulf %add3A_760, %mul3A_765 : vector<16xf32>
      %select_n3A_767 = arith.select %ge3A_763, %add3A_760, %mul3A_766 : vector<16xi1>, vector<16xf32>
      %exp3A_768 = math.exp %select_n3A_767 : vector<16xf32>
      %swap3A_769 = arith.constant 32 : index
      %swap3A_770 = tpu.vector_load %arg21[%swap3A_769] {strides = array<i32>} : memref<96xf32, #tpu.memory_space<vmem>>, vector<16xf32>,
      tpu.vector_store %arg21[%swap3A_769], %exp3A_768 {strides = array<i32>} : memref<96xf32, #tpu.memory_space<vmem>>, vector<16xf32>,
      %add3A_771 = arith.constant 32 : i32
      %add3A_772 = vector.broadcast %add3A_771 : i32 to vector<16xi32>
      %add3A_773 = arith.addi %iota3A, %add3A_772 : vector<16xi32>
      %and3A_774 = arith.constant 127 : i32
      %and3A_775 = vector.broadcast %and3A_774 : i32 to vector<16xi32>
      %and3A_776 = arith.andi %add3A_773, %and3A_775 : vector<16xi32>
      %add3A_777 = arith.constant 5120 : i32
      %add3A_778 = vector.broadcast %add3A_777 : i32 to vector<16xi32>
      %add3A_779 = arith.addi %add3A_778, %and3A_776 : vector<16xi32>
      %lt3A_780 = arith.constant 5120 : i32
      %lt3A_781 = vector.broadcast %lt3A_780 : i32 to vector<16xi32>
      %lt3A_782 = arith.cmpi slt, %get3A_752, %lt3A_781 : vector<16xi32>
      %select_n3A_783 = arith.select %lt3A_782, %get3A_752, %add3A_779 : vector<16xi1>, vector<16xi32>
      %swap3A_784 = arith.constant 32 : index
      %swap3A_785 = tpu.vector_load %arg23[%swap3A_784] {strides = array<i32>} : memref<80xi32, #tpu.memory_space<vmem>>, vector<16xi32>,
      tpu.vector_store %arg23[%swap3A_784], %select_n3A_783 {strides = array<i32>} : memref<80xi32, #tpu.memory_space<vmem>>, vector<16xi32>,
      %get3A_786 = arith.constant 48 : index
      %get3A_787 = tpu.vector_load %arg17[%get3A_786] {strides = array<i32>} : memref<80xi32, #tpu.memory_space<vmem>>, vector<16xi32>,
      %get3A_788 = arith.constant 48 : index
      %get3A_789 = tpu.vector_load %arg18[%get3A_788] {strides = array<i32>} : memref<80xi32, #tpu.memory_space<vmem>>, vector<16xi32>,
      %gather3A_790 = tpu.vector_load_idx %arg10[%get3A_787] : memref<10000xf32, #tpu.memory_space<vmem>>[vector<16xi32>], vector<16xf32>,
      %gather3A_791 = tpu.vector_load_idx %arg11[%get3A_789] : memref<10000xf32, #tpu.memory_space<vmem>>[vector<16xi32>], vector<16xf32>,
      %add3A_792 = arith.constant 48 : i32
      %add3A_793 = vector.broadcast %add3A_792 : i32 to vector<16xi32>
      %add3A_794 = arith.addi %iota3A, %add3A_793 : vector<16xi32>
      %gather3A_795 = tpu.vector_load_idx %arg20[%add3A_794, %broadcast_in_dim3A_3] : memref<80x144xf32, #tpu.memory_space<vmem>>[vector<16xi32>, vector<16xi32>], vector<16xf32>,
      %add3A_796 = arith.addf %gather3A_790, %gather3A_791 : vector<16xf32>
      %add3A_797 = arith.addf %add3A_796, %gather3A_795 : vector<16xf32>
      %ge3A_798 = arith.constant 0.000000e+00 : f32
      %ge3A_799 = vector.broadcast %ge3A_798 : f32 to vector<16xf32>
      %ge3A_800 = arith.cmpf oge, %add3A_797, %ge3A_799 : vector<16xf32>
      %mul3A_801 = arith.constant 0.00999999977 : f32
      %mul3A_802 = vector.broadcast %mul3A_801 : f32 to vector<16xf32>
      %mul3A_803 = arith.mulf %add3A_797, %mul3A_802 : vector<16xf32>
      %select_n3A_804 = arith.select %ge3A_800, %add3A_797, %mul3A_803 : vector<16xi1>, vector<16xf32>
      %exp3A_805 = math.exp %select_n3A_804 : vector<16xf32>
      %swap3A_806 = arith.constant 48 : index
      %swap3A_807 = tpu.vector_load %arg21[%swap3A_806] {strides = array<i32>} : memref<96xf32, #tpu.memory_space<vmem>>, vector<16xf32>,
      tpu.vector_store %arg21[%swap3A_806], %exp3A_805 {strides = array<i32>} : memref<96xf32, #tpu.memory_space<vmem>>, vector<16xf32>,
      %add3A_808 = arith.constant 48 : i32
      %add3A_809 = vector.broadcast %add3A_808 : i32 to vector<16xi32>
      %add3A_810 = arith.addi %iota3A, %add3A_809 : vector<16xi32>
      %and3A_811 = arith.constant 127 : i32
      %and3A_812 = vector.broadcast %and3A_811 : i32 to vector<16xi32>
      %and3A_813 = arith.andi %add3A_810, %and3A_812 : vector<16xi32>
      %add3A_814 = arith.constant 5120 : i32
      %add3A_815 = vector.broadcast %add3A_814 : i32 to vector<16xi32>
      %add3A_816 = arith.addi %add3A_815, %and3A_813 : vector<16xi32>
      %lt3A_817 = arith.constant 5120 : i32
      %lt3A_818 = vector.broadcast %lt3A_817 : i32 to vector<16xi32>
      %lt3A_819 = arith.cmpi slt, %get3A_789, %lt3A_818 : vector<16xi32>
      %select_n3A_820 = arith.select %lt3A_819, %get3A_789, %add3A_816 : vector<16xi1>, vector<16xi32>
      %swap3A_821 = arith.constant 48 : index
      %swap3A_822 = tpu.vector_load %arg23[%swap3A_821] {strides = array<i32>} : memref<80xi32, #tpu.memory_space<vmem>>, vector<16xi32>,
      tpu.vector_store %arg23[%swap3A_821], %select_n3A_820 {strides = array<i32>} : memref<80xi32, #tpu.memory_space<vmem>>, vector<16xi32>,
      %get3A_823 = arith.constant 64 : index
      %get3A_824 = tpu.vector_load %arg17[%get3A_823] {strides = array<i32>} : memref<80xi32, #tpu.memory_space<vmem>>, vector<16xi32>,
      %get3A_825 = arith.constant 64 : index
      %get3A_826 = tpu.vector_load %arg18[%get3A_825] {strides = array<i32>} : memref<80xi32, #tpu.memory_space<vmem>>, vector<16xi32>,
      %gather3A_827 = tpu.vector_load_idx %arg10[%get3A_824] : memref<10000xf32, #tpu.memory_space<vmem>>[vector<16xi32>], vector<16xf32>,
      %gather3A_828 = tpu.vector_load_idx %arg11[%get3A_826] : memref<10000xf32, #tpu.memory_space<vmem>>[vector<16xi32>], vector<16xf32>,
      %add3A_829 = arith.constant 64 : i32
      %add3A_830 = vector.broadcast %add3A_829 : i32 to vector<16xi32>
      %add3A_831 = arith.addi %iota3A, %add3A_830 : vector<16xi32>
      %gather3A_832 = tpu.vector_load_idx %arg20[%add3A_831, %broadcast_in_dim3A_3] : memref<80x144xf32, #tpu.memory_space<vmem>>[vector<16xi32>, vector<16xi32>], vector<16xf32>,
      %add3A_833 = arith.addf %gather3A_827, %gather3A_828 : vector<16xf32>
      %add3A_834 = arith.addf %add3A_833, %gather3A_832 : vector<16xf32>
      %ge3A_835 = arith.constant 0.000000e+00 : f32
      %ge3A_836 = vector.broadcast %ge3A_835 : f32 to vector<16xf32>
      %ge3A_837 = arith.cmpf oge, %add3A_834, %ge3A_836 : vector<16xf32>
      %mul3A_838 = arith.constant 0.00999999977 : f32
      %mul3A_839 = vector.broadcast %mul3A_838 : f32 to vector<16xf32>
      %mul3A_840 = arith.mulf %add3A_834, %mul3A_839 : vector<16xf32>
      %select_n3A_841 = arith.select %ge3A_837, %add3A_834, %mul3A_840 : vector<16xi1>, vector<16xf32>
      %exp3A_842 = math.exp %select_n3A_841 : vector<16xf32>
      %swap3A_843 = arith.constant 64 : index
      %swap3A_844 = tpu.vector_load %arg21[%swap3A_843] {strides = array<i32>} : memref<96xf32, #tpu.memory_space<vmem>>, vector<16xf32>,
      tpu.vector_store %arg21[%swap3A_843], %exp3A_842 {strides = array<i32>} : memref<96xf32, #tpu.memory_space<vmem>>, vector<16xf32>,
      %add3A_845 = arith.constant 64 : i32
      %add3A_846 = vector.broadcast %add3A_845 : i32 to vector<16xi32>
      %add3A_847 = arith.addi %iota3A, %add3A_846 : vector<16xi32>
      %and3A_848 = arith.constant 127 : i32
      %and3A_849 = vector.broadcast %and3A_848 : i32 to vector<16xi32>
      %and3A_850 = arith.andi %add3A_847, %and3A_849 : vector<16xi32>
      %add3A_851 = arith.constant 5120 : i32
      %add3A_852 = vector.broadcast %add3A_851 : i32 to vector<16xi32>
      %add3A_853 = arith.addi %add3A_852, %and3A_850 : vector<16xi32>
      %lt3A_854 = arith.constant 5120 : i32
      %lt3A_855 = vector.broadcast %lt3A_854 : i32 to vector<16xi32>
      %lt3A_856 = arith.cmpi slt, %get3A_826, %lt3A_855 : vector<16xi32>
      %select_n3A_857 = arith.select %lt3A_856, %get3A_826, %add3A_853 : vector<16xi1>, vector<16xi32>
      %swap3A_858 = arith.constant 64 : index
      %swap3A_859 = tpu.vector_load %arg23[%swap3A_858] {strides = array<i32>} : memref<80xi32, #tpu.memory_space<vmem>>, vector<16xi32>,
      tpu.vector_store %arg23[%swap3A_858], %select_n3A_857 {strides = array<i32>} : memref<80xi32, #tpu.memory_space<vmem>>, vector<16xi32>,
      %dma_wait3A_860 = arith.constant 0 : i32
      %dma_wait3A_861 = arith.constant 0 : i32
      %dma_wait3A_862 = tpu.memref_slice %arg2[%dma_wait3A_860, %dma_wait3A_861] : memref<10000x144xf32, #tpu.memory_space<hbm>> -> memref<10000x144xf32, #tpu.memory_space<hbm>>
      tpu.wait_indirect_dma semaphore(%arg28 : memref<!tpu.dma_semaphore, #tpu.memory_space<semaphore_mem>>) src(%dma_wait3A_862 : memref<10000x144xf32, #tpu.memory_space<hbm>>) dst(%arg19 : memref<80x144xf32, #tpu.memory_space<vmem>>)
      %add3A_863 = arith.constant 240 : i32
      %add3A_864 = arith.addi %add3A_428, %add3A_863 : i32
      %lt3A_865 = arith.constant 10000 : i32
      %lt3A_866 = arith.cmpi slt, %add3A_864, %lt3A_865 : i32
      %convert_element_type3A = arith.extui %lt3A_866 : i1 to i32
      %cond3A = arith.constant 0 : i32
      %cond3A_867 = arith.cmpi ne, %convert_element_type3A, %cond3A : i32
      scf.if %cond3A_867 {
        %add3A_873 = arith.constant 240 : i32
        %add3A_874 = arith.addi %add3A_428, %add3A_873 : i32
        %add3A_875 = arith.addi %mul3A_2, %add3A_874 : i32
        %dma_start3A_876 = tpu.memref_slice %arg4[%add3A_875] : memref<320000xi32, #tpu.memory_space<hbm>> -> memref<80xi32, #tpu.memory_space<hbm>>
        %dma_start3A_877 = tpu.memref_slice %arg4[%add3A_875] : memref<320000xi32, #tpu.memory_space<hbm>> -> memref<80xi32, #tpu.memory_space<hbm>>
        tpu.enqueue_dma source(%dma_start3A_877 : memref<80xi32, #tpu.memory_space<hbm>>) target(%arg17 : memref<80xi32, #tpu.memory_space<vmem>>) target_semaphore(%arg28 : memref<!tpu.dma_semaphore, #tpu.memory_space<semaphore_mem>>)
        %dma_start3A_878 = tpu.memref_slice %arg5[%add3A_875] : memref<320000xi32, #tpu.memory_space<hbm>> -> memref<80xi32, #tpu.memory_space<hbm>>
        %dma_start3A_879 = tpu.memref_slice %arg5[%add3A_875] : memref<320000xi32, #tpu.memory_space<hbm>> -> memref<80xi32, #tpu.memory_space<hbm>>
        tpu.enqueue_dma source(%dma_start3A_879 : memref<80xi32, #tpu.memory_space<hbm>>) target(%arg18 : memref<80xi32, #tpu.memory_space<vmem>>) target_semaphore(%arg28 : memref<!tpu.dma_semaphore, #tpu.memory_space<semaphore_mem>>)
      } else {
      }
      %scan3A_868 = arith.constant 0 : i32
      %scan3A_869 = arith.constant 80 : i32
      %scan3A_870 = arith.addi %scan3A_868, %scan3A_869 : i32
      %scan3A_871 = arith.constant 1 : i32
      scf.for %scan3A_873 = %scan3A_868 to %scan3A_870 step %scan3A_871  : i32 {
        %mul3A_874 = arith.constant 1 : i32
        %mul3A_875 = arith.muli %scan3A_873, %mul3A_874 : i32
        %add3A_876 = arith.constant 0 : i32
        %add3A_877 = arith.addi %add3A_876, %mul3A_875 : i32
        %get3A_878 = arith.index_cast %add3A_877 : i32 to index
        %get3A_879 = tpu.vector_load %arg21[%get3A_878] {strides = array<i32>} : memref<96xf32, #tpu.memory_space<vmem>>, vector<16xf32>,
        %slice3A = vector.extract_strided_slice %get3A_879 {offsets = [0], sizes = [1], strides = [1]} : vector<16xf32> to vector<1xf32>
        %squeeze3A = vector.extract %slice3A[0] : f32 from vector<1xf32>
        %get3A_880 = arith.index_cast %add3A_877 : i32 to index
        %get3A_881 = arith.constant 0 : index
        %get3A_882 = tpu.vector_load %arg19[%get3A_880, %get3A_881] {strides = array<i32>} : memref<80x144xf32, #tpu.memory_space<vmem>>, vector<16xf32>,
        %get3A_883 = arith.index_cast %add3A_877 : i32 to index
        %get3A_884 = arith.constant 0 : index
        %get3A_885 = tpu.vector_load %arg20[%get3A_883, %get3A_884] {strides = array<i32>} : memref<80x144xf32, #tpu.memory_space<vmem>>, vector<16xf32>,
        %add3A_886 = arith.addf %get3A_882, %get3A_885 : vector<16xf32>
        %swap3A_887 = arith.index_cast %add3A_877 : i32 to index
        %swap3A_888 = arith.constant 0 : index
        %swap3A_889 = tpu.vector_load %arg22[%swap3A_887, %swap3A_888] {strides = array<i32>} : memref<80x128xf32, #tpu.memory_space<vmem>>, vector<16xf32>,
        tpu.vector_store %arg22[%swap3A_887, %swap3A_888], %add3A_886 {strides = array<i32>} : memref<80x128xf32, #tpu.memory_space<vmem>>, vector<16xf32>,
        %mul3A_890 = vector.broadcast %squeeze3A : f32 to vector<16xf32>
        %mul3A_891 = arith.mulf %get3A_882, %mul3A_890 : vector<16xf32>
        %swap3A_892 = arith.index_cast %add3A_877 : i32 to index
        %swap3A_893 = arith.constant 0 : index
        %swap3A_894 = tpu.vector_load %arg19[%swap3A_892, %swap3A_893] {strides = array<i32>} : memref<80x144xf32, #tpu.memory_space<vmem>>, vector<16xf32>,
        tpu.vector_store %arg19[%swap3A_892, %swap3A_893], %mul3A_891 {strides = array<i32>} : memref<80x144xf32, #tpu.memory_space<vmem>>, vector<16xf32>,
        %get3A_895 = arith.index_cast %add3A_877 : i32 to index
        %get3A_896 = arith.constant 16 : index
        %get3A_897 = tpu.vector_load %arg19[%get3A_895, %get3A_896] {strides = array<i32>} : memref<80x144xf32, #tpu.memory_space<vmem>>, vector<16xf32>,
        %get3A_898 = arith.index_cast %add3A_877 : i32 to index
        %get3A_899 = arith.constant 16 : index
        %get3A_900 = tpu.vector_load %arg20[%get3A_898, %get3A_899] {strides = array<i32>} : memref<80x144xf32, #tpu.memory_space<vmem>>, vector<16xf32>,
        %add3A_901 = arith.addf %get3A_897, %get3A_900 : vector<16xf32>
        %swap3A_902 = arith.index_cast %add3A_877 : i32 to index
        %swap3A_903 = arith.constant 16 : index
        %swap3A_904 = tpu.vector_load %arg22[%swap3A_902, %swap3A_903] {strides = array<i32>} : memref<80x128xf32, #tpu.memory_space<vmem>>, vector<16xf32>,
        tpu.vector_store %arg22[%swap3A_902, %swap3A_903], %add3A_901 {strides = array<i32>} : memref<80x128xf32, #tpu.memory_space<vmem>>, vector<16xf32>,
        %mul3A_905 = vector.broadcast %squeeze3A : f32 to vector<16xf32>
        %mul3A_906 = arith.mulf %get3A_897, %mul3A_905 : vector<16xf32>
        %swap3A_907 = arith.index_cast %add3A_877 : i32 to index
        %swap3A_908 = arith.constant 16 : index
        %swap3A_909 = tpu.vector_load %arg19[%swap3A_907, %swap3A_908] {strides = array<i32>} : memref<80x144xf32, #tpu.memory_space<vmem>>, vector<16xf32>,
        tpu.vector_store %arg19[%swap3A_907, %swap3A_908], %mul3A_906 {strides = array<i32>} : memref<80x144xf32, #tpu.memory_space<vmem>>, vector<16xf32>,
        %get3A_910 = arith.index_cast %add3A_877 : i32 to index
        %get3A_911 = arith.constant 32 : index
        %get3A_912 = tpu.vector_load %arg19[%get3A_910, %get3A_911] {strides = array<i32>} : memref<80x144xf32, #tpu.memory_space<vmem>>, vector<16xf32>,
        %get3A_913 = arith.index_cast %add3A_877 : i32 to index
        %get3A_914 = arith.constant 32 : index
        %get3A_915 = tpu.vector_load %arg20[%get3A_913, %get3A_914] {strides = array<i32>} : memref<80x144xf32, #tpu.memory_space<vmem>>, vector<16xf32>,
        %add3A_916 = arith.addf %get3A_912, %get3A_915 : vector<16xf32>
        %swap3A_917 = arith.index_cast %add3A_877 : i32 to index
        %swap3A_918 = arith.constant 32 : index
        %swap3A_919 = tpu.vector_load %arg22[%swap3A_917, %swap3A_918] {strides = array<i32>} : memref<80x128xf32, #tpu.memory_space<vmem>>, vector<16xf32>,
        tpu.vector_store %arg22[%swap3A_917, %swap3A_918], %add3A_916 {strides = array<i32>} : memref<80x128xf32, #tpu.memory_space<vmem>>, vector<16xf32>,
        %mul3A_920 = vector.broadcast %squeeze3A : f32 to vector<16xf32>
        %mul3A_921 = arith.mulf %get3A_912, %mul3A_920 : vector<16xf32>
        %swap3A_922 = arith.index_cast %add3A_877 : i32 to index
        %swap3A_923 = arith.constant 32 : index
        %swap3A_924 = tpu.vector_load %arg19[%swap3A_922, %swap3A_923] {strides = array<i32>} : memref<80x144xf32, #tpu.memory_space<vmem>>, vector<16xf32>,
        tpu.vector_store %arg19[%swap3A_922, %swap3A_923], %mul3A_921 {strides = array<i32>} : memref<80x144xf32, #tpu.memory_space<vmem>>, vector<16xf32>,
        %get3A_925 = arith.index_cast %add3A_877 : i32 to index
        %get3A_926 = arith.constant 48 : index
        %get3A_927 = tpu.vector_load %arg19[%get3A_925, %get3A_926] {strides = array<i32>} : memref<80x144xf32, #tpu.memory_space<vmem>>, vector<16xf32>,
        %get3A_928 = arith.index_cast %add3A_877 : i32 to index
        %get3A_929 = arith.constant 48 : index
        %get3A_930 = tpu.vector_load %arg20[%get3A_928, %get3A_929] {strides = array<i32>} : memref<80x144xf32, #tpu.memory_space<vmem>>, vector<16xf32>,
        %add3A_931 = arith.addf %get3A_927, %get3A_930 : vector<16xf32>
        %swap3A_932 = arith.index_cast %add3A_877 : i32 to index
        %swap3A_933 = arith.constant 48 : index
        %swap3A_934 = tpu.vector_load %arg22[%swap3A_932, %swap3A_933] {strides = array<i32>} : memref<80x128xf32, #tpu.memory_space<vmem>>, vector<16xf32>,
        tpu.vector_store %arg22[%swap3A_932, %swap3A_933], %add3A_931 {strides = array<i32>} : memref<80x128xf32, #tpu.memory_space<vmem>>, vector<16xf32>,
        %mul3A_935 = vector.broadcast %squeeze3A : f32 to vector<16xf32>
        %mul3A_936 = arith.mulf %get3A_927, %mul3A_935 : vector<16xf32>
        %swap3A_937 = arith.index_cast %add3A_877 : i32 to index
        %swap3A_938 = arith.constant 48 : index
        %swap3A_939 = tpu.vector_load %arg19[%swap3A_937, %swap3A_938] {strides = array<i32>} : memref<80x144xf32, #tpu.memory_space<vmem>>, vector<16xf32>,
        tpu.vector_store %arg19[%swap3A_937, %swap3A_938], %mul3A_936 {strides = array<i32>} : memref<80x144xf32, #tpu.memory_space<vmem>>, vector<16xf32>,
        %get3A_940 = arith.index_cast %add3A_877 : i32 to index
        %get3A_941 = arith.constant 64 : index
        %get3A_942 = tpu.vector_load %arg19[%get3A_940, %get3A_941] {strides = array<i32>} : memref<80x144xf32, #tpu.memory_space<vmem>>, vector<16xf32>,
        %get3A_943 = arith.index_cast %add3A_877 : i32 to index
        %get3A_944 = arith.constant 64 : index
        %get3A_945 = tpu.vector_load %arg20[%get3A_943, %get3A_944] {strides = array<i32>} : memref<80x144xf32, #tpu.memory_space<vmem>>, vector<16xf32>,
        %add3A_946 = arith.addf %get3A_942, %get3A_945 : vector<16xf32>
        %swap3A_947 = arith.index_cast %add3A_877 : i32 to index
        %swap3A_948 = arith.constant 64 : index
        %swap3A_949 = tpu.vector_load %arg22[%swap3A_947, %swap3A_948] {strides = array<i32>} : memref<80x128xf32, #tpu.memory_space<vmem>>, vector<16xf32>,
        tpu.vector_store %arg22[%swap3A_947, %swap3A_948], %add3A_946 {strides = array<i32>} : memref<80x128xf32, #tpu.memory_space<vmem>>, vector<16xf32>,
        %mul3A_950 = vector.broadcast %squeeze3A : f32 to vector<16xf32>
        %mul3A_951 = arith.mulf %get3A_942, %mul3A_950 : vector<16xf32>
        %swap3A_952 = arith.index_cast %add3A_877 : i32 to index
        %swap3A_953 = arith.constant 64 : index
        %swap3A_954 = tpu.vector_load %arg19[%swap3A_952, %swap3A_953] {strides = array<i32>} : memref<80x144xf32, #tpu.memory_space<vmem>>, vector<16xf32>,
        tpu.vector_store %arg19[%swap3A_952, %swap3A_953], %mul3A_951 {strides = array<i32>} : memref<80x144xf32, #tpu.memory_space<vmem>>, vector<16xf32>,
        %get3A_955 = arith.index_cast %add3A_877 : i32 to index
        %get3A_956 = arith.constant 80 : index
        %get3A_957 = tpu.vector_load %arg19[%get3A_955, %get3A_956] {strides = array<i32>} : memref<80x144xf32, #tpu.memory_space<vmem>>, vector<16xf32>,
        %get3A_958 = arith.index_cast %add3A_877 : i32 to index
        %get3A_959 = arith.constant 80 : index
        %get3A_960 = tpu.vector_load %arg20[%get3A_958, %get3A_959] {strides = array<i32>} : memref<80x144xf32, #tpu.memory_space<vmem>>, vector<16xf32>,
        %add3A_961 = arith.addf %get3A_957, %get3A_960 : vector<16xf32>
        %swap3A_962 = arith.index_cast %add3A_877 : i32 to index
        %swap3A_963 = arith.constant 80 : index
        %swap3A_964 = tpu.vector_load %arg22[%swap3A_962, %swap3A_963] {strides = array<i32>} : memref<80x128xf32, #tpu.memory_space<vmem>>, vector<16xf32>,
        tpu.vector_store %arg22[%swap3A_962, %swap3A_963], %add3A_961 {strides = array<i32>} : memref<80x128xf32, #tpu.memory_space<vmem>>, vector<16xf32>,
        %mul3A_965 = vector.broadcast %squeeze3A : f32 to vector<16xf32>
        %mul3A_966 = arith.mulf %get3A_957, %mul3A_965 : vector<16xf32>
        %swap3A_967 = arith.index_cast %add3A_877 : i32 to index
        %swap3A_968 = arith.constant 80 : index
        %swap3A_969 = tpu.vector_load %arg19[%swap3A_967, %swap3A_968] {strides = array<i32>} : memref<80x144xf32, #tpu.memory_space<vmem>>, vector<16xf32>,
        tpu.vector_store %arg19[%swap3A_967, %swap3A_968], %mul3A_966 {strides = array<i32>} : memref<80x144xf32, #tpu.memory_space<vmem>>, vector<16xf32>,
        %get3A_970 = arith.index_cast %add3A_877 : i32 to index
        %get3A_971 = arith.constant 96 : index
        %get3A_972 = tpu.vector_load %arg19[%get3A_970, %get3A_971] {strides = array<i32>} : memref<80x144xf32, #tpu.memory_space<vmem>>, vector<16xf32>,
        %get3A_973 = arith.index_cast %add3A_877 : i32 to index
        %get3A_974 = arith.constant 96 : index
        %get3A_975 = tpu.vector_load %arg20[%get3A_973, %get3A_974] {strides = array<i32>} : memref<80x144xf32, #tpu.memory_space<vmem>>, vector<16xf32>,
        %add3A_976 = arith.addf %get3A_972, %get3A_975 : vector<16xf32>
        %swap3A_977 = arith.index_cast %add3A_877 : i32 to index
        %swap3A_978 = arith.constant 96 : index
        %swap3A_979 = tpu.vector_load %arg22[%swap3A_977, %swap3A_978] {strides = array<i32>} : memref<80x128xf32, #tpu.memory_space<vmem>>, vector<16xf32>,
        tpu.vector_store %arg22[%swap3A_977, %swap3A_978], %add3A_976 {strides = array<i32>} : memref<80x128xf32, #tpu.memory_space<vmem>>, vector<16xf32>,
        %mul3A_980 = vector.broadcast %squeeze3A : f32 to vector<16xf32>
        %mul3A_981 = arith.mulf %get3A_972, %mul3A_980 : vector<16xf32>
        %swap3A_982 = arith.index_cast %add3A_877 : i32 to index
        %swap3A_983 = arith.constant 96 : index
        %swap3A_984 = tpu.vector_load %arg19[%swap3A_982, %swap3A_983] {strides = array<i32>} : memref<80x144xf32, #tpu.memory_space<vmem>>, vector<16xf32>,
        tpu.vector_store %arg19[%swap3A_982, %swap3A_983], %mul3A_981 {strides = array<i32>} : memref<80x144xf32, #tpu.memory_space<vmem>>, vector<16xf32>,
        %get3A_985 = arith.index_cast %add3A_877 : i32 to index
        %get3A_986 = arith.constant 112 : index
        %get3A_987 = tpu.vector_load %arg19[%get3A_985, %get3A_986] {strides = array<i32>} : memref<80x144xf32, #tpu.memory_space<vmem>>, vector<16xf32>,
        %get3A_988 = arith.index_cast %add3A_877 : i32 to index
        %get3A_989 = arith.constant 112 : index
        %get3A_990 = tpu.vector_load %arg20[%get3A_988, %get3A_989] {strides = array<i32>} : memref<80x144xf32, #tpu.memory_space<vmem>>, vector<16xf32>,
        %add3A_991 = arith.addf %get3A_987, %get3A_990 : vector<16xf32>
        %swap3A_992 = arith.index_cast %add3A_877 : i32 to index
        %swap3A_993 = arith.constant 112 : index
        %swap3A_994 = tpu.vector_load %arg22[%swap3A_992, %swap3A_993] {strides = array<i32>} : memref<80x128xf32, #tpu.memory_space<vmem>>, vector<16xf32>,
        tpu.vector_store %arg22[%swap3A_992, %swap3A_993], %add3A_991 {strides = array<i32>} : memref<80x128xf32, #tpu.memory_space<vmem>>, vector<16xf32>,
        %mul3A_995 = vector.broadcast %squeeze3A : f32 to vector<16xf32>
        %mul3A_996 = arith.mulf %get3A_987, %mul3A_995 : vector<16xf32>
        %swap3A_997 = arith.index_cast %add3A_877 : i32 to index
        %swap3A_998 = arith.constant 112 : index
        %swap3A_999 = tpu.vector_load %arg19[%swap3A_997, %swap3A_998] {strides = array<i32>} : memref<80x144xf32, #tpu.memory_space<vmem>>, vector<16xf32>,
        tpu.vector_store %arg19[%swap3A_997, %swap3A_998], %mul3A_996 {strides = array<i32>} : memref<80x144xf32, #tpu.memory_space<vmem>>, vector<16xf32>,
        %get3A_1000 = arith.index_cast %add3A_877 : i32 to index
        %get3A_1001 = arith.constant 128 : index
        %get3A_1002 = tpu.vector_load %arg19[%get3A_1000, %get3A_1001] {strides = array<i32>} : memref<80x144xf32, #tpu.memory_space<vmem>>, vector<16xf32>,
        %mul3A_1003 = vector.broadcast %squeeze3A : f32 to vector<16xf32>
        %mul3A_1004 = arith.mulf %get3A_1002, %mul3A_1003 : vector<16xf32>
        %swap3A_1005 = arith.index_cast %add3A_877 : i32 to index
        %swap3A_1006 = arith.constant 128 : index
        %swap3A_1007 = tpu.vector_load %arg19[%swap3A_1005, %swap3A_1006] {strides = array<i32>} : memref<80x144xf32, #tpu.memory_space<vmem>>, vector<16xf32>,
        tpu.vector_store %arg19[%swap3A_1005, %swap3A_1006], %mul3A_1004 {strides = array<i32>} : memref<80x144xf32, #tpu.memory_space<vmem>>, vector<16xf32>,
      }
      %scan3A_872 = arith.constant 80 : i32
      "tpu.region"() ({
        %run_scoped3A_873 = tpu.sem_alloc : memref<!tpu.dma_semaphore, #tpu.memory_space<semaphore_mem>>
        %dma_start3A_874 = arith.constant 0 : i32
        %dma_start3A_875 = tpu.memref_slice %arg7[%add3A_670, %dma_start3A_874] : memref<320000x128xf32, #tpu.memory_space<hbm>> -> memref<80x128xf32, #tpu.memory_space<hbm>>
        %dma_start3A_876 = arith.constant 0 : i32
        %dma_start3A_877 = tpu.memref_slice %arg7[%add3A_670, %dma_start3A_876] : memref<320000x128xf32, #tpu.memory_space<hbm>> -> memref<80x128xf32, #tpu.memory_space<hbm>>
        tpu.enqueue_dma source(%arg22 : memref<80x128xf32, #tpu.memory_space<vmem>>) target(%dma_start3A_877 : memref<80x128xf32, #tpu.memory_space<hbm>>) target_semaphore(%run_scoped3A_873 : memref<!tpu.dma_semaphore, #tpu.memory_space<semaphore_mem>>)
        %dma_wait3A_878 = arith.constant 0 : i32
        %dma_wait3A_879 = tpu.memref_slice %arg7[%add3A_670, %dma_wait3A_878] : memref<320000x128xf32, #tpu.memory_space<hbm>> -> memref<80x128xf32, #tpu.memory_space<hbm>>
        %dma_wait3A_880 = arith.constant 0 : i32
        %dma_wait3A_881 = tpu.memref_slice %arg7[%add3A_670, %dma_wait3A_880] : memref<320000x128xf32, #tpu.memory_space<hbm>> -> memref<80x128xf32, #tpu.memory_space<hbm>>
        tpu.wait_dma2 semaphore(%run_scoped3A_873 : memref<!tpu.dma_semaphore, #tpu.memory_space<semaphore_mem>>) src(%arg22 : memref<80x128xf32, #tpu.memory_space<vmem>>) dst(%dma_wait3A_881 : memref<80x128xf32, #tpu.memory_space<hbm>>)
        tpu.yield
      }) : () -> ()
      "tpu.region"() ({
        %run_scoped3A_873 = tpu.sem_alloc : memref<!tpu.dma_semaphore, #tpu.memory_space<semaphore_mem>>
        %dma_start3A_874 = arith.constant 0 : i32
        %dma_start3A_875 = tpu.memref_slice %arg21[%dma_start3A_874] : memref<96xf32, #tpu.memory_space<vmem>> -> memref<80xf32, #tpu.memory_space<vmem>>
        %dma_start3A_876 = tpu.memref_slice %arg9[%add3A_670] : memref<320000xf32, #tpu.memory_space<hbm>> -> memref<80xf32, #tpu.memory_space<hbm>>
        %dma_start3A_877 = tpu.memref_slice %arg9[%add3A_670] : memref<320000xf32, #tpu.memory_space<hbm>> -> memref<80xf32, #tpu.memory_space<hbm>>
        %dma_start3A_878 = arith.constant 0 : i32
        %dma_start3A_879 = tpu.memref_slice %arg21[%dma_start3A_878] : memref<96xf32, #tpu.memory_space<vmem>> -> memref<80xf32, #tpu.memory_space<vmem>>
        tpu.enqueue_dma source(%dma_start3A_879 : memref<80xf32, #tpu.memory_space<vmem>>) target(%dma_start3A_877 : memref<80xf32, #tpu.memory_space<hbm>>) target_semaphore(%run_scoped3A_873 : memref<!tpu.dma_semaphore, #tpu.memory_space<semaphore_mem>>)
        %dma_wait3A_880 = arith.constant 0 : i32
        %dma_wait3A_881 = tpu.memref_slice %arg21[%dma_wait3A_880] : memref<96xf32, #tpu.memory_space<vmem>> -> memref<80xf32, #tpu.memory_space<vmem>>
        %dma_wait3A_882 = tpu.memref_slice %arg9[%add3A_670] : memref<320000xf32, #tpu.memory_space<hbm>> -> memref<80xf32, #tpu.memory_space<hbm>>
        %dma_wait3A_883 = tpu.memref_slice %arg9[%add3A_670] : memref<320000xf32, #tpu.memory_space<hbm>> -> memref<80xf32, #tpu.memory_space<hbm>>
        %dma_wait3A_884 = arith.constant 0 : i32
        %dma_wait3A_885 = tpu.memref_slice %arg21[%dma_wait3A_884] : memref<96xf32, #tpu.memory_space<vmem>> -> memref<80xf32, #tpu.memory_space<vmem>>
        tpu.wait_dma2 semaphore(%run_scoped3A_873 : memref<!tpu.dma_semaphore, #tpu.memory_space<semaphore_mem>>) src(%dma_wait3A_885 : memref<80xf32, #tpu.memory_space<vmem>>) dst(%dma_wait3A_883 : memref<80xf32, #tpu.memory_space<hbm>>)
        tpu.yield
      }) : () -> ()
      "tpu.region"() ({
        %run_scoped3A_873 = tpu.sem_alloc : memref<!tpu.dma_semaphore, #tpu.memory_space<semaphore_mem>>
        %dma_start3A_874 = arith.constant 0 : i32
        %dma_start3A_875 = arith.constant 0 : i32
        %dma_start3A_876 = tpu.memref_slice %arg25[%dma_start3A_874, %dma_start3A_875] : memref<5248x144xf32, #tpu.memory_space<vmem_shared>> -> memref<5248x144xf32, #tpu.memory_space<vmem_shared>>
        tpu.enqueue_indirect_dma source(%arg19 : memref<80x144xf32, #tpu.memory_space<vmem>>) target(%dma_start3A_876 : memref<5248x144xf32, #tpu.memory_space<vmem_shared>>) offsets(%arg23 : memref<80xi32, #tpu.memory_space<vmem>>) semaphore(%run_scoped3A_873 : memref<!tpu.dma_semaphore, #tpu.memory_space<semaphore_mem>>) {add = true}
        %dma_wait3A_877 = arith.constant 0 : i32
        %dma_wait3A_878 = arith.constant 0 : i32
        %dma_wait3A_879 = tpu.memref_slice %arg25[%dma_wait3A_877, %dma_wait3A_878] : memref<5248x144xf32, #tpu.memory_space<vmem_shared>> -> memref<5248x144xf32, #tpu.memory_space<vmem_shared>>
        tpu.wait_indirect_dma semaphore(%run_scoped3A_873 : memref<!tpu.dma_semaphore, #tpu.memory_space<semaphore_mem>>) src(%arg19 : memref<80x144xf32, #tpu.memory_space<vmem>>) dst(%dma_wait3A_879 : memref<5248x144xf32, #tpu.memory_space<vmem_shared>>)
        tpu.yield
      }) : () -> ()
    }
    %scan3A_53 = arith.constant 62 : i32
    %add3A_54 = arith.constant 9920 : i32
    %add3A_55 = arith.addi %mul3A_2, %add3A_54 : i32
    %dma_wait3A_56 = arith.constant 0 : i32
    %dma_wait3A_57 = tpu.memref_slice %arg6[%add3A_55, %dma_wait3A_56] : memref<320000x144xf32, #tpu.memory_space<hbm>> -> memref<80x144xf32, #tpu.memory_space<hbm>>
    %dma_wait3A_58 = arith.constant 0 : i32
    %dma_wait3A_59 = tpu.memref_slice %arg6[%add3A_55, %dma_wait3A_58] : memref<320000x144xf32, #tpu.memory_space<hbm>> -> memref<80x144xf32, #tpu.memory_space<hbm>>
    tpu.wait_dma2 semaphore(%arg27 : memref<!tpu.dma_semaphore, #tpu.memory_space<semaphore_mem>>) src(%dma_wait3A_59 : memref<80x144xf32, #tpu.memory_space<hbm>>) dst(%arg15 : memref<80x144xf32, #tpu.memory_space<vmem>>)
    %get3A = arith.constant 0 : index
    %get3A_60 = tpu.vector_load %arg12[%get3A] {strides = array<i32>} : memref<80xi32, #tpu.memory_space<vmem>>, vector<16xi32>,
    %get3A_61 = arith.constant 0 : index
    %get3A_62 = tpu.vector_load %arg13[%get3A_61] {strides = array<i32>} : memref<80xi32, #tpu.memory_space<vmem>>, vector<16xi32>,
    %gather3A = tpu.vector_load_idx %arg10[%get3A_60] : memref<10000xf32, #tpu.memory_space<vmem>>[vector<16xi32>], vector<16xf32>,
    %gather3A_63 = tpu.vector_load_idx %arg11[%get3A_62] : memref<10000xf32, #tpu.memory_space<vmem>>[vector<16xi32>], vector<16xf32>,
    %add3A_64 = arith.constant 0 : i32
    %add3A_65 = vector.broadcast %add3A_64 : i32 to vector<16xi32>
    %add3A_66 = arith.addi %iota3A, %add3A_65 : vector<16xi32>
    %gather3A_67 = tpu.vector_load_idx %arg15[%add3A_66, %broadcast_in_dim3A_3] : memref<80x144xf32, #tpu.memory_space<vmem>>[vector<16xi32>, vector<16xi32>], vector<16xf32>,
    %add3A_68 = arith.addf %gather3A, %gather3A_63 : vector<16xf32>
    %add3A_69 = arith.addf %add3A_68, %gather3A_67 : vector<16xf32>
    %ge3A = arith.constant 0.000000e+00 : f32
    %ge3A_70 = vector.broadcast %ge3A : f32 to vector<16xf32>
    %ge3A_71 = arith.cmpf oge, %add3A_69, %ge3A_70 : vector<16xf32>
    %mul3A_72 = arith.constant 0.00999999977 : f32
    %mul3A_73 = vector.broadcast %mul3A_72 : f32 to vector<16xf32>
    %mul3A_74 = arith.mulf %add3A_69, %mul3A_73 : vector<16xf32>
    %select_n3A = arith.select %ge3A_71, %add3A_69, %mul3A_74 : vector<16xi1>, vector<16xf32>
    %exp3A = math.exp %select_n3A : vector<16xf32>
    %swap3A = arith.constant 0 : index
    %swap3A_75 = tpu.vector_load %arg16[%swap3A] {strides = array<i32>} : memref<96xf32, #tpu.memory_space<vmem>>, vector<16xf32>,
    tpu.vector_store %arg16[%swap3A], %exp3A {strides = array<i32>} : memref<96xf32, #tpu.memory_space<vmem>>, vector<16xf32>,
    %add3A_76 = arith.constant 0 : i32
    %add3A_77 = vector.broadcast %add3A_76 : i32 to vector<16xi32>
    %add3A_78 = arith.addi %iota3A, %add3A_77 : vector<16xi32>
    %and3A = arith.constant 127 : i32
    %and3A_79 = vector.broadcast %and3A : i32 to vector<16xi32>
    %and3A_80 = arith.andi %add3A_78, %and3A_79 : vector<16xi32>
    %add3A_81 = arith.constant 5120 : i32
    %add3A_82 = vector.broadcast %add3A_81 : i32 to vector<16xi32>
    %add3A_83 = arith.addi %add3A_82, %and3A_80 : vector<16xi32>
    %lt3A = arith.constant 5120 : i32
    %lt3A_84 = vector.broadcast %lt3A : i32 to vector<16xi32>
    %lt3A_85 = arith.cmpi slt, %get3A_62, %lt3A_84 : vector<16xi32>
    %select_n3A_86 = arith.select %lt3A_85, %get3A_62, %add3A_83 : vector<16xi1>, vector<16xi32>
    %swap3A_87 = arith.constant 0 : index
    %swap3A_88 = tpu.vector_load %arg23[%swap3A_87] {strides = array<i32>} : memref<80xi32, #tpu.memory_space<vmem>>, vector<16xi32>,
    tpu.vector_store %arg23[%swap3A_87], %select_n3A_86 {strides = array<i32>} : memref<80xi32, #tpu.memory_space<vmem>>, vector<16xi32>,
    %get3A_89 = arith.constant 16 : index
    %get3A_90 = tpu.vector_load %arg12[%get3A_89] {strides = array<i32>} : memref<80xi32, #tpu.memory_space<vmem>>, vector<16xi32>,
    %get3A_91 = arith.constant 16 : index
    %get3A_92 = tpu.vector_load %arg13[%get3A_91] {strides = array<i32>} : memref<80xi32, #tpu.memory_space<vmem>>, vector<16xi32>,
    %gather3A_93 = tpu.vector_load_idx %arg10[%get3A_90] : memref<10000xf32, #tpu.memory_space<vmem>>[vector<16xi32>], vector<16xf32>,
    %gather3A_94 = tpu.vector_load_idx %arg11[%get3A_92] : memref<10000xf32, #tpu.memory_space<vmem>>[vector<16xi32>], vector<16xf32>,
    %add3A_95 = arith.constant 16 : i32
    %add3A_96 = vector.broadcast %add3A_95 : i32 to vector<16xi32>
    %add3A_97 = arith.addi %iota3A, %add3A_96 : vector<16xi32>
    %gather3A_98 = tpu.vector_load_idx %arg15[%add3A_97, %broadcast_in_dim3A_3] : memref<80x144xf32, #tpu.memory_space<vmem>>[vector<16xi32>, vector<16xi32>], vector<16xf32>,
    %add3A_99 = arith.addf %gather3A_93, %gather3A_94 : vector<16xf32>
    %add3A_100 = arith.addf %add3A_99, %gather3A_98 : vector<16xf32>
    %ge3A_101 = arith.constant 0.000000e+00 : f32
    %ge3A_102 = vector.broadcast %ge3A_101 : f32 to vector<16xf32>
    %ge3A_103 = arith.cmpf oge, %add3A_100, %ge3A_102 : vector<16xf32>
    %mul3A_104 = arith.constant 0.00999999977 : f32
    %mul3A_105 = vector.broadcast %mul3A_104 : f32 to vector<16xf32>
    %mul3A_106 = arith.mulf %add3A_100, %mul3A_105 : vector<16xf32>
    %select_n3A_107 = arith.select %ge3A_103, %add3A_100, %mul3A_106 : vector<16xi1>, vector<16xf32>
    %exp3A_108 = math.exp %select_n3A_107 : vector<16xf32>
    %swap3A_109 = arith.constant 16 : index
    %swap3A_110 = tpu.vector_load %arg16[%swap3A_109] {strides = array<i32>} : memref<96xf32, #tpu.memory_space<vmem>>, vector<16xf32>,
    tpu.vector_store %arg16[%swap3A_109], %exp3A_108 {strides = array<i32>} : memref<96xf32, #tpu.memory_space<vmem>>, vector<16xf32>,
    %add3A_111 = arith.constant 16 : i32
    %add3A_112 = vector.broadcast %add3A_111 : i32 to vector<16xi32>
    %add3A_113 = arith.addi %iota3A, %add3A_112 : vector<16xi32>
    %and3A_114 = arith.constant 127 : i32
    %and3A_115 = vector.broadcast %and3A_114 : i32 to vector<16xi32>
    %and3A_116 = arith.andi %add3A_113, %and3A_115 : vector<16xi32>
    %add3A_117 = arith.constant 5120 : i32
    %add3A_118 = vector.broadcast %add3A_117 : i32 to vector<16xi32>
    %add3A_119 = arith.addi %add3A_118, %and3A_116 : vector<16xi32>
    %lt3A_120 = arith.constant 5120 : i32
    %lt3A_121 = vector.broadcast %lt3A_120 : i32 to vector<16xi32>
    %lt3A_122 = arith.cmpi slt, %get3A_92, %lt3A_121 : vector<16xi32>
    %select_n3A_123 = arith.select %lt3A_122, %get3A_92, %add3A_119 : vector<16xi1>, vector<16xi32>
    %swap3A_124 = arith.constant 16 : index
    %swap3A_125 = tpu.vector_load %arg23[%swap3A_124] {strides = array<i32>} : memref<80xi32, #tpu.memory_space<vmem>>, vector<16xi32>,
    tpu.vector_store %arg23[%swap3A_124], %select_n3A_123 {strides = array<i32>} : memref<80xi32, #tpu.memory_space<vmem>>, vector<16xi32>,
    %get3A_126 = arith.constant 32 : index
    %get3A_127 = tpu.vector_load %arg12[%get3A_126] {strides = array<i32>} : memref<80xi32, #tpu.memory_space<vmem>>, vector<16xi32>,
    %get3A_128 = arith.constant 32 : index
    %get3A_129 = tpu.vector_load %arg13[%get3A_128] {strides = array<i32>} : memref<80xi32, #tpu.memory_space<vmem>>, vector<16xi32>,
    %gather3A_130 = tpu.vector_load_idx %arg10[%get3A_127] : memref<10000xf32, #tpu.memory_space<vmem>>[vector<16xi32>], vector<16xf32>,
    %gather3A_131 = tpu.vector_load_idx %arg11[%get3A_129] : memref<10000xf32, #tpu.memory_space<vmem>>[vector<16xi32>], vector<16xf32>,
    %add3A_132 = arith.constant 32 : i32
    %add3A_133 = vector.broadcast %add3A_132 : i32 to vector<16xi32>
    %add3A_134 = arith.addi %iota3A, %add3A_133 : vector<16xi32>
    %gather3A_135 = tpu.vector_load_idx %arg15[%add3A_134, %broadcast_in_dim3A_3] : memref<80x144xf32, #tpu.memory_space<vmem>>[vector<16xi32>, vector<16xi32>], vector<16xf32>,
    %add3A_136 = arith.addf %gather3A_130, %gather3A_131 : vector<16xf32>
    %add3A_137 = arith.addf %add3A_136, %gather3A_135 : vector<16xf32>
    %ge3A_138 = arith.constant 0.000000e+00 : f32
    %ge3A_139 = vector.broadcast %ge3A_138 : f32 to vector<16xf32>
    %ge3A_140 = arith.cmpf oge, %add3A_137, %ge3A_139 : vector<16xf32>
    %mul3A_141 = arith.constant 0.00999999977 : f32
    %mul3A_142 = vector.broadcast %mul3A_141 : f32 to vector<16xf32>
    %mul3A_143 = arith.mulf %add3A_137, %mul3A_142 : vector<16xf32>
    %select_n3A_144 = arith.select %ge3A_140, %add3A_137, %mul3A_143 : vector<16xi1>, vector<16xf32>
    %exp3A_145 = math.exp %select_n3A_144 : vector<16xf32>
    %swap3A_146 = arith.constant 32 : index
    %swap3A_147 = tpu.vector_load %arg16[%swap3A_146] {strides = array<i32>} : memref<96xf32, #tpu.memory_space<vmem>>, vector<16xf32>,
    tpu.vector_store %arg16[%swap3A_146], %exp3A_145 {strides = array<i32>} : memref<96xf32, #tpu.memory_space<vmem>>, vector<16xf32>,
    %add3A_148 = arith.constant 32 : i32
    %add3A_149 = vector.broadcast %add3A_148 : i32 to vector<16xi32>
    %add3A_150 = arith.addi %iota3A, %add3A_149 : vector<16xi32>
    %and3A_151 = arith.constant 127 : i32
    %and3A_152 = vector.broadcast %and3A_151 : i32 to vector<16xi32>
    %and3A_153 = arith.andi %add3A_150, %and3A_152 : vector<16xi32>
    %add3A_154 = arith.constant 5120 : i32
    %add3A_155 = vector.broadcast %add3A_154 : i32 to vector<16xi32>
    %add3A_156 = arith.addi %add3A_155, %and3A_153 : vector<16xi32>
    %lt3A_157 = arith.constant 5120 : i32
    %lt3A_158 = vector.broadcast %lt3A_157 : i32 to vector<16xi32>
    %lt3A_159 = arith.cmpi slt, %get3A_129, %lt3A_158 : vector<16xi32>
    %select_n3A_160 = arith.select %lt3A_159, %get3A_129, %add3A_156 : vector<16xi1>, vector<16xi32>
    %swap3A_161 = arith.constant 32 : index
    %swap3A_162 = tpu.vector_load %arg23[%swap3A_161] {strides = array<i32>} : memref<80xi32, #tpu.memory_space<vmem>>, vector<16xi32>,
    tpu.vector_store %arg23[%swap3A_161], %select_n3A_160 {strides = array<i32>} : memref<80xi32, #tpu.memory_space<vmem>>, vector<16xi32>,
    %get3A_163 = arith.constant 48 : index
    %get3A_164 = tpu.vector_load %arg12[%get3A_163] {strides = array<i32>} : memref<80xi32, #tpu.memory_space<vmem>>, vector<16xi32>,
    %get3A_165 = arith.constant 48 : index
    %get3A_166 = tpu.vector_load %arg13[%get3A_165] {strides = array<i32>} : memref<80xi32, #tpu.memory_space<vmem>>, vector<16xi32>,
    %gather3A_167 = tpu.vector_load_idx %arg10[%get3A_164] : memref<10000xf32, #tpu.memory_space<vmem>>[vector<16xi32>], vector<16xf32>,
    %gather3A_168 = tpu.vector_load_idx %arg11[%get3A_166] : memref<10000xf32, #tpu.memory_space<vmem>>[vector<16xi32>], vector<16xf32>,
    %add3A_169 = arith.constant 48 : i32
    %add3A_170 = vector.broadcast %add3A_169 : i32 to vector<16xi32>
    %add3A_171 = arith.addi %iota3A, %add3A_170 : vector<16xi32>
    %gather3A_172 = tpu.vector_load_idx %arg15[%add3A_171, %broadcast_in_dim3A_3] : memref<80x144xf32, #tpu.memory_space<vmem>>[vector<16xi32>, vector<16xi32>], vector<16xf32>,
    %add3A_173 = arith.addf %gather3A_167, %gather3A_168 : vector<16xf32>
    %add3A_174 = arith.addf %add3A_173, %gather3A_172 : vector<16xf32>
    %ge3A_175 = arith.constant 0.000000e+00 : f32
    %ge3A_176 = vector.broadcast %ge3A_175 : f32 to vector<16xf32>
    %ge3A_177 = arith.cmpf oge, %add3A_174, %ge3A_176 : vector<16xf32>
    %mul3A_178 = arith.constant 0.00999999977 : f32
    %mul3A_179 = vector.broadcast %mul3A_178 : f32 to vector<16xf32>
    %mul3A_180 = arith.mulf %add3A_174, %mul3A_179 : vector<16xf32>
    %select_n3A_181 = arith.select %ge3A_177, %add3A_174, %mul3A_180 : vector<16xi1>, vector<16xf32>
    %exp3A_182 = math.exp %select_n3A_181 : vector<16xf32>
    %swap3A_183 = arith.constant 48 : index
    %swap3A_184 = tpu.vector_load %arg16[%swap3A_183] {strides = array<i32>} : memref<96xf32, #tpu.memory_space<vmem>>, vector<16xf32>,
    tpu.vector_store %arg16[%swap3A_183], %exp3A_182 {strides = array<i32>} : memref<96xf32, #tpu.memory_space<vmem>>, vector<16xf32>,
    %add3A_185 = arith.constant 48 : i32
    %add3A_186 = vector.broadcast %add3A_185 : i32 to vector<16xi32>
    %add3A_187 = arith.addi %iota3A, %add3A_186 : vector<16xi32>
    %and3A_188 = arith.constant 127 : i32
    %and3A_189 = vector.broadcast %and3A_188 : i32 to vector<16xi32>
    %and3A_190 = arith.andi %add3A_187, %and3A_189 : vector<16xi32>
    %add3A_191 = arith.constant 5120 : i32
    %add3A_192 = vector.broadcast %add3A_191 : i32 to vector<16xi32>
    %add3A_193 = arith.addi %add3A_192, %and3A_190 : vector<16xi32>
    %lt3A_194 = arith.constant 5120 : i32
    %lt3A_195 = vector.broadcast %lt3A_194 : i32 to vector<16xi32>
    %lt3A_196 = arith.cmpi slt, %get3A_166, %lt3A_195 : vector<16xi32>
    %select_n3A_197 = arith.select %lt3A_196, %get3A_166, %add3A_193 : vector<16xi1>, vector<16xi32>
    %swap3A_198 = arith.constant 48 : index
    %swap3A_199 = tpu.vector_load %arg23[%swap3A_198] {strides = array<i32>} : memref<80xi32, #tpu.memory_space<vmem>>, vector<16xi32>,
    tpu.vector_store %arg23[%swap3A_198], %select_n3A_197 {strides = array<i32>} : memref<80xi32, #tpu.memory_space<vmem>>, vector<16xi32>,
    %get3A_200 = arith.constant 64 : index
    %get3A_201 = tpu.vector_load %arg12[%get3A_200] {strides = array<i32>} : memref<80xi32, #tpu.memory_space<vmem>>, vector<16xi32>,
    %get3A_202 = arith.constant 64 : index
    %get3A_203 = tpu.vector_load %arg13[%get3A_202] {strides = array<i32>} : memref<80xi32, #tpu.memory_space<vmem>>, vector<16xi32>,
    %gather3A_204 = tpu.vector_load_idx %arg10[%get3A_201] : memref<10000xf32, #tpu.memory_space<vmem>>[vector<16xi32>], vector<16xf32>,
    %gather3A_205 = tpu.vector_load_idx %arg11[%get3A_203] : memref<10000xf32, #tpu.memory_space<vmem>>[vector<16xi32>], vector<16xf32>,
    %add3A_206 = arith.constant 64 : i32
    %add3A_207 = vector.broadcast %add3A_206 : i32 to vector<16xi32>
    %add3A_208 = arith.addi %iota3A, %add3A_207 : vector<16xi32>
    %gather3A_209 = tpu.vector_load_idx %arg15[%add3A_208, %broadcast_in_dim3A_3] : memref<80x144xf32, #tpu.memory_space<vmem>>[vector<16xi32>, vector<16xi32>], vector<16xf32>,
    %add3A_210 = arith.addf %gather3A_204, %gather3A_205 : vector<16xf32>
    %add3A_211 = arith.addf %add3A_210, %gather3A_209 : vector<16xf32>
    %ge3A_212 = arith.constant 0.000000e+00 : f32
    %ge3A_213 = vector.broadcast %ge3A_212 : f32 to vector<16xf32>
    %ge3A_214 = arith.cmpf oge, %add3A_211, %ge3A_213 : vector<16xf32>
    %mul3A_215 = arith.constant 0.00999999977 : f32
    %mul3A_216 = vector.broadcast %mul3A_215 : f32 to vector<16xf32>
    %mul3A_217 = arith.mulf %add3A_211, %mul3A_216 : vector<16xf32>
    %select_n3A_218 = arith.select %ge3A_214, %add3A_211, %mul3A_217 : vector<16xi1>, vector<16xf32>
    %exp3A_219 = math.exp %select_n3A_218 : vector<16xf32>
    %swap3A_220 = arith.constant 64 : index
    %swap3A_221 = tpu.vector_load %arg16[%swap3A_220] {strides = array<i32>} : memref<96xf32, #tpu.memory_space<vmem>>, vector<16xf32>,
    tpu.vector_store %arg16[%swap3A_220], %exp3A_219 {strides = array<i32>} : memref<96xf32, #tpu.memory_space<vmem>>, vector<16xf32>,
    %add3A_222 = arith.constant 64 : i32
    %add3A_223 = vector.broadcast %add3A_222 : i32 to vector<16xi32>
    %add3A_224 = arith.addi %iota3A, %add3A_223 : vector<16xi32>
    %and3A_225 = arith.constant 127 : i32
    %and3A_226 = vector.broadcast %and3A_225 : i32 to vector<16xi32>
    %and3A_227 = arith.andi %add3A_224, %and3A_226 : vector<16xi32>
    %add3A_228 = arith.constant 5120 : i32
    %add3A_229 = vector.broadcast %add3A_228 : i32 to vector<16xi32>
    %add3A_230 = arith.addi %add3A_229, %and3A_227 : vector<16xi32>
    %lt3A_231 = arith.constant 5120 : i32
    %lt3A_232 = vector.broadcast %lt3A_231 : i32 to vector<16xi32>
    %lt3A_233 = arith.cmpi slt, %get3A_203, %lt3A_232 : vector<16xi32>
    %select_n3A_234 = arith.select %lt3A_233, %get3A_203, %add3A_230 : vector<16xi1>, vector<16xi32>
    %swap3A_235 = arith.constant 64 : index
    %swap3A_236 = tpu.vector_load %arg23[%swap3A_235] {strides = array<i32>} : memref<80xi32, #tpu.memory_space<vmem>>, vector<16xi32>,
    tpu.vector_store %arg23[%swap3A_235], %select_n3A_234 {strides = array<i32>} : memref<80xi32, #tpu.memory_space<vmem>>, vector<16xi32>,
    %dma_wait3A_237 = arith.constant 0 : i32
    %dma_wait3A_238 = arith.constant 0 : i32
    %dma_wait3A_239 = tpu.memref_slice %arg2[%dma_wait3A_237, %dma_wait3A_238] : memref<10000x144xf32, #tpu.memory_space<hbm>> -> memref<10000x144xf32, #tpu.memory_space<hbm>>
    tpu.wait_indirect_dma semaphore(%arg26 : memref<!tpu.dma_semaphore, #tpu.memory_space<semaphore_mem>>) src(%dma_wait3A_239 : memref<10000x144xf32, #tpu.memory_space<hbm>>) dst(%arg14 : memref<80x144xf32, #tpu.memory_space<vmem>>)
    %scan3A_240 = arith.constant 0 : i32
    %scan3A_241 = arith.constant 80 : i32
    %scan3A_242 = arith.addi %scan3A_240, %scan3A_241 : i32
    %scan3A_243 = arith.constant 1 : i32
    scf.for %scan3A_424 = %scan3A_240 to %scan3A_242 step %scan3A_243  : i32 {
      %mul3A_425 = arith.constant 1 : i32
      %mul3A_426 = arith.muli %scan3A_424, %mul3A_425 : i32
      %add3A_427 = arith.constant 0 : i32
      %add3A_428 = arith.addi %add3A_427, %mul3A_426 : i32
      %get3A_429 = arith.index_cast %add3A_428 : i32 to index
      %get3A_430 = tpu.vector_load %arg16[%get3A_429] {strides = array<i32>} : memref<96xf32, #tpu.memory_space<vmem>>, vector<16xf32>,
      %slice3A = vector.extract_strided_slice %get3A_430 {offsets = [0], sizes = [1], strides = [1]} : vector<16xf32> to vector<1xf32>
      %squeeze3A = vector.extract %slice3A[0] : f32 from vector<1xf32>
      %get3A_431 = arith.index_cast %add3A_428 : i32 to index
      %get3A_432 = arith.constant 0 : index
      %get3A_433 = tpu.vector_load %arg14[%get3A_431, %get3A_432] {strides = array<i32>} : memref<80x144xf32, #tpu.memory_space<vmem>>, vector<16xf32>,
      %get3A_434 = arith.index_cast %add3A_428 : i32 to index
      %get3A_435 = arith.constant 0 : index
      %get3A_436 = tpu.vector_load %arg15[%get3A_434, %get3A_435] {strides = array<i32>} : memref<80x144xf32, #tpu.memory_space<vmem>>, vector<16xf32>,
      %add3A_437 = arith.addf %get3A_433, %get3A_436 : vector<16xf32>
      %swap3A_438 = arith.index_cast %add3A_428 : i32 to index
      %swap3A_439 = arith.constant 0 : index
      %swap3A_440 = tpu.vector_load %arg22[%swap3A_438, %swap3A_439] {strides = array<i32>} : memref<80x128xf32, #tpu.memory_space<vmem>>, vector<16xf32>,
      tpu.vector_store %arg22[%swap3A_438, %swap3A_439], %add3A_437 {strides = array<i32>} : memref<80x128xf32, #tpu.memory_space<vmem>>, vector<16xf32>,
      %mul3A_441 = vector.broadcast %squeeze3A : f32 to vector<16xf32>
      %mul3A_442 = arith.mulf %get3A_433, %mul3A_441 : vector<16xf32>
      %swap3A_443 = arith.index_cast %add3A_428 : i32 to index
      %swap3A_444 = arith.constant 0 : index
      %swap3A_445 = tpu.vector_load %arg14[%swap3A_443, %swap3A_444] {strides = array<i32>} : memref<80x144xf32, #tpu.memory_space<vmem>>, vector<16xf32>,
      tpu.vector_store %arg14[%swap3A_443, %swap3A_444], %mul3A_442 {strides = array<i32>} : memref<80x144xf32, #tpu.memory_space<vmem>>, vector<16xf32>,
      %get3A_446 = arith.index_cast %add3A_428 : i32 to index
      %get3A_447 = arith.constant 16 : index
      %get3A_448 = tpu.vector_load %arg14[%get3A_446, %get3A_447] {strides = array<i32>} : memref<80x144xf32, #tpu.memory_space<vmem>>, vector<16xf32>,
      %get3A_449 = arith.index_cast %add3A_428 : i32 to index
      %get3A_450 = arith.constant 16 : index
      %get3A_451 = tpu.vector_load %arg15[%get3A_449, %get3A_450] {strides = array<i32>} : memref<80x144xf32, #tpu.memory_space<vmem>>, vector<16xf32>,
      %add3A_452 = arith.addf %get3A_448, %get3A_451 : vector<16xf32>
      %swap3A_453 = arith.index_cast %add3A_428 : i32 to index
      %swap3A_454 = arith.constant 16 : index
      %swap3A_455 = tpu.vector_load %arg22[%swap3A_453, %swap3A_454] {strides = array<i32>} : memref<80x128xf32, #tpu.memory_space<vmem>>, vector<16xf32>,
      tpu.vector_store %arg22[%swap3A_453, %swap3A_454], %add3A_452 {strides = array<i32>} : memref<80x128xf32, #tpu.memory_space<vmem>>, vector<16xf32>,
      %mul3A_456 = vector.broadcast %squeeze3A : f32 to vector<16xf32>
      %mul3A_457 = arith.mulf %get3A_448, %mul3A_456 : vector<16xf32>
      %swap3A_458 = arith.index_cast %add3A_428 : i32 to index
      %swap3A_459 = arith.constant 16 : index
      %swap3A_460 = tpu.vector_load %arg14[%swap3A_458, %swap3A_459] {strides = array<i32>} : memref<80x144xf32, #tpu.memory_space<vmem>>, vector<16xf32>,
      tpu.vector_store %arg14[%swap3A_458, %swap3A_459], %mul3A_457 {strides = array<i32>} : memref<80x144xf32, #tpu.memory_space<vmem>>, vector<16xf32>,
      %get3A_461 = arith.index_cast %add3A_428 : i32 to index
      %get3A_462 = arith.constant 32 : index
      %get3A_463 = tpu.vector_load %arg14[%get3A_461, %get3A_462] {strides = array<i32>} : memref<80x144xf32, #tpu.memory_space<vmem>>, vector<16xf32>,
      %get3A_464 = arith.index_cast %add3A_428 : i32 to index
      %get3A_465 = arith.constant 32 : index
      %get3A_466 = tpu.vector_load %arg15[%get3A_464, %get3A_465] {strides = array<i32>} : memref<80x144xf32, #tpu.memory_space<vmem>>, vector<16xf32>,
      %add3A_467 = arith.addf %get3A_463, %get3A_466 : vector<16xf32>
      %swap3A_468 = arith.index_cast %add3A_428 : i32 to index
      %swap3A_469 = arith.constant 32 : index
      %swap3A_470 = tpu.vector_load %arg22[%swap3A_468, %swap3A_469] {strides = array<i32>} : memref<80x128xf32, #tpu.memory_space<vmem>>, vector<16xf32>,
      tpu.vector_store %arg22[%swap3A_468, %swap3A_469], %add3A_467 {strides = array<i32>} : memref<80x128xf32, #tpu.memory_space<vmem>>, vector<16xf32>,
      %mul3A_471 = vector.broadcast %squeeze3A : f32 to vector<16xf32>
      %mul3A_472 = arith.mulf %get3A_463, %mul3A_471 : vector<16xf32>
      %swap3A_473 = arith.index_cast %add3A_428 : i32 to index
      %swap3A_474 = arith.constant 32 : index
      %swap3A_475 = tpu.vector_load %arg14[%swap3A_473, %swap3A_474] {strides = array<i32>} : memref<80x144xf32, #tpu.memory_space<vmem>>, vector<16xf32>,
      tpu.vector_store %arg14[%swap3A_473, %swap3A_474], %mul3A_472 {strides = array<i32>} : memref<80x144xf32, #tpu.memory_space<vmem>>, vector<16xf32>,
      %get3A_476 = arith.index_cast %add3A_428 : i32 to index
      %get3A_477 = arith.constant 48 : index
      %get3A_478 = tpu.vector_load %arg14[%get3A_476, %get3A_477] {strides = array<i32>} : memref<80x144xf32, #tpu.memory_space<vmem>>, vector<16xf32>,
      %get3A_479 = arith.index_cast %add3A_428 : i32 to index
      %get3A_480 = arith.constant 48 : index
      %get3A_481 = tpu.vector_load %arg15[%get3A_479, %get3A_480] {strides = array<i32>} : memref<80x144xf32, #tpu.memory_space<vmem>>, vector<16xf32>,
      %add3A_482 = arith.addf %get3A_478, %get3A_481 : vector<16xf32>
      %swap3A_483 = arith.index_cast %add3A_428 : i32 to index
      %swap3A_484 = arith.constant 48 : index
      %swap3A_485 = tpu.vector_load %arg22[%swap3A_483, %swap3A_484] {strides = array<i32>} : memref<80x128xf32, #tpu.memory_space<vmem>>, vector<16xf32>,
      tpu.vector_store %arg22[%swap3A_483, %swap3A_484], %add3A_482 {strides = array<i32>} : memref<80x128xf32, #tpu.memory_space<vmem>>, vector<16xf32>,
      %mul3A_486 = vector.broadcast %squeeze3A : f32 to vector<16xf32>
      %mul3A_487 = arith.mulf %get3A_478, %mul3A_486 : vector<16xf32>
      %swap3A_488 = arith.index_cast %add3A_428 : i32 to index
      %swap3A_489 = arith.constant 48 : index
      %swap3A_490 = tpu.vector_load %arg14[%swap3A_488, %swap3A_489] {strides = array<i32>} : memref<80x144xf32, #tpu.memory_space<vmem>>, vector<16xf32>,
      tpu.vector_store %arg14[%swap3A_488, %swap3A_489], %mul3A_487 {strides = array<i32>} : memref<80x144xf32, #tpu.memory_space<vmem>>, vector<16xf32>,
      %get3A_491 = arith.index_cast %add3A_428 : i32 to index
      %get3A_492 = arith.constant 64 : index
      %get3A_493 = tpu.vector_load %arg14[%get3A_491, %get3A_492] {strides = array<i32>} : memref<80x144xf32, #tpu.memory_space<vmem>>, vector<16xf32>,
      %get3A_494 = arith.index_cast %add3A_428 : i32 to index
      %get3A_495 = arith.constant 64 : index
      %get3A_496 = tpu.vector_load %arg15[%get3A_494, %get3A_495] {strides = array<i32>} : memref<80x144xf32, #tpu.memory_space<vmem>>, vector<16xf32>,
      %add3A_497 = arith.addf %get3A_493, %get3A_496 : vector<16xf32>
      %swap3A_498 = arith.index_cast %add3A_428 : i32 to index
      %swap3A_499 = arith.constant 64 : index
      %swap3A_500 = tpu.vector_load %arg22[%swap3A_498, %swap3A_499] {strides = array<i32>} : memref<80x128xf32, #tpu.memory_space<vmem>>, vector<16xf32>,
      tpu.vector_store %arg22[%swap3A_498, %swap3A_499], %add3A_497 {strides = array<i32>} : memref<80x128xf32, #tpu.memory_space<vmem>>, vector<16xf32>,
      %mul3A_501 = vector.broadcast %squeeze3A : f32 to vector<16xf32>
      %mul3A_502 = arith.mulf %get3A_493, %mul3A_501 : vector<16xf32>
      %swap3A_503 = arith.index_cast %add3A_428 : i32 to index
      %swap3A_504 = arith.constant 64 : index
      %swap3A_505 = tpu.vector_load %arg14[%swap3A_503, %swap3A_504] {strides = array<i32>} : memref<80x144xf32, #tpu.memory_space<vmem>>, vector<16xf32>,
      tpu.vector_store %arg14[%swap3A_503, %swap3A_504], %mul3A_502 {strides = array<i32>} : memref<80x144xf32, #tpu.memory_space<vmem>>, vector<16xf32>,
      %get3A_506 = arith.index_cast %add3A_428 : i32 to index
      %get3A_507 = arith.constant 80 : index
      %get3A_508 = tpu.vector_load %arg14[%get3A_506, %get3A_507] {strides = array<i32>} : memref<80x144xf32, #tpu.memory_space<vmem>>, vector<16xf32>,
      %get3A_509 = arith.index_cast %add3A_428 : i32 to index
      %get3A_510 = arith.constant 80 : index
      %get3A_511 = tpu.vector_load %arg15[%get3A_509, %get3A_510] {strides = array<i32>} : memref<80x144xf32, #tpu.memory_space<vmem>>, vector<16xf32>,
      %add3A_512 = arith.addf %get3A_508, %get3A_511 : vector<16xf32>
      %swap3A_513 = arith.index_cast %add3A_428 : i32 to index
      %swap3A_514 = arith.constant 80 : index
      %swap3A_515 = tpu.vector_load %arg22[%swap3A_513, %swap3A_514] {strides = array<i32>} : memref<80x128xf32, #tpu.memory_space<vmem>>, vector<16xf32>,
      tpu.vector_store %arg22[%swap3A_513, %swap3A_514], %add3A_512 {strides = array<i32>} : memref<80x128xf32, #tpu.memory_space<vmem>>, vector<16xf32>,
      %mul3A_516 = vector.broadcast %squeeze3A : f32 to vector<16xf32>
      %mul3A_517 = arith.mulf %get3A_508, %mul3A_516 : vector<16xf32>
      %swap3A_518 = arith.index_cast %add3A_428 : i32 to index
      %swap3A_519 = arith.constant 80 : index
      %swap3A_520 = tpu.vector_load %arg14[%swap3A_518, %swap3A_519] {strides = array<i32>} : memref<80x144xf32, #tpu.memory_space<vmem>>, vector<16xf32>,
      tpu.vector_store %arg14[%swap3A_518, %swap3A_519], %mul3A_517 {strides = array<i32>} : memref<80x144xf32, #tpu.memory_space<vmem>>, vector<16xf32>,
      %get3A_521 = arith.index_cast %add3A_428 : i32 to index
      %get3A_522 = arith.constant 96 : index
      %get3A_523 = tpu.vector_load %arg14[%get3A_521, %get3A_522] {strides = array<i32>} : memref<80x144xf32, #tpu.memory_space<vmem>>, vector<16xf32>,
      %get3A_524 = arith.index_cast %add3A_428 : i32 to index
      %get3A_525 = arith.constant 96 : index
      %get3A_526 = tpu.vector_load %arg15[%get3A_524, %get3A_525] {strides = array<i32>} : memref<80x144xf32, #tpu.memory_space<vmem>>, vector<16xf32>,
      %add3A_527 = arith.addf %get3A_523, %get3A_526 : vector<16xf32>
      %swap3A_528 = arith.index_cast %add3A_428 : i32 to index
      %swap3A_529 = arith.constant 96 : index
      %swap3A_530 = tpu.vector_load %arg22[%swap3A_528, %swap3A_529] {strides = array<i32>} : memref<80x128xf32, #tpu.memory_space<vmem>>, vector<16xf32>,
      tpu.vector_store %arg22[%swap3A_528, %swap3A_529], %add3A_527 {strides = array<i32>} : memref<80x128xf32, #tpu.memory_space<vmem>>, vector<16xf32>,
      %mul3A_531 = vector.broadcast %squeeze3A : f32 to vector<16xf32>
      %mul3A_532 = arith.mulf %get3A_523, %mul3A_531 : vector<16xf32>
      %swap3A_533 = arith.index_cast %add3A_428 : i32 to index
      %swap3A_534 = arith.constant 96 : index
      %swap3A_535 = tpu.vector_load %arg14[%swap3A_533, %swap3A_534] {strides = array<i32>} : memref<80x144xf32, #tpu.memory_space<vmem>>, vector<16xf32>,
      tpu.vector_store %arg14[%swap3A_533, %swap3A_534], %mul3A_532 {strides = array<i32>} : memref<80x144xf32, #tpu.memory_space<vmem>>, vector<16xf32>,
      %get3A_536 = arith.index_cast %add3A_428 : i32 to index
      %get3A_537 = arith.constant 112 : index
      %get3A_538 = tpu.vector_load %arg14[%get3A_536, %get3A_537] {strides = array<i32>} : memref<80x144xf32, #tpu.memory_space<vmem>>, vector<16xf32>,
      %get3A_539 = arith.index_cast %add3A_428 : i32 to index
      %get3A_540 = arith.constant 112 : index
      %get3A_541 = tpu.vector_load %arg15[%get3A_539, %get3A_540] {strides = array<i32>} : memref<80x144xf32, #tpu.memory_space<vmem>>, vector<16xf32>,
      %add3A_542 = arith.addf %get3A_538, %get3A_541 : vector<16xf32>
      %swap3A_543 = arith.index_cast %add3A_428 : i32 to index
      %swap3A_544 = arith.constant 112 : index
      %swap3A_545 = tpu.vector_load %arg22[%swap3A_543, %swap3A_544] {strides = array<i32>} : memref<80x128xf32, #tpu.memory_space<vmem>>, vector<16xf32>,
      tpu.vector_store %arg22[%swap3A_543, %swap3A_544], %add3A_542 {strides = array<i32>} : memref<80x128xf32, #tpu.memory_space<vmem>>, vector<16xf32>,
      %mul3A_546 = vector.broadcast %squeeze3A : f32 to vector<16xf32>
      %mul3A_547 = arith.mulf %get3A_538, %mul3A_546 : vector<16xf32>
      %swap3A_548 = arith.index_cast %add3A_428 : i32 to index
      %swap3A_549 = arith.constant 112 : index
      %swap3A_550 = tpu.vector_load %arg14[%swap3A_548, %swap3A_549] {strides = array<i32>} : memref<80x144xf32, #tpu.memory_space<vmem>>, vector<16xf32>,
      tpu.vector_store %arg14[%swap3A_548, %swap3A_549], %mul3A_547 {strides = array<i32>} : memref<80x144xf32, #tpu.memory_space<vmem>>, vector<16xf32>,
      %get3A_551 = arith.index_cast %add3A_428 : i32 to index
      %get3A_552 = arith.constant 128 : index
      %get3A_553 = tpu.vector_load %arg14[%get3A_551, %get3A_552] {strides = array<i32>} : memref<80x144xf32, #tpu.memory_space<vmem>>, vector<16xf32>,
      %mul3A_554 = vector.broadcast %squeeze3A : f32 to vector<16xf32>
      %mul3A_555 = arith.mulf %get3A_553, %mul3A_554 : vector<16xf32>
      %swap3A_556 = arith.index_cast %add3A_428 : i32 to index
      %swap3A_557 = arith.constant 128 : index
      %swap3A_558 = tpu.vector_load %arg14[%swap3A_556, %swap3A_557] {strides = array<i32>} : memref<80x144xf32, #tpu.memory_space<vmem>>, vector<16xf32>,
      tpu.vector_store %arg14[%swap3A_556, %swap3A_557], %mul3A_555 {strides = array<i32>} : memref<80x144xf32, #tpu.memory_space<vmem>>, vector<16xf32>,
    }
    %scan3A_244 = arith.constant 80 : i32
    "tpu.region"() ({
      %run_scoped3A_424 = tpu.sem_alloc : memref<!tpu.dma_semaphore, #tpu.memory_space<semaphore_mem>>
      %dma_start3A_425 = arith.constant 0 : i32
      %dma_start3A_426 = tpu.memref_slice %arg7[%add3A_55, %dma_start3A_425] : memref<320000x128xf32, #tpu.memory_space<hbm>> -> memref<80x128xf32, #tpu.memory_space<hbm>>
      %dma_start3A_427 = arith.constant 0 : i32
      %dma_start3A_428 = tpu.memref_slice %arg7[%add3A_55, %dma_start3A_427] : memref<320000x128xf32, #tpu.memory_space<hbm>> -> memref<80x128xf32, #tpu.memory_space<hbm>>
      tpu.enqueue_dma source(%arg22 : memref<80x128xf32, #tpu.memory_space<vmem>>) target(%dma_start3A_428 : memref<80x128xf32, #tpu.memory_space<hbm>>) target_semaphore(%run_scoped3A_424 : memref<!tpu.dma_semaphore, #tpu.memory_space<semaphore_mem>>)
      %dma_wait3A_429 = arith.constant 0 : i32
      %dma_wait3A_430 = tpu.memref_slice %arg7[%add3A_55, %dma_wait3A_429] : memref<320000x128xf32, #tpu.memory_space<hbm>> -> memref<80x128xf32, #tpu.memory_space<hbm>>
      %dma_wait3A_431 = arith.constant 0 : i32
      %dma_wait3A_432 = tpu.memref_slice %arg7[%add3A_55, %dma_wait3A_431] : memref<320000x128xf32, #tpu.memory_space<hbm>> -> memref<80x128xf32, #tpu.memory_space<hbm>>
      tpu.wait_dma2 semaphore(%run_scoped3A_424 : memref<!tpu.dma_semaphore, #tpu.memory_space<semaphore_mem>>) src(%arg22 : memref<80x128xf32, #tpu.memory_space<vmem>>) dst(%dma_wait3A_432 : memref<80x128xf32, #tpu.memory_space<hbm>>)
      tpu.yield
    }) : () -> ()
    "tpu.region"() ({
      %run_scoped3A_424 = tpu.sem_alloc : memref<!tpu.dma_semaphore, #tpu.memory_space<semaphore_mem>>
      %dma_start3A_425 = arith.constant 0 : i32
      %dma_start3A_426 = tpu.memref_slice %arg16[%dma_start3A_425] : memref<96xf32, #tpu.memory_space<vmem>> -> memref<80xf32, #tpu.memory_space<vmem>>
      %dma_start3A_427 = tpu.memref_slice %arg9[%add3A_55] : memref<320000xf32, #tpu.memory_space<hbm>> -> memref<80xf32, #tpu.memory_space<hbm>>
      %dma_start3A_428 = tpu.memref_slice %arg9[%add3A_55] : memref<320000xf32, #tpu.memory_space<hbm>> -> memref<80xf32, #tpu.memory_space<hbm>>
      %dma_start3A_429 = arith.constant 0 : i32
      %dma_start3A_430 = tpu.memref_slice %arg16[%dma_start3A_429] : memref<96xf32, #tpu.memory_space<vmem>> -> memref<80xf32, #tpu.memory_space<vmem>>
      tpu.enqueue_dma source(%dma_start3A_430 : memref<80xf32, #tpu.memory_space<vmem>>) target(%dma_start3A_428 : memref<80xf32, #tpu.memory_space<hbm>>) target_semaphore(%run_scoped3A_424 : memref<!tpu.dma_semaphore, #tpu.memory_space<semaphore_mem>>)
      %dma_wait3A_431 = arith.constant 0 : i32
      %dma_wait3A_432 = tpu.memref_slice %arg16[%dma_wait3A_431] : memref<96xf32, #tpu.memory_space<vmem>> -> memref<80xf32, #tpu.memory_space<vmem>>
      %dma_wait3A_433 = tpu.memref_slice %arg9[%add3A_55] : memref<320000xf32, #tpu.memory_space<hbm>> -> memref<80xf32, #tpu.memory_space<hbm>>
      %dma_wait3A_434 = tpu.memref_slice %arg9[%add3A_55] : memref<320000xf32, #tpu.memory_space<hbm>> -> memref<80xf32, #tpu.memory_space<hbm>>
      %dma_wait3A_435 = arith.constant 0 : i32
      %dma_wait3A_436 = tpu.memref_slice %arg16[%dma_wait3A_435] : memref<96xf32, #tpu.memory_space<vmem>> -> memref<80xf32, #tpu.memory_space<vmem>>
      tpu.wait_dma2 semaphore(%run_scoped3A_424 : memref<!tpu.dma_semaphore, #tpu.memory_space<semaphore_mem>>) src(%dma_wait3A_436 : memref<80xf32, #tpu.memory_space<vmem>>) dst(%dma_wait3A_434 : memref<80xf32, #tpu.memory_space<hbm>>)
      tpu.yield
    }) : () -> ()
    "tpu.region"() ({
      %run_scoped3A_424 = tpu.sem_alloc : memref<!tpu.dma_semaphore, #tpu.memory_space<semaphore_mem>>
      %dma_start3A_425 = arith.constant 0 : i32
      %dma_start3A_426 = arith.constant 0 : i32
      %dma_start3A_427 = tpu.memref_slice %arg25[%dma_start3A_425, %dma_start3A_426] : memref<5248x144xf32, #tpu.memory_space<vmem_shared>> -> memref<5248x144xf32, #tpu.memory_space<vmem_shared>>
      tpu.enqueue_indirect_dma source(%arg14 : memref<80x144xf32, #tpu.memory_space<vmem>>) target(%dma_start3A_427 : memref<5248x144xf32, #tpu.memory_space<vmem_shared>>) offsets(%arg23 : memref<80xi32, #tpu.memory_space<vmem>>) semaphore(%run_scoped3A_424 : memref<!tpu.dma_semaphore, #tpu.memory_space<semaphore_mem>>) {add = true}
      %dma_wait3A_428 = arith.constant 0 : i32
      %dma_wait3A_429 = arith.constant 0 : i32
      %dma_wait3A_430 = tpu.memref_slice %arg25[%dma_wait3A_428, %dma_wait3A_429] : memref<5248x144xf32, #tpu.memory_space<vmem_shared>> -> memref<5248x144xf32, #tpu.memory_space<vmem_shared>>
      tpu.wait_indirect_dma semaphore(%run_scoped3A_424 : memref<!tpu.dma_semaphore, #tpu.memory_space<semaphore_mem>>) src(%arg14 : memref<80x144xf32, #tpu.memory_space<vmem>>) dst(%dma_wait3A_430 : memref<5248x144xf32, #tpu.memory_space<vmem_shared>>)
      tpu.yield
    }) : () -> ()
    %barrier3A_245 = arith.constant 0 : index
    tpu.barrier barrier_id(%barrier3A_245)
    %mul3A_246 = arith.constant 328 : i32
    %mul3A_247 = arith.muli %arg1, %mul3A_246 : i32
    %mul3A_248 = arith.constant 328 : i32
    %mul3A_249 = arith.muli %arg1, %mul3A_248 : i32
    %run_scoped3A_250 = arith.constant 0 : i32
    "tpu.region"() ({
      %run_scoped3A_424 = tpu.sem_alloc : memref<!tpu.dma_semaphore, #tpu.memory_space<semaphore_mem>>
      %dma_start3A_425 = arith.constant 0 : i32
      %dma_start3A_426 = tpu.memref_slice %arg8[%arg0, %run_scoped3A_250, %mul3A_249, %dma_start3A_425] : memref<2x2x5248x144xf32, #tpu.memory_space<hbm>> -> memref<1x1x328x144xf32, #tpu.memory_space<hbm>>
      %dma_start3A_427 = tpu.memref_squeeze %dma_start3A_426 : memref<1x1x328x144xf32, #tpu.memory_space<hbm>> -> memref<328x144xf32, #tpu.memory_space<hbm>>
      %dma_start3A_428 = arith.constant 0 : i32
      %dma_start3A_429 = tpu.memref_slice %arg25[%mul3A_247, %dma_start3A_428] : memref<5248x144xf32, #tpu.memory_space<vmem_shared>> -> memref<328x144xf32, #tpu.memory_space<vmem_shared>>
      tpu.enqueue_dma source(%dma_start3A_429 : memref<328x144xf32, #tpu.memory_space<vmem_shared>>) target(%dma_start3A_427 : memref<328x144xf32, #tpu.memory_space<hbm>>) target_semaphore(%run_scoped3A_424 : memref<!tpu.dma_semaphore, #tpu.memory_space<semaphore_mem>>)
      %dma_wait3A_430 = arith.constant 0 : i32
      %dma_wait3A_431 = tpu.memref_slice %arg8[%arg0, %run_scoped3A_250, %mul3A_249, %dma_wait3A_430] : memref<2x2x5248x144xf32, #tpu.memory_space<hbm>> -> memref<1x1x328x144xf32, #tpu.memory_space<hbm>>
      %dma_wait3A_432 = tpu.memref_squeeze %dma_wait3A_431 : memref<1x1x328x144xf32, #tpu.memory_space<hbm>> -> memref<328x144xf32, #tpu.memory_space<hbm>>
      %dma_wait3A_433 = arith.constant 0 : i32
      %dma_wait3A_434 = tpu.memref_slice %arg25[%mul3A_247, %dma_wait3A_433] : memref<5248x144xf32, #tpu.memory_space<vmem_shared>> -> memref<328x144xf32, #tpu.memory_space<vmem_shared>>
      tpu.wait_dma2 semaphore(%run_scoped3A_424 : memref<!tpu.dma_semaphore, #tpu.memory_space<semaphore_mem>>) src(%dma_wait3A_434 : memref<328x144xf32, #tpu.memory_space<vmem_shared>>) dst(%dma_wait3A_432 : memref<328x144xf32, #tpu.memory_space<hbm>>)
      tpu.yield
    }) : () -> ()
    %scan3A_251 = arith.constant 0 : i32
    %scan3A_252 = arith.constant 80 : i32
    %scan3A_253 = arith.addi %scan3A_251, %scan3A_252 : i32
    %scan3A_254 = arith.constant 1 : i32
    scf.for %scan3A_424 = %scan3A_251 to %scan3A_253 step %scan3A_254  : i32 {
      %mul3A_425 = arith.constant 1 : i32
      %mul3A_426 = arith.muli %scan3A_424, %mul3A_425 : i32
      %add3A_427 = arith.constant 0 : i32
      %add3A_428 = arith.addi %add3A_427, %mul3A_426 : i32
      %broadcast_in_dim3A_429 = arith.constant 0.000000e+00 : f32
      %broadcast_in_dim3A_430 = vector.broadcast %broadcast_in_dim3A_429 : f32 to vector<16xf32>
      %swap3A_431 = arith.index_cast %add3A_428 : i32 to index
      %swap3A_432 = arith.constant 0 : index
      %swap3A_433 = tpu.vector_load %arg14[%swap3A_431, %swap3A_432] {strides = array<i32>} : memref<80x144xf32, #tpu.memory_space<vmem>>, vector<16xf32>,
      tpu.vector_store %arg14[%swap3A_431, %swap3A_432], %broadcast_in_dim3A_430 {strides = array<i32>} : memref<80x144xf32, #tpu.memory_space<vmem>>, vector<16xf32>,
      %broadcast_in_dim3A_434 = arith.constant 0.000000e+00 : f32
      %broadcast_in_dim3A_435 = vector.broadcast %broadcast_in_dim3A_434 : f32 to vector<16xf32>
      %swap3A_436 = arith.index_cast %add3A_428 : i32 to index
      %swap3A_437 = arith.constant 16 : index
      %swap3A_438 = tpu.vector_load %arg14[%swap3A_436, %swap3A_437] {strides = array<i32>} : memref<80x144xf32, #tpu.memory_space<vmem>>, vector<16xf32>,
      tpu.vector_store %arg14[%swap3A_436, %swap3A_437], %broadcast_in_dim3A_435 {strides = array<i32>} : memref<80x144xf32, #tpu.memory_space<vmem>>, vector<16xf32>,
      %broadcast_in_dim3A_439 = arith.constant 0.000000e+00 : f32
      %broadcast_in_dim3A_440 = vector.broadcast %broadcast_in_dim3A_439 : f32 to vector<16xf32>
      %swap3A_441 = arith.index_cast %add3A_428 : i32 to index
      %swap3A_442 = arith.constant 32 : index
      %swap3A_443 = tpu.vector_load %arg14[%swap3A_441, %swap3A_442] {strides = array<i32>} : memref<80x144xf32, #tpu.memory_space<vmem>>, vector<16xf32>,
      tpu.vector_store %arg14[%swap3A_441, %swap3A_442], %broadcast_in_dim3A_440 {strides = array<i32>} : memref<80x144xf32, #tpu.memory_space<vmem>>, vector<16xf32>,
      %broadcast_in_dim3A_444 = arith.constant 0.000000e+00 : f32
      %broadcast_in_dim3A_445 = vector.broadcast %broadcast_in_dim3A_444 : f32 to vector<16xf32>
      %swap3A_446 = arith.index_cast %add3A_428 : i32 to index
      %swap3A_447 = arith.constant 48 : index
      %swap3A_448 = tpu.vector_load %arg14[%swap3A_446, %swap3A_447] {strides = array<i32>} : memref<80x144xf32, #tpu.memory_space<vmem>>, vector<16xf32>,
      tpu.vector_store %arg14[%swap3A_446, %swap3A_447], %broadcast_in_dim3A_445 {strides = array<i32>} : memref<80x144xf32, #tpu.memory_space<vmem>>, vector<16xf32>,
      %broadcast_in_dim3A_449 = arith.constant 0.000000e+00 : f32
      %broadcast_in_dim3A_450 = vector.broadcast %broadcast_in_dim3A_449 : f32 to vector<16xf32>
      %swap3A_451 = arith.index_cast %add3A_428 : i32 to index
      %swap3A_452 = arith.constant 64 : index
      %swap3A_453 = tpu.vector_load %arg14[%swap3A_451, %swap3A_452] {strides = array<i32>} : memref<80x144xf32, #tpu.memory_space<vmem>>, vector<16xf32>,
      tpu.vector_store %arg14[%swap3A_451, %swap3A_452], %broadcast_in_dim3A_450 {strides = array<i32>} : memref<80x144xf32, #tpu.memory_space<vmem>>, vector<16xf32>,
      %broadcast_in_dim3A_454 = arith.constant 0.000000e+00 : f32
      %broadcast_in_dim3A_455 = vector.broadcast %broadcast_in_dim3A_454 : f32 to vector<16xf32>
      %swap3A_456 = arith.index_cast %add3A_428 : i32 to index
      %swap3A_457 = arith.constant 80 : index
      %swap3A_458 = tpu.vector_load %arg14[%swap3A_456, %swap3A_457] {strides = array<i32>} : memref<80x144xf32, #tpu.memory_space<vmem>>, vector<16xf32>,
      tpu.vector_store %arg14[%swap3A_456, %swap3A_457], %broadcast_in_dim3A_455 {strides = array<i32>} : memref<80x144xf32, #tpu.memory_space<vmem>>, vector<16xf32>,
      %broadcast_in_dim3A_459 = arith.constant 0.000000e+00 : f32
      %broadcast_in_dim3A_460 = vector.broadcast %broadcast_in_dim3A_459 : f32 to vector<16xf32>
      %swap3A_461 = arith.index_cast %add3A_428 : i32 to index
      %swap3A_462 = arith.constant 96 : index
      %swap3A_463 = tpu.vector_load %arg14[%swap3A_461, %swap3A_462] {strides = array<i32>} : memref<80x144xf32, #tpu.memory_space<vmem>>, vector<16xf32>,
      tpu.vector_store %arg14[%swap3A_461, %swap3A_462], %broadcast_in_dim3A_460 {strides = array<i32>} : memref<80x144xf32, #tpu.memory_space<vmem>>, vector<16xf32>,
      %broadcast_in_dim3A_464 = arith.constant 0.000000e+00 : f32
      %broadcast_in_dim3A_465 = vector.broadcast %broadcast_in_dim3A_464 : f32 to vector<16xf32>
      %swap3A_466 = arith.index_cast %add3A_428 : i32 to index
      %swap3A_467 = arith.constant 112 : index
      %swap3A_468 = tpu.vector_load %arg14[%swap3A_466, %swap3A_467] {strides = array<i32>} : memref<80x144xf32, #tpu.memory_space<vmem>>, vector<16xf32>,
      tpu.vector_store %arg14[%swap3A_466, %swap3A_467], %broadcast_in_dim3A_465 {strides = array<i32>} : memref<80x144xf32, #tpu.memory_space<vmem>>, vector<16xf32>,
      %broadcast_in_dim3A_469 = arith.constant 0.000000e+00 : f32
      %broadcast_in_dim3A_470 = vector.broadcast %broadcast_in_dim3A_469 : f32 to vector<16xf32>
      %swap3A_471 = arith.index_cast %add3A_428 : i32 to index
      %swap3A_472 = arith.constant 128 : index
      %swap3A_473 = tpu.vector_load %arg14[%swap3A_471, %swap3A_472] {strides = array<i32>} : memref<80x144xf32, #tpu.memory_space<vmem>>, vector<16xf32>,
      tpu.vector_store %arg14[%swap3A_471, %swap3A_472], %broadcast_in_dim3A_470 {strides = array<i32>} : memref<80x144xf32, #tpu.memory_space<vmem>>, vector<16xf32>,
    }
    %scan3A_255 = arith.constant 80 : i32
    %scan3A_256 = arith.constant 0 : i32
    %scan3A_257 = arith.constant 4 : i32
    %scan3A_258 = arith.addi %scan3A_256, %scan3A_257 : i32
    %scan3A_259 = arith.constant 1 : i32
    scf.for %scan3A_424 = %scan3A_256 to %scan3A_258 step %scan3A_259  : i32 {
      %mul3A_425 = arith.constant 80 : i32
      %mul3A_426 = arith.muli %scan3A_424, %mul3A_425 : i32
      %add3A_427 = arith.constant 0 : i32
      %add3A_428 = arith.addi %add3A_427, %mul3A_426 : i32
      %mul3A_429 = arith.constant 328 : i32
      %mul3A_430 = arith.muli %arg1, %mul3A_429 : i32
      %add3A_431 = arith.addi %mul3A_430, %add3A_428 : i32
      "tpu.region"() ({
        %run_scoped3A_432 = tpu.sem_alloc : memref<!tpu.dma_semaphore, #tpu.memory_space<semaphore_mem>>
        %dma_start3A_433 = arith.constant 0 : i32
        %dma_start3A_434 = tpu.memref_slice %arg25[%add3A_431, %dma_start3A_433] : memref<5248x144xf32, #tpu.memory_space<vmem_shared>> -> memref<80x144xf32, #tpu.memory_space<vmem_shared>>
        %dma_start3A_435 = arith.constant 0 : i32
        %dma_start3A_436 = tpu.memref_slice %arg25[%add3A_431, %dma_start3A_435] : memref<5248x144xf32, #tpu.memory_space<vmem_shared>> -> memref<80x144xf32, #tpu.memory_space<vmem_shared>>
        tpu.enqueue_dma source(%arg14 : memref<80x144xf32, #tpu.memory_space<vmem>>) target(%dma_start3A_436 : memref<80x144xf32, #tpu.memory_space<vmem_shared>>) target_semaphore(%run_scoped3A_432 : memref<!tpu.dma_semaphore, #tpu.memory_space<semaphore_mem>>)
        %dma_wait3A_437 = arith.constant 0 : i32
        %dma_wait3A_438 = tpu.memref_slice %arg25[%add3A_431, %dma_wait3A_437] : memref<5248x144xf32, #tpu.memory_space<vmem_shared>> -> memref<80x144xf32, #tpu.memory_space<vmem_shared>>
        %dma_wait3A_439 = arith.constant 0 : i32
        %dma_wait3A_440 = tpu.memref_slice %arg25[%add3A_431, %dma_wait3A_439] : memref<5248x144xf32, #tpu.memory_space<vmem_shared>> -> memref<80x144xf32, #tpu.memory_space<vmem_shared>>
        tpu.wait_dma2 semaphore(%run_scoped3A_432 : memref<!tpu.dma_semaphore, #tpu.memory_space<semaphore_mem>>) src(%arg14 : memref<80x144xf32, #tpu.memory_space<vmem>>) dst(%dma_wait3A_440 : memref<80x144xf32, #tpu.memory_space<vmem_shared>>)
        tpu.yield
      }) : () -> ()
    }
    %scan3A_260 = arith.constant 4 : i32
    %mul3A_261 = arith.constant 328 : i32
    %mul3A_262 = arith.muli %arg1, %mul3A_261 : i32
    %add3A_263 = arith.constant 328 : i32
    %add3A_264 = arith.addi %mul3A_262, %add3A_263 : i32
    %sub3A_265 = arith.constant 8 : i32
    %sub3A_266 = arith.subi %add3A_264, %sub3A_265 : i32
    "tpu.region"() ({
      %run_scoped3A_424 = tpu.sem_alloc : memref<!tpu.dma_semaphore, #tpu.memory_space<semaphore_mem>>
      %dma_start3A_425 = arith.constant 0 : i32
      %dma_start3A_426 = tpu.memref_slice %arg25[%sub3A_266, %dma_start3A_425] : memref<5248x144xf32, #tpu.memory_space<vmem_shared>> -> memref<8x144xf32, #tpu.memory_space<vmem_shared>>
      %dma_start3A_427 = arith.constant 0 : i32
      %dma_start3A_428 = tpu.memref_slice %arg25[%sub3A_266, %dma_start3A_427] : memref<5248x144xf32, #tpu.memory_space<vmem_shared>> -> memref<8x144xf32, #tpu.memory_space<vmem_shared>>
      tpu.enqueue_dma source(%arg24 : memref<8x144xf32, #tpu.memory_space<vmem>>) target(%dma_start3A_428 : memref<8x144xf32, #tpu.memory_space<vmem_shared>>) target_semaphore(%run_scoped3A_424 : memref<!tpu.dma_semaphore, #tpu.memory_space<semaphore_mem>>)
      %dma_wait3A_429 = arith.constant 0 : i32
      %dma_wait3A_430 = tpu.memref_slice %arg25[%sub3A_266, %dma_wait3A_429] : memref<5248x144xf32, #tpu.memory_space<vmem_shared>> -> memref<8x144xf32, #tpu.memory_space<vmem_shared>>
      %dma_wait3A_431 = arith.constant 0 : i32
      %dma_wait3A_432 = tpu.memref_slice %arg25[%sub3A_266, %dma_wait3A_431] : memref<5248x144xf32, #tpu.memory_space<vmem_shared>> -> memref<8x144xf32, #tpu.memory_space<vmem_shared>>
      tpu.wait_dma2 semaphore(%run_scoped3A_424 : memref<!tpu.dma_semaphore, #tpu.memory_space<semaphore_mem>>) src(%arg24 : memref<8x144xf32, #tpu.memory_space<vmem>>) dst(%dma_wait3A_432 : memref<8x144xf32, #tpu.memory_space<vmem_shared>>)
      tpu.yield
    }) : () -> ()
    %barrier3A_267 = arith.constant 0 : index
    tpu.barrier barrier_id(%barrier3A_267)
    %add3A_268 = arith.constant 0 : i32
    %add3A_269 = arith.addi %mul3A_2, %add3A_268 : i32
    %dma_start3A_270 = tpu.memref_slice %arg4[%add3A_269] : memref<320000xi32, #tpu.memory_space<hbm>> -> memref<80xi32, #tpu.memory_space<hbm>>
    %dma_start3A_271 = tpu.memref_slice %arg4[%add3A_269] : memref<320000xi32, #tpu.memory_space<hbm>> -> memref<80xi32, #tpu.memory_space<hbm>>
    tpu.enqueue_dma source(%dma_start3A_271 : memref<80xi32, #tpu.memory_space<hbm>>) target(%arg12 : memref<80xi32, #tpu.memory_space<vmem>>) target_semaphore(%arg26 : memref<!tpu.dma_semaphore, #tpu.memory_space<semaphore_mem>>)
    %dma_start3A_272 = tpu.memref_slice %arg5[%add3A_269] : memref<320000xi32, #tpu.memory_space<hbm>> -> memref<80xi32, #tpu.memory_space<hbm>>
    %dma_start3A_273 = tpu.memref_slice %arg5[%add3A_269] : memref<320000xi32, #tpu.memory_space<hbm>> -> memref<80xi32, #tpu.memory_space<hbm>>
    tpu.enqueue_dma source(%dma_start3A_273 : memref<80xi32, #tpu.memory_space<hbm>>) target(%arg13 : memref<80xi32, #tpu.memory_space<vmem>>) target_semaphore(%arg26 : memref<!tpu.dma_semaphore, #tpu.memory_space<semaphore_mem>>)
    %add3A_274 = arith.constant 0 : i32
    %add3A_275 = arith.addi %mul3A_2, %add3A_274 : i32
    %dma_wait3A_276 = tpu.memref_slice %arg4[%add3A_275] : memref<320000xi32, #tpu.memory_space<hbm>> -> memref<80xi32, #tpu.memory_space<hbm>>
    %dma_wait3A_277 = tpu.memref_slice %arg4[%add3A_275] : memref<320000xi32, #tpu.memory_space<hbm>> -> memref<80xi32, #tpu.memory_space<hbm>>
    tpu.wait_dma2 semaphore(%arg26 : memref<!tpu.dma_semaphore, #tpu.memory_space<semaphore_mem>>) src(%dma_wait3A_277 : memref<80xi32, #tpu.memory_space<hbm>>) dst(%arg12 : memref<80xi32, #tpu.memory_space<vmem>>)
    %dma_wait3A_278 = tpu.memref_slice %arg5[%add3A_275] : memref<320000xi32, #tpu.memory_space<hbm>> -> memref<80xi32, #tpu.memory_space<hbm>>
    %dma_wait3A_279 = tpu.memref_slice %arg5[%add3A_275] : memref<320000xi32, #tpu.memory_space<hbm>> -> memref<80xi32, #tpu.memory_space<hbm>>
    tpu.wait_dma2 semaphore(%arg26 : memref<!tpu.dma_semaphore, #tpu.memory_space<semaphore_mem>>) src(%dma_wait3A_279 : memref<80xi32, #tpu.memory_space<hbm>>) dst(%arg13 : memref<80xi32, #tpu.memory_space<vmem>>)
    %add3A_280 = arith.constant 0 : i32
    %add3A_281 = arith.addi %mul3A_2, %add3A_280 : i32
    %dma_start3A_282 = arith.constant 0 : i32
    %dma_start3A_283 = arith.constant 0 : i32
    %dma_start3A_284 = tpu.memref_slice %arg2[%dma_start3A_282, %dma_start3A_283] : memref<10000x144xf32, #tpu.memory_space<hbm>> -> memref<10000x144xf32, #tpu.memory_space<hbm>>
    tpu.enqueue_indirect_dma source(%dma_start3A_284 : memref<10000x144xf32, #tpu.memory_space<hbm>>) target(%arg14 : memref<80x144xf32, #tpu.memory_space<vmem>>) offsets(%arg12 : memref<80xi32, #tpu.memory_space<vmem>>) semaphore(%arg26 : memref<!tpu.dma_semaphore, #tpu.memory_space<semaphore_mem>>)
    %dma_start3A_285 = arith.constant 0 : i32
    %dma_start3A_286 = tpu.memref_slice %arg16[%dma_start3A_285] : memref<96xf32, #tpu.memory_space<vmem>> -> memref<80xf32, #tpu.memory_space<vmem>>
    %dma_start3A_287 = tpu.memref_slice %arg9[%add3A_281] : memref<320000xf32, #tpu.memory_space<hbm>> -> memref<80xf32, #tpu.memory_space<hbm>>
    %dma_start3A_288 = arith.constant 0 : i32
    %dma_start3A_289 = tpu.memref_slice %arg16[%dma_start3A_288] : memref<96xf32, #tpu.memory_space<vmem>> -> memref<80xf32, #tpu.memory_space<vmem>>
    %dma_start3A_290 = tpu.memref_slice %arg9[%add3A_281] : memref<320000xf32, #tpu.memory_space<hbm>> -> memref<80xf32, #tpu.memory_space<hbm>>
    tpu.enqueue_dma source(%dma_start3A_290 : memref<80xf32, #tpu.memory_space<hbm>>) target(%dma_start3A_289 : memref<80xf32, #tpu.memory_space<vmem>>) target_semaphore(%arg27 : memref<!tpu.dma_semaphore, #tpu.memory_space<semaphore_mem>>)
    %add3A_291 = arith.constant 80 : i32
    %add3A_292 = arith.addi %mul3A_2, %add3A_291 : i32
    %dma_start3A_293 = tpu.memref_slice %arg4[%add3A_292] : memref<320000xi32, #tpu.memory_space<hbm>> -> memref<80xi32, #tpu.memory_space<hbm>>
    %dma_start3A_294 = tpu.memref_slice %arg4[%add3A_292] : memref<320000xi32, #tpu.memory_space<hbm>> -> memref<80xi32, #tpu.memory_space<hbm>>
    tpu.enqueue_dma source(%dma_start3A_294 : memref<80xi32, #tpu.memory_space<hbm>>) target(%arg17 : memref<80xi32, #tpu.memory_space<vmem>>) target_semaphore(%arg28 : memref<!tpu.dma_semaphore, #tpu.memory_space<semaphore_mem>>)
    %dma_start3A_295 = tpu.memref_slice %arg5[%add3A_292] : memref<320000xi32, #tpu.memory_space<hbm>> -> memref<80xi32, #tpu.memory_space<hbm>>
    %dma_start3A_296 = tpu.memref_slice %arg5[%add3A_292] : memref<320000xi32, #tpu.memory_space<hbm>> -> memref<80xi32, #tpu.memory_space<hbm>>
    tpu.enqueue_dma source(%dma_start3A_296 : memref<80xi32, #tpu.memory_space<hbm>>) target(%arg18 : memref<80xi32, #tpu.memory_space<vmem>>) target_semaphore(%arg28 : memref<!tpu.dma_semaphore, #tpu.memory_space<semaphore_mem>>)
    %scan3A_297 = arith.constant 0 : i32
    %scan3A_298 = arith.constant 62 : i32
    %scan3A_299 = arith.addi %scan3A_297, %scan3A_298 : i32
    %scan3A_300 = arith.constant 1 : i32
    scf.for %scan3A_424 = %scan3A_297 to %scan3A_299 step %scan3A_300  : i32 {
      %mul3A_425 = arith.constant 160 : i32
      %mul3A_426 = arith.muli %scan3A_424, %mul3A_425 : i32
      %add3A_427 = arith.constant 0 : i32
      %add3A_428 = arith.addi %add3A_427, %mul3A_426 : i32
      %add3A_429 = arith.constant 80 : i32
      %add3A_430 = arith.addi %add3A_428, %add3A_429 : i32
      %add3A_431 = arith.addi %mul3A_2, %add3A_430 : i32
      %dma_wait3A_432 = tpu.memref_slice %arg4[%add3A_431] : memref<320000xi32, #tpu.memory_space<hbm>> -> memref<80xi32, #tpu.memory_space<hbm>>
      %dma_wait3A_433 = tpu.memref_slice %arg4[%add3A_431] : memref<320000xi32, #tpu.memory_space<hbm>> -> memref<80xi32, #tpu.memory_space<hbm>>
      tpu.wait_dma2 semaphore(%arg28 : memref<!tpu.dma_semaphore, #tpu.memory_space<semaphore_mem>>) src(%dma_wait3A_433 : memref<80xi32, #tpu.memory_space<hbm>>) dst(%arg17 : memref<80xi32, #tpu.memory_space<vmem>>)
      %dma_wait3A_434 = tpu.memref_slice %arg5[%add3A_431] : memref<320000xi32, #tpu.memory_space<hbm>> -> memref<80xi32, #tpu.memory_space<hbm>>
      %dma_wait3A_435 = tpu.memref_slice %arg5[%add3A_431] : memref<320000xi32, #tpu.memory_space<hbm>> -> memref<80xi32, #tpu.memory_space<hbm>>
      tpu.wait_dma2 semaphore(%arg28 : memref<!tpu.dma_semaphore, #tpu.memory_space<semaphore_mem>>) src(%dma_wait3A_435 : memref<80xi32, #tpu.memory_space<hbm>>) dst(%arg18 : memref<80xi32, #tpu.memory_space<vmem>>)
      %add3A_436 = arith.constant 80 : i32
      %add3A_437 = arith.addi %add3A_428, %add3A_436 : i32
      %add3A_438 = arith.addi %mul3A_2, %add3A_437 : i32
      %dma_start3A_439 = arith.constant 0 : i32
      %dma_start3A_440 = arith.constant 0 : i32
      %dma_start3A_441 = tpu.memref_slice %arg2[%dma_start3A_439, %dma_start3A_440] : memref<10000x144xf32, #tpu.memory_space<hbm>> -> memref<10000x144xf32, #tpu.memory_space<hbm>>
      tpu.enqueue_indirect_dma source(%dma_start3A_441 : memref<10000x144xf32, #tpu.memory_space<hbm>>) target(%arg19 : memref<80x144xf32, #tpu.memory_space<vmem>>) offsets(%arg17 : memref<80xi32, #tpu.memory_space<vmem>>) semaphore(%arg28 : memref<!tpu.dma_semaphore, #tpu.memory_space<semaphore_mem>>)
      %dma_start3A_442 = arith.constant 0 : i32
      %dma_start3A_443 = tpu.memref_slice %arg21[%dma_start3A_442] : memref<96xf32, #tpu.memory_space<vmem>> -> memref<80xf32, #tpu.memory_space<vmem>>
      %dma_start3A_444 = tpu.memref_slice %arg9[%add3A_438] : memref<320000xf32, #tpu.memory_space<hbm>> -> memref<80xf32, #tpu.memory_space<hbm>>
      %dma_start3A_445 = arith.constant 0 : i32
      %dma_start3A_446 = tpu.memref_slice %arg21[%dma_start3A_445] : memref<96xf32, #tpu.memory_space<vmem>> -> memref<80xf32, #tpu.memory_space<vmem>>
      %dma_start3A_447 = tpu.memref_slice %arg9[%add3A_438] : memref<320000xf32, #tpu.memory_space<hbm>> -> memref<80xf32, #tpu.memory_space<hbm>>
      tpu.enqueue_dma source(%dma_start3A_447 : memref<80xf32, #tpu.memory_space<hbm>>) target(%dma_start3A_446 : memref<80xf32, #tpu.memory_space<vmem>>) target_semaphore(%arg29 : memref<!tpu.dma_semaphore, #tpu.memory_space<semaphore_mem>>)
      %add3A_448 = arith.addi %mul3A_2, %add3A_428 : i32
      %dma_wait3A_449 = arith.constant 0 : i32
      %dma_wait3A_450 = tpu.memref_slice %arg16[%dma_wait3A_449] : memref<96xf32, #tpu.memory_space<vmem>> -> memref<80xf32, #tpu.memory_space<vmem>>
      %dma_wait3A_451 = tpu.memref_slice %arg9[%add3A_448] : memref<320000xf32, #tpu.memory_space<hbm>> -> memref<80xf32, #tpu.memory_space<hbm>>
      %dma_wait3A_452 = arith.constant 0 : i32
      %dma_wait3A_453 = tpu.memref_slice %arg16[%dma_wait3A_452] : memref<96xf32, #tpu.memory_space<vmem>> -> memref<80xf32, #tpu.memory_space<vmem>>
      %dma_wait3A_454 = tpu.memref_slice %arg9[%add3A_448] : memref<320000xf32, #tpu.memory_space<hbm>> -> memref<80xf32, #tpu.memory_space<hbm>>
      tpu.wait_dma2 semaphore(%arg27 : memref<!tpu.dma_semaphore, #tpu.memory_space<semaphore_mem>>) src(%dma_wait3A_454 : memref<80xf32, #tpu.memory_space<hbm>>) dst(%dma_wait3A_453 : memref<80xf32, #tpu.memory_space<vmem>>)
      %get3A_455 = arith.constant 0 : index
      %get3A_456 = tpu.vector_load %arg13[%get3A_455] {strides = array<i32>} : memref<80xi32, #tpu.memory_space<vmem>>, vector<16xi32>,
      %add3A_457 = arith.constant 0 : i32
      %add3A_458 = vector.broadcast %add3A_457 : i32 to vector<16xi32>
      %add3A_459 = arith.addi %iota3A, %add3A_458 : vector<16xi32>
      %and3A_460 = arith.constant 127 : i32
      %and3A_461 = vector.broadcast %and3A_460 : i32 to vector<16xi32>
      %and3A_462 = arith.andi %add3A_459, %and3A_461 : vector<16xi32>
      %add3A_463 = arith.constant 5120 : i32
      %add3A_464 = vector.broadcast %add3A_463 : i32 to vector<16xi32>
      %add3A_465 = arith.addi %add3A_464, %and3A_462 : vector<16xi32>
      %ge3A_466 = arith.constant 5120 : i32
      %ge3A_467 = vector.broadcast %ge3A_466 : i32 to vector<16xi32>
      %ge3A_468 = arith.cmpi sge, %get3A_456, %ge3A_467 : vector<16xi32>
      %sub3A_469 = arith.constant 5120 : i32
      %sub3A_470 = vector.broadcast %sub3A_469 : i32 to vector<16xi32>
      %sub3A_471 = arith.subi %get3A_456, %sub3A_470 : vector<16xi32>
      %select_n3A_472 = arith.select %ge3A_468, %sub3A_471, %add3A_465 : vector<16xi1>, vector<16xi32>
      %swap3A_473 = arith.constant 0 : index
      %swap3A_474 = tpu.vector_load %arg23[%swap3A_473] {strides = array<i32>} : memref<80xi32, #tpu.memory_space<vmem>>, vector<16xi32>,
      tpu.vector_store %arg23[%swap3A_473], %select_n3A_472 {strides = array<i32>} : memref<80xi32, #tpu.memory_space<vmem>>, vector<16xi32>,
      %get3A_475 = arith.constant 16 : index
      %get3A_476 = tpu.vector_load %arg13[%get3A_475] {strides = array<i32>} : memref<80xi32, #tpu.memory_space<vmem>>, vector<16xi32>,
      %add3A_477 = arith.constant 16 : i32
      %add3A_478 = vector.broadcast %add3A_477 : i32 to vector<16xi32>
      %add3A_479 = arith.addi %iota3A, %add3A_478 : vector<16xi32>
      %and3A_480 = arith.constant 127 : i32
      %and3A_481 = vector.broadcast %and3A_480 : i32 to vector<16xi32>
      %and3A_482 = arith.andi %add3A_479, %and3A_481 : vector<16xi32>
      %add3A_483 = arith.constant 5120 : i32
      %add3A_484 = vector.broadcast %add3A_483 : i32 to vector<16xi32>
      %add3A_485 = arith.addi %add3A_484, %and3A_482 : vector<16xi32>
      %ge3A_486 = arith.constant 5120 : i32
      %ge3A_487 = vector.broadcast %ge3A_486 : i32 to vector<16xi32>
      %ge3A_488 = arith.cmpi sge, %get3A_476, %ge3A_487 : vector<16xi32>
      %sub3A_489 = arith.constant 5120 : i32
      %sub3A_490 = vector.broadcast %sub3A_489 : i32 to vector<16xi32>
      %sub3A_491 = arith.subi %get3A_476, %sub3A_490 : vector<16xi32>
      %select_n3A_492 = arith.select %ge3A_488, %sub3A_491, %add3A_485 : vector<16xi1>, vector<16xi32>
      %swap3A_493 = arith.constant 16 : index
      %swap3A_494 = tpu.vector_load %arg23[%swap3A_493] {strides = array<i32>} : memref<80xi32, #tpu.memory_space<vmem>>, vector<16xi32>,
      tpu.vector_store %arg23[%swap3A_493], %select_n3A_492 {strides = array<i32>} : memref<80xi32, #tpu.memory_space<vmem>>, vector<16xi32>,
      %get3A_495 = arith.constant 32 : index
      %get3A_496 = tpu.vector_load %arg13[%get3A_495] {strides = array<i32>} : memref<80xi32, #tpu.memory_space<vmem>>, vector<16xi32>,
      %add3A_497 = arith.constant 32 : i32
      %add3A_498 = vector.broadcast %add3A_497 : i32 to vector<16xi32>
      %add3A_499 = arith.addi %iota3A, %add3A_498 : vector<16xi32>
      %and3A_500 = arith.constant 127 : i32
      %and3A_501 = vector.broadcast %and3A_500 : i32 to vector<16xi32>
      %and3A_502 = arith.andi %add3A_499, %and3A_501 : vector<16xi32>
      %add3A_503 = arith.constant 5120 : i32
      %add3A_504 = vector.broadcast %add3A_503 : i32 to vector<16xi32>
      %add3A_505 = arith.addi %add3A_504, %and3A_502 : vector<16xi32>
      %ge3A_506 = arith.constant 5120 : i32
      %ge3A_507 = vector.broadcast %ge3A_506 : i32 to vector<16xi32>
      %ge3A_508 = arith.cmpi sge, %get3A_496, %ge3A_507 : vector<16xi32>
      %sub3A_509 = arith.constant 5120 : i32
      %sub3A_510 = vector.broadcast %sub3A_509 : i32 to vector<16xi32>
      %sub3A_511 = arith.subi %get3A_496, %sub3A_510 : vector<16xi32>
      %select_n3A_512 = arith.select %ge3A_508, %sub3A_511, %add3A_505 : vector<16xi1>, vector<16xi32>
      %swap3A_513 = arith.constant 32 : index
      %swap3A_514 = tpu.vector_load %arg23[%swap3A_513] {strides = array<i32>} : memref<80xi32, #tpu.memory_space<vmem>>, vector<16xi32>,
      tpu.vector_store %arg23[%swap3A_513], %select_n3A_512 {strides = array<i32>} : memref<80xi32, #tpu.memory_space<vmem>>, vector<16xi32>,
      %get3A_515 = arith.constant 48 : index
      %get3A_516 = tpu.vector_load %arg13[%get3A_515] {strides = array<i32>} : memref<80xi32, #tpu.memory_space<vmem>>, vector<16xi32>,
      %add3A_517 = arith.constant 48 : i32
      %add3A_518 = vector.broadcast %add3A_517 : i32 to vector<16xi32>
      %add3A_519 = arith.addi %iota3A, %add3A_518 : vector<16xi32>
      %and3A_520 = arith.constant 127 : i32
      %and3A_521 = vector.broadcast %and3A_520 : i32 to vector<16xi32>
      %and3A_522 = arith.andi %add3A_519, %and3A_521 : vector<16xi32>
      %add3A_523 = arith.constant 5120 : i32
      %add3A_524 = vector.broadcast %add3A_523 : i32 to vector<16xi32>
      %add3A_525 = arith.addi %add3A_524, %and3A_522 : vector<16xi32>
      %ge3A_526 = arith.constant 5120 : i32
      %ge3A_527 = vector.broadcast %ge3A_526 : i32 to vector<16xi32>
      %ge3A_528 = arith.cmpi sge, %get3A_516, %ge3A_527 : vector<16xi32>
      %sub3A_529 = arith.constant 5120 : i32
      %sub3A_530 = vector.broadcast %sub3A_529 : i32 to vector<16xi32>
      %sub3A_531 = arith.subi %get3A_516, %sub3A_530 : vector<16xi32>
      %select_n3A_532 = arith.select %ge3A_528, %sub3A_531, %add3A_525 : vector<16xi1>, vector<16xi32>
      %swap3A_533 = arith.constant 48 : index
      %swap3A_534 = tpu.vector_load %arg23[%swap3A_533] {strides = array<i32>} : memref<80xi32, #tpu.memory_space<vmem>>, vector<16xi32>,
      tpu.vector_store %arg23[%swap3A_533], %select_n3A_532 {strides = array<i32>} : memref<80xi32, #tpu.memory_space<vmem>>, vector<16xi32>,
      %get3A_535 = arith.constant 64 : index
      %get3A_536 = tpu.vector_load %arg13[%get3A_535] {strides = array<i32>} : memref<80xi32, #tpu.memory_space<vmem>>, vector<16xi32>,
      %add3A_537 = arith.constant 64 : i32
      %add3A_538 = vector.broadcast %add3A_537 : i32 to vector<16xi32>
      %add3A_539 = arith.addi %iota3A, %add3A_538 : vector<16xi32>
      %and3A_540 = arith.constant 127 : i32
      %and3A_541 = vector.broadcast %and3A_540 : i32 to vector<16xi32>
      %and3A_542 = arith.andi %add3A_539, %and3A_541 : vector<16xi32>
      %add3A_543 = arith.constant 5120 : i32
      %add3A_544 = vector.broadcast %add3A_543 : i32 to vector<16xi32>
      %add3A_545 = arith.addi %add3A_544, %and3A_542 : vector<16xi32>
      %ge3A_546 = arith.constant 5120 : i32
      %ge3A_547 = vector.broadcast %ge3A_546 : i32 to vector<16xi32>
      %ge3A_548 = arith.cmpi sge, %get3A_536, %ge3A_547 : vector<16xi32>
      %sub3A_549 = arith.constant 5120 : i32
      %sub3A_550 = vector.broadcast %sub3A_549 : i32 to vector<16xi32>
      %sub3A_551 = arith.subi %get3A_536, %sub3A_550 : vector<16xi32>
      %select_n3A_552 = arith.select %ge3A_548, %sub3A_551, %add3A_545 : vector<16xi1>, vector<16xi32>
      %swap3A_553 = arith.constant 64 : index
      %swap3A_554 = tpu.vector_load %arg23[%swap3A_553] {strides = array<i32>} : memref<80xi32, #tpu.memory_space<vmem>>, vector<16xi32>,
      tpu.vector_store %arg23[%swap3A_553], %select_n3A_552 {strides = array<i32>} : memref<80xi32, #tpu.memory_space<vmem>>, vector<16xi32>,
      %dma_wait3A_555 = arith.constant 0 : i32
      %dma_wait3A_556 = arith.constant 0 : i32
      %dma_wait3A_557 = tpu.memref_slice %arg2[%dma_wait3A_555, %dma_wait3A_556] : memref<10000x144xf32, #tpu.memory_space<hbm>> -> memref<10000x144xf32, #tpu.memory_space<hbm>>
      tpu.wait_indirect_dma semaphore(%arg26 : memref<!tpu.dma_semaphore, #tpu.memory_space<semaphore_mem>>) src(%dma_wait3A_557 : memref<10000x144xf32, #tpu.memory_space<hbm>>) dst(%arg14 : memref<80x144xf32, #tpu.memory_space<vmem>>)
      %add3A_558 = arith.constant 160 : i32
      %add3A_559 = arith.addi %add3A_428, %add3A_558 : i32
      %add3A_560 = arith.addi %mul3A_2, %add3A_559 : i32
      %dma_start3A_561 = tpu.memref_slice %arg4[%add3A_560] : memref<320000xi32, #tpu.memory_space<hbm>> -> memref<80xi32, #tpu.memory_space<hbm>>
      %dma_start3A_562 = tpu.memref_slice %arg4[%add3A_560] : memref<320000xi32, #tpu.memory_space<hbm>> -> memref<80xi32, #tpu.memory_space<hbm>>
      tpu.enqueue_dma source(%dma_start3A_562 : memref<80xi32, #tpu.memory_space<hbm>>) target(%arg12 : memref<80xi32, #tpu.memory_space<vmem>>) target_semaphore(%arg26 : memref<!tpu.dma_semaphore, #tpu.memory_space<semaphore_mem>>)
      %dma_start3A_563 = tpu.memref_slice %arg5[%add3A_560] : memref<320000xi32, #tpu.memory_space<hbm>> -> memref<80xi32, #tpu.memory_space<hbm>>
      %dma_start3A_564 = tpu.memref_slice %arg5[%add3A_560] : memref<320000xi32, #tpu.memory_space<hbm>> -> memref<80xi32, #tpu.memory_space<hbm>>
      tpu.enqueue_dma source(%dma_start3A_564 : memref<80xi32, #tpu.memory_space<hbm>>) target(%arg13 : memref<80xi32, #tpu.memory_space<vmem>>) target_semaphore(%arg26 : memref<!tpu.dma_semaphore, #tpu.memory_space<semaphore_mem>>)
      %scan3A_565 = arith.constant 0 : i32
      %scan3A_566 = arith.constant 80 : i32
      %scan3A_567 = arith.addi %scan3A_565, %scan3A_566 : i32
      %scan3A_568 = arith.constant 1 : i32
      scf.for %scan3A_711 = %scan3A_565 to %scan3A_567 step %scan3A_568  : i32 {
        %mul3A_712 = arith.constant 1 : i32
        %mul3A_713 = arith.muli %scan3A_711, %mul3A_712 : i32
        %add3A_714 = arith.constant 0 : i32
        %add3A_715 = arith.addi %add3A_714, %mul3A_713 : i32
        %get3A_716 = arith.index_cast %add3A_715 : i32 to index
        %get3A_717 = tpu.vector_load %arg16[%get3A_716] {strides = array<i32>} : memref<96xf32, #tpu.memory_space<vmem>>, vector<16xf32>,
        %slice3A = vector.extract_strided_slice %get3A_717 {offsets = [0], sizes = [1], strides = [1]} : vector<16xf32> to vector<1xf32>
        %squeeze3A = vector.extract %slice3A[0] : f32 from vector<1xf32>
        %get3A_718 = arith.index_cast %add3A_715 : i32 to index
        %get3A_719 = arith.constant 0 : index
        %get3A_720 = tpu.vector_load %arg14[%get3A_718, %get3A_719] {strides = array<i32>} : memref<80x144xf32, #tpu.memory_space<vmem>>, vector<16xf32>,
        %mul3A_721 = vector.broadcast %squeeze3A : f32 to vector<16xf32>
        %mul3A_722 = arith.mulf %get3A_720, %mul3A_721 : vector<16xf32>
        %swap3A_723 = arith.index_cast %add3A_715 : i32 to index
        %swap3A_724 = arith.constant 0 : index
        %swap3A_725 = tpu.vector_load %arg14[%swap3A_723, %swap3A_724] {strides = array<i32>} : memref<80x144xf32, #tpu.memory_space<vmem>>, vector<16xf32>,
        tpu.vector_store %arg14[%swap3A_723, %swap3A_724], %mul3A_722 {strides = array<i32>} : memref<80x144xf32, #tpu.memory_space<vmem>>, vector<16xf32>,
        %get3A_726 = arith.index_cast %add3A_715 : i32 to index
        %get3A_727 = arith.constant 16 : index
        %get3A_728 = tpu.vector_load %arg14[%get3A_726, %get3A_727] {strides = array<i32>} : memref<80x144xf32, #tpu.memory_space<vmem>>, vector<16xf32>,
        %mul3A_729 = vector.broadcast %squeeze3A : f32 to vector<16xf32>
        %mul3A_730 = arith.mulf %get3A_728, %mul3A_729 : vector<16xf32>
        %swap3A_731 = arith.index_cast %add3A_715 : i32 to index
        %swap3A_732 = arith.constant 16 : index
        %swap3A_733 = tpu.vector_load %arg14[%swap3A_731, %swap3A_732] {strides = array<i32>} : memref<80x144xf32, #tpu.memory_space<vmem>>, vector<16xf32>,
        tpu.vector_store %arg14[%swap3A_731, %swap3A_732], %mul3A_730 {strides = array<i32>} : memref<80x144xf32, #tpu.memory_space<vmem>>, vector<16xf32>,
        %get3A_734 = arith.index_cast %add3A_715 : i32 to index
        %get3A_735 = arith.constant 32 : index
        %get3A_736 = tpu.vector_load %arg14[%get3A_734, %get3A_735] {strides = array<i32>} : memref<80x144xf32, #tpu.memory_space<vmem>>, vector<16xf32>,
        %mul3A_737 = vector.broadcast %squeeze3A : f32 to vector<16xf32>
        %mul3A_738 = arith.mulf %get3A_736, %mul3A_737 : vector<16xf32>
        %swap3A_739 = arith.index_cast %add3A_715 : i32 to index
        %swap3A_740 = arith.constant 32 : index
        %swap3A_741 = tpu.vector_load %arg14[%swap3A_739, %swap3A_740] {strides = array<i32>} : memref<80x144xf32, #tpu.memory_space<vmem>>, vector<16xf32>,
        tpu.vector_store %arg14[%swap3A_739, %swap3A_740], %mul3A_738 {strides = array<i32>} : memref<80x144xf32, #tpu.memory_space<vmem>>, vector<16xf32>,
        %get3A_742 = arith.index_cast %add3A_715 : i32 to index
        %get3A_743 = arith.constant 48 : index
        %get3A_744 = tpu.vector_load %arg14[%get3A_742, %get3A_743] {strides = array<i32>} : memref<80x144xf32, #tpu.memory_space<vmem>>, vector<16xf32>,
        %mul3A_745 = vector.broadcast %squeeze3A : f32 to vector<16xf32>
        %mul3A_746 = arith.mulf %get3A_744, %mul3A_745 : vector<16xf32>
        %swap3A_747 = arith.index_cast %add3A_715 : i32 to index
        %swap3A_748 = arith.constant 48 : index
        %swap3A_749 = tpu.vector_load %arg14[%swap3A_747, %swap3A_748] {strides = array<i32>} : memref<80x144xf32, #tpu.memory_space<vmem>>, vector<16xf32>,
        tpu.vector_store %arg14[%swap3A_747, %swap3A_748], %mul3A_746 {strides = array<i32>} : memref<80x144xf32, #tpu.memory_space<vmem>>, vector<16xf32>,
        %get3A_750 = arith.index_cast %add3A_715 : i32 to index
        %get3A_751 = arith.constant 64 : index
        %get3A_752 = tpu.vector_load %arg14[%get3A_750, %get3A_751] {strides = array<i32>} : memref<80x144xf32, #tpu.memory_space<vmem>>, vector<16xf32>,
        %mul3A_753 = vector.broadcast %squeeze3A : f32 to vector<16xf32>
        %mul3A_754 = arith.mulf %get3A_752, %mul3A_753 : vector<16xf32>
        %swap3A_755 = arith.index_cast %add3A_715 : i32 to index
        %swap3A_756 = arith.constant 64 : index
        %swap3A_757 = tpu.vector_load %arg14[%swap3A_755, %swap3A_756] {strides = array<i32>} : memref<80x144xf32, #tpu.memory_space<vmem>>, vector<16xf32>,
        tpu.vector_store %arg14[%swap3A_755, %swap3A_756], %mul3A_754 {strides = array<i32>} : memref<80x144xf32, #tpu.memory_space<vmem>>, vector<16xf32>,
        %get3A_758 = arith.index_cast %add3A_715 : i32 to index
        %get3A_759 = arith.constant 80 : index
        %get3A_760 = tpu.vector_load %arg14[%get3A_758, %get3A_759] {strides = array<i32>} : memref<80x144xf32, #tpu.memory_space<vmem>>, vector<16xf32>,
        %mul3A_761 = vector.broadcast %squeeze3A : f32 to vector<16xf32>
        %mul3A_762 = arith.mulf %get3A_760, %mul3A_761 : vector<16xf32>
        %swap3A_763 = arith.index_cast %add3A_715 : i32 to index
        %swap3A_764 = arith.constant 80 : index
        %swap3A_765 = tpu.vector_load %arg14[%swap3A_763, %swap3A_764] {strides = array<i32>} : memref<80x144xf32, #tpu.memory_space<vmem>>, vector<16xf32>,
        tpu.vector_store %arg14[%swap3A_763, %swap3A_764], %mul3A_762 {strides = array<i32>} : memref<80x144xf32, #tpu.memory_space<vmem>>, vector<16xf32>,
        %get3A_766 = arith.index_cast %add3A_715 : i32 to index
        %get3A_767 = arith.constant 96 : index
        %get3A_768 = tpu.vector_load %arg14[%get3A_766, %get3A_767] {strides = array<i32>} : memref<80x144xf32, #tpu.memory_space<vmem>>, vector<16xf32>,
        %mul3A_769 = vector.broadcast %squeeze3A : f32 to vector<16xf32>
        %mul3A_770 = arith.mulf %get3A_768, %mul3A_769 : vector<16xf32>
        %swap3A_771 = arith.index_cast %add3A_715 : i32 to index
        %swap3A_772 = arith.constant 96 : index
        %swap3A_773 = tpu.vector_load %arg14[%swap3A_771, %swap3A_772] {strides = array<i32>} : memref<80x144xf32, #tpu.memory_space<vmem>>, vector<16xf32>,
        tpu.vector_store %arg14[%swap3A_771, %swap3A_772], %mul3A_770 {strides = array<i32>} : memref<80x144xf32, #tpu.memory_space<vmem>>, vector<16xf32>,
        %get3A_774 = arith.index_cast %add3A_715 : i32 to index
        %get3A_775 = arith.constant 112 : index
        %get3A_776 = tpu.vector_load %arg14[%get3A_774, %get3A_775] {strides = array<i32>} : memref<80x144xf32, #tpu.memory_space<vmem>>, vector<16xf32>,
        %mul3A_777 = vector.broadcast %squeeze3A : f32 to vector<16xf32>
        %mul3A_778 = arith.mulf %get3A_776, %mul3A_777 : vector<16xf32>
        %swap3A_779 = arith.index_cast %add3A_715 : i32 to index
        %swap3A_780 = arith.constant 112 : index
        %swap3A_781 = tpu.vector_load %arg14[%swap3A_779, %swap3A_780] {strides = array<i32>} : memref<80x144xf32, #tpu.memory_space<vmem>>, vector<16xf32>,
        tpu.vector_store %arg14[%swap3A_779, %swap3A_780], %mul3A_778 {strides = array<i32>} : memref<80x144xf32, #tpu.memory_space<vmem>>, vector<16xf32>,
        %get3A_782 = arith.index_cast %add3A_715 : i32 to index
        %get3A_783 = arith.constant 128 : index
        %get3A_784 = tpu.vector_load %arg14[%get3A_782, %get3A_783] {strides = array<i32>} : memref<80x144xf32, #tpu.memory_space<vmem>>, vector<16xf32>,
        %mul3A_785 = vector.broadcast %squeeze3A : f32 to vector<16xf32>
        %mul3A_786 = arith.mulf %get3A_784, %mul3A_785 : vector<16xf32>
        %swap3A_787 = arith.index_cast %add3A_715 : i32 to index
        %swap3A_788 = arith.constant 128 : index
        %swap3A_789 = tpu.vector_load %arg14[%swap3A_787, %swap3A_788] {strides = array<i32>} : memref<80x144xf32, #tpu.memory_space<vmem>>, vector<16xf32>,
        tpu.vector_store %arg14[%swap3A_787, %swap3A_788], %mul3A_786 {strides = array<i32>} : memref<80x144xf32, #tpu.memory_space<vmem>>, vector<16xf32>,
      }
      %scan3A_569 = arith.constant 80 : i32
      "tpu.region"() ({
        %run_scoped3A_711 = tpu.sem_alloc : memref<!tpu.dma_semaphore, #tpu.memory_space<semaphore_mem>>
        %dma_start3A_712 = arith.constant 0 : i32
        %dma_start3A_713 = arith.constant 0 : i32
        %dma_start3A_714 = tpu.memref_slice %arg25[%dma_start3A_712, %dma_start3A_713] : memref<5248x144xf32, #tpu.memory_space<vmem_shared>> -> memref<5248x144xf32, #tpu.memory_space<vmem_shared>>
        tpu.enqueue_indirect_dma source(%arg14 : memref<80x144xf32, #tpu.memory_space<vmem>>) target(%dma_start3A_714 : memref<5248x144xf32, #tpu.memory_space<vmem_shared>>) offsets(%arg23 : memref<80xi32, #tpu.memory_space<vmem>>) semaphore(%run_scoped3A_711 : memref<!tpu.dma_semaphore, #tpu.memory_space<semaphore_mem>>) {add = true}
        %dma_wait3A_715 = arith.constant 0 : i32
        %dma_wait3A_716 = arith.constant 0 : i32
        %dma_wait3A_717 = tpu.memref_slice %arg25[%dma_wait3A_715, %dma_wait3A_716] : memref<5248x144xf32, #tpu.memory_space<vmem_shared>> -> memref<5248x144xf32, #tpu.memory_space<vmem_shared>>
        tpu.wait_indirect_dma semaphore(%run_scoped3A_711 : memref<!tpu.dma_semaphore, #tpu.memory_space<semaphore_mem>>) src(%arg14 : memref<80x144xf32, #tpu.memory_space<vmem>>) dst(%dma_wait3A_717 : memref<5248x144xf32, #tpu.memory_space<vmem_shared>>)
        tpu.yield
      }) : () -> ()
      %add3A_570 = arith.constant 160 : i32
      %add3A_571 = arith.addi %add3A_428, %add3A_570 : i32
      %add3A_572 = arith.addi %mul3A_2, %add3A_571 : i32
      %dma_wait3A_573 = tpu.memref_slice %arg4[%add3A_572] : memref<320000xi32, #tpu.memory_space<hbm>> -> memref<80xi32, #tpu.memory_space<hbm>>
      %dma_wait3A_574 = tpu.memref_slice %arg4[%add3A_572] : memref<320000xi32, #tpu.memory_space<hbm>> -> memref<80xi32, #tpu.memory_space<hbm>>
      tpu.wait_dma2 semaphore(%arg26 : memref<!tpu.dma_semaphore, #tpu.memory_space<semaphore_mem>>) src(%dma_wait3A_574 : memref<80xi32, #tpu.memory_space<hbm>>) dst(%arg12 : memref<80xi32, #tpu.memory_space<vmem>>)
      %dma_wait3A_575 = tpu.memref_slice %arg5[%add3A_572] : memref<320000xi32, #tpu.memory_space<hbm>> -> memref<80xi32, #tpu.memory_space<hbm>>
      %dma_wait3A_576 = tpu.memref_slice %arg5[%add3A_572] : memref<320000xi32, #tpu.memory_space<hbm>> -> memref<80xi32, #tpu.memory_space<hbm>>
      tpu.wait_dma2 semaphore(%arg26 : memref<!tpu.dma_semaphore, #tpu.memory_space<semaphore_mem>>) src(%dma_wait3A_576 : memref<80xi32, #tpu.memory_space<hbm>>) dst(%arg13 : memref<80xi32, #tpu.memory_space<vmem>>)
      %add3A_577 = arith.constant 160 : i32
      %add3A_578 = arith.addi %add3A_428, %add3A_577 : i32
      %add3A_579 = arith.addi %mul3A_2, %add3A_578 : i32
      %dma_start3A_580 = arith.constant 0 : i32
      %dma_start3A_581 = arith.constant 0 : i32
      %dma_start3A_582 = tpu.memref_slice %arg2[%dma_start3A_580, %dma_start3A_581] : memref<10000x144xf32, #tpu.memory_space<hbm>> -> memref<10000x144xf32, #tpu.memory_space<hbm>>
      tpu.enqueue_indirect_dma source(%dma_start3A_582 : memref<10000x144xf32, #tpu.memory_space<hbm>>) target(%arg14 : memref<80x144xf32, #tpu.memory_space<vmem>>) offsets(%arg12 : memref<80xi32, #tpu.memory_space<vmem>>) semaphore(%arg26 : memref<!tpu.dma_semaphore, #tpu.memory_space<semaphore_mem>>)
      %dma_start3A_583 = arith.constant 0 : i32
      %dma_start3A_584 = tpu.memref_slice %arg16[%dma_start3A_583] : memref<96xf32, #tpu.memory_space<vmem>> -> memref<80xf32, #tpu.memory_space<vmem>>
      %dma_start3A_585 = tpu.memref_slice %arg9[%add3A_579] : memref<320000xf32, #tpu.memory_space<hbm>> -> memref<80xf32, #tpu.memory_space<hbm>>
      %dma_start3A_586 = arith.constant 0 : i32
      %dma_start3A_587 = tpu.memref_slice %arg16[%dma_start3A_586] : memref<96xf32, #tpu.memory_space<vmem>> -> memref<80xf32, #tpu.memory_space<vmem>>
      %dma_start3A_588 = tpu.memref_slice %arg9[%add3A_579] : memref<320000xf32, #tpu.memory_space<hbm>> -> memref<80xf32, #tpu.memory_space<hbm>>
      tpu.enqueue_dma source(%dma_start3A_588 : memref<80xf32, #tpu.memory_space<hbm>>) target(%dma_start3A_587 : memref<80xf32, #tpu.memory_space<vmem>>) target_semaphore(%arg27 : memref<!tpu.dma_semaphore, #tpu.memory_space<semaphore_mem>>)
      %add3A_589 = arith.constant 80 : i32
      %add3A_590 = arith.addi %add3A_428, %add3A_589 : i32
      %add3A_591 = arith.addi %mul3A_2, %add3A_590 : i32
      %dma_wait3A_592 = arith.constant 0 : i32
      %dma_wait3A_593 = tpu.memref_slice %arg21[%dma_wait3A_592] : memref<96xf32, #tpu.memory_space<vmem>> -> memref<80xf32, #tpu.memory_space<vmem>>
      %dma_wait3A_594 = tpu.memref_slice %arg9[%add3A_591] : memref<320000xf32, #tpu.memory_space<hbm>> -> memref<80xf32, #tpu.memory_space<hbm>>
      %dma_wait3A_595 = arith.constant 0 : i32
      %dma_wait3A_596 = tpu.memref_slice %arg21[%dma_wait3A_595] : memref<96xf32, #tpu.memory_space<vmem>> -> memref<80xf32, #tpu.memory_space<vmem>>
      %dma_wait3A_597 = tpu.memref_slice %arg9[%add3A_591] : memref<320000xf32, #tpu.memory_space<hbm>> -> memref<80xf32, #tpu.memory_space<hbm>>
      tpu.wait_dma2 semaphore(%arg29 : memref<!tpu.dma_semaphore, #tpu.memory_space<semaphore_mem>>) src(%dma_wait3A_597 : memref<80xf32, #tpu.memory_space<hbm>>) dst(%dma_wait3A_596 : memref<80xf32, #tpu.memory_space<vmem>>)
      %get3A_598 = arith.constant 0 : index
      %get3A_599 = tpu.vector_load %arg18[%get3A_598] {strides = array<i32>} : memref<80xi32, #tpu.memory_space<vmem>>, vector<16xi32>,
      %add3A_600 = arith.constant 0 : i32
      %add3A_601 = vector.broadcast %add3A_600 : i32 to vector<16xi32>
      %add3A_602 = arith.addi %iota3A, %add3A_601 : vector<16xi32>
      %and3A_603 = arith.constant 127 : i32
      %and3A_604 = vector.broadcast %and3A_603 : i32 to vector<16xi32>
      %and3A_605 = arith.andi %add3A_602, %and3A_604 : vector<16xi32>
      %add3A_606 = arith.constant 5120 : i32
      %add3A_607 = vector.broadcast %add3A_606 : i32 to vector<16xi32>
      %add3A_608 = arith.addi %add3A_607, %and3A_605 : vector<16xi32>
      %ge3A_609 = arith.constant 5120 : i32
      %ge3A_610 = vector.broadcast %ge3A_609 : i32 to vector<16xi32>
      %ge3A_611 = arith.cmpi sge, %get3A_599, %ge3A_610 : vector<16xi32>
      %sub3A_612 = arith.constant 5120 : i32
      %sub3A_613 = vector.broadcast %sub3A_612 : i32 to vector<16xi32>
      %sub3A_614 = arith.subi %get3A_599, %sub3A_613 : vector<16xi32>
      %select_n3A_615 = arith.select %ge3A_611, %sub3A_614, %add3A_608 : vector<16xi1>, vector<16xi32>
      %swap3A_616 = arith.constant 0 : index
      %swap3A_617 = tpu.vector_load %arg23[%swap3A_616] {strides = array<i32>} : memref<80xi32, #tpu.memory_space<vmem>>, vector<16xi32>,
      tpu.vector_store %arg23[%swap3A_616], %select_n3A_615 {strides = array<i32>} : memref<80xi32, #tpu.memory_space<vmem>>, vector<16xi32>,
      %get3A_618 = arith.constant 16 : index
      %get3A_619 = tpu.vector_load %arg18[%get3A_618] {strides = array<i32>} : memref<80xi32, #tpu.memory_space<vmem>>, vector<16xi32>,
      %add3A_620 = arith.constant 16 : i32
      %add3A_621 = vector.broadcast %add3A_620 : i32 to vector<16xi32>
      %add3A_622 = arith.addi %iota3A, %add3A_621 : vector<16xi32>
      %and3A_623 = arith.constant 127 : i32
      %and3A_624 = vector.broadcast %and3A_623 : i32 to vector<16xi32>
      %and3A_625 = arith.andi %add3A_622, %and3A_624 : vector<16xi32>
      %add3A_626 = arith.constant 5120 : i32
      %add3A_627 = vector.broadcast %add3A_626 : i32 to vector<16xi32>
      %add3A_628 = arith.addi %add3A_627, %and3A_625 : vector<16xi32>
      %ge3A_629 = arith.constant 5120 : i32
      %ge3A_630 = vector.broadcast %ge3A_629 : i32 to vector<16xi32>
      %ge3A_631 = arith.cmpi sge, %get3A_619, %ge3A_630 : vector<16xi32>
      %sub3A_632 = arith.constant 5120 : i32
      %sub3A_633 = vector.broadcast %sub3A_632 : i32 to vector<16xi32>
      %sub3A_634 = arith.subi %get3A_619, %sub3A_633 : vector<16xi32>
      %select_n3A_635 = arith.select %ge3A_631, %sub3A_634, %add3A_628 : vector<16xi1>, vector<16xi32>
      %swap3A_636 = arith.constant 16 : index
      %swap3A_637 = tpu.vector_load %arg23[%swap3A_636] {strides = array<i32>} : memref<80xi32, #tpu.memory_space<vmem>>, vector<16xi32>,
      tpu.vector_store %arg23[%swap3A_636], %select_n3A_635 {strides = array<i32>} : memref<80xi32, #tpu.memory_space<vmem>>, vector<16xi32>,
      %get3A_638 = arith.constant 32 : index
      %get3A_639 = tpu.vector_load %arg18[%get3A_638] {strides = array<i32>} : memref<80xi32, #tpu.memory_space<vmem>>, vector<16xi32>,
      %add3A_640 = arith.constant 32 : i32
      %add3A_641 = vector.broadcast %add3A_640 : i32 to vector<16xi32>
      %add3A_642 = arith.addi %iota3A, %add3A_641 : vector<16xi32>
      %and3A_643 = arith.constant 127 : i32
      %and3A_644 = vector.broadcast %and3A_643 : i32 to vector<16xi32>
      %and3A_645 = arith.andi %add3A_642, %and3A_644 : vector<16xi32>
      %add3A_646 = arith.constant 5120 : i32
      %add3A_647 = vector.broadcast %add3A_646 : i32 to vector<16xi32>
      %add3A_648 = arith.addi %add3A_647, %and3A_645 : vector<16xi32>
      %ge3A_649 = arith.constant 5120 : i32
      %ge3A_650 = vector.broadcast %ge3A_649 : i32 to vector<16xi32>
      %ge3A_651 = arith.cmpi sge, %get3A_639, %ge3A_650 : vector<16xi32>
      %sub3A_652 = arith.constant 5120 : i32
      %sub3A_653 = vector.broadcast %sub3A_652 : i32 to vector<16xi32>
      %sub3A_654 = arith.subi %get3A_639, %sub3A_653 : vector<16xi32>
      %select_n3A_655 = arith.select %ge3A_651, %sub3A_654, %add3A_648 : vector<16xi1>, vector<16xi32>
      %swap3A_656 = arith.constant 32 : index
      %swap3A_657 = tpu.vector_load %arg23[%swap3A_656] {strides = array<i32>} : memref<80xi32, #tpu.memory_space<vmem>>, vector<16xi32>,
      tpu.vector_store %arg23[%swap3A_656], %select_n3A_655 {strides = array<i32>} : memref<80xi32, #tpu.memory_space<vmem>>, vector<16xi32>,
      %get3A_658 = arith.constant 48 : index
      %get3A_659 = tpu.vector_load %arg18[%get3A_658] {strides = array<i32>} : memref<80xi32, #tpu.memory_space<vmem>>, vector<16xi32>,
      %add3A_660 = arith.constant 48 : i32
      %add3A_661 = vector.broadcast %add3A_660 : i32 to vector<16xi32>
      %add3A_662 = arith.addi %iota3A, %add3A_661 : vector<16xi32>
      %and3A_663 = arith.constant 127 : i32
      %and3A_664 = vector.broadcast %and3A_663 : i32 to vector<16xi32>
      %and3A_665 = arith.andi %add3A_662, %and3A_664 : vector<16xi32>
      %add3A_666 = arith.constant 5120 : i32
      %add3A_667 = vector.broadcast %add3A_666 : i32 to vector<16xi32>
      %add3A_668 = arith.addi %add3A_667, %and3A_665 : vector<16xi32>
      %ge3A_669 = arith.constant 5120 : i32
      %ge3A_670 = vector.broadcast %ge3A_669 : i32 to vector<16xi32>
      %ge3A_671 = arith.cmpi sge, %get3A_659, %ge3A_670 : vector<16xi32>
      %sub3A_672 = arith.constant 5120 : i32
      %sub3A_673 = vector.broadcast %sub3A_672 : i32 to vector<16xi32>
      %sub3A_674 = arith.subi %get3A_659, %sub3A_673 : vector<16xi32>
      %select_n3A_675 = arith.select %ge3A_671, %sub3A_674, %add3A_668 : vector<16xi1>, vector<16xi32>
      %swap3A_676 = arith.constant 48 : index
      %swap3A_677 = tpu.vector_load %arg23[%swap3A_676] {strides = array<i32>} : memref<80xi32, #tpu.memory_space<vmem>>, vector<16xi32>,
      tpu.vector_store %arg23[%swap3A_676], %select_n3A_675 {strides = array<i32>} : memref<80xi32, #tpu.memory_space<vmem>>, vector<16xi32>,
      %get3A_678 = arith.constant 64 : index
      %get3A_679 = tpu.vector_load %arg18[%get3A_678] {strides = array<i32>} : memref<80xi32, #tpu.memory_space<vmem>>, vector<16xi32>,
      %add3A_680 = arith.constant 64 : i32
      %add3A_681 = vector.broadcast %add3A_680 : i32 to vector<16xi32>
      %add3A_682 = arith.addi %iota3A, %add3A_681 : vector<16xi32>
      %and3A_683 = arith.constant 127 : i32
      %and3A_684 = vector.broadcast %and3A_683 : i32 to vector<16xi32>
      %and3A_685 = arith.andi %add3A_682, %and3A_684 : vector<16xi32>
      %add3A_686 = arith.constant 5120 : i32
      %add3A_687 = vector.broadcast %add3A_686 : i32 to vector<16xi32>
      %add3A_688 = arith.addi %add3A_687, %and3A_685 : vector<16xi32>
      %ge3A_689 = arith.constant 5120 : i32
      %ge3A_690 = vector.broadcast %ge3A_689 : i32 to vector<16xi32>
      %ge3A_691 = arith.cmpi sge, %get3A_679, %ge3A_690 : vector<16xi32>
      %sub3A_692 = arith.constant 5120 : i32
      %sub3A_693 = vector.broadcast %sub3A_692 : i32 to vector<16xi32>
      %sub3A_694 = arith.subi %get3A_679, %sub3A_693 : vector<16xi32>
      %select_n3A_695 = arith.select %ge3A_691, %sub3A_694, %add3A_688 : vector<16xi1>, vector<16xi32>
      %swap3A_696 = arith.constant 64 : index
      %swap3A_697 = tpu.vector_load %arg23[%swap3A_696] {strides = array<i32>} : memref<80xi32, #tpu.memory_space<vmem>>, vector<16xi32>,
      tpu.vector_store %arg23[%swap3A_696], %select_n3A_695 {strides = array<i32>} : memref<80xi32, #tpu.memory_space<vmem>>, vector<16xi32>,
      %dma_wait3A_698 = arith.constant 0 : i32
      %dma_wait3A_699 = arith.constant 0 : i32
      %dma_wait3A_700 = tpu.memref_slice %arg2[%dma_wait3A_698, %dma_wait3A_699] : memref<10000x144xf32, #tpu.memory_space<hbm>> -> memref<10000x144xf32, #tpu.memory_space<hbm>>
      tpu.wait_indirect_dma semaphore(%arg28 : memref<!tpu.dma_semaphore, #tpu.memory_space<semaphore_mem>>) src(%dma_wait3A_700 : memref<10000x144xf32, #tpu.memory_space<hbm>>) dst(%arg19 : memref<80x144xf32, #tpu.memory_space<vmem>>)
      %add3A_701 = arith.constant 240 : i32
      %add3A_702 = arith.addi %add3A_428, %add3A_701 : i32
      %lt3A_703 = arith.constant 10000 : i32
      %lt3A_704 = arith.cmpi slt, %add3A_702, %lt3A_703 : i32
      %convert_element_type3A = arith.extui %lt3A_704 : i1 to i32
      %cond3A = arith.constant 0 : i32
      %cond3A_705 = arith.cmpi ne, %convert_element_type3A, %cond3A : i32
      scf.if %cond3A_705 {
        %add3A_711 = arith.constant 240 : i32
        %add3A_712 = arith.addi %add3A_428, %add3A_711 : i32
        %add3A_713 = arith.addi %mul3A_2, %add3A_712 : i32
        %dma_start3A_714 = tpu.memref_slice %arg4[%add3A_713] : memref<320000xi32, #tpu.memory_space<hbm>> -> memref<80xi32, #tpu.memory_space<hbm>>
        %dma_start3A_715 = tpu.memref_slice %arg4[%add3A_713] : memref<320000xi32, #tpu.memory_space<hbm>> -> memref<80xi32, #tpu.memory_space<hbm>>
        tpu.enqueue_dma source(%dma_start3A_715 : memref<80xi32, #tpu.memory_space<hbm>>) target(%arg17 : memref<80xi32, #tpu.memory_space<vmem>>) target_semaphore(%arg28 : memref<!tpu.dma_semaphore, #tpu.memory_space<semaphore_mem>>)
        %dma_start3A_716 = tpu.memref_slice %arg5[%add3A_713] : memref<320000xi32, #tpu.memory_space<hbm>> -> memref<80xi32, #tpu.memory_space<hbm>>
        %dma_start3A_717 = tpu.memref_slice %arg5[%add3A_713] : memref<320000xi32, #tpu.memory_space<hbm>> -> memref<80xi32, #tpu.memory_space<hbm>>
        tpu.enqueue_dma source(%dma_start3A_717 : memref<80xi32, #tpu.memory_space<hbm>>) target(%arg18 : memref<80xi32, #tpu.memory_space<vmem>>) target_semaphore(%arg28 : memref<!tpu.dma_semaphore, #tpu.memory_space<semaphore_mem>>)
      } else {
      }
      %scan3A_706 = arith.constant 0 : i32
      %scan3A_707 = arith.constant 80 : i32
      %scan3A_708 = arith.addi %scan3A_706, %scan3A_707 : i32
      %scan3A_709 = arith.constant 1 : i32
      scf.for %scan3A_711 = %scan3A_706 to %scan3A_708 step %scan3A_709  : i32 {
        %mul3A_712 = arith.constant 1 : i32
        %mul3A_713 = arith.muli %scan3A_711, %mul3A_712 : i32
        %add3A_714 = arith.constant 0 : i32
        %add3A_715 = arith.addi %add3A_714, %mul3A_713 : i32
        %get3A_716 = arith.index_cast %add3A_715 : i32 to index
        %get3A_717 = tpu.vector_load %arg21[%get3A_716] {strides = array<i32>} : memref<96xf32, #tpu.memory_space<vmem>>, vector<16xf32>,
        %slice3A = vector.extract_strided_slice %get3A_717 {offsets = [0], sizes = [1], strides = [1]} : vector<16xf32> to vector<1xf32>
        %squeeze3A = vector.extract %slice3A[0] : f32 from vector<1xf32>
        %get3A_718 = arith.index_cast %add3A_715 : i32 to index
        %get3A_719 = arith.constant 0 : index
        %get3A_720 = tpu.vector_load %arg19[%get3A_718, %get3A_719] {strides = array<i32>} : memref<80x144xf32, #tpu.memory_space<vmem>>, vector<16xf32>,
        %mul3A_721 = vector.broadcast %squeeze3A : f32 to vector<16xf32>
        %mul3A_722 = arith.mulf %get3A_720, %mul3A_721 : vector<16xf32>
        %swap3A_723 = arith.index_cast %add3A_715 : i32 to index
        %swap3A_724 = arith.constant 0 : index
        %swap3A_725 = tpu.vector_load %arg19[%swap3A_723, %swap3A_724] {strides = array<i32>} : memref<80x144xf32, #tpu.memory_space<vmem>>, vector<16xf32>,
        tpu.vector_store %arg19[%swap3A_723, %swap3A_724], %mul3A_722 {strides = array<i32>} : memref<80x144xf32, #tpu.memory_space<vmem>>, vector<16xf32>,
        %get3A_726 = arith.index_cast %add3A_715 : i32 to index
        %get3A_727 = arith.constant 16 : index
        %get3A_728 = tpu.vector_load %arg19[%get3A_726, %get3A_727] {strides = array<i32>} : memref<80x144xf32, #tpu.memory_space<vmem>>, vector<16xf32>,
        %mul3A_729 = vector.broadcast %squeeze3A : f32 to vector<16xf32>
        %mul3A_730 = arith.mulf %get3A_728, %mul3A_729 : vector<16xf32>
        %swap3A_731 = arith.index_cast %add3A_715 : i32 to index
        %swap3A_732 = arith.constant 16 : index
        %swap3A_733 = tpu.vector_load %arg19[%swap3A_731, %swap3A_732] {strides = array<i32>} : memref<80x144xf32, #tpu.memory_space<vmem>>, vector<16xf32>,
        tpu.vector_store %arg19[%swap3A_731, %swap3A_732], %mul3A_730 {strides = array<i32>} : memref<80x144xf32, #tpu.memory_space<vmem>>, vector<16xf32>,
        %get3A_734 = arith.index_cast %add3A_715 : i32 to index
        %get3A_735 = arith.constant 32 : index
        %get3A_736 = tpu.vector_load %arg19[%get3A_734, %get3A_735] {strides = array<i32>} : memref<80x144xf32, #tpu.memory_space<vmem>>, vector<16xf32>,
        %mul3A_737 = vector.broadcast %squeeze3A : f32 to vector<16xf32>
        %mul3A_738 = arith.mulf %get3A_736, %mul3A_737 : vector<16xf32>
        %swap3A_739 = arith.index_cast %add3A_715 : i32 to index
        %swap3A_740 = arith.constant 32 : index
        %swap3A_741 = tpu.vector_load %arg19[%swap3A_739, %swap3A_740] {strides = array<i32>} : memref<80x144xf32, #tpu.memory_space<vmem>>, vector<16xf32>,
        tpu.vector_store %arg19[%swap3A_739, %swap3A_740], %mul3A_738 {strides = array<i32>} : memref<80x144xf32, #tpu.memory_space<vmem>>, vector<16xf32>,
        %get3A_742 = arith.index_cast %add3A_715 : i32 to index
        %get3A_743 = arith.constant 48 : index
        %get3A_744 = tpu.vector_load %arg19[%get3A_742, %get3A_743] {strides = array<i32>} : memref<80x144xf32, #tpu.memory_space<vmem>>, vector<16xf32>,
        %mul3A_745 = vector.broadcast %squeeze3A : f32 to vector<16xf32>
        %mul3A_746 = arith.mulf %get3A_744, %mul3A_745 : vector<16xf32>
        %swap3A_747 = arith.index_cast %add3A_715 : i32 to index
        %swap3A_748 = arith.constant 48 : index
        %swap3A_749 = tpu.vector_load %arg19[%swap3A_747, %swap3A_748] {strides = array<i32>} : memref<80x144xf32, #tpu.memory_space<vmem>>, vector<16xf32>,
        tpu.vector_store %arg19[%swap3A_747, %swap3A_748], %mul3A_746 {strides = array<i32>} : memref<80x144xf32, #tpu.memory_space<vmem>>, vector<16xf32>,
        %get3A_750 = arith.index_cast %add3A_715 : i32 to index
        %get3A_751 = arith.constant 64 : index
        %get3A_752 = tpu.vector_load %arg19[%get3A_750, %get3A_751] {strides = array<i32>} : memref<80x144xf32, #tpu.memory_space<vmem>>, vector<16xf32>,
        %mul3A_753 = vector.broadcast %squeeze3A : f32 to vector<16xf32>
        %mul3A_754 = arith.mulf %get3A_752, %mul3A_753 : vector<16xf32>
        %swap3A_755 = arith.index_cast %add3A_715 : i32 to index
        %swap3A_756 = arith.constant 64 : index
        %swap3A_757 = tpu.vector_load %arg19[%swap3A_755, %swap3A_756] {strides = array<i32>} : memref<80x144xf32, #tpu.memory_space<vmem>>, vector<16xf32>,
        tpu.vector_store %arg19[%swap3A_755, %swap3A_756], %mul3A_754 {strides = array<i32>} : memref<80x144xf32, #tpu.memory_space<vmem>>, vector<16xf32>,
        %get3A_758 = arith.index_cast %add3A_715 : i32 to index
        %get3A_759 = arith.constant 80 : index
        %get3A_760 = tpu.vector_load %arg19[%get3A_758, %get3A_759] {strides = array<i32>} : memref<80x144xf32, #tpu.memory_space<vmem>>, vector<16xf32>,
        %mul3A_761 = vector.broadcast %squeeze3A : f32 to vector<16xf32>
        %mul3A_762 = arith.mulf %get3A_760, %mul3A_761 : vector<16xf32>
        %swap3A_763 = arith.index_cast %add3A_715 : i32 to index
        %swap3A_764 = arith.constant 80 : index
        %swap3A_765 = tpu.vector_load %arg19[%swap3A_763, %swap3A_764] {strides = array<i32>} : memref<80x144xf32, #tpu.memory_space<vmem>>, vector<16xf32>,
        tpu.vector_store %arg19[%swap3A_763, %swap3A_764], %mul3A_762 {strides = array<i32>} : memref<80x144xf32, #tpu.memory_space<vmem>>, vector<16xf32>,
        %get3A_766 = arith.index_cast %add3A_715 : i32 to index
        %get3A_767 = arith.constant 96 : index
        %get3A_768 = tpu.vector_load %arg19[%get3A_766, %get3A_767] {strides = array<i32>} : memref<80x144xf32, #tpu.memory_space<vmem>>, vector<16xf32>,
        %mul3A_769 = vector.broadcast %squeeze3A : f32 to vector<16xf32>
        %mul3A_770 = arith.mulf %get3A_768, %mul3A_769 : vector<16xf32>
        %swap3A_771 = arith.index_cast %add3A_715 : i32 to index
        %swap3A_772 = arith.constant 96 : index
        %swap3A_773 = tpu.vector_load %arg19[%swap3A_771, %swap3A_772] {strides = array<i32>} : memref<80x144xf32, #tpu.memory_space<vmem>>, vector<16xf32>,
        tpu.vector_store %arg19[%swap3A_771, %swap3A_772], %mul3A_770 {strides = array<i32>} : memref<80x144xf32, #tpu.memory_space<vmem>>, vector<16xf32>,
        %get3A_774 = arith.index_cast %add3A_715 : i32 to index
        %get3A_775 = arith.constant 112 : index
        %get3A_776 = tpu.vector_load %arg19[%get3A_774, %get3A_775] {strides = array<i32>} : memref<80x144xf32, #tpu.memory_space<vmem>>, vector<16xf32>,
        %mul3A_777 = vector.broadcast %squeeze3A : f32 to vector<16xf32>
        %mul3A_778 = arith.mulf %get3A_776, %mul3A_777 : vector<16xf32>
        %swap3A_779 = arith.index_cast %add3A_715 : i32 to index
        %swap3A_780 = arith.constant 112 : index
        %swap3A_781 = tpu.vector_load %arg19[%swap3A_779, %swap3A_780] {strides = array<i32>} : memref<80x144xf32, #tpu.memory_space<vmem>>, vector<16xf32>,
        tpu.vector_store %arg19[%swap3A_779, %swap3A_780], %mul3A_778 {strides = array<i32>} : memref<80x144xf32, #tpu.memory_space<vmem>>, vector<16xf32>,
        %get3A_782 = arith.index_cast %add3A_715 : i32 to index
        %get3A_783 = arith.constant 128 : index
        %get3A_784 = tpu.vector_load %arg19[%get3A_782, %get3A_783] {strides = array<i32>} : memref<80x144xf32, #tpu.memory_space<vmem>>, vector<16xf32>,
        %mul3A_785 = vector.broadcast %squeeze3A : f32 to vector<16xf32>
        %mul3A_786 = arith.mulf %get3A_784, %mul3A_785 : vector<16xf32>
        %swap3A_787 = arith.index_cast %add3A_715 : i32 to index
        %swap3A_788 = arith.constant 128 : index
        %swap3A_789 = tpu.vector_load %arg19[%swap3A_787, %swap3A_788] {strides = array<i32>} : memref<80x144xf32, #tpu.memory_space<vmem>>, vector<16xf32>,
        tpu.vector_store %arg19[%swap3A_787, %swap3A_788], %mul3A_786 {strides = array<i32>} : memref<80x144xf32, #tpu.memory_space<vmem>>, vector<16xf32>,
      }
      %scan3A_710 = arith.constant 80 : i32
      "tpu.region"() ({
        %run_scoped3A_711 = tpu.sem_alloc : memref<!tpu.dma_semaphore, #tpu.memory_space<semaphore_mem>>
        %dma_start3A_712 = arith.constant 0 : i32
        %dma_start3A_713 = arith.constant 0 : i32
        %dma_start3A_714 = tpu.memref_slice %arg25[%dma_start3A_712, %dma_start3A_713] : memref<5248x144xf32, #tpu.memory_space<vmem_shared>> -> memref<5248x144xf32, #tpu.memory_space<vmem_shared>>
        tpu.enqueue_indirect_dma source(%arg19 : memref<80x144xf32, #tpu.memory_space<vmem>>) target(%dma_start3A_714 : memref<5248x144xf32, #tpu.memory_space<vmem_shared>>) offsets(%arg23 : memref<80xi32, #tpu.memory_space<vmem>>) semaphore(%run_scoped3A_711 : memref<!tpu.dma_semaphore, #tpu.memory_space<semaphore_mem>>) {add = true}
        %dma_wait3A_715 = arith.constant 0 : i32
        %dma_wait3A_716 = arith.constant 0 : i32
        %dma_wait3A_717 = tpu.memref_slice %arg25[%dma_wait3A_715, %dma_wait3A_716] : memref<5248x144xf32, #tpu.memory_space<vmem_shared>> -> memref<5248x144xf32, #tpu.memory_space<vmem_shared>>
        tpu.wait_indirect_dma semaphore(%run_scoped3A_711 : memref<!tpu.dma_semaphore, #tpu.memory_space<semaphore_mem>>) src(%arg19 : memref<80x144xf32, #tpu.memory_space<vmem>>) dst(%dma_wait3A_717 : memref<5248x144xf32, #tpu.memory_space<vmem_shared>>)
        tpu.yield
      }) : () -> ()
    }
    %scan3A_301 = arith.constant 62 : i32
    %add3A_302 = arith.constant 9920 : i32
    %add3A_303 = arith.addi %mul3A_2, %add3A_302 : i32
    %dma_wait3A_304 = arith.constant 0 : i32
    %dma_wait3A_305 = tpu.memref_slice %arg16[%dma_wait3A_304] : memref<96xf32, #tpu.memory_space<vmem>> -> memref<80xf32, #tpu.memory_space<vmem>>
    %dma_wait3A_306 = tpu.memref_slice %arg9[%add3A_303] : memref<320000xf32, #tpu.memory_space<hbm>> -> memref<80xf32, #tpu.memory_space<hbm>>
    %dma_wait3A_307 = arith.constant 0 : i32
    %dma_wait3A_308 = tpu.memref_slice %arg16[%dma_wait3A_307] : memref<96xf32, #tpu.memory_space<vmem>> -> memref<80xf32, #tpu.memory_space<vmem>>
    %dma_wait3A_309 = tpu.memref_slice %arg9[%add3A_303] : memref<320000xf32, #tpu.memory_space<hbm>> -> memref<80xf32, #tpu.memory_space<hbm>>
    tpu.wait_dma2 semaphore(%arg27 : memref<!tpu.dma_semaphore, #tpu.memory_space<semaphore_mem>>) src(%dma_wait3A_309 : memref<80xf32, #tpu.memory_space<hbm>>) dst(%dma_wait3A_308 : memref<80xf32, #tpu.memory_space<vmem>>)
    %get3A_310 = arith.constant 0 : index
    %get3A_311 = tpu.vector_load %arg13[%get3A_310] {strides = array<i32>} : memref<80xi32, #tpu.memory_space<vmem>>, vector<16xi32>,
    %add3A_312 = arith.constant 0 : i32
    %add3A_313 = vector.broadcast %add3A_312 : i32 to vector<16xi32>
    %add3A_314 = arith.addi %iota3A, %add3A_313 : vector<16xi32>
    %and3A_315 = arith.constant 127 : i32
    %and3A_316 = vector.broadcast %and3A_315 : i32 to vector<16xi32>
    %and3A_317 = arith.andi %add3A_314, %and3A_316 : vector<16xi32>
    %add3A_318 = arith.constant 5120 : i32
    %add3A_319 = vector.broadcast %add3A_318 : i32 to vector<16xi32>
    %add3A_320 = arith.addi %add3A_319, %and3A_317 : vector<16xi32>
    %ge3A_321 = arith.constant 5120 : i32
    %ge3A_322 = vector.broadcast %ge3A_321 : i32 to vector<16xi32>
    %ge3A_323 = arith.cmpi sge, %get3A_311, %ge3A_322 : vector<16xi32>
    %sub3A_324 = arith.constant 5120 : i32
    %sub3A_325 = vector.broadcast %sub3A_324 : i32 to vector<16xi32>
    %sub3A_326 = arith.subi %get3A_311, %sub3A_325 : vector<16xi32>
    %select_n3A_327 = arith.select %ge3A_323, %sub3A_326, %add3A_320 : vector<16xi1>, vector<16xi32>
    %swap3A_328 = arith.constant 0 : index
    %swap3A_329 = tpu.vector_load %arg23[%swap3A_328] {strides = array<i32>} : memref<80xi32, #tpu.memory_space<vmem>>, vector<16xi32>,
    tpu.vector_store %arg23[%swap3A_328], %select_n3A_327 {strides = array<i32>} : memref<80xi32, #tpu.memory_space<vmem>>, vector<16xi32>,
    %get3A_330 = arith.constant 16 : index
    %get3A_331 = tpu.vector_load %arg13[%get3A_330] {strides = array<i32>} : memref<80xi32, #tpu.memory_space<vmem>>, vector<16xi32>,
    %add3A_332 = arith.constant 16 : i32
    %add3A_333 = vector.broadcast %add3A_332 : i32 to vector<16xi32>
    %add3A_334 = arith.addi %iota3A, %add3A_333 : vector<16xi32>
    %and3A_335 = arith.constant 127 : i32
    %and3A_336 = vector.broadcast %and3A_335 : i32 to vector<16xi32>
    %and3A_337 = arith.andi %add3A_334, %and3A_336 : vector<16xi32>
    %add3A_338 = arith.constant 5120 : i32
    %add3A_339 = vector.broadcast %add3A_338 : i32 to vector<16xi32>
    %add3A_340 = arith.addi %add3A_339, %and3A_337 : vector<16xi32>
    %ge3A_341 = arith.constant 5120 : i32
    %ge3A_342 = vector.broadcast %ge3A_341 : i32 to vector<16xi32>
    %ge3A_343 = arith.cmpi sge, %get3A_331, %ge3A_342 : vector<16xi32>
    %sub3A_344 = arith.constant 5120 : i32
    %sub3A_345 = vector.broadcast %sub3A_344 : i32 to vector<16xi32>
    %sub3A_346 = arith.subi %get3A_331, %sub3A_345 : vector<16xi32>
    %select_n3A_347 = arith.select %ge3A_343, %sub3A_346, %add3A_340 : vector<16xi1>, vector<16xi32>
    %swap3A_348 = arith.constant 16 : index
    %swap3A_349 = tpu.vector_load %arg23[%swap3A_348] {strides = array<i32>} : memref<80xi32, #tpu.memory_space<vmem>>, vector<16xi32>,
    tpu.vector_store %arg23[%swap3A_348], %select_n3A_347 {strides = array<i32>} : memref<80xi32, #tpu.memory_space<vmem>>, vector<16xi32>,
    %get3A_350 = arith.constant 32 : index
    %get3A_351 = tpu.vector_load %arg13[%get3A_350] {strides = array<i32>} : memref<80xi32, #tpu.memory_space<vmem>>, vector<16xi32>,
    %add3A_352 = arith.constant 32 : i32
    %add3A_353 = vector.broadcast %add3A_352 : i32 to vector<16xi32>
    %add3A_354 = arith.addi %iota3A, %add3A_353 : vector<16xi32>
    %and3A_355 = arith.constant 127 : i32
    %and3A_356 = vector.broadcast %and3A_355 : i32 to vector<16xi32>
    %and3A_357 = arith.andi %add3A_354, %and3A_356 : vector<16xi32>
    %add3A_358 = arith.constant 5120 : i32
    %add3A_359 = vector.broadcast %add3A_358 : i32 to vector<16xi32>
    %add3A_360 = arith.addi %add3A_359, %and3A_357 : vector<16xi32>
    %ge3A_361 = arith.constant 5120 : i32
    %ge3A_362 = vector.broadcast %ge3A_361 : i32 to vector<16xi32>
    %ge3A_363 = arith.cmpi sge, %get3A_351, %ge3A_362 : vector<16xi32>
    %sub3A_364 = arith.constant 5120 : i32
    %sub3A_365 = vector.broadcast %sub3A_364 : i32 to vector<16xi32>
    %sub3A_366 = arith.subi %get3A_351, %sub3A_365 : vector<16xi32>
    %select_n3A_367 = arith.select %ge3A_363, %sub3A_366, %add3A_360 : vector<16xi1>, vector<16xi32>
    %swap3A_368 = arith.constant 32 : index
    %swap3A_369 = tpu.vector_load %arg23[%swap3A_368] {strides = array<i32>} : memref<80xi32, #tpu.memory_space<vmem>>, vector<16xi32>,
    tpu.vector_store %arg23[%swap3A_368], %select_n3A_367 {strides = array<i32>} : memref<80xi32, #tpu.memory_space<vmem>>, vector<16xi32>,
    %get3A_370 = arith.constant 48 : index
    %get3A_371 = tpu.vector_load %arg13[%get3A_370] {strides = array<i32>} : memref<80xi32, #tpu.memory_space<vmem>>, vector<16xi32>,
    %add3A_372 = arith.constant 48 : i32
    %add3A_373 = vector.broadcast %add3A_372 : i32 to vector<16xi32>
    %add3A_374 = arith.addi %iota3A, %add3A_373 : vector<16xi32>
    %and3A_375 = arith.constant 127 : i32
    %and3A_376 = vector.broadcast %and3A_375 : i32 to vector<16xi32>
    %and3A_377 = arith.andi %add3A_374, %and3A_376 : vector<16xi32>
    %add3A_378 = arith.constant 5120 : i32
    %add3A_379 = vector.broadcast %add3A_378 : i32 to vector<16xi32>
    %add3A_380 = arith.addi %add3A_379, %and3A_377 : vector<16xi32>
    %ge3A_381 = arith.constant 5120 : i32
    %ge3A_382 = vector.broadcast %ge3A_381 : i32 to vector<16xi32>
    %ge3A_383 = arith.cmpi sge, %get3A_371, %ge3A_382 : vector<16xi32>
    %sub3A_384 = arith.constant 5120 : i32
    %sub3A_385 = vector.broadcast %sub3A_384 : i32 to vector<16xi32>
    %sub3A_386 = arith.subi %get3A_371, %sub3A_385 : vector<16xi32>
    %select_n3A_387 = arith.select %ge3A_383, %sub3A_386, %add3A_380 : vector<16xi1>, vector<16xi32>
    %swap3A_388 = arith.constant 48 : index
    %swap3A_389 = tpu.vector_load %arg23[%swap3A_388] {strides = array<i32>} : memref<80xi32, #tpu.memory_space<vmem>>, vector<16xi32>,
    tpu.vector_store %arg23[%swap3A_388], %select_n3A_387 {strides = array<i32>} : memref<80xi32, #tpu.memory_space<vmem>>, vector<16xi32>,
    %get3A_390 = arith.constant 64 : index
    %get3A_391 = tpu.vector_load %arg13[%get3A_390] {strides = array<i32>} : memref<80xi32, #tpu.memory_space<vmem>>, vector<16xi32>,
    %add3A_392 = arith.constant 64 : i32
    %add3A_393 = vector.broadcast %add3A_392 : i32 to vector<16xi32>
    %add3A_394 = arith.addi %iota3A, %add3A_393 : vector<16xi32>
    %and3A_395 = arith.constant 127 : i32
    %and3A_396 = vector.broadcast %and3A_395 : i32 to vector<16xi32>
    %and3A_397 = arith.andi %add3A_394, %and3A_396 : vector<16xi32>
    %add3A_398 = arith.constant 5120 : i32
    %add3A_399 = vector.broadcast %add3A_398 : i32 to vector<16xi32>
    %add3A_400 = arith.addi %add3A_399, %and3A_397 : vector<16xi32>
    %ge3A_401 = arith.constant 5120 : i32
    %ge3A_402 = vector.broadcast %ge3A_401 : i32 to vector<16xi32>
    %ge3A_403 = arith.cmpi sge, %get3A_391, %ge3A_402 : vector<16xi32>
    %sub3A_404 = arith.constant 5120 : i32
    %sub3A_405 = vector.broadcast %sub3A_404 : i32 to vector<16xi32>
    %sub3A_406 = arith.subi %get3A_391, %sub3A_405 : vector<16xi32>
    %select_n3A_407 = arith.select %ge3A_403, %sub3A_406, %add3A_400 : vector<16xi1>, vector<16xi32>
    %swap3A_408 = arith.constant 64 : index
    %swap3A_409 = tpu.vector_load %arg23[%swap3A_408] {strides = array<i32>} : memref<80xi32, #tpu.memory_space<vmem>>, vector<16xi32>,
    tpu.vector_store %arg23[%swap3A_408], %select_n3A_407 {strides = array<i32>} : memref<80xi32, #tpu.memory_space<vmem>>, vector<16xi32>,
    %dma_wait3A_410 = arith.constant 0 : i32
    %dma_wait3A_411 = arith.constant 0 : i32
    %dma_wait3A_412 = tpu.memref_slice %arg2[%dma_wait3A_410, %dma_wait3A_411] : memref<10000x144xf32, #tpu.memory_space<hbm>> -> memref<10000x144xf32, #tpu.memory_space<hbm>>
    tpu.wait_indirect_dma semaphore(%arg26 : memref<!tpu.dma_semaphore, #tpu.memory_space<semaphore_mem>>) src(%dma_wait3A_412 : memref<10000x144xf32, #tpu.memory_space<hbm>>) dst(%arg14 : memref<80x144xf32, #tpu.memory_space<vmem>>)
    %scan3A_413 = arith.constant 0 : i32
    %scan3A_414 = arith.constant 80 : i32
    %scan3A_415 = arith.addi %scan3A_413, %scan3A_414 : i32
    %scan3A_416 = arith.constant 1 : i32
    scf.for %scan3A_424 = %scan3A_413 to %scan3A_415 step %scan3A_416  : i32 {
      %mul3A_425 = arith.constant 1 : i32
      %mul3A_426 = arith.muli %scan3A_424, %mul3A_425 : i32
      %add3A_427 = arith.constant 0 : i32
      %add3A_428 = arith.addi %add3A_427, %mul3A_426 : i32
      %get3A_429 = arith.index_cast %add3A_428 : i32 to index
      %get3A_430 = tpu.vector_load %arg16[%get3A_429] {strides = array<i32>} : memref<96xf32, #tpu.memory_space<vmem>>, vector<16xf32>,
      %slice3A = vector.extract_strided_slice %get3A_430 {offsets = [0], sizes = [1], strides = [1]} : vector<16xf32> to vector<1xf32>
      %squeeze3A = vector.extract %slice3A[0] : f32 from vector<1xf32>
      %get3A_431 = arith.index_cast %add3A_428 : i32 to index
      %get3A_432 = arith.constant 0 : index
      %get3A_433 = tpu.vector_load %arg14[%get3A_431, %get3A_432] {strides = array<i32>} : memref<80x144xf32, #tpu.memory_space<vmem>>, vector<16xf32>,
      %mul3A_434 = vector.broadcast %squeeze3A : f32 to vector<16xf32>
      %mul3A_435 = arith.mulf %get3A_433, %mul3A_434 : vector<16xf32>
      %swap3A_436 = arith.index_cast %add3A_428 : i32 to index
      %swap3A_437 = arith.constant 0 : index
      %swap3A_438 = tpu.vector_load %arg14[%swap3A_436, %swap3A_437] {strides = array<i32>} : memref<80x144xf32, #tpu.memory_space<vmem>>, vector<16xf32>,
      tpu.vector_store %arg14[%swap3A_436, %swap3A_437], %mul3A_435 {strides = array<i32>} : memref<80x144xf32, #tpu.memory_space<vmem>>, vector<16xf32>,
      %get3A_439 = arith.index_cast %add3A_428 : i32 to index
      %get3A_440 = arith.constant 16 : index
      %get3A_441 = tpu.vector_load %arg14[%get3A_439, %get3A_440] {strides = array<i32>} : memref<80x144xf32, #tpu.memory_space<vmem>>, vector<16xf32>,
      %mul3A_442 = vector.broadcast %squeeze3A : f32 to vector<16xf32>
      %mul3A_443 = arith.mulf %get3A_441, %mul3A_442 : vector<16xf32>
      %swap3A_444 = arith.index_cast %add3A_428 : i32 to index
      %swap3A_445 = arith.constant 16 : index
      %swap3A_446 = tpu.vector_load %arg14[%swap3A_444, %swap3A_445] {strides = array<i32>} : memref<80x144xf32, #tpu.memory_space<vmem>>, vector<16xf32>,
      tpu.vector_store %arg14[%swap3A_444, %swap3A_445], %mul3A_443 {strides = array<i32>} : memref<80x144xf32, #tpu.memory_space<vmem>>, vector<16xf32>,
      %get3A_447 = arith.index_cast %add3A_428 : i32 to index
      %get3A_448 = arith.constant 32 : index
      %get3A_449 = tpu.vector_load %arg14[%get3A_447, %get3A_448] {strides = array<i32>} : memref<80x144xf32, #tpu.memory_space<vmem>>, vector<16xf32>,
      %mul3A_450 = vector.broadcast %squeeze3A : f32 to vector<16xf32>
      %mul3A_451 = arith.mulf %get3A_449, %mul3A_450 : vector<16xf32>
      %swap3A_452 = arith.index_cast %add3A_428 : i32 to index
      %swap3A_453 = arith.constant 32 : index
      %swap3A_454 = tpu.vector_load %arg14[%swap3A_452, %swap3A_453] {strides = array<i32>} : memref<80x144xf32, #tpu.memory_space<vmem>>, vector<16xf32>,
      tpu.vector_store %arg14[%swap3A_452, %swap3A_453], %mul3A_451 {strides = array<i32>} : memref<80x144xf32, #tpu.memory_space<vmem>>, vector<16xf32>,
      %get3A_455 = arith.index_cast %add3A_428 : i32 to index
      %get3A_456 = arith.constant 48 : index
      %get3A_457 = tpu.vector_load %arg14[%get3A_455, %get3A_456] {strides = array<i32>} : memref<80x144xf32, #tpu.memory_space<vmem>>, vector<16xf32>,
      %mul3A_458 = vector.broadcast %squeeze3A : f32 to vector<16xf32>
      %mul3A_459 = arith.mulf %get3A_457, %mul3A_458 : vector<16xf32>
      %swap3A_460 = arith.index_cast %add3A_428 : i32 to index
      %swap3A_461 = arith.constant 48 : index
      %swap3A_462 = tpu.vector_load %arg14[%swap3A_460, %swap3A_461] {strides = array<i32>} : memref<80x144xf32, #tpu.memory_space<vmem>>, vector<16xf32>,
      tpu.vector_store %arg14[%swap3A_460, %swap3A_461], %mul3A_459 {strides = array<i32>} : memref<80x144xf32, #tpu.memory_space<vmem>>, vector<16xf32>,
      %get3A_463 = arith.index_cast %add3A_428 : i32 to index
      %get3A_464 = arith.constant 64 : index
      %get3A_465 = tpu.vector_load %arg14[%get3A_463, %get3A_464] {strides = array<i32>} : memref<80x144xf32, #tpu.memory_space<vmem>>, vector<16xf32>,
      %mul3A_466 = vector.broadcast %squeeze3A : f32 to vector<16xf32>
      %mul3A_467 = arith.mulf %get3A_465, %mul3A_466 : vector<16xf32>
      %swap3A_468 = arith.index_cast %add3A_428 : i32 to index
      %swap3A_469 = arith.constant 64 : index
      %swap3A_470 = tpu.vector_load %arg14[%swap3A_468, %swap3A_469] {strides = array<i32>} : memref<80x144xf32, #tpu.memory_space<vmem>>, vector<16xf32>,
      tpu.vector_store %arg14[%swap3A_468, %swap3A_469], %mul3A_467 {strides = array<i32>} : memref<80x144xf32, #tpu.memory_space<vmem>>, vector<16xf32>,
      %get3A_471 = arith.index_cast %add3A_428 : i32 to index
      %get3A_472 = arith.constant 80 : index
      %get3A_473 = tpu.vector_load %arg14[%get3A_471, %get3A_472] {strides = array<i32>} : memref<80x144xf32, #tpu.memory_space<vmem>>, vector<16xf32>,
      %mul3A_474 = vector.broadcast %squeeze3A : f32 to vector<16xf32>
      %mul3A_475 = arith.mulf %get3A_473, %mul3A_474 : vector<16xf32>
      %swap3A_476 = arith.index_cast %add3A_428 : i32 to index
      %swap3A_477 = arith.constant 80 : index
      %swap3A_478 = tpu.vector_load %arg14[%swap3A_476, %swap3A_477] {strides = array<i32>} : memref<80x144xf32, #tpu.memory_space<vmem>>, vector<16xf32>,
      tpu.vector_store %arg14[%swap3A_476, %swap3A_477], %mul3A_475 {strides = array<i32>} : memref<80x144xf32, #tpu.memory_space<vmem>>, vector<16xf32>,
      %get3A_479 = arith.index_cast %add3A_428 : i32 to index
      %get3A_480 = arith.constant 96 : index
      %get3A_481 = tpu.vector_load %arg14[%get3A_479, %get3A_480] {strides = array<i32>} : memref<80x144xf32, #tpu.memory_space<vmem>>, vector<16xf32>,
      %mul3A_482 = vector.broadcast %squeeze3A : f32 to vector<16xf32>
      %mul3A_483 = arith.mulf %get3A_481, %mul3A_482 : vector<16xf32>
      %swap3A_484 = arith.index_cast %add3A_428 : i32 to index
      %swap3A_485 = arith.constant 96 : index
      %swap3A_486 = tpu.vector_load %arg14[%swap3A_484, %swap3A_485] {strides = array<i32>} : memref<80x144xf32, #tpu.memory_space<vmem>>, vector<16xf32>,
      tpu.vector_store %arg14[%swap3A_484, %swap3A_485], %mul3A_483 {strides = array<i32>} : memref<80x144xf32, #tpu.memory_space<vmem>>, vector<16xf32>,
      %get3A_487 = arith.index_cast %add3A_428 : i32 to index
      %get3A_488 = arith.constant 112 : index
      %get3A_489 = tpu.vector_load %arg14[%get3A_487, %get3A_488] {strides = array<i32>} : memref<80x144xf32, #tpu.memory_space<vmem>>, vector<16xf32>,
      %mul3A_490 = vector.broadcast %squeeze3A : f32 to vector<16xf32>
      %mul3A_491 = arith.mulf %get3A_489, %mul3A_490 : vector<16xf32>
      %swap3A_492 = arith.index_cast %add3A_428 : i32 to index
      %swap3A_493 = arith.constant 112 : index
      %swap3A_494 = tpu.vector_load %arg14[%swap3A_492, %swap3A_493] {strides = array<i32>} : memref<80x144xf32, #tpu.memory_space<vmem>>, vector<16xf32>,
      tpu.vector_store %arg14[%swap3A_492, %swap3A_493], %mul3A_491 {strides = array<i32>} : memref<80x144xf32, #tpu.memory_space<vmem>>, vector<16xf32>,
      %get3A_495 = arith.index_cast %add3A_428 : i32 to index
      %get3A_496 = arith.constant 128 : index
      %get3A_497 = tpu.vector_load %arg14[%get3A_495, %get3A_496] {strides = array<i32>} : memref<80x144xf32, #tpu.memory_space<vmem>>, vector<16xf32>,
      %mul3A_498 = vector.broadcast %squeeze3A : f32 to vector<16xf32>
      %mul3A_499 = arith.mulf %get3A_497, %mul3A_498 : vector<16xf32>
      %swap3A_500 = arith.index_cast %add3A_428 : i32 to index
      %swap3A_501 = arith.constant 128 : index
      %swap3A_502 = tpu.vector_load %arg14[%swap3A_500, %swap3A_501] {strides = array<i32>} : memref<80x144xf32, #tpu.memory_space<vmem>>, vector<16xf32>,
      tpu.vector_store %arg14[%swap3A_500, %swap3A_501], %mul3A_499 {strides = array<i32>} : memref<80x144xf32, #tpu.memory_space<vmem>>, vector<16xf32>,
    }
    %scan3A_417 = arith.constant 80 : i32
    "tpu.region"() ({
      %run_scoped3A_424 = tpu.sem_alloc : memref<!tpu.dma_semaphore, #tpu.memory_space<semaphore_mem>>
      %dma_start3A_425 = arith.constant 0 : i32
      %dma_start3A_426 = arith.constant 0 : i32
      %dma_start3A_427 = tpu.memref_slice %arg25[%dma_start3A_425, %dma_start3A_426] : memref<5248x144xf32, #tpu.memory_space<vmem_shared>> -> memref<5248x144xf32, #tpu.memory_space<vmem_shared>>
      tpu.enqueue_indirect_dma source(%arg14 : memref<80x144xf32, #tpu.memory_space<vmem>>) target(%dma_start3A_427 : memref<5248x144xf32, #tpu.memory_space<vmem_shared>>) offsets(%arg23 : memref<80xi32, #tpu.memory_space<vmem>>) semaphore(%run_scoped3A_424 : memref<!tpu.dma_semaphore, #tpu.memory_space<semaphore_mem>>) {add = true}
      %dma_wait3A_428 = arith.constant 0 : i32
      %dma_wait3A_429 = arith.constant 0 : i32
      %dma_wait3A_430 = tpu.memref_slice %arg25[%dma_wait3A_428, %dma_wait3A_429] : memref<5248x144xf32, #tpu.memory_space<vmem_shared>> -> memref<5248x144xf32, #tpu.memory_space<vmem_shared>>
      tpu.wait_indirect_dma semaphore(%run_scoped3A_424 : memref<!tpu.dma_semaphore, #tpu.memory_space<semaphore_mem>>) src(%arg14 : memref<80x144xf32, #tpu.memory_space<vmem>>) dst(%dma_wait3A_430 : memref<5248x144xf32, #tpu.memory_space<vmem_shared>>)
      tpu.yield
    }) : () -> ()
    %barrier3A_418 = arith.constant 0 : index
    tpu.barrier barrier_id(%barrier3A_418)
    %mul3A_419 = arith.constant 328 : i32
    %mul3A_420 = arith.muli %arg1, %mul3A_419 : i32
    %mul3A_421 = arith.constant 328 : i32
    %mul3A_422 = arith.muli %arg1, %mul3A_421 : i32
    %run_scoped3A_423 = arith.constant 1 : i32
    "tpu.region"() ({
      %run_scoped3A_424 = tpu.sem_alloc : memref<!tpu.dma_semaphore, #tpu.memory_space<semaphore_mem>>
      %dma_start3A_425 = arith.constant 0 : i32
      %dma_start3A_426 = tpu.memref_slice %arg8[%arg0, %run_scoped3A_423, %mul3A_422, %dma_start3A_425] : memref<2x2x5248x144xf32, #tpu.memory_space<hbm>> -> memref<1x1x328x144xf32, #tpu.memory_space<hbm>>
      %dma_start3A_427 = tpu.memref_squeeze %dma_start3A_426 : memref<1x1x328x144xf32, #tpu.memory_space<hbm>> -> memref<328x144xf32, #tpu.memory_space<hbm>>
      %dma_start3A_428 = arith.constant 0 : i32
      %dma_start3A_429 = tpu.memref_slice %arg25[%mul3A_420, %dma_start3A_428] : memref<5248x144xf32, #tpu.memory_space<vmem_shared>> -> memref<328x144xf32, #tpu.memory_space<vmem_shared>>
      tpu.enqueue_dma source(%dma_start3A_429 : memref<328x144xf32, #tpu.memory_space<vmem_shared>>) target(%dma_start3A_427 : memref<328x144xf32, #tpu.memory_space<hbm>>) target_semaphore(%run_scoped3A_424 : memref<!tpu.dma_semaphore, #tpu.memory_space<semaphore_mem>>)
      %dma_wait3A_430 = arith.constant 0 : i32
      %dma_wait3A_431 = tpu.memref_slice %arg8[%arg0, %run_scoped3A_423, %mul3A_422, %dma_wait3A_430] : memref<2x2x5248x144xf32, #tpu.memory_space<hbm>> -> memref<1x1x328x144xf32, #tpu.memory_space<hbm>>
      %dma_wait3A_432 = tpu.memref_squeeze %dma_wait3A_431 : memref<1x1x328x144xf32, #tpu.memory_space<hbm>> -> memref<328x144xf32, #tpu.memory_space<hbm>>
      %dma_wait3A_433 = arith.constant 0 : i32
      %dma_wait3A_434 = tpu.memref_slice %arg25[%mul3A_420, %dma_wait3A_433] : memref<5248x144xf32, #tpu.memory_space<vmem_shared>> -> memref<328x144xf32, #tpu.memory_space<vmem_shared>>
      tpu.wait_dma2 semaphore(%run_scoped3A_424 : memref<!tpu.dma_semaphore, #tpu.memory_space<semaphore_mem>>) src(%dma_wait3A_434 : memref<328x144xf32, #tpu.memory_space<vmem_shared>>) dst(%dma_wait3A_432 : memref<328x144xf32, #tpu.memory_space<hbm>>)
      tpu.yield
    }) : () -> ()
    return
  }
}

module attributes {stable_mosaic.version = 14 : i64} {
  func.func @_k1_body(%arg0: memref<10000x128xf32, #tpu.memory_space<vmem>>, %arg1: memref<144x128xf32, #tpu.memory_space<vmem>>, %arg2: memref<8x128xf32, #tpu.memory_space<vmem>>, %arg3: memref<128x16xf32, #tpu.memory_space<vmem>>, %arg4: memref<128x128xf32, #tpu.memory_space<vmem>>, %arg5: memref<8x128xf32, #tpu.memory_space<vmem>>, %arg6: memref<10000x144xf32, #tpu.memory_space<vmem>>, %arg7: memref<8x10000xf32, #tpu.memory_space<vmem>>, %arg8: memref<144x16xf32, #tpu.memory_space<vmem>>) attributes {dimension_semantics = [], scalar_prefetch = 0 : i64, scratch_operands = 0 : i64, tpu.core_type = #tpu.core_type<tc>} {
    %get3A = arith.constant 0 : index
    %get3A_0 = arith.constant 0 : index
    %get3A_1 = vector.load %arg0[%get3A, %get3A_0] : memref<10000x128xf32, #tpu.memory_space<vmem>>, vector<10000x128xf32>
    %get3A_2 = arith.constant 0 : index
    %get3A_3 = arith.constant 0 : index
    %get3A_4 = vector.load %arg1[%get3A_2, %get3A_3] : memref<144x128xf32, #tpu.memory_space<vmem>>, vector<144x128xf32>
    %transpose3A = tpu.transpose %get3A_4, [1, 0] : vector<144x128xf32> -> vector<128x144xf32>
    %dot_general3A = arith.constant dense<0.000000e+00> : vector<10000x144xf32>
    %dot_general3A_5 = tpu.matmul %get3A_1, %transpose3A, %dot_general3A {dimension_numbers = #tpu.dot_dimension_numbers<[1], [0], [0], [1], [0, 0, 1, 1], [], []>, transpose_lhs_hint = false} : vector<10000x128xf32>, vector<128x144xf32>, vector<10000x144xf32> -> vector<10000x144xf32>
    %broadcast_in_dim3A = arith.constant 1.000000e+00 : f32
    %broadcast_in_dim3A_6 = vector.broadcast %broadcast_in_dim3A : f32 to vector<10000x1xf32>
    %slice3A = vector.extract_strided_slice %dot_general3A_5 {offsets = [0, 0], sizes = [10000, 128], strides = [1, 1]} : vector<10000x144xf32> to vector<10000x128xf32>
    %swap3A = arith.constant 0 : index
    %swap3A_7 = arith.constant 0 : index
    %swap3A_8 = vector.load %arg6[%swap3A, %swap3A_7] : memref<10000x144xf32, #tpu.memory_space<vmem>>, vector<10000x128xf32>
    tpu.vector_store %arg6[%swap3A, %swap3A_7], %slice3A {strides = array<i32>} : memref<10000x144xf32, #tpu.memory_space<vmem>>, vector<10000x128xf32>,
    %swap3A_9 = arith.constant 0 : index
    %swap3A_10 = arith.constant 128 : index
    %swap3A_11 = vector.load %arg6[%swap3A_9, %swap3A_10] : memref<10000x144xf32, #tpu.memory_space<vmem>>, vector<10000x1xf32>
    tpu.vector_store %arg6[%swap3A_9, %swap3A_10], %broadcast_in_dim3A_6 {strides = array<i32>} : memref<10000x144xf32, #tpu.memory_space<vmem>>, vector<10000x1xf32>,
    %broadcast_in_dim3A_12 = arith.constant 0.000000e+00 : f32
    %broadcast_in_dim3A_13 = vector.broadcast %broadcast_in_dim3A_12 : f32 to vector<10000x15xf32>
    %swap3A_14 = arith.constant 0 : index
    %swap3A_15 = arith.constant 129 : index
    %swap3A_16 = vector.load %arg6[%swap3A_14, %swap3A_15] : memref<10000x144xf32, #tpu.memory_space<vmem>>, vector<10000x15xf32>
    tpu.vector_store %arg6[%swap3A_14, %swap3A_15], %broadcast_in_dim3A_13 {strides = array<i32>} : memref<10000x144xf32, #tpu.memory_space<vmem>>, vector<10000x15xf32>,
    %slice3A_17 = vector.extract_strided_slice %dot_general3A_5 {offsets = [0, 0], sizes = [10000, 128], strides = [1, 1]} : vector<10000x144xf32> to vector<10000x128xf32>
    %get3A_18 = arith.constant 0 : index
    %get3A_19 = arith.constant 0 : index
    %get3A_20 = vector.load %arg2[%get3A_18, %get3A_19] : memref<8x128xf32, #tpu.memory_space<vmem>>, vector<1x128xf32>
    %mul3A = vector.broadcast %get3A_20 : vector<1x128xf32> to vector<10000x128xf32>
    %mul3A_21 = arith.mulf %slice3A_17, %mul3A : vector<10000x128xf32>
    %reduce_sum3A = arith.constant dense<0.000000e+00> : vector<10000xf32>
    %reduce_sum3A_22 = vector.multi_reduction <add>, %mul3A_21, %reduce_sum3A [1] : vector<10000x128xf32> to vector<10000xf32>
    %get3A_23 = arith.constant 1 : index
    %get3A_24 = arith.constant 0 : index
    %get3A_25 = vector.load %arg2[%get3A_23, %get3A_24] : memref<8x128xf32, #tpu.memory_space<vmem>>, vector<1x128xf32>
    %mul3A_26 = vector.broadcast %get3A_25 : vector<1x128xf32> to vector<10000x128xf32>
    %mul3A_27 = arith.mulf %slice3A_17, %mul3A_26 : vector<10000x128xf32>
    %reduce_sum3A_28 = arith.constant dense<0.000000e+00> : vector<10000xf32>
    %reduce_sum3A_29 = vector.multi_reduction <add>, %mul3A_27, %reduce_sum3A_28 [1] : vector<10000x128xf32> to vector<10000xf32>
    %broadcast_in_dim3A_30 = vector.shape_cast %reduce_sum3A_22 : vector<10000xf32> to vector<1x10000xf32>
    %swap3A_31 = arith.constant 0 : index
    %swap3A_32 = arith.constant 0 : index
    %swap3A_33 = vector.load %arg7[%swap3A_31, %swap3A_32] : memref<8x10000xf32, #tpu.memory_space<vmem>>, vector<1x10000xf32>
    tpu.vector_store %arg7[%swap3A_31, %swap3A_32], %broadcast_in_dim3A_30 {strides = array<i32>} : memref<8x10000xf32, #tpu.memory_space<vmem>>, vector<1x10000xf32>,
    %broadcast_in_dim3A_34 = vector.shape_cast %reduce_sum3A_29 : vector<10000xf32> to vector<1x10000xf32>
    %swap3A_35 = arith.constant 1 : index
    %swap3A_36 = arith.constant 0 : index
    %swap3A_37 = vector.load %arg7[%swap3A_35, %swap3A_36] : memref<8x10000xf32, #tpu.memory_space<vmem>>, vector<1x10000xf32>
    tpu.vector_store %arg7[%swap3A_35, %swap3A_36], %broadcast_in_dim3A_34 {strides = array<i32>} : memref<8x10000xf32, #tpu.memory_space<vmem>>, vector<1x10000xf32>,
    %broadcast_in_dim3A_38 = arith.constant 0.000000e+00 : f32
    %broadcast_in_dim3A_39 = vector.broadcast %broadcast_in_dim3A_38 : f32 to vector<6x10000xf32>
    %swap3A_40 = arith.constant 2 : index
    %swap3A_41 = arith.constant 0 : index
    %swap3A_42 = vector.load %arg7[%swap3A_40, %swap3A_41] : memref<8x10000xf32, #tpu.memory_space<vmem>>, vector<6x10000xf32>
    tpu.vector_store %arg7[%swap3A_40, %swap3A_41], %broadcast_in_dim3A_39 {strides = array<i32>} : memref<8x10000xf32, #tpu.memory_space<vmem>>, vector<6x10000xf32>,
    %get3A_43 = arith.constant 0 : index
    %get3A_44 = arith.constant 0 : index
    %get3A_45 = vector.load %arg5[%get3A_43, %get3A_44] : memref<8x128xf32, #tpu.memory_space<vmem>>, vector<1x128xf32>
    %get3A_46 = arith.constant 0 : index
    %get3A_47 = arith.constant 0 : index
    %get3A_48 = vector.load %arg4[%get3A_46, %get3A_47] : memref<128x128xf32, #tpu.memory_space<vmem>>, vector<128x128xf32>
    %dot_general3A_49 = arith.constant dense<0.000000e+00> : vector<1x128xf32>
    %dot_general3A_50 = tpu.matmul %get3A_45, %get3A_48, %dot_general3A_49 {dimension_numbers = #tpu.dot_dimension_numbers<[1], [0], [0], [1], [0, 0, 1, 1], [], []>, transpose_lhs_hint = false} : vector<1x128xf32>, vector<128x128xf32>, vector<1x128xf32> -> vector<1x128xf32>
    %get3A_51 = arith.constant 0 : index
    %get3A_52 = arith.constant 0 : index
    %get3A_53 = vector.load %arg3[%get3A_51, %get3A_52] : memref<128x16xf32, #tpu.memory_space<vmem>>, vector<128x16xf32>
    %dot_general3A_54 = arith.constant dense<0.000000e+00> : vector<1x16xf32>
    %dot_general3A_55 = tpu.matmul %dot_general3A_50, %get3A_53, %dot_general3A_54 {dimension_numbers = #tpu.dot_dimension_numbers<[1], [0], [0], [1], [0, 0, 1, 1], [], []>, transpose_lhs_hint = false} : vector<1x128xf32>, vector<128x16xf32>, vector<1x16xf32> -> vector<1x16xf32>
    %get3A_56 = arith.constant 0 : index
    %get3A_57 = arith.constant 0 : index
    %get3A_58 = vector.load %arg3[%get3A_56, %get3A_57] : memref<128x16xf32, #tpu.memory_space<vmem>>, vector<128x16xf32>
    %swap3A_59 = arith.constant 0 : index
    %swap3A_60 = arith.constant 0 : index
    %swap3A_61 = vector.load %arg8[%swap3A_59, %swap3A_60] : memref<144x16xf32, #tpu.memory_space<vmem>>, vector<128x16xf32>
    tpu.vector_store %arg8[%swap3A_59, %swap3A_60], %get3A_58 {strides = array<i32>} : memref<144x16xf32, #tpu.memory_space<vmem>>, vector<128x16xf32>,
    %swap3A_62 = arith.constant 128 : index
    %swap3A_63 = arith.constant 0 : index
    %swap3A_64 = vector.load %arg8[%swap3A_62, %swap3A_63] : memref<144x16xf32, #tpu.memory_space<vmem>>, vector<1x16xf32>
    tpu.vector_store %arg8[%swap3A_62, %swap3A_63], %dot_general3A_55 {strides = array<i32>} : memref<144x16xf32, #tpu.memory_space<vmem>>, vector<1x16xf32>,
    %broadcast_in_dim3A_65 = arith.constant 0.000000e+00 : f32
    %broadcast_in_dim3A_66 = vector.broadcast %broadcast_in_dim3A_65 : f32 to vector<15x16xf32>
    %swap3A_67 = arith.constant 129 : index
    %swap3A_68 = arith.constant 0 : index
    %swap3A_69 = vector.load %arg8[%swap3A_67, %swap3A_68] : memref<144x16xf32, #tpu.memory_space<vmem>>, vector<15x16xf32>
    tpu.vector_store %arg8[%swap3A_67, %swap3A_68], %broadcast_in_dim3A_66 {strides = array<i32>} : memref<144x16xf32, #tpu.memory_space<vmem>>, vector<15x16xf32>,
    return
  }
}

module attributes {stable_mosaic.version = 14 : i64} {
  func.func @_k2_body(%arg0: i32, %arg1: memref<6400x16xf32, #tpu.memory_space<vmem>>, %arg2: memref<144x16xf32, #tpu.memory_space<vmem>>, %arg3: memref<1x144xf32, #tpu.memory_space<vmem>>, %arg4: memref<6400x144xf32, #tpu.memory_space<vmem>>) attributes {dimension_semantics = [#tpu.dimension_semantics<arbitrary>], iteration_bounds = array<i64: 50>, scalar_prefetch = 0 : i64, scratch_operands = 0 : i64, tpu.core_type = #tpu.core_type<tc>, window_params = [{transform_indices = @transform_0, window_bounds = array<i64: 6400, 16>}, {pipeline_mode = #tpu.pipeline_mode<synchronous>, transform_indices = @transform_1, window_bounds = array<i64: 144, 16>}, {pipeline_mode = #tpu.pipeline_mode<synchronous>, transform_indices = @transform_2, window_bounds = array<i64: 1, 144>}, {transform_indices = @transform_3, window_bounds = array<i64: 6400, 144>}]} {
    %get3A = arith.constant 0 : index
    %get3A_0 = arith.constant 0 : index
    %get3A_1 = vector.load %arg1[%get3A, %get3A_0] : memref<6400x16xf32, #tpu.memory_space<vmem>>, vector<6400x16xf32>
    %get3A_2 = arith.constant 0 : index
    %get3A_3 = arith.constant 0 : index
    %get3A_4 = vector.load %arg2[%get3A_2, %get3A_3] : memref<144x16xf32, #tpu.memory_space<vmem>>, vector<144x16xf32>
    %transpose3A = tpu.transpose %get3A_4, [1, 0] : vector<144x16xf32> -> vector<16x144xf32>
    %dot_general3A = arith.constant dense<0.000000e+00> : vector<6400x144xf32>
    %dot_general3A_5 = tpu.matmul %get3A_1, %transpose3A, %dot_general3A {dimension_numbers = #tpu.dot_dimension_numbers<[1], [0], [0], [1], [0, 0, 1, 1], [], []>, transpose_lhs_hint = false} : vector<6400x16xf32>, vector<16x144xf32>, vector<6400x144xf32> -> vector<6400x144xf32>
    %get3A_6 = arith.constant 0 : index
    %get3A_7 = arith.constant 0 : index
    %get3A_8 = vector.load %arg3[%get3A_6, %get3A_7] : memref<1x144xf32, #tpu.memory_space<vmem>>, vector<1x144xf32>
    %add3A = vector.broadcast %get3A_8 : vector<1x144xf32> to vector<6400x144xf32>
    %add3A_9 = arith.addf %dot_general3A_5, %add3A : vector<6400x144xf32>
    %swap3A = arith.constant 0 : index
    %swap3A_10 = arith.constant 0 : index
    %swap3A_11 = vector.load %arg4[%swap3A, %swap3A_10] : memref<6400x144xf32, #tpu.memory_space<vmem>>, vector<6400x144xf32>
    tpu.vector_store %arg4[%swap3A, %swap3A_10], %add3A_9 {strides = array<i32>} : memref<6400x144xf32, #tpu.memory_space<vmem>>, vector<6400x144xf32>,
    return
  }
  func.func @transform_0(%arg0: i32) -> (i32, i32) {
    %c0_i32 = arith.constant 0 : i32
    %c0_i32_0 = arith.constant 0 : i32
    return %arg0, %c0_i32 : i32, i32
  }
  func.func @transform_1(%arg0: i32) -> (i32, i32) {
    %c0_i32 = arith.constant 0 : i32
    %c0_i32_0 = arith.constant 0 : i32
    %c0_i32_1 = arith.constant 0 : i32
    return %c0_i32, %c0_i32_0 : i32, i32
  }
  func.func @transform_2(%arg0: i32) -> (i32, i32) {
    %c0_i32 = arith.constant 0 : i32
    %c0_i32_0 = arith.constant 0 : i32
    %c0_i32_1 = arith.constant 0 : i32
    return %c0_i32, %c0_i32_0 : i32, i32
  }
  func.func @transform_3(%arg0: i32) -> (i32, i32) {
    %c0_i32 = arith.constant 0 : i32
    %c0_i32_0 = arith.constant 0 : i32
    return %arg0, %c0_i32 : i32, i32
  }
}

module attributes {stable_mosaic.version = 14 : i64} {
  func.func @_k4_body(%arg0: memref<2x2x5248x144xf32, #tpu.memory_space<vmem>>, %arg1: memref<10000x128xf32, #tpu.memory_space<vmem>>) attributes {dimension_semantics = [], scalar_prefetch = 0 : i64, scratch_operands = 0 : i64, tpu.core_type = #tpu.core_type<tc>} {
    %get3A = arith.constant 0 : index
    %get3A_0 = arith.constant 0 : index
    %get3A_1 = arith.constant 0 : index
    %get3A_2 = arith.constant 0 : index
    %get3A_3 = vector.load %arg0[%get3A, %get3A_0, %get3A_1, %get3A_2] : memref<2x2x5248x144xf32, #tpu.memory_space<vmem>>, vector<1x1x5120x144xf32>
    %get3A_4 = vector.shape_cast %get3A_3 : vector<1x1x5120x144xf32> to vector<5120x144xf32>
    %get3A_5 = arith.constant 1 : index
    %get3A_6 = arith.constant 0 : index
    %get3A_7 = arith.constant 0 : index
    %get3A_8 = arith.constant 0 : index
    %get3A_9 = vector.load %arg0[%get3A_5, %get3A_6, %get3A_7, %get3A_8] : memref<2x2x5248x144xf32, #tpu.memory_space<vmem>>, vector<1x1x5120x144xf32>
    %get3A_10 = vector.shape_cast %get3A_9 : vector<1x1x5120x144xf32> to vector<5120x144xf32>
    %add3A = arith.addf %get3A_4, %get3A_10 : vector<5120x144xf32>
    %get3A_11 = arith.constant 0 : index
    %get3A_12 = arith.constant 1 : index
    %get3A_13 = arith.constant 0 : index
    %get3A_14 = arith.constant 0 : index
    %get3A_15 = vector.load %arg0[%get3A_11, %get3A_12, %get3A_13, %get3A_14] : memref<2x2x5248x144xf32, #tpu.memory_space<vmem>>, vector<1x1x4880x144xf32>
    %get3A_16 = vector.shape_cast %get3A_15 : vector<1x1x4880x144xf32> to vector<4880x144xf32>
    %get3A_17 = arith.constant 1 : index
    %get3A_18 = arith.constant 1 : index
    %get3A_19 = arith.constant 0 : index
    %get3A_20 = arith.constant 0 : index
    %get3A_21 = vector.load %arg0[%get3A_17, %get3A_18, %get3A_19, %get3A_20] : memref<2x2x5248x144xf32, #tpu.memory_space<vmem>>, vector<1x1x4880x144xf32>
    %get3A_22 = vector.shape_cast %get3A_21 : vector<1x1x4880x144xf32> to vector<4880x144xf32>
    %add3A_23 = arith.addf %get3A_16, %get3A_22 : vector<4880x144xf32>
    %concatenate3A = tpu.concatenate %add3A, %add3A_23 in 0 : vector<5120x144xf32>, vector<4880x144xf32> -> vector<10000x144xf32>
    %slice3A = vector.extract_strided_slice %concatenate3A {offsets = [0, 128], sizes = [10000, 1], strides = [1, 1]} : vector<10000x144xf32> to vector<10000x1xf32>
    %gt3A = arith.constant 0.000000e+00 : f32
    %gt3A_24 = vector.broadcast %gt3A : f32 to vector<10000x1xf32>
    %gt3A_25 = arith.cmpf ogt, %slice3A, %gt3A_24 : vector<10000x1xf32>
    %jit3A = arith.constant 1.000000e+00 : f32
    %broadcast_in_dim3A = vector.broadcast %jit3A : f32 to vector<10000x1xf32>
    %select_n3A = arith.select %gt3A_25, %slice3A, %broadcast_in_dim3A : vector<10000x1xi1>, vector<10000x1xf32>
    %gt3A_26 = arith.constant 0.000000e+00 : f32
    %gt3A_27 = vector.broadcast %gt3A_26 : f32 to vector<10000x1xf32>
    %gt3A_28 = arith.cmpf ogt, %slice3A, %gt3A_27 : vector<10000x1xf32>
    %slice3A_29 = vector.extract_strided_slice %concatenate3A {offsets = [0, 0], sizes = [10000, 128], strides = [1, 1]} : vector<10000x144xf32> to vector<10000x128xf32>
    %div3A = vector.broadcast %select_n3A : vector<10000x1xf32> to vector<10000x128xf32>
    %div3A_30 = arith.divf %slice3A_29, %div3A : vector<10000x128xf32>
    %jit3A_31 = arith.constant 0.000000e+00 : f32
    %broadcast_in_dim3A_32 = vector.shape_cast %gt3A_28 : vector<10000x1xi1> to vector<10000x1xi1>
    %broadcast_in_dim3A_33 = vector.broadcast %broadcast_in_dim3A_32 : vector<10000x1xi1> to vector<10000x128xi1>
    %broadcast_in_dim3A_34 = vector.broadcast %jit3A_31 : f32 to vector<10000x128xf32>
    %select_n3A_35 = arith.select %broadcast_in_dim3A_33, %div3A_30, %broadcast_in_dim3A_34 : vector<10000x128xi1>, vector<10000x128xf32>
    %swap3A = arith.constant 0 : index
    %swap3A_36 = arith.constant 0 : index
    %swap3A_37 = vector.load %arg1[%swap3A, %swap3A_36] : memref<10000x128xf32, #tpu.memory_space<vmem>>, vector<10000x128xf32>
    tpu.vector_store %arg1[%swap3A, %swap3A_36], %select_n3A_35 {strides = array<i32>} : memref<10000x128xf32, #tpu.memory_space<vmem>>, vector<10000x128xf32>,
    return
  }
}

</mosaic_0001>

<sc_bundles>
// kernel: _run.6.cloned.1.call-start
scs
__scs_entry_jumppad:
0x0: {  	(pc) =	sbr.rel $0x88, $3  }
0x1: {  	(tag) =	ssettag $0x0;
	lr =	simm.s32 $0x1  }
0x2: {  	[smem:$0x3F96] =	sst lr;
	_ =	strace $0xD0000000  }
0x3: {  	_ = 	snop  }
0x4: {  	_ = 	snop  }
0x5: {  	_ = 	snop  }
0x6: {  	_ = 	snop  }
0x7: {  	_ = 	snop  }
__scs_overlays_trampoline_lowered:
0x8: {  	[smem:$0x3FA5] =	sst s0  }
0x9: {  	[smem:$0x3FA6] =	sst s1  }
0xa: {  	[smem:$0x3FA7] =	sst s2  }
0xb: {  	[smem:$0x3FA8] =	sst s3  }
0xc: {  	[smem:$0x3FA9] =	sst s4  }
0xd: {  	[smem:$0x3FAA] =	sst s5  }
0xe: {  	[smem:$0x3FAB] =	sst s6  }
0xf: {  	[smem:$0x3FAC] =	sst s7  }
0x10: {  	[smem:$0x3FAD] =	sst s8  }
0x11: {  	[smem:$0x3FAE] =	sst s9;
	s0 =	simm.s32 @!p0 $0x0  }
0x12: {  	s1 =	sld [smem:$0x3F94];
	s0 =	simm.s32 @p0 $0x1  }
0x13: {  	[smem:$0x3FAF] =	sst s0;
	s0 =	simm.s32 @!p1 $0x0  }
0x14: {  	s2 =	sld [smem:$0x3F93];
	s0 =	simm.s32 @p1 $0x1  }
0x15: {  	[smem:$0x3FB0] =	sst s0;
	s0 =	simm.s32 @!p2 $0x0  }
0x16: {  	s3 =	sld [smem:$0x3FDB];
	s0 =	simm.s32 @p2 $0x1  }
0x17: {  	s4 =	simm.s32 $0x1BF5;
	[smem:$0x3FB2] =	sst s0  }
0x18: {  	s0 =	sld [smem:$0x3F95];
	_ =	swait.ge [sflag:s4], $0x0  }
0x19: {  	s7 =	sld [smem:$0x3F96]  }
0x1a: {  	s8 =	sadd.s32 $0xFFFFE003, lr  }
0x1b: {  	s9 =	sadd.s32 $0xFFFFFEF7, lr;
	s5 =	simm.s32 $0xFFFFFFFF;
	p2 =	slt.u32 s8, $0xFFFFF086  }
0x1c: {  	p1 =	slt.u32 s9, $0xF7A;
	s5 =	simm.s32 @!p2 $0x0  }
0x1d: {  	s5 =	simm.s32 @p1 $0x1;
	p0 =	seq.s32 s7, s2  }
0x1e: {  	s7 =	smul.u32 @!p0 $0xF7A, s2;
	p2 =	seq.s32 @!p0 s5, $0x0  }
0x1f: {  	s9 =	smul.u32 $0xF7A, s1;
	s8 =	simm.s32 @!p0 $0x1BF5;
	p2 =	por !p2, p0  }
0x20: {  	[sflag:s8] =	ssyncset.s32 @!p0 $0xFFFFF086;
	s6 =	sadd.s32 @!p0 s3, s7;
	s7 =	simm.s32 @!p0 $0x108  }
0x21: {  	s3 =	sadd.s32 s3, s9;
	s6 =	sadd.s32 @!p0 $0x88, s6;
	s7 =	simm.s32 @p2 $0x1082  }
0x22: {  	[simem:s7], [sflag:s8] =	dma.local @!p0 [hbm:s6], $0xF7A  }
0x23: {  	s9 =	sor.u32 $0xD0000000, s2;
	s6 =	simm.s32 $0x108;
	_ =	swait.ge @!p0 [sflag:s8], $0x0  }
0x24: {  	s3 =	sadd.s32 $0x88, s3;
	s6 =	simm.s32 @!p1 $0x1082;
	[sflag:s4] =	ssyncset.s32 $0xFFFFF086  }
0x25: {  	[simem:s6], [sflag:s4] =	dma.local [hbm:s3], $0xF7A  }
0x26: {  	[smem:$0x3F96] =	sst s1;
	(tag) =	ssettag s2;
	_ =	strace s9  }
0x27: {  	s1 =	sld [smem:$0x3FA6]  }
0x28: {  	s2 =	sld [smem:$0x3FA7]  }
0x29: {  	s4 =	sld [smem:$0x3FA9]  }
0x2a: {  	p0 =	seq.s32 s5, $0x0;
	s5 =	sld [smem:$0x3FAA]  }
0x2b: {  	s6 =	sld [smem:$0x3FAB]  }
0x2c: {  	s7 =	sld [smem:$0x3FAC]  }
0x2d: {  	s3 =	simm.s32 $0x108;
	s8 =	sld [smem:$0x3FAD]  }
0x2e: {  	s3 =	simm.s32 @!p0 $0x1082;
	s9 =	sld [smem:$0x3FAE]  }
0x2f: {  	lr =	sadd.s32 s0, s3;
	s0 =	sld [smem:$0x3FA5]  }
0x30: {  	s3 =	sld [smem:$0x3FA8]  }
0x31: {  	[smem:$0x3FB1] =	sst s10  }
0x32: {  	s10 =	sld [smem:$0x3FAF];
	_ =	sdelay $0x3  }
0x33: {  	p0 =	seq.s32 s10, $0x1;
	s10 =	sld [smem:$0x3FB1];
	_ =	sdelay $0x3  }
0x34: {  	[smem:$0x3FB1] =	sst s10  }
0x35: {  	s10 =	sld [smem:$0x3FB0];
	_ =	sdelay $0x3  }
0x36: {  	p1 =	seq.s32 s10, $0x1;
	s10 =	sld [smem:$0x3FB1];
	_ =	sdelay $0x3  }
0x37: {  	[smem:$0x3FB1] =	sst s10  }
0x38: {  	s10 =	sld [smem:$0x3FB2]  }
0x39: {  	_ = 	snop;
	(pc) =	sbr.ind lr, $3  }
0x3a: {  	_ = 	snop  }
0x3b: {  	_ = 	snop  }
0x3c: {  	p2 =	seq.s32 s10, $0x1;
	s10 =	sld [smem:$0x3FB1]  }
0x3d: {  	_ =	shalt  }
0x3e: {  	_ =	shalt  }
0x3f: {  	_ =	shalt  }
0x40: {  	_ =	shalt  }
0x41: {  	_ =	shalt  }
0x42: {  	_ =	shalt  }
0x43: {  	_ =	shalt  }
0x44: {  	_ =	shalt  }
0x45: {  	_ =	shalt  }
0x46: {  	_ =	shalt  }
0x47: {  	_ =	shalt  }
0x48: {  	_ =	shalt  }
0x49: {  	_ =	shalt  }
0x4a: {  	_ =	shalt  }
0x4b: {  	_ =	shalt  }
0x4c: {  	_ =	shalt  }
0x4d: {  	_ =	shalt  }
0x4e: {  	_ =	shalt  }
0x4f: {  	_ =	shalt  }
0x50: {  	_ =	shalt  }
0x51: {  	_ =	shalt  }
0x52: {  	_ =	shalt  }
0x53: {  	_ =	shalt  }
0x54: {  	_ =	shalt  }
0x55: {  	_ =	shalt  }
0x56: {  	_ =	shalt  }
0x57: {  	_ =	shalt  }
0x58: {  	_ =	shalt  }
0x59: {  	_ =	shalt  }
0x5a: {  	_ =	shalt  }
0x5b: {  	_ =	shalt  }
0x5c: {  	_ =	shalt  }
0x5d: {  	_ =	shalt  }
0x5e: {  	_ =	shalt  }
0x5f: {  	_ =	shalt  }
0x60: {  	_ =	shalt  }
0x61: {  	_ =	shalt  }
0x62: {  	_ =	shalt  }
0x63: {  	_ =	shalt  }
0x64: {  	_ =	shalt  }
0x65: {  	_ =	shalt  }
0x66: {  	_ =	shalt  }
0x67: {  	_ =	shalt  }
0x68: {  	_ =	shalt  }
0x69: {  	_ =	shalt  }
0x6a: {  	_ =	shalt  }
0x6b: {  	_ =	shalt  }
0x6c: {  	_ =	shalt  }
0x6d: {  	_ =	shalt  }
0x6e: {  	_ =	shalt  }
0x6f: {  	_ =	shalt  }
0x70: {  	_ =	shalt  }
0x71: {  	_ =	shalt  }
0x72: {  	_ =	shalt  }
0x73: {  	_ =	shalt  }
0x74: {  	_ =	shalt  }
0x75: {  	_ =	shalt  }
0x76: {  	_ =	shalt  }
0x77: {  	_ =	shalt  }
0x78: {  	_ =	shalt  }
0x79: {  	_ =	shalt  }
0x7a: {  	_ =	shalt  }
0x7b: {  	_ =	shalt  }
0x7c: {  	_ =	shalt  }
0x7d: {  	_ =	shalt  }
0x7e: {  	_ =	shalt  }
0x7f: {  	_ =	shalt  }
0x80: {  	_ =	shalt  }
0x81: {  	_ =	shalt  }
0x82: {  	_ =	shalt  }
0x83: {  	_ =	shalt  }
0x84: {  	_ =	shalt  }
0x85: {  	_ =	shalt  }
0x86: {  	_ =	shalt  }
0x87: {  	_ =	shalt  }
.Lfunc_end0:
.L_simem_size_0:
called_computation_lowered:
.L_overlay_start_0:
0x88: {  	s2 =	sld [smem:$0x3FD9]  }
0x89: {  	s3 =	sld [smem:$0x3FFE];
	_ =	sdelay $0x1  }
0x8a: {  	s1 =	srdreg.scid  }
0x8b: {  	s0 =	sand.u32 $0x1, s1  }
0x8c: {  	s14 =	sshll.u32 s0, $0xA;
	s2 =	sadd.s32 s3, s2  }
0x8d: {  	s2 =	sadd.s32 s2, s14  }
0x8e: {  	[smem:$0x3FBD] =	sst s2  }
0x8f: {  	_ = 	snop  }
0x90: {  	s2 =	sld [smem:$0x3FD0];
	_ =	sdelay $0x1  }
0x91: {  	s15 =	sld [smem:$0x3FC8]  }
0x92: {  	s5 =	simm.s32 $0xA;
	s6 =	simm.s32 $0x10;
	s4 =	sld [smem:$0x3FC7]  }
0x93: {  	[smem:s6], [sflag:s5] =	dma.local [hbm:s2], $0x1  }
0x94: {  	_ =	swait.eq [sflag:s5], $0x1  }
0x95: {  	[sflag:s5] =	ssyncset.done $0x0  }
0x96: {  	s16 =	sld [smem:$0x10];
	[sflag:s5] =	ssyncadd.s32 $0xFFFFFFFF  }
0x97: {  	s17 =	sld [smem:$0x11];
	(tm) =	ssettm $0x1  }
0x98: {  	s18 =	sld [smem:$0x3FFB];
	_ =	sdelay $0x3  }
0x99: {  	_ =	strace s18  }
0x9a: {  	s6 =	sld [smem:$0x3FFC];
	_ =	sdelay $0x3  }
0x9b: {  	_ =	strace s6  }
0x9c: {  	s6 =	sld [smem:$0x3FFD];
	_ =	sdelay $0x3  }
0x9d: {  	_ =	strace s6  }
0x9e: {  	_ =	strace $0x8FFFFFFF  }
0x9f: {  	s19 =	sld [smem:$0x3FDB];
	_ =	sdelay $0x1  }
0xa0: {  	s7 =	simm.s32 $_scs_section_size  }
0xa1: {  	s8 =	simm.s32 $_size__tile_overlayer_lowered;
	s9 =	simm.s32 $_tile_overlayer_lowered  }
0xa2: {  	s22 =	simm.s32 $0x1BFF;
	s21 =	sshll.u32 s9, $0x1;
	s6 =	sadd.s32 s7, s19  }
0xa3: {  	s10 =	simm.s32 $0x0;
	s20 =	sshll.u32 s8, $0x1;
	s8 =	sadd.s32 s21, s6  }
0xa4: {  	[timem:s10], [sflag:s22] =	dma.local [hbm:s8], s20  }
0xa5: {  	_ =	swait.ge [sflag:s22], s20  }
0xa6: {  	s7 =	ssub.s32 $0x0, s20;
	[sflag:s22] =	ssyncset.done $0x0  }
0xa7: {  	[sflag:s22] =	ssyncadd.s32 s7;
	_ =	sdelay $0x1  }
0xa8: {  	s23 =	simm.s32 $0x1B8B  }
0xa9: {  	_ =	swait.ge [sflag:s23], $0x1  }
0xaa: {  	[sflag:s23] =	ssyncset.done $0x0  }
0xab: {  	s25 =	simm.s32 $0x1B8E;
	s24 =	sld [smem:$0x3FFE];
	[sflag:s23] =	ssyncadd.s32 $0xFFFFFFFF  }
0xac: {  	s26 =	simm.s32 $execute0_lowered;
	[smem:$0x3FD2] =	sst s25  }
0xad: {  	s8 =	sshll.u32 s26, $0x1;
	_ =	strace $0x80000046;
	[dreg:$0x1] =	wrdreg $0xFFFFFFFF  }
0xae: {  	s28 =	simm.s32 $_size_execute0_lowered;
	s6 =	sadd.s32 s6, s8;
	[dreg:$0x0] =	wrdreg $0x0  }
0xaf: {  	s8 =	sshll.u32 s28, $0x1;
	[dreg:$0x2] =	wrdreg s6  }
0xb0: {  	[dreg:$0x3] =	wrdreg s8  }
0xb1: {  	[dreg:$0x4] =	wrdreg $0xC0  }
0xb2: {  	_ =	task [dreg:s10], $0x5FFFF  }
0xb3: {  	[dreg:$0x1] =	wrdreg $0xFFFFFFFF  }
0xb4: {  	[dreg:$0x0] =	wrdreg $0x60  }
0xb5: {  	[dreg:$0x2] =	wrdreg s24  }
0xb6: {  	[dreg:$0x3] =	wrdreg s15  }
0xb7: {  	[dreg:$0x4] =	wrdreg s4  }
0xb8: {  	[dreg:$0x5] =	wrdreg s17  }
0xb9: {  	[dreg:$0x6] =	wrdreg s16  }
0xba: {  	[dreg:$0x7] =	wrdreg $0x130F00  }
0xbb: {  	[dreg:$0x8] =	wrdreg $0x9  }
0xbc: {  	_ =	task.clear_ibuf [dreg:s10], $0x9FFFF;
	_ =	strace $0x90000046  }
0xbd: {  	s29 =	simm.s32 $0x9;
	_ =	strace $0x80000048  }
0xbe: {  	_ =	swait.ge [sflag:s29], $0x1  }
0xbf: {  	[sflag:s29] =	ssyncadd.s32 $0xFFFFFFFF  }
0xc0: {  	_ =	strace $0x90000048  }
0xc1: {  	_ =	sfence  }
0xc2: {  	s30 =	sld [smem:$0x0];
	_ =	sdelay $0x2  }
0xc3: {  	s31 =	sshll.u32 s1, $0xD;
	s1 =	sshrl.u32 s1, $0x2  }
0xc4: {  	s3 =	sand.u32 $0x4000, s31;
	s1 =	sadd.s32 s1, s30  }
0xc5: {  	s0 =	sor.u32 s3, s0;
	s1 =	sshll.u32 s1, $0x11  }
0xc6: {  	s0 =	sor.u32 s1, s0  }
0xc7: {  	s0 =	sadd.s32 $0x8F2B, s0  }
0xc8: {  	[sflag:s0] =	ssyncadd.remote.s32 $0x1  }
0xc9: {  	_ =	sfence.sel $0xFFFF  }
0xca: {  	[dreg:$0x0] =	wrdreg $0xFFFFFFFF;
	(pc) =	sbr.abs _section_cstart, $3  }
0xcb: {  	[dreg:$0x1] =	wrdreg $0xFFFFFFFF  }
0xcc: {  	_ =	task.clear_ibuf [dreg:s10], $0x2FFFF;
	_ =	strace $0x9FFFFFFF  }
0xcd: {  	(tm) =	ssettm $0x7FFFFFFF  }
tec
execute0_lowered:
.L_overlay_start_1:
0x0: {  	(tag) =	ssettag $0x1  }
0x1: {  	s0 =	rddreg [dreg:$0x0]  }
0x2: {  	s25 =	rddreg [dreg:$0x1]  }
0x3: {  	s28 =	rddreg [dreg:$0x2]  }
0x4: {  	s2 =	rddreg [dreg:$0x3]  }
0x5: {  	s4 =	rddreg [dreg:$0x4]  }
0x6: {  	s5 =	rddreg [dreg:$0x5];
	s1 =	srdreg.scid  }
0x7: {  	s7 =	simm.s32 $0x0;
	s10 =	stileid.u32;
	s31 =	simm.s32 $0x12C20  }
0x8: {  	s1 =	sand.u32 $0x1, s1;
	[smem:$0x7FF] =	sst s7;
	s6 =	smul.u32 $0xB880, s10  }
0x9: {  	s8 =	sadd.s32 $0xE00, s0;
	s13 =	sadd.s32 $0x9F3600, s0;
	s11 =	smul.u32 $0x2E200, s10  }
0xa: {  	s9 =	sadd.s32 $0x2CE00, s0;
	s3 =	smul.u32 $0x171000, s1;
	_ =	strace $0x80000047  }
0xb: {  	[dreg:$0x7] =	wrdreg s9;
	s19 =	sshll.u32 s1, $0x4;
	s1 =	ssub.s32 $0x2, s1  }
0xc: {  	s29 =	smov.u32 s13;
	s9 =	sor.u32 s10, s19;
	s12 =	sshrl.u32 s1, $0x1  }
0xd: {  	s11 =	sshrl.u32 s11, $0x2;
	s17 =	sadd.s32 s6, s5;
	s3 =	sadd.s32 s6, s3  }
0xe: {  	s10 =	smul.u32 $0x2710, s9;
	s14 =	sadd.s32 s11, s5;
	[dreg:$0x13] =	wrdreg s17  }
0xf: {  	s9 =	smul.u32 $0x2BF20, s9;
	s3 =	sshrl.u32 s3, $0x3;
	[dreg:$0x9] =	wrdreg s14  }
0x10: {  	s3 =	sadd.s32 s3, s0;
	s0 =	sadd.s32 $0x2D2E2, s0;
	[dreg:$0x8] =	wrdreg s10  }
0x11: {  	s1 =	ssub.s32 s1, s12;
	s22 =	sadd.s32 $0x50, s10;
	[dreg:$0xa] =	wrdreg s0  }
0x12: {  	s20 =	sshrl.u32 s10, $0x3;
	s9 =	sadd.s32 s13, s9;
	[dreg:$0xc] =	wrdreg s22  }
0x13: {  	s17 =	simm.s32 $0x2710;
	s21 =	sadd.s32 s25, s20;
	[dreg:$0xe] =	wrdreg s9  }
0x14: {  	s24 =	sadd.s32 $0x26C0, s10;
	s23 =	sadd.s32 s28, s20;
	[dreg:$0xb] =	wrdreg s21  }
0x15: {  	s30 =	sadd.s32 $0xF0, s10;
	s0 =	sadd.s32 s4, s20;
	[dreg:$0xd] =	wrdreg s23  }
0x16: {  	s11 =	sshrl.u32 s22, $0x3;
	s18 =	sadd.s32 $0x2F600, s3;
	[dreg:$0x14] =	wrdreg s0  }
0x17: {  	s13 =	sshll.u32 s24, $0x4;
	s19 =	sadd.s32 $0x46700, s3;
	[dreg:$0x15] =	wrdreg s18  }
0x18: {  	s15 =	sshrl.u32 s24, $0x3;
	s20 =	smax.u32 s1, $0x1;
	[dreg:$0x16] =	wrdreg s19  }
0x19: {  	s22 =	sadd.s32 $0xA0, s10;
	s24 =	sadd.s32 $0x5A00, s14;
	[dreg:$0x17] =	wrdreg s20  }
0x1a: {  	s9 =	simm.s32 $0x4EC0;
	s26 =	sadd.s32 s25, s11;
	[dreg:$0x19] =	wrdreg s22  }
0x1b: {  	s11 =	sadd.s32 s28, s11;
	s2 =	sadd.s32 s2, s13;
	[dreg:$0x1b] =	wrdreg s24  }
0x1c: {  	s16 =	sadd.s32 s4, s15;
	s15 =	smov.u32 s5;
	[dreg:$0xf] =	wrdreg s26  }
0x1d: {  	s5 =	smov.u32 s4;
	s21 =	sadd.s32 $0xB400, s14;
	[dreg:$0x10] =	wrdreg s11  }
0x1e: {  	s23 =	sadd.s32 $0x2D00, s14;
	s13 =	simm.s32 $0x5;
	[dreg:$0x11] =	wrdreg s2  }
0x1f: {  	v10 =	vlaneseq.u32;
	s20 =	simm.s32 $0x4E20;
	s22 =	simm.s32 $0x1;
	[dreg:$0x12] =	wrdreg s16  }
0x20: {  	v0 =	vimm.f32 $0.0e+00;
	v9 =	vmul.u32 $0x90, v10;
	v2 =	vor.u32 $0x1400, v10;
	s24 =	simm.s32 $0x7BC0;
	s18 =	simm.s32 $0x2;
	[dreg:$0x18] =	wrdreg s21  }
0x21: {  	v4 =	vor.u32 $0x1410, v10;
	v6 =	vor.u32 $0x1420, v10;
	v8 =	vor.u32 $0x1430, v10;
	s0 =	simm.s32 $0x4;
	[dreg:$0x1a] =	wrdreg s23;
	s26 =	sadd.s32 $0x8700, s14  }
0x22: {  	v10 =	vor.u32 $0x1440, v10;
	v1 =	vadd.s32 $0x80, v9;
	v3 =	vadd.s32 $0x980, v9;
	s23 =	simm.s32 $0x50;
	s14 =	simm.s32 $0xA9C0;
	s16 =	simm.s32 $0xD6C0  }
0x23: {  	v5 =	vadd.s32 $0x1280, v9;
	v7 =	vadd.s32 $0x1B80, v9;
	v9 =	vadd.s32 $0x2480, v9;
	s2 =	simm.s32 $0x0;
	[dreg:$0x1c] =	wrdreg s26;
	s26 =	simm.s32 $0x3  }
.LBB2_1:
0x24: {  	[tilespmem:$0x12C70] =	vst v0  }
0x25: {  	[tilespmem:$0x12C80] =	vst v0  }
0x26: {  	[tilespmem:$0x12C90] =	vst v0  }
0x27: {  	[tilespmem:$0x12CA0] =	vst v0  }
0x28: {  	[tilespmem:$0x12CB0] =	vst v0  }
0x29: {  	[tilespmem:$0x12CC0] =	vst v0  }
0x2a: {  	[tilespmem:$0x12CD0] =	vst v0  }
0x2b: {  	[tilespmem:$0x12CE0] =	vst v0  }
0x2c: {  	[tilespmem:$0x12CF0] =	vst v0  }
0x2d: {  	[tilespmem:$0x12D00] =	vst v0  }
0x2e: {  	[tilespmem:$0x12D10] =	vst v0  }
0x2f: {  	[tilespmem:$0x12D20] =	vst v0  }
0x30: {  	[tilespmem:$0x12D30] =	vst v0  }
0x31: {  	[tilespmem:$0x12D40] =	vst v0  }
0x32: {  	[tilespmem:$0x12D50] =	vst v0  }
0x33: {  	[tilespmem:$0x12D60] =	vst v0  }
0x34: {  	[tilespmem:$0x12D70] =	vst v0  }
0x35: {  	[tilespmem:$0x12D80] =	vst v0  }
0x36: {  	[tilespmem:$0x12D90] =	vst v0  }
0x37: {  	[tilespmem:$0x12DA0] =	vst v0  }
0x38: {  	[tilespmem:$0x12DB0] =	vst v0  }
0x39: {  	[tilespmem:$0x12DC0] =	vst v0  }
0x3a: {  	[tilespmem:$0x12DD0] =	vst v0  }
0x3b: {  	[tilespmem:$0x12DE0] =	vst v0  }
0x3c: {  	[tilespmem:$0x12DF0] =	vst v0  }
0x3d: {  	[tilespmem:$0x12E00] =	vst v0  }
0x3e: {  	[tilespmem:$0x12E10] =	vst v0  }
0x3f: {  	[tilespmem:$0x12E20] =	vst v0  }
0x40: {  	[tilespmem:$0x12E30] =	vst v0  }
0x41: {  	[tilespmem:$0x12E40] =	vst v0  }
0x42: {  	[tilespmem:$0x12E50] =	vst v0  }
0x43: {  	[tilespmem:$0x12E60] =	vst v0  }
0x44: {  	[tilespmem:$0x12E70] =	vst v0  }
0x45: {  	[tilespmem:$0x12E80] =	vst v0  }
0x46: {  	[tilespmem:$0x12E90] =	vst v0  }
0x47: {  	[tilespmem:$0x12EA0] =	vst v0  }
0x48: {  	[tilespmem:$0x12EB0] =	vst v0  }
0x49: {  	[tilespmem:$0x12EC0] =	vst v0  }
0x4a: {  	[tilespmem:$0x12ED0] =	vst v0  }
0x4b: {  	[tilespmem:$0x12EE0] =	vst v0  }
0x4c: {  	[tilespmem:$0x12EF0] =	vst v0  }
0x4d: {  	[tilespmem:$0x12F00] =	vst v0  }
0x4e: {  	[tilespmem:$0x12F10] =	vst v0  }
0x4f: {  	[tilespmem:$0x12F20] =	vst v0  }
0x50: {  	[tilespmem:$0x12F30] =	vst v0  }
0x51: {  	[tilespmem:$0x12F40] =	vst v0  }
0x52: {  	[tilespmem:$0x12F50] =	vst v0  }
0x53: {  	[tilespmem:$0x12F60] =	vst v0  }
0x54: {  	[tilespmem:$0x12F70] =	vst v0  }
0x55: {  	[tilespmem:$0x12F80] =	vst v0  }
0x56: {  	[tilespmem:$0x12F90] =	vst v0  }
0x57: {  	[tilespmem:$0x12FA0] =	vst v0  }
0x58: {  	[tilespmem:$0x12FB0] =	vst v0  }
0x59: {  	[tilespmem:$0x12FC0] =	vst v0  }
0x5a: {  	[tilespmem:$0x12FD0] =	vst v0  }
0x5b: {  	[tilespmem:$0x12FE0] =	vst v0  }
0x5c: {  	[tilespmem:$0x12FF0] =	vst v0  }
0x5d: {  	[tilespmem:$0x13000] =	vst v0  }
0x5e: {  	[tilespmem:$0x13010] =	vst v0  }
0x5f: {  	[tilespmem:$0x13020] =	vst v0  }
0x60: {  	[tilespmem:$0x13030] =	vst v0  }
0x61: {  	[tilespmem:$0x13040] =	vst v0  }
0x62: {  	[tilespmem:$0x13050] =	vst v0  }
0x63: {  	[tilespmem:$0x13060] =	vst v0  }
0x64: {  	[tilespmem:$0x13070] =	vst v0  }
0x65: {  	[tilespmem:$0x13080] =	vst v0  }
0x66: {  	[tilespmem:$0x13090] =	vst v0  }
0x67: {  	[tilespmem:$0x130A0] =	vst v0  }
0x68: {  	[tilespmem:$0x130B0] =	vst v0  }
0x69: {  	[tilespmem:$0x130C0] =	vst v0  }
0x6a: {  	[tilespmem:$0x130D0] =	vst v0  }
0x6b: {  	[dreg:$0x1d] =	wrdreg s2;
	[tilespmem:$0x130E0] =	vst v0;
	s1 =	simm.s32 $0x0;
	s3 =	simm.s32 $0x240  }
.LBB2_2:
0x6c: {  	p0 =	sne.s32 s3, $0xB1C0;
	[tilespmem:s1+$0x4F40] =	vst v0  }
0x6d: {  	[tilespmem:s1+$0x4EC0] =	vst v0  }
0x6e: {  	[tilespmem:s1+$0x4ED0] =	vst v0  }
0x6f: {  	[tilespmem:s1+$0x4EE0] =	vst v0  }
.Ltmp0:
0x70: {  	[tilespmem:s1+$0x4EF0] =	vst v0;
	(pc) =	sbr.rel @p0 .LBB2_2-.Ltmp0, $4  }
0x71: {  	[tilespmem:s1+$0x4F00] =	vst v0  }
0x72: {  	[tilespmem:s1+$0x4F10] =	vst v0  }
0x73: {  	[tilespmem:s1+$0x4F20] =	vst v0  }
0x74: {  	[tilespmem:s1+$0x4F30] =	vst v0;
	s1 =	sshra.s32 s3, $0x2;
	s3 =	sadd.s32 $0x240, s3  }
0x75: {  	[tilespmem:s1+$0x4F40] =	vst v0  }
0x76: {  	[tilespmem:s1+$0x4EC0] =	vst v0  }
0x77: {  	[tilespmem:s1+$0x4ED0] =	vst v0  }
0x78: {  	[tilespmem:s1+$0x4EE0] =	vst v0  }
0x79: {  	[tilespmem:s1+$0x4EF0] =	vst v0  }
0x7a: {  	[tilespmem:s1+$0x4F00] =	vst v0  }
0x7b: {  	[tilespmem:s1+$0x4F10] =	vst v0  }
0x7c: {  	[tilespmem:s1+$0x4F20] =	vst v0  }
0x7d: {  	[tilespmem:s1+$0x4F30] =	vst v0;
	s4 =	rddreg [dreg:$0x9]  }
0x7e: {  	[spmem:s4] =	stream.linear.scatter [tilespmem:s9], [sflag:$0x5], $0x2D00, $0x38;
	[tilespmem:$0x1E970] =	vst v63  }
0x7f: {  	_ =	swait.ge [sflag:s13], $0x2D00  }
0x80: {  	[sflag:s13] =	ssyncset.done $0x0  }
0x81: {  	s6 =	rddreg [dreg:$0x1a];
	[sflag:s13] =	ssyncadd.s32 $0xFFFFD300  }
0x82: {  	[spmem:s6] =	stream.linear.scatter [tilespmem:s9], [sflag:$0x5], $0x2D00, $0x38;
	[tilespmem:$0x1E970] =	vst v63  }
0x83: {  	_ =	swait.ge [sflag:s13], $0x2D00  }
0x84: {  	[sflag:s13] =	ssyncset.done $0x0  }
0x85: {  	s10 =	rddreg [dreg:$0x1b];
	[sflag:s13] =	ssyncadd.s32 $0xFFFFD300  }
0x86: {  	[spmem:s10] =	stream.linear.scatter [tilespmem:s9], [sflag:$0x5], $0x2D00, $0x38;
	[tilespmem:$0x1E970] =	vst v63  }
0x87: {  	_ =	swait.ge [sflag:s13], $0x2D00  }
0x88: {  	[sflag:s13] =	ssyncset.done $0x0  }
0x89: {  	s11 =	rddreg [dreg:$0x1c];
	[sflag:s13] =	ssyncadd.s32 $0xFFFFD300  }
0x8a: {  	[spmem:s11] =	stream.linear.scatter [tilespmem:s9], [sflag:$0x5], $0x2D00, $0x38;
	[tilespmem:$0x1E970] =	vst v63  }
0x8b: {  	_ =	swait.ge [sflag:s13], $0x2D00  }
0x8c: {  	[sflag:s13] =	ssyncset.done $0x0  }
0x8d: {  	s2 =	simm.s32 $0x12C70;
	s12 =	rddreg [dreg:$0x18];
	[sflag:s13] =	ssyncadd.s32 $0xFFFFD300  }
0x8e: {  	[spmem:s12] =	stream.linear.scatter [tilespmem:s2], [sflag:$0x5], $0x480, $0x38;
	[tilespmem:$0x1E970] =	vst v63  }
0x8f: {  	_ =	swait.ge [sflag:s13], $0x480  }
0x90: {  	[sflag:s13] =	ssyncset.done $0x0  }
0x91: {  	s12 =	simm.s32 $0x0;
	s19 =	rddreg [dreg:$0x7];
	[sflag:s13] =	ssyncadd.s32 $0xFFFFFB80  }
0x92: {  	[tilespmem:s12], [sflag:$0x5] =	stream.linear.gather [hbm4b:s19+s12], $0x2710, $0x38;
	[tilespmem:$0x1E970] =	vst v63  }
0x93: {  	_ =	swait.ge [sflag:s13], $0x2710  }
0x94: {  	[sflag:s13] =	ssyncset.done $0x0  }
0x95: {  	s21 =	rddreg [dreg:$0xa];
	[sflag:s13] =	ssyncadd.s32 $0xFFFFD8F0  }
0x96: {  	[tilespmem:s17], [sflag:$0x5] =	stream.linear.gather [hbm4b:s21+s12], $0x2710, $0x38;
	[tilespmem:$0x1E970] =	vst v63  }
0x97: {  	_ =	swait.ge [sflag:s13], $0x2710  }
0x98: {  	[sflag:s13] =	ssyncset.done $0x0  }
0x99: {  	[sflag:s13] =	ssyncadd.s32 $0xFFFFD8F0  }
0x9a: {  	[bflag:$0x0] =	sbarrier.arrive $0xFFFF  }
0x9b: {  	s2 =	rddreg [dreg:$0xb]  }
0x9c: {  	[tilespmem:s20], [sflag:$0x1] =	stream.linear.gather [hbm4b:s2+s12], $0x50, $0x38;
	[tilespmem:$0x1E970] =	vst v63  }
0x9d: {  	s4 =	simm.s32 $0x4E70;
	s3 =	rddreg [dreg:$0xd]  }
0x9e: {  	[tilespmem:s4], [sflag:$0x1] =	stream.linear.gather [hbm4b:s3+s12], $0x50, $0x38;
	[tilespmem:$0x1E970] =	vst v63  }
0x9f: {  	_ =	swait.ge [sflag:s22], $0x50  }
0xa0: {  	[sflag:s22] =	ssyncset.done $0x0  }
0xa1: {  	[sflag:s22] =	ssyncadd.s32 $0xFFFFFFB0  }
0xa2: {  	_ =	swait.ge [sflag:s22], $0x50  }
0xa3: {  	[sflag:s22] =	ssyncset.done $0x0  }
0xa4: {  	[sflag:s22] =	ssyncadd.s32 $0xFFFFFFB0  }
0xa5: {  	[tilespmem:s9], [sflag:$0x1] =	stream.indirect.gather [hbm4b:s8+s23], $0x90, s20, s23, $0xb8;
	[tilespmem:$0x1E970] =	vst v63  }
0xa6: {  	s6 =	rddreg [dreg:$0xe]  }
0xa7: {  	[tilespmem:s24], [sflag:$0x2] =	stream.linear.gather [hbm4b:s6+s12], $0x2D00, $0x38;
	[tilespmem:$0x1E970] =	vst v63  }
0xa8: {  	s11 =	simm.s32 $0xA920;
	s10 =	rddreg [dreg:$0xf]  }
0xa9: {  	[tilespmem:s11], [sflag:$0x3] =	stream.linear.gather [hbm4b:s10+s12], $0x50, $0x38;
	[tilespmem:$0x1E970] =	vst v63  }
0xaa: {  	s21 =	simm.s32 $0xA970;
	s3 =	simm.s32 $0x0;
	s19 =	rddreg [dreg:$0x10]  }
0xab: {  	[tilespmem:s21], [sflag:$0x3] =	stream.linear.gather [hbm4b:s19+s12], $0x50, $0x38;
	[tilespmem:$0x1E970] =	vst v63  }
.LBB2_4:
0xac: {  	_ =	swait.ge [sflag:s26], $0x50  }
0xad: {  	[sflag:s26] =	ssyncset.done $0x0  }
0xae: {  	[sflag:s26] =	ssyncadd.s32 $0xFFFFFFB0  }
0xaf: {  	s6 =	smul.u32 $0xA0, s3;
	_ =	swait.ge [sflag:s26], $0x50  }
0xb0: {  	s1 =	rddreg [dreg:$0xc]  }
0xb1: {  	[sflag:s26] =	ssyncset.done $0x0;
	s11 =	sadd.s32 s6, s1  }
0xb2: {  	s2 =	simm.s32 $0xA920;
	[sflag:s26] =	ssyncadd.s32 $0xFFFFFFB0;
	s1 =	smul.u32 $0x12, s11  }
0xb3: {  	[tilespmem:s14], [sflag:$0x3] =	stream.indirect.gather [hbm4b:s8+s23], $0x90, s2, s23, $0xb8;
	[tilespmem:$0x1E970] =	vst v63  }
0xb4: {  	s1 =	sadd.s32 s29, s1  }
0xb5: {  	[tilespmem:s16], [sflag:$0x4] =	stream.linear.gather [hbm4b:s1+s12], $0x2D00, $0x38;
	[tilespmem:$0x1E970] =	vst v63  }
0xb6: {  	_ =	swait.ge [sflag:s18], $0x2D00  }
0xb7: {  	[sflag:s18] =	ssyncset.done $0x0  }
0xb8: {  	[sflag:s18] =	ssyncadd.s32 $0xFFFFD300  }
0xb9: {  	v11 =	vld [tilespmem:$0x4E20]  }
0xba: {  	v12 =	vld [tilespmem:$0x4E70];
	_ =	sdelay $0x6  }
0xbb: {  	v11 =	vld.idx.msk [tilespmem:v11+s12+$0x0], $0xffff  }
0xbc: {  	v13 =	vld.idx.msk [tilespmem:v12+s17+$0x0], $0xffff;
	_ =	sdelay $0x1  }
0xbd: {  	v14 =	vld.idx.msk [tilespmem:v1+s24+$0x0], $0xffff;
	_ =	sdelay $0x2  }
0xbe: {  	v11 =	vadd.f32 v13, v11;
	_ =	sdelay $0x1  }
0xbf: {  	v11 =	vadd.f32 v14, v11;
	_ =	sdelay $0x1  }
0xc0: {  	v13 =	vmul.f32 $9.999999770e-03, v11  }
0xc1: {  	vm0 =	vge.f32 v11, $0.0e+00  }
0xc2: {  	v11 =	vsel vm0, v11, v13  }
0xc3: {  	v11 =	vmul.f32 $1.442695020e+00, v11;
	_ =	sdelay $0x1  }
0xc4: {  	(erf) = vpow2.f32 v11;
	_ =	sdelay $0x2  }
0xc5: {  	v11 =	vld [tilespmem:$0x4E30]  }
0xc6: {  	v13 =	vld [tilespmem:$0x4E80];
	_ =	sdelay $0x2  }
0xc7: {  	vm7 =	vlt.s32 v12, $0x1400  }
0xc8: {  	v12 =	vsel vm7, v12, v2  }
0xc9: {  	[tilespmem:$0x12C20] =	vst v12;
	v14 =	vpop (erf)  }
0xca: {  	[tilespmem:$0xA8C0] =	vst v14  }
0xcb: {  	v11 =	vld.idx.msk [tilespmem:v11+s12+$0x0], $0xffff  }
0xcc: {  	v12 =	vld.idx.msk [tilespmem:v13+s17+$0x0], $0xffff;
	_ =	sdelay $0x1  }
0xcd: {  	v14 =	vld.idx.msk [tilespmem:v3+s24+$0x0], $0xffff;
	_ =	sdelay $0x2  }
0xce: {  	v11 =	vadd.f32 v12, v11;
	_ =	sdelay $0x1  }
0xcf: {  	v11 =	vadd.f32 v14, v11;
	_ =	sdelay $0x1  }
0xd0: {  	v12 =	vmul.f32 $9.999999770e-03, v11  }
0xd1: {  	vm8 =	vge.f32 v11, $0.0e+00  }
0xd2: {  	v11 =	vsel vm8, v11, v12  }
0xd3: {  	v11 =	vmul.f32 $1.442695020e+00, v11;
	_ =	sdelay $0x1  }
0xd4: {  	(erf) = vpow2.f32 v11;
	_ =	sdelay $0x2  }
0xd5: {  	v11 =	vld [tilespmem:$0x4E40]  }
0xd6: {  	v12 =	vld [tilespmem:$0x4E90];
	_ =	sdelay $0x2  }
0xd7: {  	vm9 =	vlt.s32 v13, $0x1400  }
0xd8: {  	v13 =	vsel vm9, v13, v4  }
0xd9: {  	[tilespmem:$0x12C30] =	vst v13;
	v14 =	vpop (erf)  }
0xda: {  	[tilespmem:$0xA8D0] =	vst v14  }
0xdb: {  	v11 =	vld.idx.msk [tilespmem:v11+s12+$0x0], $0xffff  }
0xdc: {  	v13 =	vld.idx.msk [tilespmem:v12+s17+$0x0], $0xffff;
	_ =	sdelay $0x1  }
0xdd: {  	v14 =	vld.idx.msk [tilespmem:v5+s24+$0x0], $0xffff;
	_ =	sdelay $0x2  }
0xde: {  	v11 =	vadd.f32 v13, v11;
	_ =	sdelay $0x1  }
0xdf: {  	v11 =	vadd.f32 v14, v11;
	_ =	sdelay $0x1  }
0xe0: {  	v13 =	vmul.f32 $9.999999770e-03, v11  }
0xe1: {  	vm10 =	vge.f32 v11, $0.0e+00  }
0xe2: {  	v11 =	vsel vm10, v11, v13  }
0xe3: {  	v11 =	vmul.f32 $1.442695020e+00, v11;
	_ =	sdelay $0x1  }
0xe4: {  	(erf) = vpow2.f32 v11;
	_ =	sdelay $0x2  }
0xe5: {  	v11 =	vld [tilespmem:$0x4E50]  }
0xe6: {  	v13 =	vld [tilespmem:$0x4EA0];
	_ =	sdelay $0x2  }
0xe7: {  	vm11 =	vlt.s32 v12, $0x1400  }
0xe8: {  	v12 =	vsel vm11, v12, v6  }
0xe9: {  	[tilespmem:$0x12C40] =	vst v12;
	v14 =	vpop (erf)  }
0xea: {  	[tilespmem:$0xA8E0] =	vst v14  }
0xeb: {  	v11 =	vld.idx.msk [tilespmem:v11+s12+$0x0], $0xffff  }
0xec: {  	v12 =	vld.idx.msk [tilespmem:v13+s17+$0x0], $0xffff;
	_ =	sdelay $0x1  }
0xed: {  	v14 =	vld.idx.msk [tilespmem:v7+s24+$0x0], $0xffff;
	_ =	sdelay $0x2  }
0xee: {  	v11 =	vadd.f32 v12, v11;
	_ =	sdelay $0x1  }
0xef: {  	v11 =	vadd.f32 v14, v11;
	_ =	sdelay $0x1  }
0xf0: {  	v12 =	vmul.f32 $9.999999770e-03, v11  }
0xf1: {  	vm12 =	vge.f32 v11, $0.0e+00  }
0xf2: {  	v11 =	vsel vm12, v11, v12  }
0xf3: {  	v11 =	vmul.f32 $1.442695020e+00, v11;
	_ =	sdelay $0x1  }
0xf4: {  	(erf) = vpow2.f32 v11;
	_ =	sdelay $0x2  }
0xf5: {  	v11 =	vld [tilespmem:$0x4E60]  }
0xf6: {  	v12 =	vld [tilespmem:$0x4EB0];
	_ =	sdelay $0x2  }
0xf7: {  	vm13 =	vlt.s32 v13, $0x1400  }
0xf8: {  	v13 =	vsel vm13, v13, v8  }
0xf9: {  	[tilespmem:$0x12C50] =	vst v13;
	v14 =	vpop (erf)  }
0xfa: {  	[tilespmem:$0xA8F0] =	vst v14  }
0xfb: {  	v11 =	vld.idx.msk [tilespmem:v11+s12+$0x0], $0xffff  }
0xfc: {  	v13 =	vld.idx.msk [tilespmem:v12+s17+$0x0], $0xffff;
	_ =	sdelay $0x1  }
0xfd: {  	v14 =	vld.idx.msk [tilespmem:v9+s24+$0x0], $0xffff;
	_ =	sdelay $0x2  }
0xfe: {  	v11 =	vadd.f32 v13, v11;
	_ =	sdelay $0x1  }
0xff: {  	v11 =	vadd.f32 v14, v11;
	_ =	sdelay $0x1  }
0x100: {  	v13 =	vmul.f32 $9.999999770e-03, v11  }
0x101: {  	vm14 =	vge.f32 v11, $0.0e+00  }
0x102: {  	v11 =	vsel vm14, v11, v13  }
0x103: {  	v11 =	vmul.f32 $1.442695020e+00, v11;
	_ =	sdelay $0x1  }
0x104: {  	(erf) = vpow2.f32 v11;
	_ =	sdelay $0x8  }
0x105: {  	vm15 =	vlt.s32 v12, $0x1400;
	v11 =	vpop (erf)  }
0x106: {  	[tilespmem:$0xA900] =	vst v11;
	v11 =	vsel vm15, v12, v10  }
0x107: {  	[tilespmem:$0x12C60] =	vst v11  }
0x108: {  	_ =	swait.ge [sflag:s22], $0x2D00  }
0x109: {  	s21 =	rddreg [dreg:$0x19]  }
0x10a: {  	s19 =	sadd.s32 s6, s21  }
0x10b: {  	[sflag:s22] =	ssyncset.done $0x0;
	s1 =	sshrl.u32 s19, $0x3  }
0x10c: {  	s4 =	smov.u32 s25;
	[sflag:s22] =	ssyncadd.s32 $0xFFFFD300;
	s21 =	sadd.s32 s25, s1  }
0x10d: {  	[tilespmem:s20], [sflag:$0x1] =	stream.linear.gather [hbm4b:s21+s12], $0x50, $0x38;
	[tilespmem:$0x1E970] =	vst v63  }
0x10e: {  	s1 =	sadd.s32 s28, s1;
	s25 =	simm.s32 $0x4E70;
	s21 =	simm.s32 $0x0  }
0x10f: {  	[tilespmem:s25], [sflag:$0x1] =	stream.linear.gather [hbm4b:s1+s12], $0x50, $0x38;
	[tilespmem:$0x1E970] =	vst v63  }
0x110: {  	v12 =	vld [tilespmem:s21+$0x4EC0]  }
0x111: {  	v11 =	vld [tilespmem:s21+$0x7BC0];
	_ =	sdelay $0x4  }
0x112: {  	v13 =	vadd.f32 v11, v12  }
0x113: {  	s10 =	smov.u32 s28;
	s28 =	simm.s32 $0x10460;
	s25 =	simm.s32 $0xA8C0  }
0x114: {  	v11 =	vld.msk [tilespmem:s25+$0x0 ss:$0x0], $0xffff;
	[tilespmem:s28+$0xFFFFFFC0] =	vst v13  }
0x115: {  	v13 =	vld [tilespmem:s21+$0x4ED0]  }
0x116: {  	v14 =	vld [tilespmem:s21+$0x7BD0];
	_ =	sdelay $0x3  }
0x117: {  	v12 =	vmul.f32 v11, v12  }
0x118: {  	v14 =	vadd.f32 v14, v13  }
0x119: {  	[tilespmem:s21+$0x4EC0] =	vst v12  }
0x11a: {  	[tilespmem:s28+$0xFFFFFFD0] =	vst v14  }
0x11b: {  	v12 =	vld [tilespmem:s21+$0x4EE0]  }
0x11c: {  	v14 =	vld [tilespmem:s21+$0x7BE0];
	_ =	sdelay $0x3  }
0x11d: {  	v13 =	vmul.f32 v13, v11  }
0x11e: {  	v14 =	vadd.f32 v14, v12  }
0x11f: {  	[tilespmem:s21+$0x4ED0] =	vst v13;
	v12 =	vmul.f32 v12, v11  }
0x120: {  	[tilespmem:s28+$0xFFFFFFE0] =	vst v14  }
0x121: {  	[tilespmem:s21+$0x4EE0] =	vst v12;
	v12 =	vld [tilespmem:s21+$0x4EF0]  }
0x122: {  	v13 =	vld [tilespmem:s21+$0x7BF0];
	_ =	sdelay $0x4  }
0x123: {  	v13 =	vadd.f32 v13, v12  }
0x124: {  	v12 =	vmul.f32 v12, v11  }
0x125: {  	[tilespmem:s28+$0xFFFFFFF0] =	vst v13  }
0x126: {  	[tilespmem:s21+$0x4EF0] =	vst v12;
	v12 =	vld [tilespmem:s21+$0x4F00]  }
0x127: {  	v13 =	vld [tilespmem:s21+$0x7C00];
	_ =	sdelay $0x4  }
0x128: {  	v13 =	vadd.f32 v13, v12  }
0x129: {  	v12 =	vmul.f32 v12, v11  }
0x12a: {  	[tilespmem:s28+$0x0] =	vst v13  }
0x12b: {  	[tilespmem:s21+$0x4F00] =	vst v12;
	v12 =	vld [tilespmem:s21+$0x4F10]  }
0x12c: {  	v13 =	vld [tilespmem:s21+$0x7C10];
	_ =	sdelay $0x4  }
0x12d: {  	v13 =	vadd.f32 v13, v12  }
0x12e: {  	v12 =	vmul.f32 v12, v11  }
0x12f: {  	[tilespmem:s28+$0x10] =	vst v13  }
0x130: {  	[tilespmem:s21+$0x4F10] =	vst v12;
	v12 =	vld [tilespmem:s21+$0x4F20]  }
0x131: {  	v13 =	vld [tilespmem:s21+$0x7C20];
	_ =	sdelay $0x4  }
0x132: {  	v13 =	vadd.f32 v13, v12;
	_ =	sdelay $0x1  }
0x133: {  	[tilespmem:s28+$0x20] =	vst v13  }
0x134: {  	v13 =	vld [tilespmem:s21+$0x4F30]  }
0x135: {  	v14 =	vld [tilespmem:s21+$0x7C30];
	_ =	sdelay $0x2  }
0x136: {  	v12 =	vmul.f32 v12, v11;
	_ =	sdelay $0x1  }
0x137: {  	s1 =	simm.s32 $0x240;
	[tilespmem:s21+$0x4F20] =	vst v12;
	v12 =	vmul.f32 v13, v11;
	v13 =	vadd.f32 v14, v13  }
.LBB2_5:
0x138: {  	_ = 	snop  }
0x139: {  	p0 =	sne.s32 s1, $0xB1C0;
	s25 =	sadd.s32 $0x1, s25;
	[tilespmem:s28+$0x30] =	vst v13;
	s28 =	sadd.s32 $0x80, s28  }
0x13a: {  	s2 =	sshra.s32 s1, $0x2;
	s1 =	sadd.s32 $0x240, s1;
	[tilespmem:s21+$0x4F30] =	vst v12;
	v12 =	vld [tilespmem:s21+$0x4F40]  }
0x13b: {  	v13 =	vld [tilespmem:s2+$0x4EC0]  }
0x13c: {  	v14 =	vld [tilespmem:s2+$0x7BC0];
	_ =	sdelay $0x2  }
0x13d: {  	v11 =	vmul.f32 v12, v11;
	_ =	sdelay $0x1  }
0x13e: {  	v12 =	vadd.f32 v14, v13;
	[tilespmem:s21+$0x4F40] =	vst v11;
	s21 =	smov.u32 s2  }
0x13f: {  	v11 =	vld.msk [tilespmem:s25+$0x0 ss:$0x0], $0xffff  }
0x140: {  	[tilespmem:s28+$0xFFFFFFC0] =	vst v12  }
0x141: {  	v12 =	vld [tilespmem:s21+$0x4ED0]  }
0x142: {  	v14 =	vld [tilespmem:s21+$0x7BD0];
	_ =	sdelay $0x2  }
0x143: {  	v13 =	vmul.f32 v11, v13  }
0x144: {  	v15 =	vmul.f32 v12, v11  }
0x145: {  	v12 =	vadd.f32 v14, v12  }
0x146: {  	[tilespmem:s21+$0x4EC0] =	vst v13  }
0x147: {  	[tilespmem:s28+$0xFFFFFFD0] =	vst v12  }
0x148: {  	v12 =	vld [tilespmem:s21+$0x4EE0]  }
0x149: {  	v13 =	vld [tilespmem:s21+$0x7BE0];
	_ =	sdelay $0x2  }
0x14a: {  	[tilespmem:s21+$0x4ED0] =	vst v15  }
0x14b: {  	v14 =	vmul.f32 v12, v11  }
0x14c: {  	v12 =	vadd.f32 v13, v12;
	_ =	sdelay $0x1  }
0x14d: {  	[tilespmem:s28+$0xFFFFFFE0] =	vst v12  }
0x14e: {  	[tilespmem:s21+$0x4EE0] =	vst v14;
	v12 =	vld [tilespmem:s21+$0x4EF0]  }
0x14f: {  	v13 =	vld [tilespmem:s21+$0x7BF0];
	_ =	sdelay $0x3  }
0x150: {  	v14 =	vmul.f32 v12, v11  }
0x151: {  	v12 =	vadd.f32 v13, v12;
	_ =	sdelay $0x1  }
0x152: {  	[tilespmem:s28+$0xFFFFFFF0] =	vst v12  }
0x153: {  	[tilespmem:s21+$0x4EF0] =	vst v14;
	v12 =	vld [tilespmem:s21+$0x4F00]  }
0x154: {  	v13 =	vld [tilespmem:s21+$0x7C00];
	_ =	sdelay $0x3  }
0x155: {  	v14 =	vmul.f32 v12, v11  }
0x156: {  	v12 =	vadd.f32 v13, v12;
	_ =	sdelay $0x1  }
0x157: {  	[tilespmem:s28+$0x0] =	vst v12  }
0x158: {  	[tilespmem:s21+$0x4F00] =	vst v14;
	v12 =	vld [tilespmem:s21+$0x4F10]  }
0x159: {  	v13 =	vld [tilespmem:s21+$0x7C10];
	_ =	sdelay $0x3  }
0x15a: {  	v14 =	vmul.f32 v12, v11  }
0x15b: {  	v12 =	vadd.f32 v13, v12;
	_ =	sdelay $0x1  }
0x15c: {  	[tilespmem:s28+$0x10] =	vst v12  }
0x15d: {  	[tilespmem:s21+$0x4F10] =	vst v14;
	v12 =	vld [tilespmem:s21+$0x4F20]  }
0x15e: {  	v13 =	vld [tilespmem:s21+$0x7C20];
	_ =	sdelay $0x3  }
0x15f: {  	v14 =	vmul.f32 v12, v11  }
0x160: {  	v12 =	vadd.f32 v13, v12;
	_ =	sdelay $0x1  }
0x161: {  	[tilespmem:s28+$0x20] =	vst v12  }
0x162: {  	[tilespmem:s21+$0x4F20] =	vst v14;
	v13 =	vld [tilespmem:s21+$0x4F30]  }
0x163: {  	v14 =	vld [tilespmem:s21+$0x7C30]  }
.Ltmp1:
0x164: {  	(pc) =	sbr.rel @p0 .LBB2_5-.Ltmp1, $3  }
0x165: {  	_ =	sdelay $0x1  }
0x166: {  	v12 =	vmul.f32 v13, v11  }
0x167: {  	v13 =	vadd.f32 v14, v13  }
0x168: {  	_ = 	snop  }
0x169: {  	[tilespmem:s28+$0x30] =	vst v13  }
0x16a: {  	[tilespmem:s21+$0x4F30] =	vst v12;
	v12 =	vld [tilespmem:s21+$0x4F40];
	_ =	sdelay $0x3  }
0x16b: {  	s1 =	rddreg [dreg:$0x8]  }
0x16c: {  	s1 =	sadd.s32 s1, s6;
	v11 =	vmul.f32 v12, v11  }
0x16d: {  	s25 =	rddreg [dreg:$0x3];
	s2 =	sshll.u32 s1, $0x4  }
0x16e: {  	s2 =	sadd.s32 s25, s2;
	s25 =	simm.s32 $0x10420;
	[tilespmem:s21+$0x4F40] =	vst v11  }
0x16f: {  	[hbm4b:s2+s7] =	stream.linear.scatter [tilespmem:s25], [sflag:$0x5], $0x2800, $0x38;
	[tilespmem:$0x1E970] =	vst v63  }
0x170: {  	_ =	swait.ge [sflag:s13], $0x2800  }
0x171: {  	s1 =	sshrl.u32 s1, $0x3;
	[sflag:s13] =	ssyncset.done $0x0  }
0x172: {  	s1 =	sadd.s32 s5, s1;
	s21 =	simm.s32 $0xA8C0;
	[sflag:s13] =	ssyncadd.s32 $0xFFFFD800  }
0x173: {  	[hbm4b:s1+s7] =	stream.linear.scatter [tilespmem:s21], [sflag:$0x5], $0x50, $0x38;
	[tilespmem:$0x1E970] =	vst v63  }
0x174: {  	_ =	swait.ge [sflag:s13], $0x50  }
0x175: {  	[sflag:s13] =	ssyncset.done $0x0  }
0x176: {  	[sflag:s13] =	ssyncadd.s32 $0xFFFFFFB0  }
0x177: {  	[spmem:s15] =	stream.indirect.scatter.add.f32 [tilespmem:s9], [sflag:$0x5], $0x90, s31, s23, $0xb8;
	[tilespmem:$0x1E970] =	vst v63  }
0x178: {  	_ =	swait.ge [sflag:s13], $0x2D00  }
0x179: {  	[sflag:s13] =	ssyncset.done $0x0  }
0x17a: {  	[sflag:s13] =	ssyncadd.s32 $0xFFFFD300  }
0x17b: {  	_ =	swait.ge [sflag:s22], $0x50  }
0x17c: {  	[sflag:s22] =	ssyncset.done $0x0  }
0x17d: {  	[sflag:s22] =	ssyncadd.s32 $0xFFFFFFB0  }
0x17e: {  	_ =	swait.ge [sflag:s22], $0x50  }
0x17f: {  	[sflag:s22] =	ssyncset.done $0x0  }
0x180: {  	s25 =	smul.u32 $0x12, s19;
	[sflag:s22] =	ssyncadd.s32 $0xFFFFFFB0  }
0x181: {  	[tilespmem:s9], [sflag:$0x1] =	stream.indirect.gather [hbm4b:s8+s23], $0x90, s20, s23, $0xb8;
	[tilespmem:$0x1E970] =	vst v63  }
0x182: {  	s1 =	sadd.s32 s29, s25  }
0x183: {  	[tilespmem:s24], [sflag:$0x2] =	stream.linear.gather [hbm4b:s1+s7], $0x2D00, $0x38;
	[tilespmem:$0x1E970] =	vst v63  }
0x184: {  	_ =	swait.ge [sflag:s0], $0x2D00  }
0x185: {  	[sflag:s0] =	ssyncset.done $0x0  }
0x186: {  	[sflag:s0] =	ssyncadd.s32 $0xFFFFD300  }
0x187: {  	v11 =	vld [tilespmem:$0xA920]  }
0x188: {  	v12 =	vld [tilespmem:$0xA970];
	_ =	sdelay $0x6  }
0x189: {  	v11 =	vld.idx.msk [tilespmem:v11+s7+$0x0], $0xffff  }
0x18a: {  	v13 =	vld.idx.msk [tilespmem:v12+s17+$0x0], $0xffff;
	_ =	sdelay $0x1  }
0x18b: {  	v14 =	vld.idx.msk [tilespmem:v1+s16+$0x0], $0xffff;
	_ =	sdelay $0x2  }
0x18c: {  	v11 =	vadd.f32 v13, v11;
	_ =	sdelay $0x1  }
0x18d: {  	v11 =	vadd.f32 v14, v11;
	_ =	sdelay $0x1  }
0x18e: {  	v13 =	vmul.f32 $9.999999770e-03, v11  }
0x18f: {  	vm0 =	vge.f32 v11, $0.0e+00  }
0x190: {  	v11 =	vsel vm0, v11, v13  }
0x191: {  	v11 =	vmul.f32 $1.442695020e+00, v11;
	_ =	sdelay $0x1  }
0x192: {  	(erf) = vpow2.f32 v11;
	_ =	sdelay $0x2  }
0x193: {  	v11 =	vld [tilespmem:$0xA930]  }
0x194: {  	v13 =	vld [tilespmem:$0xA980];
	_ =	sdelay $0x2  }
0x195: {  	vm7 =	vlt.s32 v12, $0x1400  }
0x196: {  	v12 =	vsel vm7, v12, v2  }
0x197: {  	[tilespmem:$0x12C20] =	vst v12;
	v14 =	vpop (erf)  }
0x198: {  	[tilespmem:$0x103C0] =	vst v14  }
0x199: {  	v11 =	vld.idx.msk [tilespmem:v11+s7+$0x0], $0xffff  }
0x19a: {  	v12 =	vld.idx.msk [tilespmem:v13+s17+$0x0], $0xffff;
	_ =	sdelay $0x1  }
0x19b: {  	v14 =	vld.idx.msk [tilespmem:v3+s16+$0x0], $0xffff;
	_ =	sdelay $0x2  }
0x19c: {  	v11 =	vadd.f32 v12, v11;
	_ =	sdelay $0x1  }
0x19d: {  	v11 =	vadd.f32 v14, v11;
	_ =	sdelay $0x1  }
0x19e: {  	v12 =	vmul.f32 $9.999999770e-03, v11  }
0x19f: {  	vm8 =	vge.f32 v11, $0.0e+00  }
0x1a0: {  	v11 =	vsel vm8, v11, v12  }
0x1a1: {  	v11 =	vmul.f32 $1.442695020e+00, v11;
	_ =	sdelay $0x1  }
0x1a2: {  	(erf) = vpow2.f32 v11;
	_ =	sdelay $0x2  }
0x1a3: {  	v11 =	vld [tilespmem:$0xA940]  }
0x1a4: {  	v12 =	vld [tilespmem:$0xA990];
	_ =	sdelay $0x2  }
0x1a5: {  	vm9 =	vlt.s32 v13, $0x1400  }
0x1a6: {  	v13 =	vsel vm9, v13, v4  }
0x1a7: {  	[tilespmem:$0x12C30] =	vst v13;
	v14 =	vpop (erf)  }
0x1a8: {  	[tilespmem:$0x103D0] =	vst v14  }
0x1a9: {  	v11 =	vld.idx.msk [tilespmem:v11+s7+$0x0], $0xffff  }
0x1aa: {  	v13 =	vld.idx.msk [tilespmem:v12+s17+$0x0], $0xffff;
	_ =	sdelay $0x1  }
0x1ab: {  	v14 =	vld.idx.msk [tilespmem:v5+s16+$0x0], $0xffff;
	_ =	sdelay $0x2  }
0x1ac: {  	v11 =	vadd.f32 v13, v11;
	_ =	sdelay $0x1  }
0x1ad: {  	v11 =	vadd.f32 v14, v11;
	_ =	sdelay $0x1  }
0x1ae: {  	v13 =	vmul.f32 $9.999999770e-03, v11  }
0x1af: {  	vm10 =	vge.f32 v11, $0.0e+00  }
0x1b0: {  	v11 =	vsel vm10, v11, v13  }
0x1b1: {  	v11 =	vmul.f32 $1.442695020e+00, v11;
	_ =	sdelay $0x1  }
0x1b2: {  	(erf) = vpow2.f32 v11;
	_ =	sdelay $0x2  }
0x1b3: {  	v11 =	vld [tilespmem:$0xA950]  }
0x1b4: {  	v13 =	vld [tilespmem:$0xA9A0];
	_ =	sdelay $0x2  }
0x1b5: {  	vm11 =	vlt.s32 v12, $0x1400  }
0x1b6: {  	v12 =	vsel vm11, v12, v6  }
0x1b7: {  	[tilespmem:$0x12C40] =	vst v12;
	v14 =	vpop (erf)  }
0x1b8: {  	[tilespmem:$0x103E0] =	vst v14  }
0x1b9: {  	v11 =	vld.idx.msk [tilespmem:v11+s7+$0x0], $0xffff  }
0x1ba: {  	v12 =	vld.idx.msk [tilespmem:v13+s17+$0x0], $0xffff;
	_ =	sdelay $0x1  }
0x1bb: {  	v14 =	vld.idx.msk [tilespmem:v7+s16+$0x0], $0xffff;
	_ =	sdelay $0x2  }
0x1bc: {  	v11 =	vadd.f32 v12, v11;
	_ =	sdelay $0x1  }
0x1bd: {  	v11 =	vadd.f32 v14, v11;
	_ =	sdelay $0x1  }
0x1be: {  	v12 =	vmul.f32 $9.999999770e-03, v11  }
0x1bf: {  	vm12 =	vge.f32 v11, $0.0e+00  }
0x1c0: {  	v11 =	vsel vm12, v11, v12  }
0x1c1: {  	v11 =	vmul.f32 $1.442695020e+00, v11;
	_ =	sdelay $0x1  }
0x1c2: {  	(erf) = vpow2.f32 v11;
	_ =	sdelay $0x2  }
0x1c3: {  	v11 =	vld [tilespmem:$0xA960]  }
0x1c4: {  	v12 =	vld [tilespmem:$0xA9B0];
	_ =	sdelay $0x2  }
0x1c5: {  	vm13 =	vlt.s32 v13, $0x1400  }
0x1c6: {  	v13 =	vsel vm13, v13, v8  }
0x1c7: {  	[tilespmem:$0x12C50] =	vst v13;
	v14 =	vpop (erf)  }
0x1c8: {  	[tilespmem:$0x103F0] =	vst v14  }
0x1c9: {  	v11 =	vld.idx.msk [tilespmem:v11+s7+$0x0], $0xffff  }
0x1ca: {  	v13 =	vld.idx.msk [tilespmem:v12+s17+$0x0], $0xffff;
	_ =	sdelay $0x1  }
0x1cb: {  	v14 =	vld.idx.msk [tilespmem:v9+s16+$0x0], $0xffff;
	_ =	sdelay $0x2  }
0x1cc: {  	v11 =	vadd.f32 v13, v11;
	_ =	sdelay $0x1  }
0x1cd: {  	v11 =	vadd.f32 v14, v11;
	_ =	sdelay $0x1  }
0x1ce: {  	v13 =	vmul.f32 $9.999999770e-03, v11  }
0x1cf: {  	vm14 =	vge.f32 v11, $0.0e+00  }
0x1d0: {  	v11 =	vsel vm14, v11, v13  }
0x1d1: {  	v11 =	vmul.f32 $1.442695020e+00, v11;
	_ =	sdelay $0x1  }
0x1d2: {  	(erf) = vpow2.f32 v11;
	_ =	sdelay $0x8  }
0x1d3: {  	vm15 =	vlt.s32 v12, $0x1400;
	v11 =	vpop (erf)  }
0x1d4: {  	[tilespmem:$0x10400] =	vst v11;
	v11 =	vsel vm15, v12, v10  }
0x1d5: {  	p0 =	seq.s32 s3, $0x3D;
	[tilespmem:$0x12C60] =	vst v11  }
0x1d6: {  	s1 =	sadd.s32 @!p0 s6, s30;
	_ =	swait.ge [sflag:s26], $0x2D00  }
0x1d7: {  	s19 =	simm.s32 @!p0 $0xA920;
	s1 =	sshrl.u32 @!p0 s1, $0x3;
	[sflag:s26] =	ssyncset.done $0x0  }
0x1d8: {  	s6 =	simm.s32 @!p0 $0x0;
	s2 =	sadd.s32 @!p0 s4, s1;
	[sflag:s26] =	ssyncadd.s32 $0xFFFFD300  }
0x1d9: {  	[tilespmem:s19], [sflag:$0x3] =	stream.linear.gather @!p0 [hbm4b:s2+s6], $0x50, $0x38;
	[tilespmem:$0x1E970] =	vst v63  }
0x1da: {  	s1 =	sadd.s32 @!p0 s10, s1;
	s2 =	simm.s32 @!p0 $0xA970  }
0x1db: {  	[tilespmem:s2], [sflag:$0x3] =	stream.linear.gather @!p0 [hbm4b:s1+s6], $0x50, $0x38;
	[tilespmem:$0x1E970] =	vst v63  }
0x1dc: {  	s6 =	simm.s32 $0x0  }
0x1dd: {  	v12 =	vld [tilespmem:s6+$0xA9C0]  }
0x1de: {  	v11 =	vld [tilespmem:s6+$0xD6C0];
	_ =	sdelay $0x4  }
0x1df: {  	v13 =	vadd.f32 v11, v12  }
0x1e0: {  	s21 =	simm.s32 $0x10460;
	s19 =	simm.s32 $0x103C0  }
0x1e1: {  	v11 =	vld.msk [tilespmem:s19+$0x0 ss:$0x0], $0xffff;
	[tilespmem:s21+$0xFFFFFFC0] =	vst v13  }
0x1e2: {  	v13 =	vld [tilespmem:s6+$0xA9D0]  }
0x1e3: {  	v14 =	vld [tilespmem:s6+$0xD6D0];
	_ =	sdelay $0x3  }
0x1e4: {  	v12 =	vmul.f32 v11, v12  }
0x1e5: {  	v14 =	vadd.f32 v14, v13  }
0x1e6: {  	[tilespmem:s6+$0xA9C0] =	vst v12  }
0x1e7: {  	[tilespmem:s21+$0xFFFFFFD0] =	vst v14  }
0x1e8: {  	v12 =	vld [tilespmem:s6+$0xA9E0]  }
0x1e9: {  	v14 =	vld [tilespmem:s6+$0xD6E0];
	_ =	sdelay $0x3  }
0x1ea: {  	v13 =	vmul.f32 v13, v11  }
0x1eb: {  	v14 =	vadd.f32 v14, v12  }
0x1ec: {  	[tilespmem:s6+$0xA9D0] =	vst v13;
	v12 =	vmul.f32 v12, v11  }
0x1ed: {  	[tilespmem:s21+$0xFFFFFFE0] =	vst v14  }
0x1ee: {  	[tilespmem:s6+$0xA9E0] =	vst v12;
	v12 =	vld [tilespmem:s6+$0xA9F0]  }
0x1ef: {  	v13 =	vld [tilespmem:s6+$0xD6F0];
	_ =	sdelay $0x4  }
0x1f0: {  	v13 =	vadd.f32 v13, v12  }
0x1f1: {  	v12 =	vmul.f32 v12, v11  }
0x1f2: {  	[tilespmem:s21+$0xFFFFFFF0] =	vst v13  }
0x1f3: {  	[tilespmem:s6+$0xA9F0] =	vst v12;
	v12 =	vld [tilespmem:s6+$0xAA00]  }
0x1f4: {  	v13 =	vld [tilespmem:s6+$0xD700];
	_ =	sdelay $0x4  }
0x1f5: {  	v13 =	vadd.f32 v13, v12  }
0x1f6: {  	v12 =	vmul.f32 v12, v11  }
0x1f7: {  	[tilespmem:s21+$0x0] =	vst v13  }
0x1f8: {  	[tilespmem:s6+$0xAA00] =	vst v12;
	v12 =	vld [tilespmem:s6+$0xAA10]  }
0x1f9: {  	v13 =	vld [tilespmem:s6+$0xD710];
	_ =	sdelay $0x4  }
0x1fa: {  	v13 =	vadd.f32 v13, v12  }
0x1fb: {  	v12 =	vmul.f32 v12, v11  }
0x1fc: {  	[tilespmem:s21+$0x10] =	vst v13  }
0x1fd: {  	[tilespmem:s6+$0xAA10] =	vst v12;
	v12 =	vld [tilespmem:s6+$0xAA20]  }
0x1fe: {  	v13 =	vld [tilespmem:s6+$0xD720];
	_ =	sdelay $0x4  }
0x1ff: {  	v13 =	vadd.f32 v13, v12;
	_ =	sdelay $0x1  }
0x200: {  	[tilespmem:s21+$0x20] =	vst v13  }
0x201: {  	v13 =	vld [tilespmem:s6+$0xAA30]  }
0x202: {  	v14 =	vld [tilespmem:s6+$0xD730];
	_ =	sdelay $0x2  }
0x203: {  	v12 =	vmul.f32 v12, v11;
	_ =	sdelay $0x1  }
0x204: {  	s28 =	smov.u32 s10;
	s25 =	smov.u32 s4;
	s1 =	simm.s32 $0x240;
	[tilespmem:s6+$0xAA20] =	vst v12;
	v12 =	vmul.f32 v13, v11;
	v13 =	vadd.f32 v14, v13  }
.LBB2_7:
0x205: {  	_ = 	snop  }
0x206: {  	p0 =	sne.s32 s1, $0xB1C0;
	s19 =	sadd.s32 $0x1, s19;
	[tilespmem:s21+$0x30] =	vst v13;
	s21 =	sadd.s32 $0x80, s21  }
0x207: {  	s2 =	sshra.s32 s1, $0x2;
	s1 =	sadd.s32 $0x240, s1;
	[tilespmem:s6+$0xAA30] =	vst v12;
	v12 =	vld [tilespmem:s6+$0xAA40]  }
0x208: {  	v13 =	vld [tilespmem:s2+$0xA9C0]  }
0x209: {  	v14 =	vld [tilespmem:s2+$0xD6C0];
	_ =	sdelay $0x2  }
0x20a: {  	v11 =	vmul.f32 v12, v11;
	_ =	sdelay $0x1  }
0x20b: {  	v12 =	vadd.f32 v14, v13;
	[tilespmem:s6+$0xAA40] =	vst v11;
	s6 =	smov.u32 s2  }
0x20c: {  	v11 =	vld.msk [tilespmem:s19+$0x0 ss:$0x0], $0xffff  }
0x20d: {  	[tilespmem:s21+$0xFFFFFFC0] =	vst v12  }
0x20e: {  	v12 =	vld [tilespmem:s6+$0xA9D0]  }
0x20f: {  	v14 =	vld [tilespmem:s6+$0xD6D0];
	_ =	sdelay $0x2  }
0x210: {  	v13 =	vmul.f32 v11, v13  }
0x211: {  	v15 =	vmul.f32 v12, v11  }
0x212: {  	v12 =	vadd.f32 v14, v12  }
0x213: {  	[tilespmem:s6+$0xA9C0] =	vst v13  }
0x214: {  	[tilespmem:s21+$0xFFFFFFD0] =	vst v12  }
0x215: {  	v12 =	vld [tilespmem:s6+$0xA9E0]  }
0x216: {  	v13 =	vld [tilespmem:s6+$0xD6E0];
	_ =	sdelay $0x2  }
0x217: {  	[tilespmem:s6+$0xA9D0] =	vst v15  }
0x218: {  	v14 =	vmul.f32 v12, v11  }
0x219: {  	v12 =	vadd.f32 v13, v12;
	_ =	sdelay $0x1  }
0x21a: {  	[tilespmem:s21+$0xFFFFFFE0] =	vst v12  }
0x21b: {  	[tilespmem:s6+$0xA9E0] =	vst v14;
	v12 =	vld [tilespmem:s6+$0xA9F0]  }
0x21c: {  	v13 =	vld [tilespmem:s6+$0xD6F0];
	_ =	sdelay $0x3  }
0x21d: {  	v14 =	vmul.f32 v12, v11  }
0x21e: {  	v12 =	vadd.f32 v13, v12;
	_ =	sdelay $0x1  }
0x21f: {  	[tilespmem:s21+$0xFFFFFFF0] =	vst v12  }
0x220: {  	[tilespmem:s6+$0xA9F0] =	vst v14;
	v12 =	vld [tilespmem:s6+$0xAA00]  }
0x221: {  	v13 =	vld [tilespmem:s6+$0xD700];
	_ =	sdelay $0x3  }
0x222: {  	v14 =	vmul.f32 v12, v11  }
0x223: {  	v12 =	vadd.f32 v13, v12;
	_ =	sdelay $0x1  }
0x224: {  	[tilespmem:s21+$0x0] =	vst v12  }
0x225: {  	[tilespmem:s6+$0xAA00] =	vst v14;
	v12 =	vld [tilespmem:s6+$0xAA10]  }
0x226: {  	v13 =	vld [tilespmem:s6+$0xD710];
	_ =	sdelay $0x3  }
0x227: {  	v14 =	vmul.f32 v12, v11  }
0x228: {  	v12 =	vadd.f32 v13, v12;
	_ =	sdelay $0x1  }
0x229: {  	[tilespmem:s21+$0x10] =	vst v12  }
0x22a: {  	[tilespmem:s6+$0xAA10] =	vst v14;
	v12 =	vld [tilespmem:s6+$0xAA20]  }
0x22b: {  	v13 =	vld [tilespmem:s6+$0xD720];
	_ =	sdelay $0x3  }
0x22c: {  	v14 =	vmul.f32 v12, v11  }
0x22d: {  	v12 =	vadd.f32 v13, v12;
	_ =	sdelay $0x1  }
0x22e: {  	[tilespmem:s21+$0x20] =	vst v12  }
0x22f: {  	[tilespmem:s6+$0xAA20] =	vst v14;
	v13 =	vld [tilespmem:s6+$0xAA30]  }
0x230: {  	v14 =	vld [tilespmem:s6+$0xD730]  }
.Ltmp2:
0x231: {  	(pc) =	sbr.rel @p0 .LBB2_7-.Ltmp2, $3  }
0x232: {  	_ =	sdelay $0x1  }
0x233: {  	v12 =	vmul.f32 v13, v11  }
0x234: {  	v13 =	vadd.f32 v14, v13  }
0x235: {  	_ = 	snop  }
0x236: {  	[tilespmem:s21+$0x30] =	vst v13  }
0x237: {  	v63 =	vld [tilespmem:s6+$0xAA40];
	_ =	sdelay $0x4  }
0x238: {  	s1 =	sshll.u32 s11, $0x4;
	v11 =	vmul.f32 v63, v11  }
0x239: {  	s2 =	rddreg [dreg:$0x3];
	s1 =	sand.u32 $0x1FFFFF00, s1;
	[tilespmem:s6+$0xAA30] =	vst v12  }
0x23a: {  	s1 =	sadd.s32 s2, s1;
	[tilespmem:s6+$0xAA40] =	vst v11;
	s6 =	simm.s32 $0x10420  }
0x23b: {  	[hbm4b:s1+s7] =	stream.linear.scatter [tilespmem:s6], [sflag:$0x5], $0x2800, $0x38;
	[tilespmem:$0x1E970] =	vst v63  }
0x23c: {  	_ =	swait.ge [sflag:s13], $0x2800  }
0x23d: {  	s19 =	sshrl.u32 s11, $0x3;
	[sflag:s13] =	ssyncset.done $0x0  }
0x23e: {  	s21 =	simm.s32 $0x103C0;
	s1 =	sadd.s32 s5, s19;
	[sflag:s13] =	ssyncadd.s32 $0xFFFFD800  }
0x23f: {  	[hbm4b:s1+s7] =	stream.linear.scatter [tilespmem:s21], [sflag:$0x5], $0x50, $0x38;
	[tilespmem:$0x1E970] =	vst v63  }
0x240: {  	s3 =	sadd.s32 $0x1, s3;
	_ =	swait.ge [sflag:s13], $0x50  }
0x241: {  	p0 =	sne.s32 s3, $0x3E;
	[sflag:s13] =	ssyncset.done $0x0  }
.Ltmp3:
0x242: {  	[sflag:s13] =	ssyncadd.s32 $0xFFFFFFB0;
	(pc) =	sbr.rel @p0 .LBB2_4-.Ltmp3, $4  }
0x243: {  	[spmem:s15] =	stream.indirect.scatter.add.f32 [tilespmem:s14], [sflag:$0x5], $0x90, s31, s23, $0xb8;
	[tilespmem:$0x1E970] =	vst v63  }
0x244: {  	_ =	swait.ge [sflag:s13], $0x2D00  }
0x245: {  	[sflag:s13] =	ssyncset.done $0x0  }
0x246: {  	[sflag:s13] =	ssyncadd.s32 $0xFFFFD300  }
0x247: {  	_ =	swait.ge [sflag:s18], $0x2D00  }
0x248: {  	[sflag:s18] =	ssyncset.done $0x0  }
0x249: {  	[sflag:s18] =	ssyncadd.s32 $0xFFFFD300  }
0x24a: {  	v11 =	vld [tilespmem:$0x4E20]  }
0x24b: {  	v12 =	vld [tilespmem:$0x4E70];
	_ =	sdelay $0x5  }
0x24c: {  	s1 =	simm.s32 $0x0  }
0x24d: {  	v11 =	vld.idx.msk [tilespmem:v11+s1+$0x0], $0xffff  }
0x24e: {  	v13 =	vld.idx.msk [tilespmem:v12+s17+$0x0], $0xffff;
	_ =	sdelay $0x1  }
0x24f: {  	v14 =	vld.idx.msk [tilespmem:v1+s24+$0x0], $0xffff;
	_ =	sdelay $0x2  }
0x250: {  	v11 =	vadd.f32 v13, v11;
	_ =	sdelay $0x1  }
0x251: {  	v11 =	vadd.f32 v14, v11;
	_ =	sdelay $0x1  }
0x252: {  	v13 =	vmul.f32 $9.999999770e-03, v11  }
0x253: {  	vm0 =	vge.f32 v11, $0.0e+00  }
0x254: {  	v11 =	vsel vm0, v11, v13  }
0x255: {  	v11 =	vmul.f32 $1.442695020e+00, v11;
	_ =	sdelay $0x1  }
0x256: {  	(erf) = vpow2.f32 v11;
	_ =	sdelay $0x2  }
0x257: {  	v11 =	vld [tilespmem:$0x4E30]  }
0x258: {  	v13 =	vld [tilespmem:$0x4E80];
	_ =	sdelay $0x2  }
0x259: {  	vm7 =	vlt.s32 v12, $0x1400  }
0x25a: {  	v12 =	vsel vm7, v12, v2  }
0x25b: {  	[tilespmem:$0x12C20] =	vst v12;
	v14 =	vpop (erf)  }
0x25c: {  	[tilespmem:$0xA8C0] =	vst v14  }
0x25d: {  	v11 =	vld.idx.msk [tilespmem:v11+s1+$0x0], $0xffff  }
0x25e: {  	v12 =	vld.idx.msk [tilespmem:v13+s17+$0x0], $0xffff;
	_ =	sdelay $0x1  }
0x25f: {  	v14 =	vld.idx.msk [tilespmem:v3+s24+$0x0], $0xffff;
	_ =	sdelay $0x2  }
0x260: {  	v11 =	vadd.f32 v12, v11;
	_ =	sdelay $0x1  }
0x261: {  	v11 =	vadd.f32 v14, v11;
	_ =	sdelay $0x1  }
0x262: {  	v12 =	vmul.f32 $9.999999770e-03, v11  }
0x263: {  	vm8 =	vge.f32 v11, $0.0e+00  }
0x264: {  	v11 =	vsel vm8, v11, v12  }
0x265: {  	v11 =	vmul.f32 $1.442695020e+00, v11;
	_ =	sdelay $0x1  }
0x266: {  	(erf) = vpow2.f32 v11;
	_ =	sdelay $0x2  }
0x267: {  	v11 =	vld [tilespmem:$0x4E40]  }
0x268: {  	v12 =	vld [tilespmem:$0x4E90];
	_ =	sdelay $0x2  }
0x269: {  	vm9 =	vlt.s32 v13, $0x1400  }
0x26a: {  	v13 =	vsel vm9, v13, v4  }
0x26b: {  	[tilespmem:$0x12C30] =	vst v13;
	v14 =	vpop (erf)  }
0x26c: {  	[tilespmem:$0xA8D0] =	vst v14  }
0x26d: {  	v11 =	vld.idx.msk [tilespmem:v11+s1+$0x0], $0xffff  }
0x26e: {  	v13 =	vld.idx.msk [tilespmem:v12+s17+$0x0], $0xffff;
	_ =	sdelay $0x1  }
0x26f: {  	v14 =	vld.idx.msk [tilespmem:v5+s24+$0x0], $0xffff;
	_ =	sdelay $0x2  }
0x270: {  	v11 =	vadd.f32 v13, v11;
	_ =	sdelay $0x1  }
0x271: {  	v11 =	vadd.f32 v14, v11;
	_ =	sdelay $0x1  }
0x272: {  	v13 =	vmul.f32 $9.999999770e-03, v11  }
0x273: {  	vm10 =	vge.f32 v11, $0.0e+00  }
0x274: {  	v11 =	vsel vm10, v11, v13  }
0x275: {  	v11 =	vmul.f32 $1.442695020e+00, v11;
	_ =	sdelay $0x1  }
0x276: {  	(erf) = vpow2.f32 v11;
	_ =	sdelay $0x2  }
0x277: {  	v11 =	vld [tilespmem:$0x4E50]  }
0x278: {  	v13 =	vld [tilespmem:$0x4EA0];
	_ =	sdelay $0x2  }
0x279: {  	vm11 =	vlt.s32 v12, $0x1400  }
0x27a: {  	v12 =	vsel vm11, v12, v6  }
0x27b: {  	[tilespmem:$0x12C40] =	vst v12;
	v14 =	vpop (erf)  }
0x27c: {  	[tilespmem:$0xA8E0] =	vst v14  }
0x27d: {  	v11 =	vld.idx.msk [tilespmem:v11+s1+$0x0], $0xffff  }
0x27e: {  	v12 =	vld.idx.msk [tilespmem:v13+s17+$0x0], $0xffff;
	_ =	sdelay $0x1  }
0x27f: {  	v14 =	vld.idx.msk [tilespmem:v7+s24+$0x0], $0xffff;
	_ =	sdelay $0x2  }
0x280: {  	v11 =	vadd.f32 v12, v11;
	_ =	sdelay $0x1  }
0x281: {  	v11 =	vadd.f32 v14, v11;
	_ =	sdelay $0x1  }
0x282: {  	v12 =	vmul.f32 $9.999999770e-03, v11  }
0x283: {  	vm12 =	vge.f32 v11, $0.0e+00  }
0x284: {  	v11 =	vsel vm12, v11, v12  }
0x285: {  	v11 =	vmul.f32 $1.442695020e+00, v11;
	_ =	sdelay $0x1  }
0x286: {  	(erf) = vpow2.f32 v11;
	_ =	sdelay $0x2  }
0x287: {  	v11 =	vld [tilespmem:$0x4E60]  }
0x288: {  	v12 =	vld [tilespmem:$0x4EB0];
	_ =	sdelay $0x2  }
0x289: {  	vm13 =	vlt.s32 v13, $0x1400  }
0x28a: {  	v13 =	vsel vm13, v13, v8  }
0x28b: {  	[tilespmem:$0x12C50] =	vst v13;
	v14 =	vpop (erf)  }
0x28c: {  	[tilespmem:$0xA8F0] =	vst v14  }
0x28d: {  	v11 =	vld.idx.msk [tilespmem:v11+s1+$0x0], $0xffff  }
0x28e: {  	v13 =	vld.idx.msk [tilespmem:v12+s17+$0x0], $0xffff;
	_ =	sdelay $0x1  }
0x28f: {  	v14 =	vld.idx.msk [tilespmem:v9+s24+$0x0], $0xffff;
	_ =	sdelay $0x2  }
0x290: {  	v11 =	vadd.f32 v13, v11;
	_ =	sdelay $0x1  }
0x291: {  	v11 =	vadd.f32 v14, v11;
	_ =	sdelay $0x1  }
0x292: {  	v13 =	vmul.f32 $9.999999770e-03, v11  }
0x293: {  	vm14 =	vge.f32 v11, $0.0e+00  }
0x294: {  	v11 =	vsel vm14, v11, v13  }
0x295: {  	v11 =	vmul.f32 $1.442695020e+00, v11;
	_ =	sdelay $0x1  }
0x296: {  	(erf) = vpow2.f32 v11;
	_ =	sdelay $0x8  }
0x297: {  	vm15 =	vlt.s32 v12, $0x1400;
	v11 =	vpop (erf)  }
0x298: {  	[tilespmem:$0xA900] =	vst v11;
	v11 =	vsel vm15, v12, v10  }
0x299: {  	[tilespmem:$0x12C60] =	vst v11  }
0x29a: {  	_ =	swait.ge [sflag:s22], $0x2D00  }
0x29b: {  	[sflag:s22] =	ssyncset.done $0x0  }
0x29c: {  	s3 =	simm.s32 $0x0;
	[sflag:s22] =	ssyncadd.s32 $0xFFFFD300  }
0x29d: {  	v12 =	vld [tilespmem:s3+$0x4EC0]  }
0x29e: {  	v11 =	vld [tilespmem:s3+$0x7BC0];
	_ =	sdelay $0x4  }
0x29f: {  	v13 =	vadd.f32 v11, v12  }
0x2a0: {  	s6 =	simm.s32 $0xA8C0;
	s11 =	simm.s32 $0x10460  }
0x2a1: {  	v11 =	vld.msk [tilespmem:s6+$0x0 ss:$0x0], $0xffff;
	[tilespmem:s11+$0xFFFFFFC0] =	vst v13  }
0x2a2: {  	v13 =	vld [tilespmem:s3+$0x4ED0]  }
0x2a3: {  	v14 =	vld [tilespmem:s3+$0x7BD0];
	_ =	sdelay $0x3  }
0x2a4: {  	v12 =	vmul.f32 v11, v12  }
0x2a5: {  	v14 =	vadd.f32 v14, v13  }
0x2a6: {  	[tilespmem:s3+$0x4EC0] =	vst v12  }
0x2a7: {  	[tilespmem:s11+$0xFFFFFFD0] =	vst v14  }
0x2a8: {  	v12 =	vld [tilespmem:s3+$0x4EE0]  }
0x2a9: {  	v14 =	vld [tilespmem:s3+$0x7BE0];
	_ =	sdelay $0x3  }
0x2aa: {  	v13 =	vmul.f32 v13, v11  }
0x2ab: {  	v14 =	vadd.f32 v14, v12  }
0x2ac: {  	[tilespmem:s3+$0x4ED0] =	vst v13;
	v12 =	vmul.f32 v12, v11  }
0x2ad: {  	[tilespmem:s11+$0xFFFFFFE0] =	vst v14  }
0x2ae: {  	[tilespmem:s3+$0x4EE0] =	vst v12;
	v12 =	vld [tilespmem:s3+$0x4EF0]  }
0x2af: {  	v13 =	vld [tilespmem:s3+$0x7BF0];
	_ =	sdelay $0x4  }
0x2b0: {  	v13 =	vadd.f32 v13, v12  }
0x2b1: {  	v12 =	vmul.f32 v12, v11  }
0x2b2: {  	[tilespmem:s11+$0xFFFFFFF0] =	vst v13  }
0x2b3: {  	[tilespmem:s3+$0x4EF0] =	vst v12;
	v12 =	vld [tilespmem:s3+$0x4F00]  }
0x2b4: {  	v13 =	vld [tilespmem:s3+$0x7C00];
	_ =	sdelay $0x4  }
0x2b5: {  	v13 =	vadd.f32 v13, v12  }
0x2b6: {  	v12 =	vmul.f32 v12, v11  }
0x2b7: {  	[tilespmem:s11+$0x0] =	vst v13  }
0x2b8: {  	[tilespmem:s3+$0x4F00] =	vst v12;
	v12 =	vld [tilespmem:s3+$0x4F10]  }
0x2b9: {  	v13 =	vld [tilespmem:s3+$0x7C10];
	_ =	sdelay $0x4  }
0x2ba: {  	v13 =	vadd.f32 v13, v12  }
0x2bb: {  	v12 =	vmul.f32 v12, v11  }
0x2bc: {  	[tilespmem:s11+$0x10] =	vst v13  }
0x2bd: {  	[tilespmem:s3+$0x4F10] =	vst v12;
	v12 =	vld [tilespmem:s3+$0x4F20]  }
0x2be: {  	v13 =	vld [tilespmem:s3+$0x7C20];
	_ =	sdelay $0x4  }
0x2bf: {  	v13 =	vadd.f32 v13, v12;
	_ =	sdelay $0x1  }
0x2c0: {  	[tilespmem:s11+$0x20] =	vst v13  }
0x2c1: {  	v13 =	vld [tilespmem:s3+$0x4F30]  }
0x2c2: {  	v14 =	vld [tilespmem:s3+$0x7C30];
	_ =	sdelay $0x2  }
0x2c3: {  	v12 =	vmul.f32 v12, v11;
	_ =	sdelay $0x1  }
0x2c4: {  	s1 =	simm.s32 $0x240;
	[tilespmem:s3+$0x4F20] =	vst v12;
	v12 =	vmul.f32 v13, v11;
	v13 =	vadd.f32 v14, v13  }
.LBB2_10:
0x2c5: {  	_ = 	snop  }
0x2c6: {  	p0 =	sne.s32 s1, $0xB1C0;
	s6 =	sadd.s32 $0x1, s6;
	[tilespmem:s11+$0x30] =	vst v13;
	s11 =	sadd.s32 $0x80, s11  }
0x2c7: {  	s2 =	sshra.s32 s1, $0x2;
	s1 =	sadd.s32 $0x240, s1;
	[tilespmem:s3+$0x4F30] =	vst v12;
	v12 =	vld [tilespmem:s3+$0x4F40]  }
0x2c8: {  	v13 =	vld [tilespmem:s2+$0x4EC0]  }
0x2c9: {  	v14 =	vld [tilespmem:s2+$0x7BC0];
	_ =	sdelay $0x2  }
0x2ca: {  	v11 =	vmul.f32 v12, v11;
	_ =	sdelay $0x1  }
0x2cb: {  	v12 =	vadd.f32 v14, v13;
	[tilespmem:s3+$0x4F40] =	vst v11;
	s3 =	smov.u32 s2  }
0x2cc: {  	v11 =	vld.msk [tilespmem:s6+$0x0 ss:$0x0], $0xffff  }
0x2cd: {  	[tilespmem:s11+$0xFFFFFFC0] =	vst v12  }
0x2ce: {  	v12 =	vld [tilespmem:s3+$0x4ED0]  }
0x2cf: {  	v14 =	vld [tilespmem:s3+$0x7BD0];
	_ =	sdelay $0x2  }
0x2d0: {  	v13 =	vmul.f32 v11, v13  }
0x2d1: {  	v15 =	vmul.f32 v12, v11  }
0x2d2: {  	v12 =	vadd.f32 v14, v12  }
0x2d3: {  	[tilespmem:s3+$0x4EC0] =	vst v13  }
0x2d4: {  	[tilespmem:s11+$0xFFFFFFD0] =	vst v12  }
0x2d5: {  	v12 =	vld [tilespmem:s3+$0x4EE0]  }
0x2d6: {  	v13 =	vld [tilespmem:s3+$0x7BE0];
	_ =	sdelay $0x2  }
0x2d7: {  	[tilespmem:s3+$0x4ED0] =	vst v15  }
0x2d8: {  	v14 =	vmul.f32 v12, v11  }
0x2d9: {  	v12 =	vadd.f32 v13, v12;
	_ =	sdelay $0x1  }
0x2da: {  	[tilespmem:s11+$0xFFFFFFE0] =	vst v12  }
0x2db: {  	[tilespmem:s3+$0x4EE0] =	vst v14;
	v12 =	vld [tilespmem:s3+$0x4EF0]  }
0x2dc: {  	v13 =	vld [tilespmem:s3+$0x7BF0];
	_ =	sdelay $0x3  }
0x2dd: {  	v14 =	vmul.f32 v12, v11  }
0x2de: {  	v12 =	vadd.f32 v13, v12;
	_ =	sdelay $0x1  }
0x2df: {  	[tilespmem:s11+$0xFFFFFFF0] =	vst v12  }
0x2e0: {  	[tilespmem:s3+$0x4EF0] =	vst v14;
	v12 =	vld [tilespmem:s3+$0x4F00]  }
0x2e1: {  	v13 =	vld [tilespmem:s3+$0x7C00];
	_ =	sdelay $0x3  }
0x2e2: {  	v14 =	vmul.f32 v12, v11  }
0x2e3: {  	v12 =	vadd.f32 v13, v12;
	_ =	sdelay $0x1  }
0x2e4: {  	[tilespmem:s11+$0x0] =	vst v12  }
0x2e5: {  	[tilespmem:s3+$0x4F00] =	vst v14;
	v12 =	vld [tilespmem:s3+$0x4F10]  }
0x2e6: {  	v13 =	vld [tilespmem:s3+$0x7C10];
	_ =	sdelay $0x3  }
0x2e7: {  	v14 =	vmul.f32 v12, v11  }
0x2e8: {  	v12 =	vadd.f32 v13, v12;
	_ =	sdelay $0x1  }
0x2e9: {  	[tilespmem:s11+$0x10] =	vst v12  }
0x2ea: {  	[tilespmem:s3+$0x4F10] =	vst v14;
	v12 =	vld [tilespmem:s3+$0x4F20]  }
0x2eb: {  	v13 =	vld [tilespmem:s3+$0x7C20];
	_ =	sdelay $0x3  }
0x2ec: {  	v14 =	vmul.f32 v12, v11  }
0x2ed: {  	v12 =	vadd.f32 v13, v12;
	_ =	sdelay $0x1  }
0x2ee: {  	[tilespmem:s11+$0x20] =	vst v12  }
0x2ef: {  	[tilespmem:s3+$0x4F20] =	vst v14;
	v13 =	vld [tilespmem:s3+$0x4F30]  }
0x2f0: {  	v14 =	vld [tilespmem:s3+$0x7C30]  }
.Ltmp4:
0x2f1: {  	(pc) =	sbr.rel @p0 .LBB2_10-.Ltmp4, $3  }
0x2f2: {  	_ =	sdelay $0x1  }
0x2f3: {  	v12 =	vmul.f32 v13, v11  }
0x2f4: {  	v13 =	vadd.f32 v14, v13  }
0x2f5: {  	_ = 	snop  }
0x2f6: {  	[tilespmem:s11+$0x30] =	vst v13  }
0x2f7: {  	v63 =	vld [tilespmem:s3+$0x4F40];
	_ =	sdelay $0x4  }
0x2f8: {  	v11 =	vmul.f32 v63, v11  }
0x2f9: {  	[tilespmem:s3+$0x4F30] =	vst v12  }
0x2fa: {  	s1 =	simm.s32 $0x0;
	s2 =	rddreg [dreg:$0x11];
	s21 =	simm.s32 $0x10420;
	[tilespmem:s3+$0x4F40] =	vst v11  }
0x2fb: {  	[hbm4b:s2+s1] =	stream.linear.scatter [tilespmem:s21], [sflag:$0x5], $0x2800, $0x38;
	[tilespmem:$0x1E970] =	vst v63  }
0x2fc: {  	_ =	swait.ge [sflag:s13], $0x2800  }
0x2fd: {  	[sflag:s13] =	ssyncset.done $0x0  }
0x2fe: {  	s11 =	simm.s32 $0xA8C0;
	s6 =	rddreg [dreg:$0x12];
	[sflag:s13] =	ssyncadd.s32 $0xFFFFD800  }
0x2ff: {  	[hbm4b:s6+s1] =	stream.linear.scatter [tilespmem:s11], [sflag:$0x5], $0x50, $0x38;
	[tilespmem:$0x1E970] =	vst v63  }
0x300: {  	_ =	swait.ge [sflag:s13], $0x50  }
0x301: {  	[sflag:s13] =	ssyncset.done $0x0  }
0x302: {  	[sflag:s13] =	ssyncadd.s32 $0xFFFFFFB0  }
0x303: {  	[spmem:s15] =	stream.indirect.scatter.add.f32 [tilespmem:s9], [sflag:$0x5], $0x90, s31, s23, $0xb8;
	[tilespmem:$0x1E970] =	vst v63  }
0x304: {  	_ =	swait.ge [sflag:s13], $0x2D00  }
0x305: {  	[sflag:s13] =	ssyncset.done $0x0  }
0x306: {  	[sflag:s13] =	ssyncadd.s32 $0xFFFFD300  }
0x307: {  	s12 =	stileid.u32;
	[bflag:$0x0] =	sbarrier.arrive $0xFFFF  }
0x308: {  	s1 =	sshll.u32 s12, $0x6;
	s19 =	rddreg [dreg:$0x13]  }
0x309: {  	s3 =	sor.u32 $0x1C05, s1;
	s21 =	rddreg [dreg:$0x15];
	s11 =	sshrl.u32 s19, $0x3  }
0x30a: {  	[hbm:s21], [sflag:s3] =	dma.local [spmem:s11], $0x1710  }
0x30b: {  	_ =	swait.ge [sflag:s13], $0x1710  }
0x30c: {  	[sflag:s13] =	ssyncset.done $0x0  }
0x30d: {  	s6 =	simm.s32 $0x240;
	s1 =	simm.s32 $0x0;
	[sflag:s13] =	ssyncadd.s32 $0xFFFFE8F0  }
.LBB2_12:
0x30e: {  	p0 =	sne.s32 s6, $0xB1C0;
	[tilespmem:s1+$0x4F40] =	vst v0  }
0x30f: {  	[tilespmem:s1+$0x4EC0] =	vst v0  }
0x310: {  	[tilespmem:s1+$0x4ED0] =	vst v0  }
0x311: {  	[tilespmem:s1+$0x4EE0] =	vst v0  }
.Ltmp5:
0x312: {  	[tilespmem:s1+$0x4EF0] =	vst v0;
	(pc) =	sbr.rel @p0 .LBB2_12-.Ltmp5, $4  }
0x313: {  	[tilespmem:s1+$0x4F00] =	vst v0  }
0x314: {  	[tilespmem:s1+$0x4F10] =	vst v0  }
0x315: {  	[tilespmem:s1+$0x4F20] =	vst v0  }
0x316: {  	[tilespmem:s1+$0x4F30] =	vst v0;
	s1 =	sshra.s32 s6, $0x2;
	s6 =	sadd.s32 $0x240, s6  }
0x317: {  	[tilespmem:s1+$0x4F40] =	vst v0  }
0x318: {  	[tilespmem:s1+$0x4EC0] =	vst v0  }
0x319: {  	[tilespmem:s1+$0x4ED0] =	vst v0  }
0x31a: {  	[tilespmem:s1+$0x4EE0] =	vst v0  }
0x31b: {  	[tilespmem:s1+$0x4EF0] =	vst v0  }
0x31c: {  	[tilespmem:s1+$0x4F00] =	vst v0  }
0x31d: {  	[tilespmem:s1+$0x4F10] =	vst v0  }
0x31e: {  	[tilespmem:s1+$0x4F20] =	vst v0  }
0x31f: {  	[tilespmem:s1+$0x4F30] =	vst v0;
	s21 =	rddreg [dreg:$0x9]  }
0x320: {  	[spmem:s21] =	stream.linear.scatter [tilespmem:s9], [sflag:$0x5], $0x2D00, $0x38;
	[tilespmem:$0x1E970] =	vst v63  }
0x321: {  	_ =	swait.ge [sflag:s13], $0x2D00  }
0x322: {  	[sflag:s13] =	ssyncset.done $0x0  }
0x323: {  	s2 =	rddreg [dreg:$0x1a];
	[sflag:s13] =	ssyncadd.s32 $0xFFFFD300  }
0x324: {  	[spmem:s2] =	stream.linear.scatter [tilespmem:s9], [sflag:$0x5], $0x2D00, $0x38;
	[tilespmem:$0x1E970] =	vst v63  }
0x325: {  	_ =	swait.ge [sflag:s13], $0x2D00  }
0x326: {  	[sflag:s13] =	ssyncset.done $0x0  }
0x327: {  	s6 =	rddreg [dreg:$0x1b];
	[sflag:s13] =	ssyncadd.s32 $0xFFFFD300  }
0x328: {  	[spmem:s6] =	stream.linear.scatter [tilespmem:s9], [sflag:$0x5], $0x2D00, $0x38;
	[tilespmem:$0x1E970] =	vst v63  }
0x329: {  	_ =	swait.ge [sflag:s13], $0x2D00  }
0x32a: {  	[sflag:s13] =	ssyncset.done $0x0  }
0x32b: {  	s12 =	rddreg [dreg:$0x1c];
	[sflag:s13] =	ssyncadd.s32 $0xFFFFD300  }
0x32c: {  	[spmem:s12] =	stream.linear.scatter [tilespmem:s9], [sflag:$0x5], $0x2D00, $0x38;
	[tilespmem:$0x1E970] =	vst v63  }
0x32d: {  	_ =	swait.ge [sflag:s13], $0x2D00  }
0x32e: {  	[sflag:s13] =	ssyncset.done $0x0  }
0x32f: {  	s2 =	simm.s32 $0x12C70;
	s19 =	rddreg [dreg:$0x18];
	[sflag:s13] =	ssyncadd.s32 $0xFFFFD300  }
0x330: {  	[spmem:s19] =	stream.linear.scatter [tilespmem:s2], [sflag:$0x5], $0x480, $0x38;
	[tilespmem:$0x1E970] =	vst v63  }
0x331: {  	_ =	swait.ge [sflag:s13], $0x480  }
0x332: {  	[sflag:s13] =	ssyncset.done $0x0  }
0x333: {  	[sflag:s13] =	ssyncadd.s32 $0xFFFFFB80  }
0x334: {  	[bflag:$0x0] =	sbarrier.arrive $0xFFFF  }
0x335: {  	s6 =	simm.s32 $0x0;
	s21 =	rddreg [dreg:$0xb]  }
0x336: {  	[tilespmem:s20], [sflag:$0x1] =	stream.linear.gather [hbm4b:s21+s6], $0x50, $0x38;
	[tilespmem:$0x1E970] =	vst v63  }
0x337: {  	s12 =	simm.s32 $0x4E70;
	s2 =	rddreg [dreg:$0xd]  }
0x338: {  	[tilespmem:s12], [sflag:$0x1] =	stream.linear.gather [hbm4b:s2+s6], $0x50, $0x38;
	[tilespmem:$0x1E970] =	vst v63  }
0x339: {  	_ =	swait.ge [sflag:s22], $0x50  }
0x33a: {  	[sflag:s22] =	ssyncset.done $0x0  }
0x33b: {  	[sflag:s22] =	ssyncadd.s32 $0xFFFFFFB0  }
0x33c: {  	_ =	swait.ge [sflag:s22], $0x50  }
0x33d: {  	[sflag:s22] =	ssyncset.done $0x0  }
0x33e: {  	[sflag:s22] =	ssyncadd.s32 $0xFFFFFFB0  }
0x33f: {  	[tilespmem:s9], [sflag:$0x1] =	stream.indirect.gather [hbm4b:s8+s23], $0x90, s20, s23, $0xb8;
	[tilespmem:$0x1E970] =	vst v63  }
0x340: {  	s21 =	simm.s32 $0xA8C0;
	s19 =	rddreg [dreg:$0x14]  }
0x341: {  	[tilespmem:s21], [sflag:$0x2] =	stream.linear.gather [hbm4b:s19+s6], $0x50, $0x38;
	[tilespmem:$0x1E970] =	vst v63  }
0x342: {  	s12 =	simm.s32 $0xA920;
	s2 =	rddreg [dreg:$0xf]  }
0x343: {  	[tilespmem:s12], [sflag:$0x3] =	stream.linear.gather [hbm4b:s2+s6], $0x50, $0x38;
	[tilespmem:$0x1E970] =	vst v63  }
0x344: {  	s19 =	rddreg [dreg:$0x10];
	s21 =	simm.s32 $0xA970;
	s12 =	simm.s32 $0x0  }
0x345: {  	[tilespmem:s21], [sflag:$0x3] =	stream.linear.gather [hbm4b:s19+s6], $0x50, $0x38;
	[tilespmem:$0x1E970] =	vst v63  }
.LBB2_14:
0x346: {  	_ =	swait.ge [sflag:s26], $0x50  }
0x347: {  	[sflag:s26] =	ssyncset.done $0x0  }
0x348: {  	[sflag:s26] =	ssyncadd.s32 $0xFFFFFFB0  }
0x349: {  	_ =	swait.ge [sflag:s26], $0x50  }
0x34a: {  	s19 =	smul.u32 $0xA0, s12;
	[sflag:s26] =	ssyncset.done $0x0  }
0x34b: {  	s1 =	simm.s32 $0xA920;
	s21 =	rddreg [dreg:$0xc];
	[sflag:s26] =	ssyncadd.s32 $0xFFFFFFB0  }
0x34c: {  	[tilespmem:s14], [sflag:$0x3] =	stream.indirect.gather [hbm4b:s8+s23], $0x90, s1, s23, $0xb8;
	[tilespmem:$0x1E970] =	vst v63  }
0x34d: {  	s1 =	sadd.s32 s19, s21  }
0x34e: {  	s1 =	sshrl.u32 s1, $0x3  }
0x34f: {  	s2 =	simm.s32 $0x103C0;
	s1 =	sadd.s32 s5, s1  }
0x350: {  	[tilespmem:s2], [sflag:$0x4] =	stream.linear.gather [hbm4b:s1+s6], $0x50, $0x38;
	[tilespmem:$0x1E970] =	vst v63  }
0x351: {  	_ =	swait.ge [sflag:s18], $0x50  }
0x352: {  	[sflag:s18] =	ssyncset.done $0x0  }
0x353: {  	[sflag:s18] =	ssyncadd.s32 $0xFFFFFFB0  }
0x354: {  	v11 =	vld [tilespmem:$0x4E70]  }
0x355: {  	v12 =	vld [tilespmem:$0x4E80]  }
0x356: {  	v13 =	vld [tilespmem:$0x4E90]  }
0x357: {  	v14 =	vld [tilespmem:$0x4EA0]  }
0x358: {  	v15 =	vld [tilespmem:$0x4EB0]  }
0x359: {  	vm0 =	vgt.s32 v11, $0x13FF;
	v11 =	vadd.s32 $0xFFFFEC00, v11  }
0x35a: {  	vm12 =	vgt.s32 v12, $0x13FF;
	v12 =	vadd.s32 $0xFFFFEC00, v12;
	v11 =	vsel vm0, v11, v2  }
0x35b: {  	vm13 =	vgt.s32 v13, $0x13FF;
	[tilespmem:$0x12C20] =	vst v11;
	v11 =	vsel vm12, v12, v4;
	v12 =	vadd.s32 $0xFFFFEC00, v13  }
0x35c: {  	vm14 =	vgt.s32 v14, $0x13FF;
	[tilespmem:$0x12C30] =	vst v11;
	v11 =	vsel vm13, v12, v6;
	v12 =	vadd.s32 $0xFFFFEC00, v14  }
0x35d: {  	vm15 =	vgt.s32 v15, $0x13FF;
	[tilespmem:$0x12C40] =	vst v11;
	v11 =	vsel vm14, v12, v8;
	v12 =	vadd.s32 $0xFFFFEC00, v15  }
0x35e: {  	[tilespmem:$0x12C50] =	vst v11;
	v11 =	vsel vm15, v12, v10  }
0x35f: {  	[tilespmem:$0x12C60] =	vst v11  }
0x360: {  	_ =	swait.ge [sflag:s22], $0x2D00  }
0x361: {  	s2 =	rddreg [dreg:$0x19]  }
0x362: {  	s1 =	sadd.s32 s19, s2  }
0x363: {  	[sflag:s22] =	ssyncset.done $0x0;
	s1 =	sshrl.u32 s1, $0x3  }
0x364: {  	[sflag:s22] =	ssyncadd.s32 $0xFFFFD300;
	s21 =	sadd.s32 s25, s1  }
0x365: {  	[tilespmem:s20], [sflag:$0x1] =	stream.linear.gather [hbm4b:s21+s6], $0x50, $0x38;
	[tilespmem:$0x1E970] =	vst v63  }
0x366: {  	s25 =	sadd.s32 s28, s1;
	s21 =	simm.s32 $0x4E70  }
0x367: {  	[tilespmem:s21], [sflag:$0x1] =	stream.linear.gather [hbm4b:s25+s6], $0x50, $0x38;
	[tilespmem:$0x1E970] =	vst v63  }
0x368: {  	s21 =	simm.s32 $0x4F00  }
0x369: {  	v16 =	vld [tilespmem:s21+$0xFFFFFFC0]  }
0x36a: {  	v19 =	vld [tilespmem:s21+$0x30]  }
0x36b: {  	s25 =	simm.s32 $0x0;
	v17 =	vld [tilespmem:s21+$0x40]  }
0x36c: {  	v12 =	vld.msk [tilespmem:s25+$0xA8C0 ss:$0x0], $0xffff  }
0x36d: {  	v21 =	vld [tilespmem:s21+$0xFFFFFFE0]  }
0x36e: {  	v11 =	vld [tilespmem:s21+$0xFFFFFFF0]  }
0x36f: {  	v13 =	vld [tilespmem:s21+$0x20]  }
0x370: {  	v14 =	vld [tilespmem:s21+$0xFFFFFFD0]  }
0x371: {  	v15 =	vld [tilespmem:s21+$0x10]  }
0x372: {  	v20 =	vmul.f32 v12, v16;
	v18 =	vmul.f32 v17, v12;
	v16 =	vld [tilespmem:s21+$0x0]  }
0x373: {  	s28 =	simm.s32 $0x4F00;
	s25 =	simm.s32 $0x4;
	v17 =	vmul.f32 v21, v12;
	v19 =	vmul.f32 v19, v12  }
.LBB2_15:
0x374: {  	p0 =	sne.s32 s25, $0x13C  }
0x375: {  	[tilespmem:s21+$0xFFFFFFC0] =	vst v20;
	v14 =	vmul.f32 v14, v12;
	v13 =	vmul.f32 v13, v12;
	s28 =	sadd.s32 $0x90, s28;
	s2 =	smov.u32 s25;
	s25 =	sadd.s32 $0x4, s25  }
0x376: {  	v20 =	vmul.f32 v11, v12;
	v11 =	vmul.f32 v15, v12;
	[tilespmem:s21+$0x40] =	vst v18  }
0x377: {  	v12 =	vmul.f32 v16, v12;
	[tilespmem:s21+$0x30] =	vst v19  }
0x378: {  	[tilespmem:s21+$0xFFFFFFE0] =	vst v17  }
0x379: {  	[tilespmem:s21+$0x10] =	vst v11  }
0x37a: {  	v11 =	vld [tilespmem:s28+$0xFFFFFFF0];
	[tilespmem:s21+$0x0] =	vst v12  }
0x37b: {  	v17 =	vld [tilespmem:s28+$0xFFFFFFC0];
	[tilespmem:s21+$0xFFFFFFF0] =	vst v20  }
0x37c: {  	v19 =	vld [tilespmem:s28+$0x30];
	[tilespmem:s21+$0x20] =	vst v13  }
0x37d: {  	s2 =	sshra.s32 s2, $0x2;
	v18 =	vld [tilespmem:s28+$0x40];
	[tilespmem:s21+$0xFFFFFFD0] =	vst v14;
	s21 =	smov.u32 s28  }
0x37e: {  	v12 =	vld.msk [tilespmem:s2+$0xA8C0 ss:$0x0], $0xffff  }
0x37f: {  	v21 =	vld [tilespmem:s28+$0xFFFFFFE0]  }
0x380: {  	v13 =	vld [tilespmem:s28+$0x20]  }
.Ltmp6:
0x381: {  	v14 =	vld [tilespmem:s28+$0xFFFFFFD0];
	(pc) =	sbr.rel @p0 .LBB2_15-.Ltmp6, $4  }
0x382: {  	v15 =	vld [tilespmem:s28+$0x10]  }
0x383: {  	v16 =	vld [tilespmem:s28+$0x0]  }
0x384: {  	v20 =	vmul.f32 v12, v17;
	v18 =	vmul.f32 v18, v12  }
0x385: {  	v19 =	vmul.f32 v19, v12;
	v17 =	vmul.f32 v21, v12  }
0x386: {  	[tilespmem:s21+$0xFFFFFFC0] =	vst v20  }
0x387: {  	[tilespmem:s21+$0x40] =	vst v18  }
0x388: {  	v11 =	vmul.f32 v11, v12;
	[tilespmem:s21+$0x30] =	vst v19  }
0x389: {  	v13 =	vmul.f32 v13, v12;
	[tilespmem:s21+$0xFFFFFFE0] =	vst v17  }
0x38a: {  	v15 =	vmul.f32 v15, v12;
	[tilespmem:s21+$0xFFFFFFF0] =	vst v11  }
0x38b: {  	v16 =	vmul.f32 v16, v12;
	[tilespmem:s21+$0x20] =	vst v13  }
0x38c: {  	v12 =	vmul.f32 v14, v12;
	[tilespmem:s21+$0x10] =	vst v15  }
0x38d: {  	[tilespmem:s21+$0x0] =	vst v16  }
0x38e: {  	[tilespmem:s21+$0xFFFFFFD0] =	vst v12  }
0x38f: {  	[spmem:s15] =	stream.indirect.scatter.add.f32 [tilespmem:s9], [sflag:$0x5], $0x90, s31, s23, $0xb8;
	[tilespmem:$0x1E970] =	vst v63  }
0x390: {  	_ =	swait.ge [sflag:s13], $0x2D00  }
0x391: {  	[sflag:s13] =	ssyncset.done $0x0  }
0x392: {  	[sflag:s13] =	ssyncadd.s32 $0xFFFFD300  }
0x393: {  	_ =	swait.ge [sflag:s22], $0x50  }
0x394: {  	[sflag:s22] =	ssyncset.done $0x0  }
0x395: {  	[sflag:s22] =	ssyncadd.s32 $0xFFFFFFB0  }
0x396: {  	_ =	swait.ge [sflag:s22], $0x50  }
0x397: {  	[sflag:s22] =	ssyncset.done $0x0  }
0x398: {  	[sflag:s22] =	ssyncadd.s32 $0xFFFFFFB0  }
0x399: {  	[tilespmem:s9], [sflag:$0x1] =	stream.indirect.gather [hbm4b:s8+s23], $0x90, s20, s23, $0xb8;
	[tilespmem:$0x1E970] =	vst v63  }
0x39a: {  	s1 =	sadd.s32 s5, s1;
	s2 =	simm.s32 $0xA8C0  }
0x39b: {  	[tilespmem:s2], [sflag:$0x2] =	stream.linear.gather [hbm4b:s1+s7], $0x50, $0x38;
	[tilespmem:$0x1E970] =	vst v63  }
0x39c: {  	_ =	swait.ge [sflag:s0], $0x50  }
0x39d: {  	[sflag:s0] =	ssyncset.done $0x0  }
0x39e: {  	[sflag:s0] =	ssyncadd.s32 $0xFFFFFFB0  }
0x39f: {  	v11 =	vld [tilespmem:$0xA970]  }
0x3a0: {  	v12 =	vld [tilespmem:$0xA980]  }
0x3a1: {  	v13 =	vld [tilespmem:$0xA990]  }
0x3a2: {  	v14 =	vld [tilespmem:$0xA9A0]  }
0x3a3: {  	v15 =	vld [tilespmem:$0xA9B0]  }
0x3a4: {  	vm0 =	vgt.s32 v11, $0x13FF;
	v11 =	vadd.s32 $0xFFFFEC00, v11  }
0x3a5: {  	vm12 =	vgt.s32 v12, $0x13FF;
	v12 =	vadd.s32 $0xFFFFEC00, v12;
	v11 =	vsel vm0, v11, v2  }
0x3a6: {  	vm13 =	vgt.s32 v13, $0x13FF;
	[tilespmem:$0x12C20] =	vst v11;
	v11 =	vsel vm12, v12, v4;
	v12 =	vadd.s32 $0xFFFFEC00, v13  }
0x3a7: {  	vm14 =	vgt.s32 v14, $0x13FF;
	[tilespmem:$0x12C30] =	vst v11;
	v11 =	vsel vm13, v12, v6;
	v12 =	vadd.s32 $0xFFFFEC00, v14  }
0x3a8: {  	vm15 =	vgt.s32 v15, $0x13FF;
	[tilespmem:$0x12C40] =	vst v11;
	v11 =	vsel vm14, v12, v8;
	v12 =	vadd.s32 $0xFFFFEC00, v15  }
0x3a9: {  	[tilespmem:$0x12C50] =	vst v11;
	v11 =	vsel vm15, v12, v10  }
0x3aa: {  	p0 =	seq.s32 s12, $0x3D;
	[tilespmem:$0x12C60] =	vst v11  }
0x3ab: {  	s1 =	sadd.s32 @!p0 s19, s30;
	_ =	swait.ge [sflag:s26], $0x2D00  }
0x3ac: {  	s21 =	simm.s32 @!p0 $0xA920;
	s1 =	sshrl.u32 @!p0 s1, $0x3;
	[sflag:s26] =	ssyncset.done $0x0  }
0x3ad: {  	s19 =	simm.s32 @!p0 $0x0;
	s2 =	sadd.s32 @!p0 s4, s1;
	[sflag:s26] =	ssyncadd.s32 $0xFFFFD300  }
0x3ae: {  	[tilespmem:s21], [sflag:$0x3] =	stream.linear.gather @!p0 [hbm4b:s2+s19], $0x50, $0x38;
	[tilespmem:$0x1E970] =	vst v63  }
0x3af: {  	s1 =	sadd.s32 @!p0 s10, s1;
	s2 =	simm.s32 @!p0 $0xA970  }
0x3b0: {  	[tilespmem:s2], [sflag:$0x3] =	stream.linear.gather @!p0 [hbm4b:s1+s19], $0x50, $0x38;
	[tilespmem:$0x1E970] =	vst v63  }
0x3b1: {  	s1 =	simm.s32 $0xAA00  }
0x3b2: {  	v16 =	vld [tilespmem:s1+$0xFFFFFFC0]  }
0x3b3: {  	v19 =	vld [tilespmem:s1+$0x30]  }
0x3b4: {  	s21 =	simm.s32 $0x0;
	v17 =	vld [tilespmem:s1+$0x40]  }
0x3b5: {  	v12 =	vld.msk [tilespmem:s21+$0x103C0 ss:$0x0], $0xffff  }
0x3b6: {  	v21 =	vld [tilespmem:s1+$0xFFFFFFE0]  }
0x3b7: {  	v11 =	vld [tilespmem:s1+$0xFFFFFFF0]  }
0x3b8: {  	v13 =	vld [tilespmem:s1+$0x20]  }
0x3b9: {  	v14 =	vld [tilespmem:s1+$0xFFFFFFD0]  }
0x3ba: {  	v15 =	vld [tilespmem:s1+$0x10]  }
0x3bb: {  	s25 =	smov.u32 s4;
	v20 =	vmul.f32 v12, v16;
	v18 =	vmul.f32 v17, v12;
	v16 =	vld [tilespmem:s1+$0x0]  }
0x3bc: {  	s28 =	smov.u32 s10;
	s19 =	simm.s32 $0x4;
	s21 =	simm.s32 $0xAA00;
	v17 =	vmul.f32 v21, v12;
	v19 =	vmul.f32 v19, v12  }
.LBB2_17:
0x3bd: {  	p0 =	sne.s32 s19, $0x13C  }
0x3be: {  	[tilespmem:s1+$0xFFFFFFC0] =	vst v20;
	v14 =	vmul.f32 v14, v12;
	v13 =	vmul.f32 v13, v12;
	s21 =	sadd.s32 $0x90, s21;
	s2 =	smov.u32 s19;
	s19 =	sadd.s32 $0x4, s19  }
0x3bf: {  	v20 =	vmul.f32 v11, v12;
	v11 =	vmul.f32 v15, v12;
	[tilespmem:s1+$0x40] =	vst v18  }
0x3c0: {  	v12 =	vmul.f32 v16, v12;
	[tilespmem:s1+$0x30] =	vst v19  }
0x3c1: {  	[tilespmem:s1+$0xFFFFFFE0] =	vst v17  }
0x3c2: {  	[tilespmem:s1+$0x10] =	vst v11  }
0x3c3: {  	v11 =	vld [tilespmem:s21+$0xFFFFFFF0];
	[tilespmem:s1+$0x0] =	vst v12  }
0x3c4: {  	v17 =	vld [tilespmem:s21+$0xFFFFFFC0];
	[tilespmem:s1+$0xFFFFFFF0] =	vst v20  }
0x3c5: {  	v19 =	vld [tilespmem:s21+$0x30];
	[tilespmem:s1+$0x20] =	vst v13  }
0x3c6: {  	s2 =	sshra.s32 s2, $0x2;
	v18 =	vld [tilespmem:s21+$0x40];
	[tilespmem:s1+$0xFFFFFFD0] =	vst v14;
	s1 =	smov.u32 s21  }
0x3c7: {  	v12 =	vld.msk [tilespmem:s2+$0x103C0 ss:$0x0], $0xffff  }
0x3c8: {  	v21 =	vld [tilespmem:s21+$0xFFFFFFE0]  }
0x3c9: {  	v13 =	vld [tilespmem:s21+$0x20]  }
.Ltmp7:
0x3ca: {  	v14 =	vld [tilespmem:s21+$0xFFFFFFD0];
	(pc) =	sbr.rel @p0 .LBB2_17-.Ltmp7, $4  }
0x3cb: {  	v15 =	vld [tilespmem:s21+$0x10]  }
0x3cc: {  	v16 =	vld [tilespmem:s21+$0x0]  }
0x3cd: {  	v20 =	vmul.f32 v12, v17;
	v18 =	vmul.f32 v18, v12  }
0x3ce: {  	v19 =	vmul.f32 v19, v12;
	v17 =	vmul.f32 v21, v12  }
0x3cf: {  	[tilespmem:s1+$0xFFFFFFC0] =	vst v20  }
0x3d0: {  	[tilespmem:s1+$0x40] =	vst v18  }
0x3d1: {  	v11 =	vmul.f32 v11, v12;
	[tilespmem:s1+$0x30] =	vst v19  }
0x3d2: {  	v13 =	vmul.f32 v13, v12;
	[tilespmem:s1+$0xFFFFFFE0] =	vst v17  }
0x3d3: {  	v63 =	vmul.f32 v14, v12;
	[tilespmem:s1+$0xFFFFFFF0] =	vst v11  }
0x3d4: {  	v15 =	vmul.f32 v15, v12;
	[tilespmem:s1+$0x20] =	vst v13  }
0x3d5: {  	s12 =	sadd.s32 $0x1, s12;
	v16 =	vmul.f32 v16, v12;
	[tilespmem:s1+$0xFFFFFFD0] =	vst v63  }
0x3d6: {  	p0 =	sne.s32 s12, $0x3E;
	[tilespmem:s1+$0x10] =	vst v15  }
.Ltmp8:
0x3d7: {  	[tilespmem:s1+$0x0] =	vst v16;
	(pc) =	sbr.rel @p0 .LBB2_14-.Ltmp8, $4  }
0x3d8: {  	[spmem:s15] =	stream.indirect.scatter.add.f32 [tilespmem:s14], [sflag:$0x5], $0x90, s31, s23, $0xb8;
	[tilespmem:$0x1E970] =	vst v63  }
0x3d9: {  	_ =	swait.ge [sflag:s13], $0x2D00  }
0x3da: {  	[sflag:s13] =	ssyncset.done $0x0  }
0x3db: {  	[sflag:s13] =	ssyncadd.s32 $0xFFFFD300  }
0x3dc: {  	_ =	swait.ge [sflag:s18], $0x50  }
0x3dd: {  	[sflag:s18] =	ssyncset.done $0x0  }
0x3de: {  	[sflag:s18] =	ssyncadd.s32 $0xFFFFFFB0  }
0x3df: {  	v11 =	vld [tilespmem:$0x4E70]  }
0x3e0: {  	v12 =	vld [tilespmem:$0x4E80]  }
0x3e1: {  	v13 =	vld [tilespmem:$0x4E90]  }
0x3e2: {  	v14 =	vld [tilespmem:$0x4EA0]  }
0x3e3: {  	v15 =	vld [tilespmem:$0x4EB0]  }
0x3e4: {  	vm0 =	vgt.s32 v11, $0x13FF;
	v11 =	vadd.s32 $0xFFFFEC00, v11  }
0x3e5: {  	vm12 =	vgt.s32 v12, $0x13FF;
	v12 =	vadd.s32 $0xFFFFEC00, v12;
	v11 =	vsel vm0, v11, v2  }
0x3e6: {  	vm13 =	vgt.s32 v13, $0x13FF;
	[tilespmem:$0x12C20] =	vst v11;
	v11 =	vsel vm12, v12, v4;
	v12 =	vadd.s32 $0xFFFFEC00, v13  }
0x3e7: {  	vm14 =	vgt.s32 v14, $0x13FF;
	[tilespmem:$0x12C30] =	vst v11;
	v11 =	vsel vm13, v12, v6;
	v12 =	vadd.s32 $0xFFFFEC00, v14  }
0x3e8: {  	vm15 =	vgt.s32 v15, $0x13FF;
	[tilespmem:$0x12C40] =	vst v11;
	v11 =	vsel vm14, v12, v8;
	v12 =	vadd.s32 $0xFFFFEC00, v15  }
0x3e9: {  	[tilespmem:$0x12C50] =	vst v11;
	v11 =	vsel vm15, v12, v10  }
0x3ea: {  	[tilespmem:$0x12C60] =	vst v11  }
0x3eb: {  	_ =	swait.ge [sflag:s22], $0x2D00  }
0x3ec: {  	[sflag:s22] =	ssyncset.done $0x0  }
0x3ed: {  	s1 =	simm.s32 $0x4F00;
	[sflag:s22] =	ssyncadd.s32 $0xFFFFD300  }
0x3ee: {  	v16 =	vld [tilespmem:s1+$0xFFFFFFC0]  }
0x3ef: {  	v19 =	vld [tilespmem:s1+$0x30]  }
0x3f0: {  	s2 =	simm.s32 $0x0;
	v17 =	vld [tilespmem:s1+$0x40]  }
0x3f1: {  	v12 =	vld.msk [tilespmem:s2+$0xA8C0 ss:$0x0], $0xffff  }
0x3f2: {  	v21 =	vld [tilespmem:s1+$0xFFFFFFE0]  }
0x3f3: {  	v11 =	vld [tilespmem:s1+$0xFFFFFFF0]  }
0x3f4: {  	v13 =	vld [tilespmem:s1+$0x20]  }
0x3f5: {  	v14 =	vld [tilespmem:s1+$0xFFFFFFD0]  }
0x3f6: {  	v15 =	vld [tilespmem:s1+$0x10]  }
0x3f7: {  	v20 =	vmul.f32 v12, v16;
	v18 =	vmul.f32 v17, v12;
	v16 =	vld [tilespmem:s1+$0x0]  }
0x3f8: {  	s6 =	simm.s32 $0x4;
	s12 =	simm.s32 $0x4F00;
	v17 =	vmul.f32 v21, v12;
	v19 =	vmul.f32 v19, v12  }
.LBB2_20:
0x3f9: {  	p0 =	sne.s32 s6, $0x13C  }
0x3fa: {  	[tilespmem:s1+$0xFFFFFFC0] =	vst v20;
	v14 =	vmul.f32 v14, v12;
	v13 =	vmul.f32 v13, v12;
	s12 =	sadd.s32 $0x90, s12;
	s2 =	smov.u32 s6;
	s6 =	sadd.s32 $0x4, s6  }
0x3fb: {  	v20 =	vmul.f32 v11, v12;
	v11 =	vmul.f32 v15, v12;
	[tilespmem:s1+$0x40] =	vst v18  }
0x3fc: {  	v12 =	vmul.f32 v16, v12;
	[tilespmem:s1+$0x30] =	vst v19  }
0x3fd: {  	[tilespmem:s1+$0xFFFFFFE0] =	vst v17  }
0x3fe: {  	[tilespmem:s1+$0x10] =	vst v11  }
0x3ff: {  	v11 =	vld [tilespmem:s12+$0xFFFFFFF0];
	[tilespmem:s1+$0x0] =	vst v12  }
0x400: {  	v17 =	vld [tilespmem:s12+$0xFFFFFFC0];
	[tilespmem:s1+$0xFFFFFFF0] =	vst v20  }
0x401: {  	v19 =	vld [tilespmem:s12+$0x30];
	[tilespmem:s1+$0x20] =	vst v13  }
0x402: {  	s2 =	sshra.s32 s2, $0x2;
	v18 =	vld [tilespmem:s12+$0x40];
	[tilespmem:s1+$0xFFFFFFD0] =	vst v14;
	s1 =	smov.u32 s12  }
0x403: {  	v12 =	vld.msk [tilespmem:s2+$0xA8C0 ss:$0x0], $0xffff  }
0x404: {  	v21 =	vld [tilespmem:s12+$0xFFFFFFE0]  }
0x405: {  	v13 =	vld [tilespmem:s12+$0x20]  }
.Ltmp9:
0x406: {  	v14 =	vld [tilespmem:s12+$0xFFFFFFD0];
	(pc) =	sbr.rel @p0 .LBB2_20-.Ltmp9, $4  }
0x407: {  	v15 =	vld [tilespmem:s12+$0x10]  }
0x408: {  	v16 =	vld [tilespmem:s12+$0x0]  }
0x409: {  	v20 =	vmul.f32 v12, v17;
	v18 =	vmul.f32 v18, v12  }
0x40a: {  	v19 =	vmul.f32 v19, v12;
	v17 =	vmul.f32 v21, v12  }
0x40b: {  	[tilespmem:s1+$0xFFFFFFC0] =	vst v20  }
0x40c: {  	[tilespmem:s1+$0x40] =	vst v18  }
0x40d: {  	v11 =	vmul.f32 v11, v12;
	[tilespmem:s1+$0x30] =	vst v19  }
0x40e: {  	v13 =	vmul.f32 v13, v12;
	[tilespmem:s1+$0xFFFFFFE0] =	vst v17  }
0x40f: {  	v63 =	vmul.f32 v14, v12;
	[tilespmem:s1+$0xFFFFFFF0] =	vst v11  }
0x410: {  	v15 =	vmul.f32 v15, v12;
	[tilespmem:s1+$0x20] =	vst v13  }
0x411: {  	v16 =	vmul.f32 v16, v12;
	[tilespmem:s1+$0xFFFFFFD0] =	vst v63  }
0x412: {  	[tilespmem:s1+$0x10] =	vst v15  }
0x413: {  	[tilespmem:s1+$0x0] =	vst v16  }
0x414: {  	[spmem:s15] =	stream.indirect.scatter.add.f32 [tilespmem:s9], [sflag:$0x5], $0x90, s31, s23, $0xb8;
	[tilespmem:$0x1E970] =	vst v63  }
0x415: {  	_ =	swait.ge [sflag:s13], $0x2D00  }
0x416: {  	[sflag:s13] =	ssyncset.done $0x0  }
0x417: {  	[sflag:s13] =	ssyncadd.s32 $0xFFFFD300  }
0x418: {  	[bflag:$0x0] =	sbarrier.arrive $0xFFFF  }
0x419: {  	s19 =	rddreg [dreg:$0x16]  }
0x41a: {  	[hbm:s19], [sflag:s3] =	dma.local [spmem:s11], $0x1710  }
0x41b: {  	_ =	swait.ge [sflag:s13], $0x1710  }
0x41c: {  	s2 =	rddreg [dreg:$0x1d]  }
0x41d: {  	s21 =	rddreg [dreg:$0x17];
	s2 =	sadd.s32 $0x1, s2  }
0x41e: {  	p0 =	sne.s32 s2, s21  }
.Ltmp10:
0x41f: {  	_ = 	snop;
	(pc) =	sbr.rel @p0 .LBB2_1-.Ltmp10, $3  }
0x420: {  	_ =	sdelay $0x1  }
0x421: {  	[sflag:s13] =	ssyncset.done $0x0  }
0x422: {  	[sflag:s13] =	ssyncadd.s32 $0xFFFFE8F0  }
0x423: {  	_ =	sfence.sel $0x180000  }
0x424: {  	[bflag:$0x0] =	sbarrier.arrive $0xFFFF  }
0x425: {  	_ =	strace $0x90000047  }
0x426: {  	s0 =	stileid.u32;
	[bflag:$0x2] =	sbarrier.arrive $0xFFFF  }
0x427: {  	p0 =	sne.s32 s0, $0x0;
	s0 =	rddreg [dreg:$0x6]  }
0x428: {  	s0 =	sadd.s32 @!p0 $0x100000, s0  }
0x429: {  	[sflag:s0] =	ssyncadd.tile.s32 @!p0 $0x1;
	_ =	shalt  }
.Lfunc_end2:
_tile_overlayer_lowered:
.L_overlay_start_2:
0x42a: {  	(tag) =	ssettag $0x2  }
0x42b: {  	s0 =	rddreg [dreg:$0x0];
	s2 =	stileid.u32  }
0x42c: {  	s1 =	rddreg [dreg:$0x1];
	p0 =	sne.s32 s2, $0x0  }
0x42d: {  	s3 =	rddreg [dreg:$0x2];
	[bflag:$0x3] =	sbarrier.arrive $0xFFFF;
	s2 =	simm.s32 @!p0 $0x1C05  }
0x42e: {  	[timem:s3], [sflag:s2] =	dma.local @!p0 [hbm:s0], s1  }
0x42f: {  	s0 =	simm.s32 @!p0 $0x5  }
0x430: {  	_ =	swait.ge @!p0 [sflag:s0], s1  }
0x431: {  	s1 =	ssub.s32 @!p0 $0x0, s1;
	[sflag:s0] =	ssyncset.done @!p0 $0x0  }
0x432: {  	[sflag:s0] =	ssyncadd.s32 @!p0 s1  }
0x433: {  	[bflag:$0x3] =	sbarrier.arrive $0xFFFF  }
0x434: {  	_ =	shalt  }

</sc_bundles>
